<compile_context>
chip_gen: v7x
topology: tpu7x:2x2x1
jax: 0.10.2.dev20260603
libtpu: 0.0.44.dev20260713+nightly
codegen_flags: <defaults>
</compile_context>

<pallas_src>
import functools

import jax
import jax.numpy as jnp
from jax import lax
from jax.experimental import pallas as pl
from jax.experimental.pallas import tpu as pltpu
from jax.experimental.pallas import tpu_sc as plsc

K = 20
EPS = 1e-5
NEG = -1e30
RB = 512
CW = 128


def _leaky(v):
    return jnp.where(v >= 0, v, 0.2 * v)


def _topk_store(d_ref, idx_ref, b, n):
    iota = lax.broadcasted_iota(jnp.int32, (RB, n), 1)
    kiota = lax.broadcasted_iota(jnp.int32, (RB, K), 1)

    def blk(i, _):
        r0 = i * RB
        d = d_ref[pl.ds(r0, RB), :]
        acc = jnp.zeros((RB, K), jnp.int32)
        for j in range(K):
            am = jnp.argmax(d, axis=1).astype(jnp.int32)
            acc = jnp.where(kiota == j, am[:, None], acc)
            d = jnp.where(iota == am[:, None], NEG, d)
        idx_ref[b, pl.ds(r0, RB), :] = acc + b * n
        return 0

    lax.fori_loop(0, n // RB, blk, 0)


def _make_topk(B, N):

    def body(xp_ref, xxr_ref, xxc_ref, idx_ref, d_ref):
        nt = (((1,), (1,)), ((), ()))
        for b in range(B):
            xb = xp_ref[b]
            xy = lax.dot_general(xb, xb, nt, preferred_element_type=jnp.float32)
            d_ref[...] = ((0.0 - xxr_ref[b]) + 2.0 * xy) - xxc_ref[b]
            _topk_store(d_ref, idx_ref, b, N)

    return pl.pallas_call(
        body,
        out_shape=jax.ShapeDtypeStruct((B, N, K), jnp.int32),
        scratch_shapes=[pltpu.VMEM((N, N), jnp.float32)],
    )


def _make_mm(B, N, P, Ci, Co):
    NB = N // P
    PK = P * K

    def body(xc_ref, xg_ref, w_ref, mx_ref, st_ref):
        g = pl.program_id(0)
        central = xc_ref[...]
        crep = jnp.broadcast_to(central[:, None, :], (P, K, CW)).reshape(PK, CW)
        diff = xg_ref[...] - crep
        if Ci < CW:
            edge = jnp.concatenate([crep[:, :Ci], diff[:, :Ci]], axis=1)
        else:
            edge = jnp.concatenate([crep, diff], axis=1)
        out = lax.dot_general(edge, w_ref[...], (((1,), (0,)), ((), ())),
                              preferred_element_type=jnp.float32)
        out3 = out.reshape(P, K, Co)
        mx = out3[:, 0, :]
        for k in range(1, K):
            mx = jnp.maximum(mx, out3[:, k, :])
        mx_ref[...] = mx
        s1 = jnp.sum(out, axis=0)
        s2 = jnp.sum(out * out, axis=0)

        @pl.when(g == 0)
        def _():
            st_ref[...] = jnp.zeros((2, Co), jnp.float32)

        st_ref[0, :] += s1
        st_ref[1, :] += s2

    return pl.pallas_call(
        body,
        grid=(B * NB,),
        in_specs=[
            pl.BlockSpec((P, CW), lambda g: (g, 0)),
            pl.BlockSpec((PK, CW), lambda g: (g, 0)),
            pl.BlockSpec((2 * Ci, Co), lambda g: (0, 0)),
        ],
        out_specs=[
            pl.BlockSpec((P, Co), lambda g: (g, 0)),
            pl.BlockSpec((2, Co), lambda g: (0, 0)),
        ],
        out_shape=[
            jax.ShapeDtypeStruct((B * N, Co), jnp.float32),
            jax.ShapeDtypeStruct((2, Co), jnp.float32),
        ],
    )


def _make_norm(B, N, Co):

    def body(mx_ref, st_ref, gam_ref, bet_ref, x_ref):
        M = B * N * K
        mean = st_ref[0, :] / M
        var = st_ref[1, :] / M - mean * mean
        inv = lax.rsqrt(var + EPS)
        gam = gam_ref[0, :]
        bet = bet_ref[0, :]
        for b in range(B):
            xb = _leaky(((mx_ref[b] - mean) * inv) * gam + bet)
            if Co < CW:
                xb = jnp.concatenate(
                    [xb, jnp.zeros((N, CW - Co), jnp.float32)], axis=1)
            x_ref[b] = xb

    return pl.pallas_call(
        body,
        out_shape=jax.ShapeDtypeStruct((B, N, CW), jnp.float32),
    )


def _make_final(B, N, C4):

    def body(mx_ref, st_ref, gam_ref, bet_ref, x1_ref, x2_ref, x3_ref,
             w5_ref, g5_ref, b5_ref, out_ref):
        M4 = B * N * K
        mean4 = st_ref[0, :] / M4
        var4 = st_ref[1, :] / M4 - mean4 * mean4
        inv4 = lax.rsqrt(var4 + EPS)
        gam4 = gam_ref[0, :]
        bet4 = bet_ref[0, :]
        nt = (((1,), (0,)), ((), ()))
        s1 = jnp.zeros((512,), jnp.float32)
        s2 = jnp.zeros((512,), jnp.float32)
        maxs = []
        for b in range(B):
            x4b = _leaky(((mx_ref[b] - mean4) * inv4) * gam4 + bet4)
            xcat = jnp.concatenate(
                [x1_ref[b, :, pl.ds(0, 64)], x2_ref[b, :, pl.ds(0, 64)],
                 x3_ref[b], x4b], axis=1)
            fb = lax.dot_general(xcat, w5_ref[...], nt,
                                 preferred_element_type=jnp.float32)
            s1 = s1 + jnp.sum(fb, axis=0)
            s2 = s2 + jnp.sum(fb * fb, axis=0)
            maxs.append(jnp.max(fb, axis=0))
        M = B * N
        mean5 = s1 / M
        var5 = s2 / M - mean5 * mean5
        inv5 = lax.rsqrt(var5 + EPS)
        gam5 = g5_ref[0, :]
        bet5 = b5_ref[0, :]
        for b in range(B):
            out_ref[b] = _leaky(((maxs[b] - mean5) * inv5) * gam5 + bet5)

    return pl.pallas_call(
        body,
        out_shape=jax.ShapeDtypeStruct((B, 512), jnp.float32),
    )


def _make_sc_gather(TOT):
    info = plsc.get_sparse_core_info()
    NC, NS = info.num_cores, info.num_subcores
    NW = NC * NS
    PW = TOT // NW
    P = 4
    G = PW // P
    IDX = P * K

    mesh = plsc.VectorSubcoreMesh(core_axis_name="c", subcore_axis_name="s")

    @functools.partial(
        pl.kernel, mesh=mesh,
        out_type=jax.ShapeDtypeStruct((TOT * K, CW), jnp.float32),
        scratch_types=[
            pltpu.VMEM((G, IDX), jnp.int32),
            pltpu.VMEM((IDX, CW), jnp.float32),
            pltpu.VMEM((IDX, CW), jnp.float32),
            pltpu.VMEM((IDX, CW), jnp.float32),
            pltpu.VMEM((IDX, CW), jnp.float32),
            pltpu.SemaphoreType.DMA,
            pltpu.SemaphoreType.DMA,
            pltpu.SemaphoreType.DMA,
            pltpu.SemaphoreType.DMA,
            pltpu.SemaphoreType.DMA,
            pltpu.SemaphoreType.DMA,
            pltpu.SemaphoreType.DMA,
            pltpu.SemaphoreType.DMA,
        ],
    )
    def sc_kernel(idx_hbm, tab_hbm, out_hbm, idx_v, r0, r1, r2, r3,
                  gs0, gs1, gs2, gs3, ss0, ss1, ss2, ss3):
        wid = lax.axis_index("s") * NC + lax.axis_index("c")
        gbase = wid * G
        pltpu.sync_copy(idx_hbm.at[pl.ds(gbase, G)], idx_v)
        rows = (r0, r1, r2, r3)
        gsems = (gs0, gs1, gs2, gs3)
        ssems = (ss0, ss1, ss2, ss3)

        def gather(g, slot):
            return pltpu.make_async_copy(
                tab_hbm.at[idx_v.at[g]], rows[slot], gsems[slot])

        def store(g, slot):
            return pltpu.make_async_copy(
                rows[slot], out_hbm.at[pl.ds((gbase + g) * IDX, IDX)],
                ssems[slot])

        gather(0, 0).start()
        gather(1, 1).start()

        def outer(i, _):
            for sub in range(4):
                g = i * 4 + sub
                gather(g, sub).wait()
                store(g, sub).start()

                @pl.when(g >= 2)
                def _():
                    store(g - 2, (sub - 2) % 4).wait()

                @pl.when(g + 2 < G)
                def _():
                    gather(g + 2, (sub + 2) % 4).start()
            return 0

        lax.fori_loop(0, G // 4, outer, 0)
        store(G - 2, (G - 2) % 4).wait()
        store(G - 1, (G - 1) % 4).wait()

    return sc_kernel


def kernel(pts, W1, g1, b1, W2, g2, b2, W3, g3, b3, W4, g4, b4, W5, g5, b5):
    B, N, _ = pts.shape
    TOT = B * N
    P = 64

    sc_gather = _make_sc_gather(TOT)
    topk = _make_topk(B, N)

    def xx_terms(xp, co):
        xt = jnp.transpose(xp[..., :co], (0, 2, 1))
        xx = jnp.sum(xt * xt, axis=1)
        return xx[:, :, None], xx[:, None, :]

    def layer(xp, co, ci, conext, w):
        xxr, xxc = xx_terms(xp, co)
        idx = topk(xp, xxr, xxc)
        xg = sc_gather(idx.reshape(TOT * K // 80, 80), xp.reshape(TOT, CW))
        return _make_mm(B, N, P, ci, conext)(xp.reshape(TOT, CW), xg, w.T)

    xp0 = jnp.pad(pts, ((0, 0), (0, 0), (0, CW - 3)))
    mx1, st1 = layer(xp0, 3, 3, 64, W1)
    xp1 = _make_norm(B, N, 64)(mx1.reshape(B, N, 64), st1,
                               g1[None, :], b1[None, :])
    mx2, st2 = layer(xp1, 64, 64, 64, W2)
    xp2 = _make_norm(B, N, 64)(mx2.reshape(B, N, 64), st2,
                               g2[None, :], b2[None, :])
    mx3, st3 = layer(xp2, 64, 64, 128, W3)
    xp3 = _make_norm(B, N, 128)(mx3.reshape(B, N, 128), st3,
                                g3[None, :], b3[None, :])
    mx4, st4 = layer(xp3, 128, 128, 256, W4)

    out = _make_final(B, N, 256)(
        mx4.reshape(B, N, 256), st4, g4[None, :], b4[None, :],
        xp1, xp2, xp3, W5.T, g5[None, :], b5[None, :])
    return out[:, :, None]

# --- scband reference (transcript-rebuilt; emitter-appended) ---
"""Pipeline reference for scband-dgcnnencoder-10934986735969 (READ-ONLY COPY).

The authoritative reference and input builder live on the scoring server;
editing this copy changes nothing except your own understanding.
"""

import jax, jax.numpy as jnp
import numpy as np

K = 20

def knn(x, k):
    # x: (B, C, N) -> idx: (B, N, k)
    inner = -2.0 * jnp.einsum('bcn,bcm->bnm', x, x)
    xx = jnp.sum(x * x, axis=1)
    neg_dist = -xx[:, :, None] - inner - xx[:, None, :]
    _, idx = jax.lax.top_k(neg_dist, k)
    return idx

def get_neighbors(x, idx):
    # x: (B, C, N), idx: (B, N, k) -> (B, N, k, C)
    b, c, n = x.shape
    k = idx.shape[-1]
    x_t = jnp.transpose(x, (0, 2, 1))
    flat = idx.reshape(b, n * k)
    g = jnp.take_along_axis(x_t, flat[:, :, None], axis=1)
    return g.reshape(b, n, k, c)

def leaky_relu(x):
    return jnp.where(x >= 0, x, 0.2 * x)

def bn_last(x, gamma, beta, eps=1e-5):
    # batchnorm over all dims except last (channel) dim, training-mode batch stats
    axes = tuple(range(x.ndim - 1))
    mean = jnp.mean(x, axis=axes)
    var = jnp.var(x, axis=axes)
    return (x - mean) * jax.lax.rsqrt(var + eps) * gamma + beta

def bn_c1(x, gamma, beta, eps=1e-5):
    # batchnorm for (B, C, N) layout, channel axis 1
    mean = jnp.mean(x, axis=(0, 2), keepdims=True)
    var = jnp.var(x, axis=(0, 2), keepdims=True)
    return (x - mean) * jax.lax.rsqrt(var + eps) * gamma[None, :, None] + beta[None, :, None]

def edge_conv(x, W, gamma, beta, k):
    # x: (B, C, N), W: (C_out, 2*C)
    b, c, n = x.shape
    idx = knn(x, k)
    nbrs = get_neighbors(x, idx)
    central = jnp.broadcast_to(jnp.transpose(x, (0, 2, 1))[:, :, None, :], (b, n, k, c))
    edge = jnp.concatenate([central, nbrs - central], axis=3)
    out = jnp.einsum('bnkc,oc->bnko', edge, W)
    out = leaky_relu(bn_last(out, gamma, beta))
    out = jnp.max(out, axis=2)
    return jnp.transpose(out, (0, 2, 1))

def setup_inputs(seed: int = 0):
    key = jax.random.key(seed)
    ks = jax.random.split(key, 8)
    B, N = 4, 1024
    pts = jax.random.normal(ks[0], (B, N, 3), dtype=jnp.float32)
    def mk_w(k_, o, i):
        return jax.random.normal(k_, (o, i), dtype=jnp.float32) * (1.0 / np.sqrt(i))
    return {
        'pts': pts,
        'W1': mk_w(ks[1], 64, 6), 'g1': jnp.ones((64,), jnp.float32), 'b1': jnp.zeros((64,), jnp.float32),
        'W2': mk_w(ks[2], 64, 128), 'g2': jnp.ones((64,), jnp.float32), 'b2': jnp.zeros((64,), jnp.float32),
        'W3': mk_w(ks[3], 128, 128), 'g3': jnp.ones((128,), jnp.float32), 'b3': jnp.zeros((128,), jnp.float32),
        'W4': mk_w(ks[4], 256, 256), 'g4': jnp.ones((256,), jnp.float32), 'b4': jnp.zeros((256,), jnp.float32),
        'W5': mk_w(ks[5], 512, 512), 'g5': jnp.ones((512,), jnp.float32), 'b5': jnp.zeros((512,), jnp.float32),
    }

def reference(pts, W1, g1, b1, W2, g2, b2, W3, g3, b3, W4, g4, b4, W5, g5, b5):
    x = jnp.transpose(pts, (0, 2, 1))
    x1 = edge_conv(x, W1, g1, b1, K)
    x2 = edge_conv(x1, W2, g2, b2, K)
    x3 = edge_conv(x2, W3, g3, b3, K)
    x4 = edge_conv(x3, W4, g4, b4, K)
    x_cat = jnp.concatenate((x1, x2, x3, x4), axis=1)
    feats = jnp.einsum('bcn,oc->bon', x_cat, W5)
    feats = leaky_relu(bn_c1(feats, g5, b5))
    codeword = jnp.max(feats, axis=2, keepdims=True)
    return codeword

if __name__ == "__main__":
    import jax
    _d = setup_inputs()
    print(jax.jit(kernel)(*tuple(_d.values())))

</pallas_src>

<mosaic_0001>
#map = affine_map<(d0, d1) -> (0, 0)>
module attributes {stable_mosaic.version = 14 : i64} {
  func.func @sc_kernel(%arg0: i32, %arg1: i32, %arg2: memref<1024x80xi32, #tpu.memory_space<hbm>>, %arg3: memref<4096x128xf32, #tpu.memory_space<hbm>>, %arg4: memref<81920x128xf32, #tpu.memory_space<hbm>>, %arg5: memref<32x80xi32, #tpu.memory_space<vmem>>, %arg6: memref<80x128xf32, #tpu.memory_space<vmem>>, %arg7: memref<80x128xf32, #tpu.memory_space<vmem>>, %arg8: memref<80x128xf32, #tpu.memory_space<vmem>>, %arg9: memref<80x128xf32, #tpu.memory_space<vmem>>, %arg10: memref<!tpu.dma_semaphore, #tpu.memory_space<semaphore_mem>>, %arg11: memref<!tpu.dma_semaphore, #tpu.memory_space<semaphore_mem>>, %arg12: memref<!tpu.dma_semaphore, #tpu.memory_space<semaphore_mem>>, %arg13: memref<!tpu.dma_semaphore, #tpu.memory_space<semaphore_mem>>, %arg14: memref<!tpu.dma_semaphore, #tpu.memory_space<semaphore_mem>>, %arg15: memref<!tpu.dma_semaphore, #tpu.memory_space<semaphore_mem>>, %arg16: memref<!tpu.dma_semaphore, #tpu.memory_space<semaphore_mem>>, %arg17: memref<!tpu.dma_semaphore, #tpu.memory_space<semaphore_mem>>) attributes {dimension_semantics = [#tpu.dimension_semantics<core_parallel>, #tpu.dimension_semantics<subcore_parallel>], iteration_bounds = array<i64: 2, 16>, scalar_prefetch = 0 : i64, scratch_operands = 13 : i64, tpu.core_type = #tpu.core_type<sc_vector_subcore>, window_params = [{transform_indices = #map}, {transform_indices = #map}, {transform_indices = #map}]} {
    %mul3A = arith.constant 2 : i32
    %mul3A_0 = arith.muli %arg1, %mul3A : i32
    %add3A = arith.addi %mul3A_0, %arg0 : i32
    %mul3A_1 = arith.constant 32 : i32
    %mul3A_2 = arith.muli %add3A, %mul3A_1 : i32
    "tpu.region"() ({
      %run_scoped3A = tpu.sem_alloc : memref<!tpu.dma_semaphore, #tpu.memory_space<semaphore_mem>>
      %dma_start3A_37 = arith.constant 0 : i32
      %dma_start3A_38 = tpu.memref_slice %arg2[%mul3A_2, %dma_start3A_37] : memref<1024x80xi32, #tpu.memory_space<hbm>> -> memref<32x80xi32, #tpu.memory_space<hbm>>
      %dma_start3A_39 = arith.constant 0 : i32
      %dma_start3A_40 = tpu.memref_slice %arg2[%mul3A_2, %dma_start3A_39] : memref<1024x80xi32, #tpu.memory_space<hbm>> -> memref<32x80xi32, #tpu.memory_space<hbm>>
      tpu.enqueue_dma source(%dma_start3A_40 : memref<32x80xi32, #tpu.memory_space<hbm>>) target(%arg5 : memref<32x80xi32, #tpu.memory_space<vmem>>) target_semaphore(%run_scoped3A : memref<!tpu.dma_semaphore, #tpu.memory_space<semaphore_mem>>)
      %dma_wait3A_41 = arith.constant 0 : i32
      %dma_wait3A_42 = tpu.memref_slice %arg2[%mul3A_2, %dma_wait3A_41] : memref<1024x80xi32, #tpu.memory_space<hbm>> -> memref<32x80xi32, #tpu.memory_space<hbm>>
      %dma_wait3A_43 = arith.constant 0 : i32
      %dma_wait3A_44 = tpu.memref_slice %arg2[%mul3A_2, %dma_wait3A_43] : memref<1024x80xi32, #tpu.memory_space<hbm>> -> memref<32x80xi32, #tpu.memory_space<hbm>>
      tpu.wait_dma2 semaphore(%run_scoped3A : memref<!tpu.dma_semaphore, #tpu.memory_space<semaphore_mem>>) src(%dma_wait3A_44 : memref<32x80xi32, #tpu.memory_space<hbm>>) dst(%arg5 : memref<32x80xi32, #tpu.memory_space<vmem>>)
      tpu.yield
    }) : () -> ()
    %dma_start3A = arith.constant 0 : i32
    %dma_start3A_3 = arith.constant 0 : i32
    %dma_start3A_4 = tpu.memref_slice %arg5[%dma_start3A, %dma_start3A_3] : memref<32x80xi32, #tpu.memory_space<vmem>> -> memref<1x80xi32, #tpu.memory_space<vmem>>
    %dma_start3A_5 = tpu.memref_squeeze %dma_start3A_4 : memref<1x80xi32, #tpu.memory_space<vmem>> -> memref<80xi32, #tpu.memory_space<vmem>>
    %dma_start3A_6 = arith.constant 0 : i32
    %dma_start3A_7 = arith.constant 0 : i32
    %dma_start3A_8 = tpu.memref_slice %arg3[%dma_start3A_6, %dma_start3A_7] : memref<4096x128xf32, #tpu.memory_space<hbm>> -> memref<4096x128xf32, #tpu.memory_space<hbm>>
    tpu.enqueue_indirect_dma source(%dma_start3A_8 : memref<4096x128xf32, #tpu.memory_space<hbm>>) target(%arg6 : memref<80x128xf32, #tpu.memory_space<vmem>>) offsets(%dma_start3A_5 : memref<80xi32, #tpu.memory_space<vmem>>) semaphore(%arg10 : memref<!tpu.dma_semaphore, #tpu.memory_space<semaphore_mem>>)
    %dma_start3A_9 = arith.constant 1 : i32
    %dma_start3A_10 = arith.constant 0 : i32
    %dma_start3A_11 = tpu.memref_slice %arg5[%dma_start3A_9, %dma_start3A_10] : memref<32x80xi32, #tpu.memory_space<vmem>> -> memref<1x80xi32, #tpu.memory_space<vmem>>
    %dma_start3A_12 = tpu.memref_squeeze %dma_start3A_11 : memref<1x80xi32, #tpu.memory_space<vmem>> -> memref<80xi32, #tpu.memory_space<vmem>>
    %dma_start3A_13 = arith.constant 0 : i32
    %dma_start3A_14 = arith.constant 0 : i32
    %dma_start3A_15 = tpu.memref_slice %arg3[%dma_start3A_13, %dma_start3A_14] : memref<4096x128xf32, #tpu.memory_space<hbm>> -> memref<4096x128xf32, #tpu.memory_space<hbm>>
    tpu.enqueue_indirect_dma source(%dma_start3A_15 : memref<4096x128xf32, #tpu.memory_space<hbm>>) target(%arg7 : memref<80x128xf32, #tpu.memory_space<vmem>>) offsets(%dma_start3A_12 : memref<80xi32, #tpu.memory_space<vmem>>) semaphore(%arg11 : memref<!tpu.dma_semaphore, #tpu.memory_space<semaphore_mem>>)
    %scan3A = arith.constant 0 : i32
    %scan3A_16 = arith.constant 0 : i32
    %scan3A_17 = arith.constant 8 : i32
    %scan3A_18 = arith.addi %scan3A_16, %scan3A_17 : i32
    %scan3A_19 = arith.constant 1 : i32
    %scan3A_20 = scf.for %scan3A_37 = %scan3A_16 to %scan3A_18 step %scan3A_19 iter_args(%scan3A_38 = %scan3A) -> (i32)  : i32 {
      %mul3A_39 = arith.constant 4 : i32
      %mul3A_40 = arith.muli %scan3A_37, %mul3A_39 : i32
      %add3A_41 = arith.constant 0 : i32
      %add3A_42 = arith.addi %mul3A_40, %add3A_41 : i32
      %dma_wait3A_43 = arith.constant 0 : i32
      %dma_wait3A_44 = tpu.memref_slice %arg5[%add3A_42, %dma_wait3A_43] : memref<32x80xi32, #tpu.memory_space<vmem>> -> memref<1x80xi32, #tpu.memory_space<vmem>>
      %dma_wait3A_45 = tpu.memref_squeeze %dma_wait3A_44 : memref<1x80xi32, #tpu.memory_space<vmem>> -> memref<80xi32, #tpu.memory_space<vmem>>
      %dma_wait3A_46 = arith.constant 0 : i32
      %dma_wait3A_47 = arith.constant 0 : i32
      %dma_wait3A_48 = tpu.memref_slice %arg3[%dma_wait3A_46, %dma_wait3A_47] : memref<4096x128xf32, #tpu.memory_space<hbm>> -> memref<4096x128xf32, #tpu.memory_space<hbm>>
      tpu.wait_indirect_dma semaphore(%arg10 : memref<!tpu.dma_semaphore, #tpu.memory_space<semaphore_mem>>) src(%dma_wait3A_48 : memref<4096x128xf32, #tpu.memory_space<hbm>>) dst(%arg6 : memref<80x128xf32, #tpu.memory_space<vmem>>)
      %add3A_49 = arith.addi %mul3A_2, %add3A_42 : i32
      %mul3A_50 = arith.constant 80 : i32
      %mul3A_51 = arith.muli %add3A_49, %mul3A_50 : i32
      %dma_start3A_52 = arith.constant 0 : i32
      %dma_start3A_53 = tpu.memref_slice %arg4[%mul3A_51, %dma_start3A_52] : memref<81920x128xf32, #tpu.memory_space<hbm>> -> memref<80x128xf32, #tpu.memory_space<hbm>>
      %dma_start3A_54 = arith.constant 0 : i32
      %dma_start3A_55 = tpu.memref_slice %arg4[%mul3A_51, %dma_start3A_54] : memref<81920x128xf32, #tpu.memory_space<hbm>> -> memref<80x128xf32, #tpu.memory_space<hbm>>
      tpu.enqueue_dma source(%arg6 : memref<80x128xf32, #tpu.memory_space<vmem>>) target(%dma_start3A_55 : memref<80x128xf32, #tpu.memory_space<hbm>>) target_semaphore(%arg14 : memref<!tpu.dma_semaphore, #tpu.memory_space<semaphore_mem>>)
      %ge3A = arith.constant 2 : i32
      %ge3A_56 = arith.cmpi sge, %add3A_42, %ge3A : i32
      %convert_element_type3A = arith.extui %ge3A_56 : i1 to i32
      %cond3A = arith.constant 0 : i32
      %cond3A_57 = arith.cmpi ne, %convert_element_type3A, %cond3A : i32
      scf.if %cond3A_57 {
        %sub3A = arith.constant 2 : i32
        %sub3A_152 = arith.subi %add3A_42, %sub3A : i32
        %add3A_153 = arith.addi %mul3A_2, %sub3A_152 : i32
        %mul3A_154 = arith.constant 80 : i32
        %mul3A_155 = arith.muli %add3A_153, %mul3A_154 : i32
        %dma_wait3A_156 = arith.constant 0 : i32
        %dma_wait3A_157 = tpu.memref_slice %arg4[%mul3A_155, %dma_wait3A_156] : memref<81920x128xf32, #tpu.memory_space<hbm>> -> memref<80x128xf32, #tpu.memory_space<hbm>>
        %dma_wait3A_158 = arith.constant 0 : i32
        %dma_wait3A_159 = tpu.memref_slice %arg4[%mul3A_155, %dma_wait3A_158] : memref<81920x128xf32, #tpu.memory_space<hbm>> -> memref<80x128xf32, #tpu.memory_space<hbm>>
        tpu.wait_dma2 semaphore(%arg16 : memref<!tpu.dma_semaphore, #tpu.memory_space<semaphore_mem>>) src(%arg8 : memref<80x128xf32, #tpu.memory_space<vmem>>) dst(%dma_wait3A_159 : memref<80x128xf32, #tpu.memory_space<hbm>>)
      } else {
      }
      %add3A_58 = arith.constant 2 : i32
      %add3A_59 = arith.addi %add3A_42, %add3A_58 : i32
      %lt3A = arith.constant 32 : i32
      %lt3A_60 = arith.cmpi slt, %add3A_59, %lt3A : i32
      %convert_element_type3A_61 = arith.extui %lt3A_60 : i1 to i32
      %cond3A_62 = arith.constant 0 : i32
      %cond3A_63 = arith.cmpi ne, %convert_element_type3A_61, %cond3A_62 : i32
      scf.if %cond3A_63 {
        %add3A_152 = arith.constant 2 : i32
        %add3A_153 = arith.addi %add3A_42, %add3A_152 : i32
        %dma_start3A_154 = arith.constant 0 : i32
        %dma_start3A_155 = tpu.memref_slice %arg5[%add3A_153, %dma_start3A_154] : memref<32x80xi32, #tpu.memory_space<vmem>> -> memref<1x80xi32, #tpu.memory_space<vmem>>
        %dma_start3A_156 = tpu.memref_squeeze %dma_start3A_155 : memref<1x80xi32, #tpu.memory_space<vmem>> -> memref<80xi32, #tpu.memory_space<vmem>>
        %dma_start3A_157 = arith.constant 0 : i32
        %dma_start3A_158 = arith.constant 0 : i32
        %dma_start3A_159 = tpu.memref_slice %arg3[%dma_start3A_157, %dma_start3A_158] : memref<4096x128xf32, #tpu.memory_space<hbm>> -> memref<4096x128xf32, #tpu.memory_space<hbm>>
        tpu.enqueue_indirect_dma source(%dma_start3A_159 : memref<4096x128xf32, #tpu.memory_space<hbm>>) target(%arg8 : memref<80x128xf32, #tpu.memory_space<vmem>>) offsets(%dma_start3A_156 : memref<80xi32, #tpu.memory_space<vmem>>) semaphore(%arg12 : memref<!tpu.dma_semaphore, #tpu.memory_space<semaphore_mem>>)
      } else {
      }
      %mul3A_64 = arith.constant 4 : i32
      %mul3A_65 = arith.muli %scan3A_37, %mul3A_64 : i32
      %add3A_66 = arith.constant 1 : i32
      %add3A_67 = arith.addi %mul3A_65, %add3A_66 : i32
      %dma_wait3A_68 = arith.constant 0 : i32
      %dma_wait3A_69 = tpu.memref_slice %arg5[%add3A_67, %dma_wait3A_68] : memref<32x80xi32, #tpu.memory_space<vmem>> -> memref<1x80xi32, #tpu.memory_space<vmem>>
      %dma_wait3A_70 = tpu.memref_squeeze %dma_wait3A_69 : memref<1x80xi32, #tpu.memory_space<vmem>> -> memref<80xi32, #tpu.memory_space<vmem>>
      %dma_wait3A_71 = arith.constant 0 : i32
      %dma_wait3A_72 = arith.constant 0 : i32
      %dma_wait3A_73 = tpu.memref_slice %arg3[%dma_wait3A_71, %dma_wait3A_72] : memref<4096x128xf32, #tpu.memory_space<hbm>> -> memref<4096x128xf32, #tpu.memory_space<hbm>>
      tpu.wait_indirect_dma semaphore(%arg11 : memref<!tpu.dma_semaphore, #tpu.memory_space<semaphore_mem>>) src(%dma_wait3A_73 : memref<4096x128xf32, #tpu.memory_space<hbm>>) dst(%arg7 : memref<80x128xf32, #tpu.memory_space<vmem>>)
      %add3A_74 = arith.addi %mul3A_2, %add3A_67 : i32
      %mul3A_75 = arith.constant 80 : i32
      %mul3A_76 = arith.muli %add3A_74, %mul3A_75 : i32
      %dma_start3A_77 = arith.constant 0 : i32
      %dma_start3A_78 = tpu.memref_slice %arg4[%mul3A_76, %dma_start3A_77] : memref<81920x128xf32, #tpu.memory_space<hbm>> -> memref<80x128xf32, #tpu.memory_space<hbm>>
      %dma_start3A_79 = arith.constant 0 : i32
      %dma_start3A_80 = tpu.memref_slice %arg4[%mul3A_76, %dma_start3A_79] : memref<81920x128xf32, #tpu.memory_space<hbm>> -> memref<80x128xf32, #tpu.memory_space<hbm>>
      tpu.enqueue_dma source(%arg7 : memref<80x128xf32, #tpu.memory_space<vmem>>) target(%dma_start3A_80 : memref<80x128xf32, #tpu.memory_space<hbm>>) target_semaphore(%arg15 : memref<!tpu.dma_semaphore, #tpu.memory_space<semaphore_mem>>)
      %ge3A_81 = arith.constant 2 : i32
      %ge3A_82 = arith.cmpi sge, %add3A_67, %ge3A_81 : i32
      %convert_element_type3A_83 = arith.extui %ge3A_82 : i1 to i32
      %cond3A_84 = arith.constant 0 : i32
      %cond3A_85 = arith.cmpi ne, %convert_element_type3A_83, %cond3A_84 : i32
      scf.if %cond3A_85 {
        %sub3A = arith.constant 2 : i32
        %sub3A_152 = arith.subi %add3A_67, %sub3A : i32
        %add3A_153 = arith.addi %mul3A_2, %sub3A_152 : i32
        %mul3A_154 = arith.constant 80 : i32
        %mul3A_155 = arith.muli %add3A_153, %mul3A_154 : i32
        %dma_wait3A_156 = arith.constant 0 : i32
        %dma_wait3A_157 = tpu.memref_slice %arg4[%mul3A_155, %dma_wait3A_156] : memref<81920x128xf32, #tpu.memory_space<hbm>> -> memref<80x128xf32, #tpu.memory_space<hbm>>
        %dma_wait3A_158 = arith.constant 0 : i32
        %dma_wait3A_159 = tpu.memref_slice %arg4[%mul3A_155, %dma_wait3A_158] : memref<81920x128xf32, #tpu.memory_space<hbm>> -> memref<80x128xf32, #tpu.memory_space<hbm>>
        tpu.wait_dma2 semaphore(%arg17 : memref<!tpu.dma_semaphore, #tpu.memory_space<semaphore_mem>>) src(%arg9 : memref<80x128xf32, #tpu.memory_space<vmem>>) dst(%dma_wait3A_159 : memref<80x128xf32, #tpu.memory_space<hbm>>)
      } else {
      }
      %add3A_86 = arith.constant 2 : i32
      %add3A_87 = arith.addi %add3A_67, %add3A_86 : i32
      %lt3A_88 = arith.constant 32 : i32
      %lt3A_89 = arith.cmpi slt, %add3A_87, %lt3A_88 : i32
      %convert_element_type3A_90 = arith.extui %lt3A_89 : i1 to i32
      %cond3A_91 = arith.constant 0 : i32
      %cond3A_92 = arith.cmpi ne, %convert_element_type3A_90, %cond3A_91 : i32
      scf.if %cond3A_92 {
        %add3A_152 = arith.constant 2 : i32
        %add3A_153 = arith.addi %add3A_67, %add3A_152 : i32
        %dma_start3A_154 = arith.constant 0 : i32
        %dma_start3A_155 = tpu.memref_slice %arg5[%add3A_153, %dma_start3A_154] : memref<32x80xi32, #tpu.memory_space<vmem>> -> memref<1x80xi32, #tpu.memory_space<vmem>>
        %dma_start3A_156 = tpu.memref_squeeze %dma_start3A_155 : memref<1x80xi32, #tpu.memory_space<vmem>> -> memref<80xi32, #tpu.memory_space<vmem>>
        %dma_start3A_157 = arith.constant 0 : i32
        %dma_start3A_158 = arith.constant 0 : i32
        %dma_start3A_159 = tpu.memref_slice %arg3[%dma_start3A_157, %dma_start3A_158] : memref<4096x128xf32, #tpu.memory_space<hbm>> -> memref<4096x128xf32, #tpu.memory_space<hbm>>
        tpu.enqueue_indirect_dma source(%dma_start3A_159 : memref<4096x128xf32, #tpu.memory_space<hbm>>) target(%arg9 : memref<80x128xf32, #tpu.memory_space<vmem>>) offsets(%dma_start3A_156 : memref<80xi32, #tpu.memory_space<vmem>>) semaphore(%arg13 : memref<!tpu.dma_semaphore, #tpu.memory_space<semaphore_mem>>)
      } else {
      }
      %mul3A_93 = arith.constant 4 : i32
      %mul3A_94 = arith.muli %scan3A_37, %mul3A_93 : i32
      %add3A_95 = arith.constant 2 : i32
      %add3A_96 = arith.addi %mul3A_94, %add3A_95 : i32
      %dma_wait3A_97 = arith.constant 0 : i32
      %dma_wait3A_98 = tpu.memref_slice %arg5[%add3A_96, %dma_wait3A_97] : memref<32x80xi32, #tpu.memory_space<vmem>> -> memref<1x80xi32, #tpu.memory_space<vmem>>
      %dma_wait3A_99 = tpu.memref_squeeze %dma_wait3A_98 : memref<1x80xi32, #tpu.memory_space<vmem>> -> memref<80xi32, #tpu.memory_space<vmem>>
      %dma_wait3A_100 = arith.constant 0 : i32
      %dma_wait3A_101 = arith.constant 0 : i32
      %dma_wait3A_102 = tpu.memref_slice %arg3[%dma_wait3A_100, %dma_wait3A_101] : memref<4096x128xf32, #tpu.memory_space<hbm>> -> memref<4096x128xf32, #tpu.memory_space<hbm>>
      tpu.wait_indirect_dma semaphore(%arg12 : memref<!tpu.dma_semaphore, #tpu.memory_space<semaphore_mem>>) src(%dma_wait3A_102 : memref<4096x128xf32, #tpu.memory_space<hbm>>) dst(%arg8 : memref<80x128xf32, #tpu.memory_space<vmem>>)
      %add3A_103 = arith.addi %mul3A_2, %add3A_96 : i32
      %mul3A_104 = arith.constant 80 : i32
      %mul3A_105 = arith.muli %add3A_103, %mul3A_104 : i32
      %dma_start3A_106 = arith.constant 0 : i32
      %dma_start3A_107 = tpu.memref_slice %arg4[%mul3A_105, %dma_start3A_106] : memref<81920x128xf32, #tpu.memory_space<hbm>> -> memref<80x128xf32, #tpu.memory_space<hbm>>
      %dma_start3A_108 = arith.constant 0 : i32
      %dma_start3A_109 = tpu.memref_slice %arg4[%mul3A_105, %dma_start3A_108] : memref<81920x128xf32, #tpu.memory_space<hbm>> -> memref<80x128xf32, #tpu.memory_space<hbm>>
      tpu.enqueue_dma source(%arg8 : memref<80x128xf32, #tpu.memory_space<vmem>>) target(%dma_start3A_109 : memref<80x128xf32, #tpu.memory_space<hbm>>) target_semaphore(%arg16 : memref<!tpu.dma_semaphore, #tpu.memory_space<semaphore_mem>>)
      %ge3A_110 = arith.constant 2 : i32
      %ge3A_111 = arith.cmpi sge, %add3A_96, %ge3A_110 : i32
      %convert_element_type3A_112 = arith.extui %ge3A_111 : i1 to i32
      %cond3A_113 = arith.constant 0 : i32
      %cond3A_114 = arith.cmpi ne, %convert_element_type3A_112, %cond3A_113 : i32
      scf.if %cond3A_114 {
        %sub3A = arith.constant 2 : i32
        %sub3A_152 = arith.subi %add3A_96, %sub3A : i32
        %add3A_153 = arith.addi %mul3A_2, %sub3A_152 : i32
        %mul3A_154 = arith.constant 80 : i32
        %mul3A_155 = arith.muli %add3A_153, %mul3A_154 : i32
        %dma_wait3A_156 = arith.constant 0 : i32
        %dma_wait3A_157 = tpu.memref_slice %arg4[%mul3A_155, %dma_wait3A_156] : memref<81920x128xf32, #tpu.memory_space<hbm>> -> memref<80x128xf32, #tpu.memory_space<hbm>>
        %dma_wait3A_158 = arith.constant 0 : i32
        %dma_wait3A_159 = tpu.memref_slice %arg4[%mul3A_155, %dma_wait3A_158] : memref<81920x128xf32, #tpu.memory_space<hbm>> -> memref<80x128xf32, #tpu.memory_space<hbm>>
        tpu.wait_dma2 semaphore(%arg14 : memref<!tpu.dma_semaphore, #tpu.memory_space<semaphore_mem>>) src(%arg6 : memref<80x128xf32, #tpu.memory_space<vmem>>) dst(%dma_wait3A_159 : memref<80x128xf32, #tpu.memory_space<hbm>>)
      } else {
      }
      %add3A_115 = arith.constant 2 : i32
      %add3A_116 = arith.addi %add3A_96, %add3A_115 : i32
      %lt3A_117 = arith.constant 32 : i32
      %lt3A_118 = arith.cmpi slt, %add3A_116, %lt3A_117 : i32
      %convert_element_type3A_119 = arith.extui %lt3A_118 : i1 to i32
      %cond3A_120 = arith.constant 0 : i32
      %cond3A_121 = arith.cmpi ne, %convert_element_type3A_119, %cond3A_120 : i32
      scf.if %cond3A_121 {
        %add3A_152 = arith.constant 2 : i32
        %add3A_153 = arith.addi %add3A_96, %add3A_152 : i32
        %dma_start3A_154 = arith.constant 0 : i32
        %dma_start3A_155 = tpu.memref_slice %arg5[%add3A_153, %dma_start3A_154] : memref<32x80xi32, #tpu.memory_space<vmem>> -> memref<1x80xi32, #tpu.memory_space<vmem>>
        %dma_start3A_156 = tpu.memref_squeeze %dma_start3A_155 : memref<1x80xi32, #tpu.memory_space<vmem>> -> memref<80xi32, #tpu.memory_space<vmem>>
        %dma_start3A_157 = arith.constant 0 : i32
        %dma_start3A_158 = arith.constant 0 : i32
        %dma_start3A_159 = tpu.memref_slice %arg3[%dma_start3A_157, %dma_start3A_158] : memref<4096x128xf32, #tpu.memory_space<hbm>> -> memref<4096x128xf32, #tpu.memory_space<hbm>>
        tpu.enqueue_indirect_dma source(%dma_start3A_159 : memref<4096x128xf32, #tpu.memory_space<hbm>>) target(%arg6 : memref<80x128xf32, #tpu.memory_space<vmem>>) offsets(%dma_start3A_156 : memref<80xi32, #tpu.memory_space<vmem>>) semaphore(%arg10 : memref<!tpu.dma_semaphore, #tpu.memory_space<semaphore_mem>>)
      } else {
      }
      %mul3A_122 = arith.constant 4 : i32
      %mul3A_123 = arith.muli %scan3A_37, %mul3A_122 : i32
      %add3A_124 = arith.constant 3 : i32
      %add3A_125 = arith.addi %mul3A_123, %add3A_124 : i32
      %dma_wait3A_126 = arith.constant 0 : i32
      %dma_wait3A_127 = tpu.memref_slice %arg5[%add3A_125, %dma_wait3A_126] : memref<32x80xi32, #tpu.memory_space<vmem>> -> memref<1x80xi32, #tpu.memory_space<vmem>>
      %dma_wait3A_128 = tpu.memref_squeeze %dma_wait3A_127 : memref<1x80xi32, #tpu.memory_space<vmem>> -> memref<80xi32, #tpu.memory_space<vmem>>
      %dma_wait3A_129 = arith.constant 0 : i32
      %dma_wait3A_130 = arith.constant 0 : i32
      %dma_wait3A_131 = tpu.memref_slice %arg3[%dma_wait3A_129, %dma_wait3A_130] : memref<4096x128xf32, #tpu.memory_space<hbm>> -> memref<4096x128xf32, #tpu.memory_space<hbm>>
      tpu.wait_indirect_dma semaphore(%arg13 : memref<!tpu.dma_semaphore, #tpu.memory_space<semaphore_mem>>) src(%dma_wait3A_131 : memref<4096x128xf32, #tpu.memory_space<hbm>>) dst(%arg9 : memref<80x128xf32, #tpu.memory_space<vmem>>)
      %add3A_132 = arith.addi %mul3A_2, %add3A_125 : i32
      %mul3A_133 = arith.constant 80 : i32
      %mul3A_134 = arith.muli %add3A_132, %mul3A_133 : i32
      %dma_start3A_135 = arith.constant 0 : i32
      %dma_start3A_136 = tpu.memref_slice %arg4[%mul3A_134, %dma_start3A_135] : memref<81920x128xf32, #tpu.memory_space<hbm>> -> memref<80x128xf32, #tpu.memory_space<hbm>>
      %dma_start3A_137 = arith.constant 0 : i32
      %dma_start3A_138 = tpu.memref_slice %arg4[%mul3A_134, %dma_start3A_137] : memref<81920x128xf32, #tpu.memory_space<hbm>> -> memref<80x128xf32, #tpu.memory_space<hbm>>
      tpu.enqueue_dma source(%arg9 : memref<80x128xf32, #tpu.memory_space<vmem>>) target(%dma_start3A_138 : memref<80x128xf32, #tpu.memory_space<hbm>>) target_semaphore(%arg17 : memref<!tpu.dma_semaphore, #tpu.memory_space<semaphore_mem>>)
      %ge3A_139 = arith.constant 2 : i32
      %ge3A_140 = arith.cmpi sge, %add3A_125, %ge3A_139 : i32
      %convert_element_type3A_141 = arith.extui %ge3A_140 : i1 to i32
      %cond3A_142 = arith.constant 0 : i32
      %cond3A_143 = arith.cmpi ne, %convert_element_type3A_141, %cond3A_142 : i32
      scf.if %cond3A_143 {
        %sub3A = arith.constant 2 : i32
        %sub3A_152 = arith.subi %add3A_125, %sub3A : i32
        %add3A_153 = arith.addi %mul3A_2, %sub3A_152 : i32
        %mul3A_154 = arith.constant 80 : i32
        %mul3A_155 = arith.muli %add3A_153, %mul3A_154 : i32
        %dma_wait3A_156 = arith.constant 0 : i32
        %dma_wait3A_157 = tpu.memref_slice %arg4[%mul3A_155, %dma_wait3A_156] : memref<81920x128xf32, #tpu.memory_space<hbm>> -> memref<80x128xf32, #tpu.memory_space<hbm>>
        %dma_wait3A_158 = arith.constant 0 : i32
        %dma_wait3A_159 = tpu.memref_slice %arg4[%mul3A_155, %dma_wait3A_158] : memref<81920x128xf32, #tpu.memory_space<hbm>> -> memref<80x128xf32, #tpu.memory_space<hbm>>
        tpu.wait_dma2 semaphore(%arg15 : memref<!tpu.dma_semaphore, #tpu.memory_space<semaphore_mem>>) src(%arg7 : memref<80x128xf32, #tpu.memory_space<vmem>>) dst(%dma_wait3A_159 : memref<80x128xf32, #tpu.memory_space<hbm>>)
      } else {
      }
      %add3A_144 = arith.constant 2 : i32
      %add3A_145 = arith.addi %add3A_125, %add3A_144 : i32
      %lt3A_146 = arith.constant 32 : i32
      %lt3A_147 = arith.cmpi slt, %add3A_145, %lt3A_146 : i32
      %convert_element_type3A_148 = arith.extui %lt3A_147 : i1 to i32
      %cond3A_149 = arith.constant 0 : i32
      %cond3A_150 = arith.cmpi ne, %convert_element_type3A_148, %cond3A_149 : i32
      scf.if %cond3A_150 {
        %add3A_152 = arith.constant 2 : i32
        %add3A_153 = arith.addi %add3A_125, %add3A_152 : i32
        %dma_start3A_154 = arith.constant 0 : i32
        %dma_start3A_155 = tpu.memref_slice %arg5[%add3A_153, %dma_start3A_154] : memref<32x80xi32, #tpu.memory_space<vmem>> -> memref<1x80xi32, #tpu.memory_space<vmem>>
        %dma_start3A_156 = tpu.memref_squeeze %dma_start3A_155 : memref<1x80xi32, #tpu.memory_space<vmem>> -> memref<80xi32, #tpu.memory_space<vmem>>
        %dma_start3A_157 = arith.constant 0 : i32
        %dma_start3A_158 = arith.constant 0 : i32
        %dma_start3A_159 = tpu.memref_slice %arg3[%dma_start3A_157, %dma_start3A_158] : memref<4096x128xf32, #tpu.memory_space<hbm>> -> memref<4096x128xf32, #tpu.memory_space<hbm>>
        tpu.enqueue_indirect_dma source(%dma_start3A_159 : memref<4096x128xf32, #tpu.memory_space<hbm>>) target(%arg7 : memref<80x128xf32, #tpu.memory_space<vmem>>) offsets(%dma_start3A_156 : memref<80xi32, #tpu.memory_space<vmem>>) semaphore(%arg11 : memref<!tpu.dma_semaphore, #tpu.memory_space<semaphore_mem>>)
      } else {
      }
      %scan3A_151 = arith.constant 0 : i32
      scf.yield %scan3A_151 : i32
    }
    %scan3A_21 = arith.constant 8 : i32
    %add3A_22 = arith.constant 30 : i32
    %add3A_23 = arith.addi %mul3A_2, %add3A_22 : i32
    %mul3A_24 = arith.constant 80 : i32
    %mul3A_25 = arith.muli %add3A_23, %mul3A_24 : i32
    %dma_wait3A = arith.constant 0 : i32
    %dma_wait3A_26 = tpu.memref_slice %arg4[%mul3A_25, %dma_wait3A] : memref<81920x128xf32, #tpu.memory_space<hbm>> -> memref<80x128xf32, #tpu.memory_space<hbm>>
    %dma_wait3A_27 = arith.constant 0 : i32
    %dma_wait3A_28 = tpu.memref_slice %arg4[%mul3A_25, %dma_wait3A_27] : memref<81920x128xf32, #tpu.memory_space<hbm>> -> memref<80x128xf32, #tpu.memory_space<hbm>>
    tpu.wait_dma2 semaphore(%arg16 : memref<!tpu.dma_semaphore, #tpu.memory_space<semaphore_mem>>) src(%arg8 : memref<80x128xf32, #tpu.memory_space<vmem>>) dst(%dma_wait3A_28 : memref<80x128xf32, #tpu.memory_space<hbm>>)
    %add3A_29 = arith.constant 31 : i32
    %add3A_30 = arith.addi %mul3A_2, %add3A_29 : i32
    %mul3A_31 = arith.constant 80 : i32
    %mul3A_32 = arith.muli %add3A_30, %mul3A_31 : i32
    %dma_wait3A_33 = arith.constant 0 : i32
    %dma_wait3A_34 = tpu.memref_slice %arg4[%mul3A_32, %dma_wait3A_33] : memref<81920x128xf32, #tpu.memory_space<hbm>> -> memref<80x128xf32, #tpu.memory_space<hbm>>
    %dma_wait3A_35 = arith.constant 0 : i32
    %dma_wait3A_36 = tpu.memref_slice %arg4[%mul3A_32, %dma_wait3A_35] : memref<81920x128xf32, #tpu.memory_space<hbm>> -> memref<80x128xf32, #tpu.memory_space<hbm>>
    tpu.wait_dma2 semaphore(%arg17 : memref<!tpu.dma_semaphore, #tpu.memory_space<semaphore_mem>>) src(%arg9 : memref<80x128xf32, #tpu.memory_space<vmem>>) dst(%dma_wait3A_36 : memref<80x128xf32, #tpu.memory_space<hbm>>)
    return
  }
}

#map = affine_map<(d0, d1) -> (0, 0)>
module attributes {stable_mosaic.version = 14 : i64} {
  func.func @sc_kernel(%arg0: i32, %arg1: i32, %arg2: memref<1024x80xi32, #tpu.memory_space<hbm>>, %arg3: memref<4096x128xf32, #tpu.memory_space<hbm>>, %arg4: memref<81920x128xf32, #tpu.memory_space<hbm>>, %arg5: memref<32x80xi32, #tpu.memory_space<vmem>>, %arg6: memref<80x128xf32, #tpu.memory_space<vmem>>, %arg7: memref<80x128xf32, #tpu.memory_space<vmem>>, %arg8: memref<80x128xf32, #tpu.memory_space<vmem>>, %arg9: memref<80x128xf32, #tpu.memory_space<vmem>>, %arg10: memref<!tpu.dma_semaphore, #tpu.memory_space<semaphore_mem>>, %arg11: memref<!tpu.dma_semaphore, #tpu.memory_space<semaphore_mem>>, %arg12: memref<!tpu.dma_semaphore, #tpu.memory_space<semaphore_mem>>, %arg13: memref<!tpu.dma_semaphore, #tpu.memory_space<semaphore_mem>>, %arg14: memref<!tpu.dma_semaphore, #tpu.memory_space<semaphore_mem>>, %arg15: memref<!tpu.dma_semaphore, #tpu.memory_space<semaphore_mem>>, %arg16: memref<!tpu.dma_semaphore, #tpu.memory_space<semaphore_mem>>, %arg17: memref<!tpu.dma_semaphore, #tpu.memory_space<semaphore_mem>>) attributes {dimension_semantics = [#tpu.dimension_semantics<core_parallel>, #tpu.dimension_semantics<subcore_parallel>], iteration_bounds = array<i64: 2, 16>, scalar_prefetch = 0 : i64, scratch_operands = 13 : i64, tpu.core_type = #tpu.core_type<sc_vector_subcore>, window_params = [{transform_indices = #map}, {transform_indices = #map}, {transform_indices = #map}]} {
    %mul3A = arith.constant 2 : i32
    %mul3A_0 = arith.muli %arg1, %mul3A : i32
    %add3A = arith.addi %mul3A_0, %arg0 : i32
    %mul3A_1 = arith.constant 32 : i32
    %mul3A_2 = arith.muli %add3A, %mul3A_1 : i32
    "tpu.region"() ({
      %run_scoped3A = tpu.sem_alloc : memref<!tpu.dma_semaphore, #tpu.memory_space<semaphore_mem>>
      %dma_start3A_37 = arith.constant 0 : i32
      %dma_start3A_38 = tpu.memref_slice %arg2[%mul3A_2, %dma_start3A_37] : memref<1024x80xi32, #tpu.memory_space<hbm>> -> memref<32x80xi32, #tpu.memory_space<hbm>>
      %dma_start3A_39 = arith.constant 0 : i32
      %dma_start3A_40 = tpu.memref_slice %arg2[%mul3A_2, %dma_start3A_39] : memref<1024x80xi32, #tpu.memory_space<hbm>> -> memref<32x80xi32, #tpu.memory_space<hbm>>
      tpu.enqueue_dma source(%dma_start3A_40 : memref<32x80xi32, #tpu.memory_space<hbm>>) target(%arg5 : memref<32x80xi32, #tpu.memory_space<vmem>>) target_semaphore(%run_scoped3A : memref<!tpu.dma_semaphore, #tpu.memory_space<semaphore_mem>>)
      %dma_wait3A_41 = arith.constant 0 : i32
      %dma_wait3A_42 = tpu.memref_slice %arg2[%mul3A_2, %dma_wait3A_41] : memref<1024x80xi32, #tpu.memory_space<hbm>> -> memref<32x80xi32, #tpu.memory_space<hbm>>
      %dma_wait3A_43 = arith.constant 0 : i32
      %dma_wait3A_44 = tpu.memref_slice %arg2[%mul3A_2, %dma_wait3A_43] : memref<1024x80xi32, #tpu.memory_space<hbm>> -> memref<32x80xi32, #tpu.memory_space<hbm>>
      tpu.wait_dma2 semaphore(%run_scoped3A : memref<!tpu.dma_semaphore, #tpu.memory_space<semaphore_mem>>) src(%dma_wait3A_44 : memref<32x80xi32, #tpu.memory_space<hbm>>) dst(%arg5 : memref<32x80xi32, #tpu.memory_space<vmem>>)
      tpu.yield
    }) : () -> ()
    %dma_start3A = arith.constant 0 : i32
    %dma_start3A_3 = arith.constant 0 : i32
    %dma_start3A_4 = tpu.memref_slice %arg5[%dma_start3A, %dma_start3A_3] : memref<32x80xi32, #tpu.memory_space<vmem>> -> memref<1x80xi32, #tpu.memory_space<vmem>>
    %dma_start3A_5 = tpu.memref_squeeze %dma_start3A_4 : memref<1x80xi32, #tpu.memory_space<vmem>> -> memref<80xi32, #tpu.memory_space<vmem>>
    %dma_start3A_6 = arith.constant 0 : i32
    %dma_start3A_7 = arith.constant 0 : i32
    %dma_start3A_8 = tpu.memref_slice %arg3[%dma_start3A_6, %dma_start3A_7] : memref<4096x128xf32, #tpu.memory_space<hbm>> -> memref<4096x128xf32, #tpu.memory_space<hbm>>
    tpu.enqueue_indirect_dma source(%dma_start3A_8 : memref<4096x128xf32, #tpu.memory_space<hbm>>) target(%arg6 : memref<80x128xf32, #tpu.memory_space<vmem>>) offsets(%dma_start3A_5 : memref<80xi32, #tpu.memory_space<vmem>>) semaphore(%arg10 : memref<!tpu.dma_semaphore, #tpu.memory_space<semaphore_mem>>)
    %dma_start3A_9 = arith.constant 1 : i32
    %dma_start3A_10 = arith.constant 0 : i32
    %dma_start3A_11 = tpu.memref_slice %arg5[%dma_start3A_9, %dma_start3A_10] : memref<32x80xi32, #tpu.memory_space<vmem>> -> memref<1x80xi32, #tpu.memory_space<vmem>>
    %dma_start3A_12 = tpu.memref_squeeze %dma_start3A_11 : memref<1x80xi32, #tpu.memory_space<vmem>> -> memref<80xi32, #tpu.memory_space<vmem>>
    %dma_start3A_13 = arith.constant 0 : i32
    %dma_start3A_14 = arith.constant 0 : i32
    %dma_start3A_15 = tpu.memref_slice %arg3[%dma_start3A_13, %dma_start3A_14] : memref<4096x128xf32, #tpu.memory_space<hbm>> -> memref<4096x128xf32, #tpu.memory_space<hbm>>
    tpu.enqueue_indirect_dma source(%dma_start3A_15 : memref<4096x128xf32, #tpu.memory_space<hbm>>) target(%arg7 : memref<80x128xf32, #tpu.memory_space<vmem>>) offsets(%dma_start3A_12 : memref<80xi32, #tpu.memory_space<vmem>>) semaphore(%arg11 : memref<!tpu.dma_semaphore, #tpu.memory_space<semaphore_mem>>)
    %scan3A = arith.constant 0 : i32
    %scan3A_16 = arith.constant 0 : i32
    %scan3A_17 = arith.constant 8 : i32
    %scan3A_18 = arith.addi %scan3A_16, %scan3A_17 : i32
    %scan3A_19 = arith.constant 1 : i32
    %scan3A_20 = scf.for %scan3A_37 = %scan3A_16 to %scan3A_18 step %scan3A_19 iter_args(%scan3A_38 = %scan3A) -> (i32)  : i32 {
      %mul3A_39 = arith.constant 4 : i32
      %mul3A_40 = arith.muli %scan3A_37, %mul3A_39 : i32
      %add3A_41 = arith.constant 0 : i32
      %add3A_42 = arith.addi %mul3A_40, %add3A_41 : i32
      %dma_wait3A_43 = arith.constant 0 : i32
      %dma_wait3A_44 = tpu.memref_slice %arg5[%add3A_42, %dma_wait3A_43] : memref<32x80xi32, #tpu.memory_space<vmem>> -> memref<1x80xi32, #tpu.memory_space<vmem>>
      %dma_wait3A_45 = tpu.memref_squeeze %dma_wait3A_44 : memref<1x80xi32, #tpu.memory_space<vmem>> -> memref<80xi32, #tpu.memory_space<vmem>>
      %dma_wait3A_46 = arith.constant 0 : i32
      %dma_wait3A_47 = arith.constant 0 : i32
      %dma_wait3A_48 = tpu.memref_slice %arg3[%dma_wait3A_46, %dma_wait3A_47] : memref<4096x128xf32, #tpu.memory_space<hbm>> -> memref<4096x128xf32, #tpu.memory_space<hbm>>
      tpu.wait_indirect_dma semaphore(%arg10 : memref<!tpu.dma_semaphore, #tpu.memory_space<semaphore_mem>>) src(%dma_wait3A_48 : memref<4096x128xf32, #tpu.memory_space<hbm>>) dst(%arg6 : memref<80x128xf32, #tpu.memory_space<vmem>>)
      %add3A_49 = arith.addi %mul3A_2, %add3A_42 : i32
      %mul3A_50 = arith.constant 80 : i32
      %mul3A_51 = arith.muli %add3A_49, %mul3A_50 : i32
      %dma_start3A_52 = arith.constant 0 : i32
      %dma_start3A_53 = tpu.memref_slice %arg4[%mul3A_51, %dma_start3A_52] : memref<81920x128xf32, #tpu.memory_space<hbm>> -> memref<80x128xf32, #tpu.memory_space<hbm>>
      %dma_start3A_54 = arith.constant 0 : i32
      %dma_start3A_55 = tpu.memref_slice %arg4[%mul3A_51, %dma_start3A_54] : memref<81920x128xf32, #tpu.memory_space<hbm>> -> memref<80x128xf32, #tpu.memory_space<hbm>>
      tpu.enqueue_dma source(%arg6 : memref<80x128xf32, #tpu.memory_space<vmem>>) target(%dma_start3A_55 : memref<80x128xf32, #tpu.memory_space<hbm>>) target_semaphore(%arg14 : memref<!tpu.dma_semaphore, #tpu.memory_space<semaphore_mem>>)
      %ge3A = arith.constant 2 : i32
      %ge3A_56 = arith.cmpi sge, %add3A_42, %ge3A : i32
      %convert_element_type3A = arith.extui %ge3A_56 : i1 to i32
      %cond3A = arith.constant 0 : i32
      %cond3A_57 = arith.cmpi ne, %convert_element_type3A, %cond3A : i32
      scf.if %cond3A_57 {
        %sub3A = arith.constant 2 : i32
        %sub3A_152 = arith.subi %add3A_42, %sub3A : i32
        %add3A_153 = arith.addi %mul3A_2, %sub3A_152 : i32
        %mul3A_154 = arith.constant 80 : i32
        %mul3A_155 = arith.muli %add3A_153, %mul3A_154 : i32
        %dma_wait3A_156 = arith.constant 0 : i32
        %dma_wait3A_157 = tpu.memref_slice %arg4[%mul3A_155, %dma_wait3A_156] : memref<81920x128xf32, #tpu.memory_space<hbm>> -> memref<80x128xf32, #tpu.memory_space<hbm>>
        %dma_wait3A_158 = arith.constant 0 : i32
        %dma_wait3A_159 = tpu.memref_slice %arg4[%mul3A_155, %dma_wait3A_158] : memref<81920x128xf32, #tpu.memory_space<hbm>> -> memref<80x128xf32, #tpu.memory_space<hbm>>
        tpu.wait_dma2 semaphore(%arg16 : memref<!tpu.dma_semaphore, #tpu.memory_space<semaphore_mem>>) src(%arg8 : memref<80x128xf32, #tpu.memory_space<vmem>>) dst(%dma_wait3A_159 : memref<80x128xf32, #tpu.memory_space<hbm>>)
      } else {
      }
      %add3A_58 = arith.constant 2 : i32
      %add3A_59 = arith.addi %add3A_42, %add3A_58 : i32
      %lt3A = arith.constant 32 : i32
      %lt3A_60 = arith.cmpi slt, %add3A_59, %lt3A : i32
      %convert_element_type3A_61 = arith.extui %lt3A_60 : i1 to i32
      %cond3A_62 = arith.constant 0 : i32
      %cond3A_63 = arith.cmpi ne, %convert_element_type3A_61, %cond3A_62 : i32
      scf.if %cond3A_63 {
        %add3A_152 = arith.constant 2 : i32
        %add3A_153 = arith.addi %add3A_42, %add3A_152 : i32
        %dma_start3A_154 = arith.constant 0 : i32
        %dma_start3A_155 = tpu.memref_slice %arg5[%add3A_153, %dma_start3A_154] : memref<32x80xi32, #tpu.memory_space<vmem>> -> memref<1x80xi32, #tpu.memory_space<vmem>>
        %dma_start3A_156 = tpu.memref_squeeze %dma_start3A_155 : memref<1x80xi32, #tpu.memory_space<vmem>> -> memref<80xi32, #tpu.memory_space<vmem>>
        %dma_start3A_157 = arith.constant 0 : i32
        %dma_start3A_158 = arith.constant 0 : i32
        %dma_start3A_159 = tpu.memref_slice %arg3[%dma_start3A_157, %dma_start3A_158] : memref<4096x128xf32, #tpu.memory_space<hbm>> -> memref<4096x128xf32, #tpu.memory_space<hbm>>
        tpu.enqueue_indirect_dma source(%dma_start3A_159 : memref<4096x128xf32, #tpu.memory_space<hbm>>) target(%arg8 : memref<80x128xf32, #tpu.memory_space<vmem>>) offsets(%dma_start3A_156 : memref<80xi32, #tpu.memory_space<vmem>>) semaphore(%arg12 : memref<!tpu.dma_semaphore, #tpu.memory_space<semaphore_mem>>)
      } else {
      }
      %mul3A_64 = arith.constant 4 : i32
      %mul3A_65 = arith.muli %scan3A_37, %mul3A_64 : i32
      %add3A_66 = arith.constant 1 : i32
      %add3A_67 = arith.addi %mul3A_65, %add3A_66 : i32
      %dma_wait3A_68 = arith.constant 0 : i32
      %dma_wait3A_69 = tpu.memref_slice %arg5[%add3A_67, %dma_wait3A_68] : memref<32x80xi32, #tpu.memory_space<vmem>> -> memref<1x80xi32, #tpu.memory_space<vmem>>
      %dma_wait3A_70 = tpu.memref_squeeze %dma_wait3A_69 : memref<1x80xi32, #tpu.memory_space<vmem>> -> memref<80xi32, #tpu.memory_space<vmem>>
      %dma_wait3A_71 = arith.constant 0 : i32
      %dma_wait3A_72 = arith.constant 0 : i32
      %dma_wait3A_73 = tpu.memref_slice %arg3[%dma_wait3A_71, %dma_wait3A_72] : memref<4096x128xf32, #tpu.memory_space<hbm>> -> memref<4096x128xf32, #tpu.memory_space<hbm>>
      tpu.wait_indirect_dma semaphore(%arg11 : memref<!tpu.dma_semaphore, #tpu.memory_space<semaphore_mem>>) src(%dma_wait3A_73 : memref<4096x128xf32, #tpu.memory_space<hbm>>) dst(%arg7 : memref<80x128xf32, #tpu.memory_space<vmem>>)
      %add3A_74 = arith.addi %mul3A_2, %add3A_67 : i32
      %mul3A_75 = arith.constant 80 : i32
      %mul3A_76 = arith.muli %add3A_74, %mul3A_75 : i32
      %dma_start3A_77 = arith.constant 0 : i32
      %dma_start3A_78 = tpu.memref_slice %arg4[%mul3A_76, %dma_start3A_77] : memref<81920x128xf32, #tpu.memory_space<hbm>> -> memref<80x128xf32, #tpu.memory_space<hbm>>
      %dma_start3A_79 = arith.constant 0 : i32
      %dma_start3A_80 = tpu.memref_slice %arg4[%mul3A_76, %dma_start3A_79] : memref<81920x128xf32, #tpu.memory_space<hbm>> -> memref<80x128xf32, #tpu.memory_space<hbm>>
      tpu.enqueue_dma source(%arg7 : memref<80x128xf32, #tpu.memory_space<vmem>>) target(%dma_start3A_80 : memref<80x128xf32, #tpu.memory_space<hbm>>) target_semaphore(%arg15 : memref<!tpu.dma_semaphore, #tpu.memory_space<semaphore_mem>>)
      %ge3A_81 = arith.constant 2 : i32
      %ge3A_82 = arith.cmpi sge, %add3A_67, %ge3A_81 : i32
      %convert_element_type3A_83 = arith.extui %ge3A_82 : i1 to i32
      %cond3A_84 = arith.constant 0 : i32
      %cond3A_85 = arith.cmpi ne, %convert_element_type3A_83, %cond3A_84 : i32
      scf.if %cond3A_85 {
        %sub3A = arith.constant 2 : i32
        %sub3A_152 = arith.subi %add3A_67, %sub3A : i32
        %add3A_153 = arith.addi %mul3A_2, %sub3A_152 : i32
        %mul3A_154 = arith.constant 80 : i32
        %mul3A_155 = arith.muli %add3A_153, %mul3A_154 : i32
        %dma_wait3A_156 = arith.constant 0 : i32
        %dma_wait3A_157 = tpu.memref_slice %arg4[%mul3A_155, %dma_wait3A_156] : memref<81920x128xf32, #tpu.memory_space<hbm>> -> memref<80x128xf32, #tpu.memory_space<hbm>>
        %dma_wait3A_158 = arith.constant 0 : i32
        %dma_wait3A_159 = tpu.memref_slice %arg4[%mul3A_155, %dma_wait3A_158] : memref<81920x128xf32, #tpu.memory_space<hbm>> -> memref<80x128xf32, #tpu.memory_space<hbm>>
        tpu.wait_dma2 semaphore(%arg17 : memref<!tpu.dma_semaphore, #tpu.memory_space<semaphore_mem>>) src(%arg9 : memref<80x128xf32, #tpu.memory_space<vmem>>) dst(%dma_wait3A_159 : memref<80x128xf32, #tpu.memory_space<hbm>>)
      } else {
      }
      %add3A_86 = arith.constant 2 : i32
      %add3A_87 = arith.addi %add3A_67, %add3A_86 : i32
      %lt3A_88 = arith.constant 32 : i32
      %lt3A_89 = arith.cmpi slt, %add3A_87, %lt3A_88 : i32
      %convert_element_type3A_90 = arith.extui %lt3A_89 : i1 to i32
      %cond3A_91 = arith.constant 0 : i32
      %cond3A_92 = arith.cmpi ne, %convert_element_type3A_90, %cond3A_91 : i32
      scf.if %cond3A_92 {
        %add3A_152 = arith.constant 2 : i32
        %add3A_153 = arith.addi %add3A_67, %add3A_152 : i32
        %dma_start3A_154 = arith.constant 0 : i32
        %dma_start3A_155 = tpu.memref_slice %arg5[%add3A_153, %dma_start3A_154] : memref<32x80xi32, #tpu.memory_space<vmem>> -> memref<1x80xi32, #tpu.memory_space<vmem>>
        %dma_start3A_156 = tpu.memref_squeeze %dma_start3A_155 : memref<1x80xi32, #tpu.memory_space<vmem>> -> memref<80xi32, #tpu.memory_space<vmem>>
        %dma_start3A_157 = arith.constant 0 : i32
        %dma_start3A_158 = arith.constant 0 : i32
        %dma_start3A_159 = tpu.memref_slice %arg3[%dma_start3A_157, %dma_start3A_158] : memref<4096x128xf32, #tpu.memory_space<hbm>> -> memref<4096x128xf32, #tpu.memory_space<hbm>>
        tpu.enqueue_indirect_dma source(%dma_start3A_159 : memref<4096x128xf32, #tpu.memory_space<hbm>>) target(%arg9 : memref<80x128xf32, #tpu.memory_space<vmem>>) offsets(%dma_start3A_156 : memref<80xi32, #tpu.memory_space<vmem>>) semaphore(%arg13 : memref<!tpu.dma_semaphore, #tpu.memory_space<semaphore_mem>>)
      } else {
      }
      %mul3A_93 = arith.constant 4 : i32
      %mul3A_94 = arith.muli %scan3A_37, %mul3A_93 : i32
      %add3A_95 = arith.constant 2 : i32
      %add3A_96 = arith.addi %mul3A_94, %add3A_95 : i32
      %dma_wait3A_97 = arith.constant 0 : i32
      %dma_wait3A_98 = tpu.memref_slice %arg5[%add3A_96, %dma_wait3A_97] : memref<32x80xi32, #tpu.memory_space<vmem>> -> memref<1x80xi32, #tpu.memory_space<vmem>>
      %dma_wait3A_99 = tpu.memref_squeeze %dma_wait3A_98 : memref<1x80xi32, #tpu.memory_space<vmem>> -> memref<80xi32, #tpu.memory_space<vmem>>
      %dma_wait3A_100 = arith.constant 0 : i32
      %dma_wait3A_101 = arith.constant 0 : i32
      %dma_wait3A_102 = tpu.memref_slice %arg3[%dma_wait3A_100, %dma_wait3A_101] : memref<4096x128xf32, #tpu.memory_space<hbm>> -> memref<4096x128xf32, #tpu.memory_space<hbm>>
      tpu.wait_indirect_dma semaphore(%arg12 : memref<!tpu.dma_semaphore, #tpu.memory_space<semaphore_mem>>) src(%dma_wait3A_102 : memref<4096x128xf32, #tpu.memory_space<hbm>>) dst(%arg8 : memref<80x128xf32, #tpu.memory_space<vmem>>)
      %add3A_103 = arith.addi %mul3A_2, %add3A_96 : i32
      %mul3A_104 = arith.constant 80 : i32
      %mul3A_105 = arith.muli %add3A_103, %mul3A_104 : i32
      %dma_start3A_106 = arith.constant 0 : i32
      %dma_start3A_107 = tpu.memref_slice %arg4[%mul3A_105, %dma_start3A_106] : memref<81920x128xf32, #tpu.memory_space<hbm>> -> memref<80x128xf32, #tpu.memory_space<hbm>>
      %dma_start3A_108 = arith.constant 0 : i32
      %dma_start3A_109 = tpu.memref_slice %arg4[%mul3A_105, %dma_start3A_108] : memref<81920x128xf32, #tpu.memory_space<hbm>> -> memref<80x128xf32, #tpu.memory_space<hbm>>
      tpu.enqueue_dma source(%arg8 : memref<80x128xf32, #tpu.memory_space<vmem>>) target(%dma_start3A_109 : memref<80x128xf32, #tpu.memory_space<hbm>>) target_semaphore(%arg16 : memref<!tpu.dma_semaphore, #tpu.memory_space<semaphore_mem>>)
      %ge3A_110 = arith.constant 2 : i32
      %ge3A_111 = arith.cmpi sge, %add3A_96, %ge3A_110 : i32
      %convert_element_type3A_112 = arith.extui %ge3A_111 : i1 to i32
      %cond3A_113 = arith.constant 0 : i32
      %cond3A_114 = arith.cmpi ne, %convert_element_type3A_112, %cond3A_113 : i32
      scf.if %cond3A_114 {
        %sub3A = arith.constant 2 : i32
        %sub3A_152 = arith.subi %add3A_96, %sub3A : i32
        %add3A_153 = arith.addi %mul3A_2, %sub3A_152 : i32
        %mul3A_154 = arith.constant 80 : i32
        %mul3A_155 = arith.muli %add3A_153, %mul3A_154 : i32
        %dma_wait3A_156 = arith.constant 0 : i32
        %dma_wait3A_157 = tpu.memref_slice %arg4[%mul3A_155, %dma_wait3A_156] : memref<81920x128xf32, #tpu.memory_space<hbm>> -> memref<80x128xf32, #tpu.memory_space<hbm>>
        %dma_wait3A_158 = arith.constant 0 : i32
        %dma_wait3A_159 = tpu.memref_slice %arg4[%mul3A_155, %dma_wait3A_158] : memref<81920x128xf32, #tpu.memory_space<hbm>> -> memref<80x128xf32, #tpu.memory_space<hbm>>
        tpu.wait_dma2 semaphore(%arg14 : memref<!tpu.dma_semaphore, #tpu.memory_space<semaphore_mem>>) src(%arg6 : memref<80x128xf32, #tpu.memory_space<vmem>>) dst(%dma_wait3A_159 : memref<80x128xf32, #tpu.memory_space<hbm>>)
      } else {
      }
      %add3A_115 = arith.constant 2 : i32
      %add3A_116 = arith.addi %add3A_96, %add3A_115 : i32
      %lt3A_117 = arith.constant 32 : i32
      %lt3A_118 = arith.cmpi slt, %add3A_116, %lt3A_117 : i32
      %convert_element_type3A_119 = arith.extui %lt3A_118 : i1 to i32
      %cond3A_120 = arith.constant 0 : i32
      %cond3A_121 = arith.cmpi ne, %convert_element_type3A_119, %cond3A_120 : i32
      scf.if %cond3A_121 {
        %add3A_152 = arith.constant 2 : i32
        %add3A_153 = arith.addi %add3A_96, %add3A_152 : i32
        %dma_start3A_154 = arith.constant 0 : i32
        %dma_start3A_155 = tpu.memref_slice %arg5[%add3A_153, %dma_start3A_154] : memref<32x80xi32, #tpu.memory_space<vmem>> -> memref<1x80xi32, #tpu.memory_space<vmem>>
        %dma_start3A_156 = tpu.memref_squeeze %dma_start3A_155 : memref<1x80xi32, #tpu.memory_space<vmem>> -> memref<80xi32, #tpu.memory_space<vmem>>
        %dma_start3A_157 = arith.constant 0 : i32
        %dma_start3A_158 = arith.constant 0 : i32
        %dma_start3A_159 = tpu.memref_slice %arg3[%dma_start3A_157, %dma_start3A_158] : memref<4096x128xf32, #tpu.memory_space<hbm>> -> memref<4096x128xf32, #tpu.memory_space<hbm>>
        tpu.enqueue_indirect_dma source(%dma_start3A_159 : memref<4096x128xf32, #tpu.memory_space<hbm>>) target(%arg6 : memref<80x128xf32, #tpu.memory_space<vmem>>) offsets(%dma_start3A_156 : memref<80xi32, #tpu.memory_space<vmem>>) semaphore(%arg10 : memref<!tpu.dma_semaphore, #tpu.memory_space<semaphore_mem>>)
      } else {
      }
      %mul3A_122 = arith.constant 4 : i32
      %mul3A_123 = arith.muli %scan3A_37, %mul3A_122 : i32
      %add3A_124 = arith.constant 3 : i32
      %add3A_125 = arith.addi %mul3A_123, %add3A_124 : i32
      %dma_wait3A_126 = arith.constant 0 : i32
      %dma_wait3A_127 = tpu.memref_slice %arg5[%add3A_125, %dma_wait3A_126] : memref<32x80xi32, #tpu.memory_space<vmem>> -> memref<1x80xi32, #tpu.memory_space<vmem>>
      %dma_wait3A_128 = tpu.memref_squeeze %dma_wait3A_127 : memref<1x80xi32, #tpu.memory_space<vmem>> -> memref<80xi32, #tpu.memory_space<vmem>>
      %dma_wait3A_129 = arith.constant 0 : i32
      %dma_wait3A_130 = arith.constant 0 : i32
      %dma_wait3A_131 = tpu.memref_slice %arg3[%dma_wait3A_129, %dma_wait3A_130] : memref<4096x128xf32, #tpu.memory_space<hbm>> -> memref<4096x128xf32, #tpu.memory_space<hbm>>
      tpu.wait_indirect_dma semaphore(%arg13 : memref<!tpu.dma_semaphore, #tpu.memory_space<semaphore_mem>>) src(%dma_wait3A_131 : memref<4096x128xf32, #tpu.memory_space<hbm>>) dst(%arg9 : memref<80x128xf32, #tpu.memory_space<vmem>>)
      %add3A_132 = arith.addi %mul3A_2, %add3A_125 : i32
      %mul3A_133 = arith.constant 80 : i32
      %mul3A_134 = arith.muli %add3A_132, %mul3A_133 : i32
      %dma_start3A_135 = arith.constant 0 : i32
      %dma_start3A_136 = tpu.memref_slice %arg4[%mul3A_134, %dma_start3A_135] : memref<81920x128xf32, #tpu.memory_space<hbm>> -> memref<80x128xf32, #tpu.memory_space<hbm>>
      %dma_start3A_137 = arith.constant 0 : i32
      %dma_start3A_138 = tpu.memref_slice %arg4[%mul3A_134, %dma_start3A_137] : memref<81920x128xf32, #tpu.memory_space<hbm>> -> memref<80x128xf32, #tpu.memory_space<hbm>>
      tpu.enqueue_dma source(%arg9 : memref<80x128xf32, #tpu.memory_space<vmem>>) target(%dma_start3A_138 : memref<80x128xf32, #tpu.memory_space<hbm>>) target_semaphore(%arg17 : memref<!tpu.dma_semaphore, #tpu.memory_space<semaphore_mem>>)
      %ge3A_139 = arith.constant 2 : i32
      %ge3A_140 = arith.cmpi sge, %add3A_125, %ge3A_139 : i32
      %convert_element_type3A_141 = arith.extui %ge3A_140 : i1 to i32
      %cond3A_142 = arith.constant 0 : i32
      %cond3A_143 = arith.cmpi ne, %convert_element_type3A_141, %cond3A_142 : i32
      scf.if %cond3A_143 {
        %sub3A = arith.constant 2 : i32
        %sub3A_152 = arith.subi %add3A_125, %sub3A : i32
        %add3A_153 = arith.addi %mul3A_2, %sub3A_152 : i32
        %mul3A_154 = arith.constant 80 : i32
        %mul3A_155 = arith.muli %add3A_153, %mul3A_154 : i32
        %dma_wait3A_156 = arith.constant 0 : i32
        %dma_wait3A_157 = tpu.memref_slice %arg4[%mul3A_155, %dma_wait3A_156] : memref<81920x128xf32, #tpu.memory_space<hbm>> -> memref<80x128xf32, #tpu.memory_space<hbm>>
        %dma_wait3A_158 = arith.constant 0 : i32
        %dma_wait3A_159 = tpu.memref_slice %arg4[%mul3A_155, %dma_wait3A_158] : memref<81920x128xf32, #tpu.memory_space<hbm>> -> memref<80x128xf32, #tpu.memory_space<hbm>>
        tpu.wait_dma2 semaphore(%arg15 : memref<!tpu.dma_semaphore, #tpu.memory_space<semaphore_mem>>) src(%arg7 : memref<80x128xf32, #tpu.memory_space<vmem>>) dst(%dma_wait3A_159 : memref<80x128xf32, #tpu.memory_space<hbm>>)
      } else {
      }
      %add3A_144 = arith.constant 2 : i32
      %add3A_145 = arith.addi %add3A_125, %add3A_144 : i32
      %lt3A_146 = arith.constant 32 : i32
      %lt3A_147 = arith.cmpi slt, %add3A_145, %lt3A_146 : i32
      %convert_element_type3A_148 = arith.extui %lt3A_147 : i1 to i32
      %cond3A_149 = arith.constant 0 : i32
      %cond3A_150 = arith.cmpi ne, %convert_element_type3A_148, %cond3A_149 : i32
      scf.if %cond3A_150 {
        %add3A_152 = arith.constant 2 : i32
        %add3A_153 = arith.addi %add3A_125, %add3A_152 : i32
        %dma_start3A_154 = arith.constant 0 : i32
        %dma_start3A_155 = tpu.memref_slice %arg5[%add3A_153, %dma_start3A_154] : memref<32x80xi32, #tpu.memory_space<vmem>> -> memref<1x80xi32, #tpu.memory_space<vmem>>
        %dma_start3A_156 = tpu.memref_squeeze %dma_start3A_155 : memref<1x80xi32, #tpu.memory_space<vmem>> -> memref<80xi32, #tpu.memory_space<vmem>>
        %dma_start3A_157 = arith.constant 0 : i32
        %dma_start3A_158 = arith.constant 0 : i32
        %dma_start3A_159 = tpu.memref_slice %arg3[%dma_start3A_157, %dma_start3A_158] : memref<4096x128xf32, #tpu.memory_space<hbm>> -> memref<4096x128xf32, #tpu.memory_space<hbm>>
        tpu.enqueue_indirect_dma source(%dma_start3A_159 : memref<4096x128xf32, #tpu.memory_space<hbm>>) target(%arg7 : memref<80x128xf32, #tpu.memory_space<vmem>>) offsets(%dma_start3A_156 : memref<80xi32, #tpu.memory_space<vmem>>) semaphore(%arg11 : memref<!tpu.dma_semaphore, #tpu.memory_space<semaphore_mem>>)
      } else {
      }
      %scan3A_151 = arith.constant 0 : i32
      scf.yield %scan3A_151 : i32
    }
    %scan3A_21 = arith.constant 8 : i32
    %add3A_22 = arith.constant 30 : i32
    %add3A_23 = arith.addi %mul3A_2, %add3A_22 : i32
    %mul3A_24 = arith.constant 80 : i32
    %mul3A_25 = arith.muli %add3A_23, %mul3A_24 : i32
    %dma_wait3A = arith.constant 0 : i32
    %dma_wait3A_26 = tpu.memref_slice %arg4[%mul3A_25, %dma_wait3A] : memref<81920x128xf32, #tpu.memory_space<hbm>> -> memref<80x128xf32, #tpu.memory_space<hbm>>
    %dma_wait3A_27 = arith.constant 0 : i32
    %dma_wait3A_28 = tpu.memref_slice %arg4[%mul3A_25, %dma_wait3A_27] : memref<81920x128xf32, #tpu.memory_space<hbm>> -> memref<80x128xf32, #tpu.memory_space<hbm>>
    tpu.wait_dma2 semaphore(%arg16 : memref<!tpu.dma_semaphore, #tpu.memory_space<semaphore_mem>>) src(%arg8 : memref<80x128xf32, #tpu.memory_space<vmem>>) dst(%dma_wait3A_28 : memref<80x128xf32, #tpu.memory_space<hbm>>)
    %add3A_29 = arith.constant 31 : i32
    %add3A_30 = arith.addi %mul3A_2, %add3A_29 : i32
    %mul3A_31 = arith.constant 80 : i32
    %mul3A_32 = arith.muli %add3A_30, %mul3A_31 : i32
    %dma_wait3A_33 = arith.constant 0 : i32
    %dma_wait3A_34 = tpu.memref_slice %arg4[%mul3A_32, %dma_wait3A_33] : memref<81920x128xf32, #tpu.memory_space<hbm>> -> memref<80x128xf32, #tpu.memory_space<hbm>>
    %dma_wait3A_35 = arith.constant 0 : i32
    %dma_wait3A_36 = tpu.memref_slice %arg4[%mul3A_32, %dma_wait3A_35] : memref<81920x128xf32, #tpu.memory_space<hbm>> -> memref<80x128xf32, #tpu.memory_space<hbm>>
    tpu.wait_dma2 semaphore(%arg17 : memref<!tpu.dma_semaphore, #tpu.memory_space<semaphore_mem>>) src(%arg9 : memref<80x128xf32, #tpu.memory_space<vmem>>) dst(%dma_wait3A_36 : memref<80x128xf32, #tpu.memory_space<hbm>>)
    return
  }
}

#map = affine_map<(d0, d1) -> (0, 0)>
module attributes {stable_mosaic.version = 14 : i64} {
  func.func @sc_kernel(%arg0: i32, %arg1: i32, %arg2: memref<1024x80xi32, #tpu.memory_space<hbm>>, %arg3: memref<4096x128xf32, #tpu.memory_space<hbm>>, %arg4: memref<81920x128xf32, #tpu.memory_space<hbm>>, %arg5: memref<32x80xi32, #tpu.memory_space<vmem>>, %arg6: memref<80x128xf32, #tpu.memory_space<vmem>>, %arg7: memref<80x128xf32, #tpu.memory_space<vmem>>, %arg8: memref<80x128xf32, #tpu.memory_space<vmem>>, %arg9: memref<80x128xf32, #tpu.memory_space<vmem>>, %arg10: memref<!tpu.dma_semaphore, #tpu.memory_space<semaphore_mem>>, %arg11: memref<!tpu.dma_semaphore, #tpu.memory_space<semaphore_mem>>, %arg12: memref<!tpu.dma_semaphore, #tpu.memory_space<semaphore_mem>>, %arg13: memref<!tpu.dma_semaphore, #tpu.memory_space<semaphore_mem>>, %arg14: memref<!tpu.dma_semaphore, #tpu.memory_space<semaphore_mem>>, %arg15: memref<!tpu.dma_semaphore, #tpu.memory_space<semaphore_mem>>, %arg16: memref<!tpu.dma_semaphore, #tpu.memory_space<semaphore_mem>>, %arg17: memref<!tpu.dma_semaphore, #tpu.memory_space<semaphore_mem>>) attributes {dimension_semantics = [#tpu.dimension_semantics<core_parallel>, #tpu.dimension_semantics<subcore_parallel>], iteration_bounds = array<i64: 2, 16>, scalar_prefetch = 0 : i64, scratch_operands = 13 : i64, tpu.core_type = #tpu.core_type<sc_vector_subcore>, window_params = [{transform_indices = #map}, {transform_indices = #map}, {transform_indices = #map}]} {
    %mul3A = arith.constant 2 : i32
    %mul3A_0 = arith.muli %arg1, %mul3A : i32
    %add3A = arith.addi %mul3A_0, %arg0 : i32
    %mul3A_1 = arith.constant 32 : i32
    %mul3A_2 = arith.muli %add3A, %mul3A_1 : i32
    "tpu.region"() ({
      %run_scoped3A = tpu.sem_alloc : memref<!tpu.dma_semaphore, #tpu.memory_space<semaphore_mem>>
      %dma_start3A_37 = arith.constant 0 : i32
      %dma_start3A_38 = tpu.memref_slice %arg2[%mul3A_2, %dma_start3A_37] : memref<1024x80xi32, #tpu.memory_space<hbm>> -> memref<32x80xi32, #tpu.memory_space<hbm>>
      %dma_start3A_39 = arith.constant 0 : i32
      %dma_start3A_40 = tpu.memref_slice %arg2[%mul3A_2, %dma_start3A_39] : memref<1024x80xi32, #tpu.memory_space<hbm>> -> memref<32x80xi32, #tpu.memory_space<hbm>>
      tpu.enqueue_dma source(%dma_start3A_40 : memref<32x80xi32, #tpu.memory_space<hbm>>) target(%arg5 : memref<32x80xi32, #tpu.memory_space<vmem>>) target_semaphore(%run_scoped3A : memref<!tpu.dma_semaphore, #tpu.memory_space<semaphore_mem>>)
      %dma_wait3A_41 = arith.constant 0 : i32
      %dma_wait3A_42 = tpu.memref_slice %arg2[%mul3A_2, %dma_wait3A_41] : memref<1024x80xi32, #tpu.memory_space<hbm>> -> memref<32x80xi32, #tpu.memory_space<hbm>>
      %dma_wait3A_43 = arith.constant 0 : i32
      %dma_wait3A_44 = tpu.memref_slice %arg2[%mul3A_2, %dma_wait3A_43] : memref<1024x80xi32, #tpu.memory_space<hbm>> -> memref<32x80xi32, #tpu.memory_space<hbm>>
      tpu.wait_dma2 semaphore(%run_scoped3A : memref<!tpu.dma_semaphore, #tpu.memory_space<semaphore_mem>>) src(%dma_wait3A_44 : memref<32x80xi32, #tpu.memory_space<hbm>>) dst(%arg5 : memref<32x80xi32, #tpu.memory_space<vmem>>)
      tpu.yield
    }) : () -> ()
    %dma_start3A = arith.constant 0 : i32
    %dma_start3A_3 = arith.constant 0 : i32
    %dma_start3A_4 = tpu.memref_slice %arg5[%dma_start3A, %dma_start3A_3] : memref<32x80xi32, #tpu.memory_space<vmem>> -> memref<1x80xi32, #tpu.memory_space<vmem>>
    %dma_start3A_5 = tpu.memref_squeeze %dma_start3A_4 : memref<1x80xi32, #tpu.memory_space<vmem>> -> memref<80xi32, #tpu.memory_space<vmem>>
    %dma_start3A_6 = arith.constant 0 : i32
    %dma_start3A_7 = arith.constant 0 : i32
    %dma_start3A_8 = tpu.memref_slice %arg3[%dma_start3A_6, %dma_start3A_7] : memref<4096x128xf32, #tpu.memory_space<hbm>> -> memref<4096x128xf32, #tpu.memory_space<hbm>>
    tpu.enqueue_indirect_dma source(%dma_start3A_8 : memref<4096x128xf32, #tpu.memory_space<hbm>>) target(%arg6 : memref<80x128xf32, #tpu.memory_space<vmem>>) offsets(%dma_start3A_5 : memref<80xi32, #tpu.memory_space<vmem>>) semaphore(%arg10 : memref<!tpu.dma_semaphore, #tpu.memory_space<semaphore_mem>>)
    %dma_start3A_9 = arith.constant 1 : i32
    %dma_start3A_10 = arith.constant 0 : i32
    %dma_start3A_11 = tpu.memref_slice %arg5[%dma_start3A_9, %dma_start3A_10] : memref<32x80xi32, #tpu.memory_space<vmem>> -> memref<1x80xi32, #tpu.memory_space<vmem>>
    %dma_start3A_12 = tpu.memref_squeeze %dma_start3A_11 : memref<1x80xi32, #tpu.memory_space<vmem>> -> memref<80xi32, #tpu.memory_space<vmem>>
    %dma_start3A_13 = arith.constant 0 : i32
    %dma_start3A_14 = arith.constant 0 : i32
    %dma_start3A_15 = tpu.memref_slice %arg3[%dma_start3A_13, %dma_start3A_14] : memref<4096x128xf32, #tpu.memory_space<hbm>> -> memref<4096x128xf32, #tpu.memory_space<hbm>>
    tpu.enqueue_indirect_dma source(%dma_start3A_15 : memref<4096x128xf32, #tpu.memory_space<hbm>>) target(%arg7 : memref<80x128xf32, #tpu.memory_space<vmem>>) offsets(%dma_start3A_12 : memref<80xi32, #tpu.memory_space<vmem>>) semaphore(%arg11 : memref<!tpu.dma_semaphore, #tpu.memory_space<semaphore_mem>>)
    %scan3A = arith.constant 0 : i32
    %scan3A_16 = arith.constant 0 : i32
    %scan3A_17 = arith.constant 8 : i32
    %scan3A_18 = arith.addi %scan3A_16, %scan3A_17 : i32
    %scan3A_19 = arith.constant 1 : i32
    %scan3A_20 = scf.for %scan3A_37 = %scan3A_16 to %scan3A_18 step %scan3A_19 iter_args(%scan3A_38 = %scan3A) -> (i32)  : i32 {
      %mul3A_39 = arith.constant 4 : i32
      %mul3A_40 = arith.muli %scan3A_37, %mul3A_39 : i32
      %add3A_41 = arith.constant 0 : i32
      %add3A_42 = arith.addi %mul3A_40, %add3A_41 : i32
      %dma_wait3A_43 = arith.constant 0 : i32
      %dma_wait3A_44 = tpu.memref_slice %arg5[%add3A_42, %dma_wait3A_43] : memref<32x80xi32, #tpu.memory_space<vmem>> -> memref<1x80xi32, #tpu.memory_space<vmem>>
      %dma_wait3A_45 = tpu.memref_squeeze %dma_wait3A_44 : memref<1x80xi32, #tpu.memory_space<vmem>> -> memref<80xi32, #tpu.memory_space<vmem>>
      %dma_wait3A_46 = arith.constant 0 : i32
      %dma_wait3A_47 = arith.constant 0 : i32
      %dma_wait3A_48 = tpu.memref_slice %arg3[%dma_wait3A_46, %dma_wait3A_47] : memref<4096x128xf32, #tpu.memory_space<hbm>> -> memref<4096x128xf32, #tpu.memory_space<hbm>>
      tpu.wait_indirect_dma semaphore(%arg10 : memref<!tpu.dma_semaphore, #tpu.memory_space<semaphore_mem>>) src(%dma_wait3A_48 : memref<4096x128xf32, #tpu.memory_space<hbm>>) dst(%arg6 : memref<80x128xf32, #tpu.memory_space<vmem>>)
      %add3A_49 = arith.addi %mul3A_2, %add3A_42 : i32
      %mul3A_50 = arith.constant 80 : i32
      %mul3A_51 = arith.muli %add3A_49, %mul3A_50 : i32
      %dma_start3A_52 = arith.constant 0 : i32
      %dma_start3A_53 = tpu.memref_slice %arg4[%mul3A_51, %dma_start3A_52] : memref<81920x128xf32, #tpu.memory_space<hbm>> -> memref<80x128xf32, #tpu.memory_space<hbm>>
      %dma_start3A_54 = arith.constant 0 : i32
      %dma_start3A_55 = tpu.memref_slice %arg4[%mul3A_51, %dma_start3A_54] : memref<81920x128xf32, #tpu.memory_space<hbm>> -> memref<80x128xf32, #tpu.memory_space<hbm>>
      tpu.enqueue_dma source(%arg6 : memref<80x128xf32, #tpu.memory_space<vmem>>) target(%dma_start3A_55 : memref<80x128xf32, #tpu.memory_space<hbm>>) target_semaphore(%arg14 : memref<!tpu.dma_semaphore, #tpu.memory_space<semaphore_mem>>)
      %ge3A = arith.constant 2 : i32
      %ge3A_56 = arith.cmpi sge, %add3A_42, %ge3A : i32
      %convert_element_type3A = arith.extui %ge3A_56 : i1 to i32
      %cond3A = arith.constant 0 : i32
      %cond3A_57 = arith.cmpi ne, %convert_element_type3A, %cond3A : i32
      scf.if %cond3A_57 {
        %sub3A = arith.constant 2 : i32
        %sub3A_152 = arith.subi %add3A_42, %sub3A : i32
        %add3A_153 = arith.addi %mul3A_2, %sub3A_152 : i32
        %mul3A_154 = arith.constant 80 : i32
        %mul3A_155 = arith.muli %add3A_153, %mul3A_154 : i32
        %dma_wait3A_156 = arith.constant 0 : i32
        %dma_wait3A_157 = tpu.memref_slice %arg4[%mul3A_155, %dma_wait3A_156] : memref<81920x128xf32, #tpu.memory_space<hbm>> -> memref<80x128xf32, #tpu.memory_space<hbm>>
        %dma_wait3A_158 = arith.constant 0 : i32
        %dma_wait3A_159 = tpu.memref_slice %arg4[%mul3A_155, %dma_wait3A_158] : memref<81920x128xf32, #tpu.memory_space<hbm>> -> memref<80x128xf32, #tpu.memory_space<hbm>>
        tpu.wait_dma2 semaphore(%arg16 : memref<!tpu.dma_semaphore, #tpu.memory_space<semaphore_mem>>) src(%arg8 : memref<80x128xf32, #tpu.memory_space<vmem>>) dst(%dma_wait3A_159 : memref<80x128xf32, #tpu.memory_space<hbm>>)
      } else {
      }
      %add3A_58 = arith.constant 2 : i32
      %add3A_59 = arith.addi %add3A_42, %add3A_58 : i32
      %lt3A = arith.constant 32 : i32
      %lt3A_60 = arith.cmpi slt, %add3A_59, %lt3A : i32
      %convert_element_type3A_61 = arith.extui %lt3A_60 : i1 to i32
      %cond3A_62 = arith.constant 0 : i32
      %cond3A_63 = arith.cmpi ne, %convert_element_type3A_61, %cond3A_62 : i32
      scf.if %cond3A_63 {
        %add3A_152 = arith.constant 2 : i32
        %add3A_153 = arith.addi %add3A_42, %add3A_152 : i32
        %dma_start3A_154 = arith.constant 0 : i32
        %dma_start3A_155 = tpu.memref_slice %arg5[%add3A_153, %dma_start3A_154] : memref<32x80xi32, #tpu.memory_space<vmem>> -> memref<1x80xi32, #tpu.memory_space<vmem>>
        %dma_start3A_156 = tpu.memref_squeeze %dma_start3A_155 : memref<1x80xi32, #tpu.memory_space<vmem>> -> memref<80xi32, #tpu.memory_space<vmem>>
        %dma_start3A_157 = arith.constant 0 : i32
        %dma_start3A_158 = arith.constant 0 : i32
        %dma_start3A_159 = tpu.memref_slice %arg3[%dma_start3A_157, %dma_start3A_158] : memref<4096x128xf32, #tpu.memory_space<hbm>> -> memref<4096x128xf32, #tpu.memory_space<hbm>>
        tpu.enqueue_indirect_dma source(%dma_start3A_159 : memref<4096x128xf32, #tpu.memory_space<hbm>>) target(%arg8 : memref<80x128xf32, #tpu.memory_space<vmem>>) offsets(%dma_start3A_156 : memref<80xi32, #tpu.memory_space<vmem>>) semaphore(%arg12 : memref<!tpu.dma_semaphore, #tpu.memory_space<semaphore_mem>>)
      } else {
      }
      %mul3A_64 = arith.constant 4 : i32
      %mul3A_65 = arith.muli %scan3A_37, %mul3A_64 : i32
      %add3A_66 = arith.constant 1 : i32
      %add3A_67 = arith.addi %mul3A_65, %add3A_66 : i32
      %dma_wait3A_68 = arith.constant 0 : i32
      %dma_wait3A_69 = tpu.memref_slice %arg5[%add3A_67, %dma_wait3A_68] : memref<32x80xi32, #tpu.memory_space<vmem>> -> memref<1x80xi32, #tpu.memory_space<vmem>>
      %dma_wait3A_70 = tpu.memref_squeeze %dma_wait3A_69 : memref<1x80xi32, #tpu.memory_space<vmem>> -> memref<80xi32, #tpu.memory_space<vmem>>
      %dma_wait3A_71 = arith.constant 0 : i32
      %dma_wait3A_72 = arith.constant 0 : i32
      %dma_wait3A_73 = tpu.memref_slice %arg3[%dma_wait3A_71, %dma_wait3A_72] : memref<4096x128xf32, #tpu.memory_space<hbm>> -> memref<4096x128xf32, #tpu.memory_space<hbm>>
      tpu.wait_indirect_dma semaphore(%arg11 : memref<!tpu.dma_semaphore, #tpu.memory_space<semaphore_mem>>) src(%dma_wait3A_73 : memref<4096x128xf32, #tpu.memory_space<hbm>>) dst(%arg7 : memref<80x128xf32, #tpu.memory_space<vmem>>)
      %add3A_74 = arith.addi %mul3A_2, %add3A_67 : i32
      %mul3A_75 = arith.constant 80 : i32
      %mul3A_76 = arith.muli %add3A_74, %mul3A_75 : i32
      %dma_start3A_77 = arith.constant 0 : i32
      %dma_start3A_78 = tpu.memref_slice %arg4[%mul3A_76, %dma_start3A_77] : memref<81920x128xf32, #tpu.memory_space<hbm>> -> memref<80x128xf32, #tpu.memory_space<hbm>>
      %dma_start3A_79 = arith.constant 0 : i32
      %dma_start3A_80 = tpu.memref_slice %arg4[%mul3A_76, %dma_start3A_79] : memref<81920x128xf32, #tpu.memory_space<hbm>> -> memref<80x128xf32, #tpu.memory_space<hbm>>
      tpu.enqueue_dma source(%arg7 : memref<80x128xf32, #tpu.memory_space<vmem>>) target(%dma_start3A_80 : memref<80x128xf32, #tpu.memory_space<hbm>>) target_semaphore(%arg15 : memref<!tpu.dma_semaphore, #tpu.memory_space<semaphore_mem>>)
      %ge3A_81 = arith.constant 2 : i32
      %ge3A_82 = arith.cmpi sge, %add3A_67, %ge3A_81 : i32
      %convert_element_type3A_83 = arith.extui %ge3A_82 : i1 to i32
      %cond3A_84 = arith.constant 0 : i32
      %cond3A_85 = arith.cmpi ne, %convert_element_type3A_83, %cond3A_84 : i32
      scf.if %cond3A_85 {
        %sub3A = arith.constant 2 : i32
        %sub3A_152 = arith.subi %add3A_67, %sub3A : i32
        %add3A_153 = arith.addi %mul3A_2, %sub3A_152 : i32
        %mul3A_154 = arith.constant 80 : i32
        %mul3A_155 = arith.muli %add3A_153, %mul3A_154 : i32
        %dma_wait3A_156 = arith.constant 0 : i32
        %dma_wait3A_157 = tpu.memref_slice %arg4[%mul3A_155, %dma_wait3A_156] : memref<81920x128xf32, #tpu.memory_space<hbm>> -> memref<80x128xf32, #tpu.memory_space<hbm>>
        %dma_wait3A_158 = arith.constant 0 : i32
        %dma_wait3A_159 = tpu.memref_slice %arg4[%mul3A_155, %dma_wait3A_158] : memref<81920x128xf32, #tpu.memory_space<hbm>> -> memref<80x128xf32, #tpu.memory_space<hbm>>
        tpu.wait_dma2 semaphore(%arg17 : memref<!tpu.dma_semaphore, #tpu.memory_space<semaphore_mem>>) src(%arg9 : memref<80x128xf32, #tpu.memory_space<vmem>>) dst(%dma_wait3A_159 : memref<80x128xf32, #tpu.memory_space<hbm>>)
      } else {
      }
      %add3A_86 = arith.constant 2 : i32
      %add3A_87 = arith.addi %add3A_67, %add3A_86 : i32
      %lt3A_88 = arith.constant 32 : i32
      %lt3A_89 = arith.cmpi slt, %add3A_87, %lt3A_88 : i32
      %convert_element_type3A_90 = arith.extui %lt3A_89 : i1 to i32
      %cond3A_91 = arith.constant 0 : i32
      %cond3A_92 = arith.cmpi ne, %convert_element_type3A_90, %cond3A_91 : i32
      scf.if %cond3A_92 {
        %add3A_152 = arith.constant 2 : i32
        %add3A_153 = arith.addi %add3A_67, %add3A_152 : i32
        %dma_start3A_154 = arith.constant 0 : i32
        %dma_start3A_155 = tpu.memref_slice %arg5[%add3A_153, %dma_start3A_154] : memref<32x80xi32, #tpu.memory_space<vmem>> -> memref<1x80xi32, #tpu.memory_space<vmem>>
        %dma_start3A_156 = tpu.memref_squeeze %dma_start3A_155 : memref<1x80xi32, #tpu.memory_space<vmem>> -> memref<80xi32, #tpu.memory_space<vmem>>
        %dma_start3A_157 = arith.constant 0 : i32
        %dma_start3A_158 = arith.constant 0 : i32
        %dma_start3A_159 = tpu.memref_slice %arg3[%dma_start3A_157, %dma_start3A_158] : memref<4096x128xf32, #tpu.memory_space<hbm>> -> memref<4096x128xf32, #tpu.memory_space<hbm>>
        tpu.enqueue_indirect_dma source(%dma_start3A_159 : memref<4096x128xf32, #tpu.memory_space<hbm>>) target(%arg9 : memref<80x128xf32, #tpu.memory_space<vmem>>) offsets(%dma_start3A_156 : memref<80xi32, #tpu.memory_space<vmem>>) semaphore(%arg13 : memref<!tpu.dma_semaphore, #tpu.memory_space<semaphore_mem>>)
      } else {
      }
      %mul3A_93 = arith.constant 4 : i32
      %mul3A_94 = arith.muli %scan3A_37, %mul3A_93 : i32
      %add3A_95 = arith.constant 2 : i32
      %add3A_96 = arith.addi %mul3A_94, %add3A_95 : i32
      %dma_wait3A_97 = arith.constant 0 : i32
      %dma_wait3A_98 = tpu.memref_slice %arg5[%add3A_96, %dma_wait3A_97] : memref<32x80xi32, #tpu.memory_space<vmem>> -> memref<1x80xi32, #tpu.memory_space<vmem>>
      %dma_wait3A_99 = tpu.memref_squeeze %dma_wait3A_98 : memref<1x80xi32, #tpu.memory_space<vmem>> -> memref<80xi32, #tpu.memory_space<vmem>>
      %dma_wait3A_100 = arith.constant 0 : i32
      %dma_wait3A_101 = arith.constant 0 : i32
      %dma_wait3A_102 = tpu.memref_slice %arg3[%dma_wait3A_100, %dma_wait3A_101] : memref<4096x128xf32, #tpu.memory_space<hbm>> -> memref<4096x128xf32, #tpu.memory_space<hbm>>
      tpu.wait_indirect_dma semaphore(%arg12 : memref<!tpu.dma_semaphore, #tpu.memory_space<semaphore_mem>>) src(%dma_wait3A_102 : memref<4096x128xf32, #tpu.memory_space<hbm>>) dst(%arg8 : memref<80x128xf32, #tpu.memory_space<vmem>>)
      %add3A_103 = arith.addi %mul3A_2, %add3A_96 : i32
      %mul3A_104 = arith.constant 80 : i32
      %mul3A_105 = arith.muli %add3A_103, %mul3A_104 : i32
      %dma_start3A_106 = arith.constant 0 : i32
      %dma_start3A_107 = tpu.memref_slice %arg4[%mul3A_105, %dma_start3A_106] : memref<81920x128xf32, #tpu.memory_space<hbm>> -> memref<80x128xf32, #tpu.memory_space<hbm>>
      %dma_start3A_108 = arith.constant 0 : i32
      %dma_start3A_109 = tpu.memref_slice %arg4[%mul3A_105, %dma_start3A_108] : memref<81920x128xf32, #tpu.memory_space<hbm>> -> memref<80x128xf32, #tpu.memory_space<hbm>>
      tpu.enqueue_dma source(%arg8 : memref<80x128xf32, #tpu.memory_space<vmem>>) target(%dma_start3A_109 : memref<80x128xf32, #tpu.memory_space<hbm>>) target_semaphore(%arg16 : memref<!tpu.dma_semaphore, #tpu.memory_space<semaphore_mem>>)
      %ge3A_110 = arith.constant 2 : i32
      %ge3A_111 = arith.cmpi sge, %add3A_96, %ge3A_110 : i32
      %convert_element_type3A_112 = arith.extui %ge3A_111 : i1 to i32
      %cond3A_113 = arith.constant 0 : i32
      %cond3A_114 = arith.cmpi ne, %convert_element_type3A_112, %cond3A_113 : i32
      scf.if %cond3A_114 {
        %sub3A = arith.constant 2 : i32
        %sub3A_152 = arith.subi %add3A_96, %sub3A : i32
        %add3A_153 = arith.addi %mul3A_2, %sub3A_152 : i32
        %mul3A_154 = arith.constant 80 : i32
        %mul3A_155 = arith.muli %add3A_153, %mul3A_154 : i32
        %dma_wait3A_156 = arith.constant 0 : i32
        %dma_wait3A_157 = tpu.memref_slice %arg4[%mul3A_155, %dma_wait3A_156] : memref<81920x128xf32, #tpu.memory_space<hbm>> -> memref<80x128xf32, #tpu.memory_space<hbm>>
        %dma_wait3A_158 = arith.constant 0 : i32
        %dma_wait3A_159 = tpu.memref_slice %arg4[%mul3A_155, %dma_wait3A_158] : memref<81920x128xf32, #tpu.memory_space<hbm>> -> memref<80x128xf32, #tpu.memory_space<hbm>>
        tpu.wait_dma2 semaphore(%arg14 : memref<!tpu.dma_semaphore, #tpu.memory_space<semaphore_mem>>) src(%arg6 : memref<80x128xf32, #tpu.memory_space<vmem>>) dst(%dma_wait3A_159 : memref<80x128xf32, #tpu.memory_space<hbm>>)
      } else {
      }
      %add3A_115 = arith.constant 2 : i32
      %add3A_116 = arith.addi %add3A_96, %add3A_115 : i32
      %lt3A_117 = arith.constant 32 : i32
      %lt3A_118 = arith.cmpi slt, %add3A_116, %lt3A_117 : i32
      %convert_element_type3A_119 = arith.extui %lt3A_118 : i1 to i32
      %cond3A_120 = arith.constant 0 : i32
      %cond3A_121 = arith.cmpi ne, %convert_element_type3A_119, %cond3A_120 : i32
      scf.if %cond3A_121 {
        %add3A_152 = arith.constant 2 : i32
        %add3A_153 = arith.addi %add3A_96, %add3A_152 : i32
        %dma_start3A_154 = arith.constant 0 : i32
        %dma_start3A_155 = tpu.memref_slice %arg5[%add3A_153, %dma_start3A_154] : memref<32x80xi32, #tpu.memory_space<vmem>> -> memref<1x80xi32, #tpu.memory_space<vmem>>
        %dma_start3A_156 = tpu.memref_squeeze %dma_start3A_155 : memref<1x80xi32, #tpu.memory_space<vmem>> -> memref<80xi32, #tpu.memory_space<vmem>>
        %dma_start3A_157 = arith.constant 0 : i32
        %dma_start3A_158 = arith.constant 0 : i32
        %dma_start3A_159 = tpu.memref_slice %arg3[%dma_start3A_157, %dma_start3A_158] : memref<4096x128xf32, #tpu.memory_space<hbm>> -> memref<4096x128xf32, #tpu.memory_space<hbm>>
        tpu.enqueue_indirect_dma source(%dma_start3A_159 : memref<4096x128xf32, #tpu.memory_space<hbm>>) target(%arg6 : memref<80x128xf32, #tpu.memory_space<vmem>>) offsets(%dma_start3A_156 : memref<80xi32, #tpu.memory_space<vmem>>) semaphore(%arg10 : memref<!tpu.dma_semaphore, #tpu.memory_space<semaphore_mem>>)
      } else {
      }
      %mul3A_122 = arith.constant 4 : i32
      %mul3A_123 = arith.muli %scan3A_37, %mul3A_122 : i32
      %add3A_124 = arith.constant 3 : i32
      %add3A_125 = arith.addi %mul3A_123, %add3A_124 : i32
      %dma_wait3A_126 = arith.constant 0 : i32
      %dma_wait3A_127 = tpu.memref_slice %arg5[%add3A_125, %dma_wait3A_126] : memref<32x80xi32, #tpu.memory_space<vmem>> -> memref<1x80xi32, #tpu.memory_space<vmem>>
      %dma_wait3A_128 = tpu.memref_squeeze %dma_wait3A_127 : memref<1x80xi32, #tpu.memory_space<vmem>> -> memref<80xi32, #tpu.memory_space<vmem>>
      %dma_wait3A_129 = arith.constant 0 : i32
      %dma_wait3A_130 = arith.constant 0 : i32
      %dma_wait3A_131 = tpu.memref_slice %arg3[%dma_wait3A_129, %dma_wait3A_130] : memref<4096x128xf32, #tpu.memory_space<hbm>> -> memref<4096x128xf32, #tpu.memory_space<hbm>>
      tpu.wait_indirect_dma semaphore(%arg13 : memref<!tpu.dma_semaphore, #tpu.memory_space<semaphore_mem>>) src(%dma_wait3A_131 : memref<4096x128xf32, #tpu.memory_space<hbm>>) dst(%arg9 : memref<80x128xf32, #tpu.memory_space<vmem>>)
      %add3A_132 = arith.addi %mul3A_2, %add3A_125 : i32
      %mul3A_133 = arith.constant 80 : i32
      %mul3A_134 = arith.muli %add3A_132, %mul3A_133 : i32
      %dma_start3A_135 = arith.constant 0 : i32
      %dma_start3A_136 = tpu.memref_slice %arg4[%mul3A_134, %dma_start3A_135] : memref<81920x128xf32, #tpu.memory_space<hbm>> -> memref<80x128xf32, #tpu.memory_space<hbm>>
      %dma_start3A_137 = arith.constant 0 : i32
      %dma_start3A_138 = tpu.memref_slice %arg4[%mul3A_134, %dma_start3A_137] : memref<81920x128xf32, #tpu.memory_space<hbm>> -> memref<80x128xf32, #tpu.memory_space<hbm>>
      tpu.enqueue_dma source(%arg9 : memref<80x128xf32, #tpu.memory_space<vmem>>) target(%dma_start3A_138 : memref<80x128xf32, #tpu.memory_space<hbm>>) target_semaphore(%arg17 : memref<!tpu.dma_semaphore, #tpu.memory_space<semaphore_mem>>)
      %ge3A_139 = arith.constant 2 : i32
      %ge3A_140 = arith.cmpi sge, %add3A_125, %ge3A_139 : i32
      %convert_element_type3A_141 = arith.extui %ge3A_140 : i1 to i32
      %cond3A_142 = arith.constant 0 : i32
      %cond3A_143 = arith.cmpi ne, %convert_element_type3A_141, %cond3A_142 : i32
      scf.if %cond3A_143 {
        %sub3A = arith.constant 2 : i32
        %sub3A_152 = arith.subi %add3A_125, %sub3A : i32
        %add3A_153 = arith.addi %mul3A_2, %sub3A_152 : i32
        %mul3A_154 = arith.constant 80 : i32
        %mul3A_155 = arith.muli %add3A_153, %mul3A_154 : i32
        %dma_wait3A_156 = arith.constant 0 : i32
        %dma_wait3A_157 = tpu.memref_slice %arg4[%mul3A_155, %dma_wait3A_156] : memref<81920x128xf32, #tpu.memory_space<hbm>> -> memref<80x128xf32, #tpu.memory_space<hbm>>
        %dma_wait3A_158 = arith.constant 0 : i32
        %dma_wait3A_159 = tpu.memref_slice %arg4[%mul3A_155, %dma_wait3A_158] : memref<81920x128xf32, #tpu.memory_space<hbm>> -> memref<80x128xf32, #tpu.memory_space<hbm>>
        tpu.wait_dma2 semaphore(%arg15 : memref<!tpu.dma_semaphore, #tpu.memory_space<semaphore_mem>>) src(%arg7 : memref<80x128xf32, #tpu.memory_space<vmem>>) dst(%dma_wait3A_159 : memref<80x128xf32, #tpu.memory_space<hbm>>)
      } else {
      }
      %add3A_144 = arith.constant 2 : i32
      %add3A_145 = arith.addi %add3A_125, %add3A_144 : i32
      %lt3A_146 = arith.constant 32 : i32
      %lt3A_147 = arith.cmpi slt, %add3A_145, %lt3A_146 : i32
      %convert_element_type3A_148 = arith.extui %lt3A_147 : i1 to i32
      %cond3A_149 = arith.constant 0 : i32
      %cond3A_150 = arith.cmpi ne, %convert_element_type3A_148, %cond3A_149 : i32
      scf.if %cond3A_150 {
        %add3A_152 = arith.constant 2 : i32
        %add3A_153 = arith.addi %add3A_125, %add3A_152 : i32
        %dma_start3A_154 = arith.constant 0 : i32
        %dma_start3A_155 = tpu.memref_slice %arg5[%add3A_153, %dma_start3A_154] : memref<32x80xi32, #tpu.memory_space<vmem>> -> memref<1x80xi32, #tpu.memory_space<vmem>>
        %dma_start3A_156 = tpu.memref_squeeze %dma_start3A_155 : memref<1x80xi32, #tpu.memory_space<vmem>> -> memref<80xi32, #tpu.memory_space<vmem>>
        %dma_start3A_157 = arith.constant 0 : i32
        %dma_start3A_158 = arith.constant 0 : i32
        %dma_start3A_159 = tpu.memref_slice %arg3[%dma_start3A_157, %dma_start3A_158] : memref<4096x128xf32, #tpu.memory_space<hbm>> -> memref<4096x128xf32, #tpu.memory_space<hbm>>
        tpu.enqueue_indirect_dma source(%dma_start3A_159 : memref<4096x128xf32, #tpu.memory_space<hbm>>) target(%arg7 : memref<80x128xf32, #tpu.memory_space<vmem>>) offsets(%dma_start3A_156 : memref<80xi32, #tpu.memory_space<vmem>>) semaphore(%arg11 : memref<!tpu.dma_semaphore, #tpu.memory_space<semaphore_mem>>)
      } else {
      }
      %scan3A_151 = arith.constant 0 : i32
      scf.yield %scan3A_151 : i32
    }
    %scan3A_21 = arith.constant 8 : i32
    %add3A_22 = arith.constant 30 : i32
    %add3A_23 = arith.addi %mul3A_2, %add3A_22 : i32
    %mul3A_24 = arith.constant 80 : i32
    %mul3A_25 = arith.muli %add3A_23, %mul3A_24 : i32
    %dma_wait3A = arith.constant 0 : i32
    %dma_wait3A_26 = tpu.memref_slice %arg4[%mul3A_25, %dma_wait3A] : memref<81920x128xf32, #tpu.memory_space<hbm>> -> memref<80x128xf32, #tpu.memory_space<hbm>>
    %dma_wait3A_27 = arith.constant 0 : i32
    %dma_wait3A_28 = tpu.memref_slice %arg4[%mul3A_25, %dma_wait3A_27] : memref<81920x128xf32, #tpu.memory_space<hbm>> -> memref<80x128xf32, #tpu.memory_space<hbm>>
    tpu.wait_dma2 semaphore(%arg16 : memref<!tpu.dma_semaphore, #tpu.memory_space<semaphore_mem>>) src(%arg8 : memref<80x128xf32, #tpu.memory_space<vmem>>) dst(%dma_wait3A_28 : memref<80x128xf32, #tpu.memory_space<hbm>>)
    %add3A_29 = arith.constant 31 : i32
    %add3A_30 = arith.addi %mul3A_2, %add3A_29 : i32
    %mul3A_31 = arith.constant 80 : i32
    %mul3A_32 = arith.muli %add3A_30, %mul3A_31 : i32
    %dma_wait3A_33 = arith.constant 0 : i32
    %dma_wait3A_34 = tpu.memref_slice %arg4[%mul3A_32, %dma_wait3A_33] : memref<81920x128xf32, #tpu.memory_space<hbm>> -> memref<80x128xf32, #tpu.memory_space<hbm>>
    %dma_wait3A_35 = arith.constant 0 : i32
    %dma_wait3A_36 = tpu.memref_slice %arg4[%mul3A_32, %dma_wait3A_35] : memref<81920x128xf32, #tpu.memory_space<hbm>> -> memref<80x128xf32, #tpu.memory_space<hbm>>
    tpu.wait_dma2 semaphore(%arg17 : memref<!tpu.dma_semaphore, #tpu.memory_space<semaphore_mem>>) src(%arg9 : memref<80x128xf32, #tpu.memory_space<vmem>>) dst(%dma_wait3A_36 : memref<80x128xf32, #tpu.memory_space<hbm>>)
    return
  }
}

#map = affine_map<(d0, d1) -> (0, 0)>
module attributes {stable_mosaic.version = 14 : i64} {
  func.func @sc_kernel(%arg0: i32, %arg1: i32, %arg2: memref<1024x80xi32, #tpu.memory_space<hbm>>, %arg3: memref<4096x128xf32, #tpu.memory_space<hbm>>, %arg4: memref<81920x128xf32, #tpu.memory_space<hbm>>, %arg5: memref<32x80xi32, #tpu.memory_space<vmem>>, %arg6: memref<80x128xf32, #tpu.memory_space<vmem>>, %arg7: memref<80x128xf32, #tpu.memory_space<vmem>>, %arg8: memref<80x128xf32, #tpu.memory_space<vmem>>, %arg9: memref<80x128xf32, #tpu.memory_space<vmem>>, %arg10: memref<!tpu.dma_semaphore, #tpu.memory_space<semaphore_mem>>, %arg11: memref<!tpu.dma_semaphore, #tpu.memory_space<semaphore_mem>>, %arg12: memref<!tpu.dma_semaphore, #tpu.memory_space<semaphore_mem>>, %arg13: memref<!tpu.dma_semaphore, #tpu.memory_space<semaphore_mem>>, %arg14: memref<!tpu.dma_semaphore, #tpu.memory_space<semaphore_mem>>, %arg15: memref<!tpu.dma_semaphore, #tpu.memory_space<semaphore_mem>>, %arg16: memref<!tpu.dma_semaphore, #tpu.memory_space<semaphore_mem>>, %arg17: memref<!tpu.dma_semaphore, #tpu.memory_space<semaphore_mem>>) attributes {dimension_semantics = [#tpu.dimension_semantics<core_parallel>, #tpu.dimension_semantics<subcore_parallel>], iteration_bounds = array<i64: 2, 16>, scalar_prefetch = 0 : i64, scratch_operands = 13 : i64, tpu.core_type = #tpu.core_type<sc_vector_subcore>, window_params = [{transform_indices = #map}, {transform_indices = #map}, {transform_indices = #map}]} {
    %mul3A = arith.constant 2 : i32
    %mul3A_0 = arith.muli %arg1, %mul3A : i32
    %add3A = arith.addi %mul3A_0, %arg0 : i32
    %mul3A_1 = arith.constant 32 : i32
    %mul3A_2 = arith.muli %add3A, %mul3A_1 : i32
    "tpu.region"() ({
      %run_scoped3A = tpu.sem_alloc : memref<!tpu.dma_semaphore, #tpu.memory_space<semaphore_mem>>
      %dma_start3A_37 = arith.constant 0 : i32
      %dma_start3A_38 = tpu.memref_slice %arg2[%mul3A_2, %dma_start3A_37] : memref<1024x80xi32, #tpu.memory_space<hbm>> -> memref<32x80xi32, #tpu.memory_space<hbm>>
      %dma_start3A_39 = arith.constant 0 : i32
      %dma_start3A_40 = tpu.memref_slice %arg2[%mul3A_2, %dma_start3A_39] : memref<1024x80xi32, #tpu.memory_space<hbm>> -> memref<32x80xi32, #tpu.memory_space<hbm>>
      tpu.enqueue_dma source(%dma_start3A_40 : memref<32x80xi32, #tpu.memory_space<hbm>>) target(%arg5 : memref<32x80xi32, #tpu.memory_space<vmem>>) target_semaphore(%run_scoped3A : memref<!tpu.dma_semaphore, #tpu.memory_space<semaphore_mem>>)
      %dma_wait3A_41 = arith.constant 0 : i32
      %dma_wait3A_42 = tpu.memref_slice %arg2[%mul3A_2, %dma_wait3A_41] : memref<1024x80xi32, #tpu.memory_space<hbm>> -> memref<32x80xi32, #tpu.memory_space<hbm>>
      %dma_wait3A_43 = arith.constant 0 : i32
      %dma_wait3A_44 = tpu.memref_slice %arg2[%mul3A_2, %dma_wait3A_43] : memref<1024x80xi32, #tpu.memory_space<hbm>> -> memref<32x80xi32, #tpu.memory_space<hbm>>
      tpu.wait_dma2 semaphore(%run_scoped3A : memref<!tpu.dma_semaphore, #tpu.memory_space<semaphore_mem>>) src(%dma_wait3A_44 : memref<32x80xi32, #tpu.memory_space<hbm>>) dst(%arg5 : memref<32x80xi32, #tpu.memory_space<vmem>>)
      tpu.yield
    }) : () -> ()
    %dma_start3A = arith.constant 0 : i32
    %dma_start3A_3 = arith.constant 0 : i32
    %dma_start3A_4 = tpu.memref_slice %arg5[%dma_start3A, %dma_start3A_3] : memref<32x80xi32, #tpu.memory_space<vmem>> -> memref<1x80xi32, #tpu.memory_space<vmem>>
    %dma_start3A_5 = tpu.memref_squeeze %dma_start3A_4 : memref<1x80xi32, #tpu.memory_space<vmem>> -> memref<80xi32, #tpu.memory_space<vmem>>
    %dma_start3A_6 = arith.constant 0 : i32
    %dma_start3A_7 = arith.constant 0 : i32
    %dma_start3A_8 = tpu.memref_slice %arg3[%dma_start3A_6, %dma_start3A_7] : memref<4096x128xf32, #tpu.memory_space<hbm>> -> memref<4096x128xf32, #tpu.memory_space<hbm>>
    tpu.enqueue_indirect_dma source(%dma_start3A_8 : memref<4096x128xf32, #tpu.memory_space<hbm>>) target(%arg6 : memref<80x128xf32, #tpu.memory_space<vmem>>) offsets(%dma_start3A_5 : memref<80xi32, #tpu.memory_space<vmem>>) semaphore(%arg10 : memref<!tpu.dma_semaphore, #tpu.memory_space<semaphore_mem>>)
    %dma_start3A_9 = arith.constant 1 : i32
    %dma_start3A_10 = arith.constant 0 : i32
    %dma_start3A_11 = tpu.memref_slice %arg5[%dma_start3A_9, %dma_start3A_10] : memref<32x80xi32, #tpu.memory_space<vmem>> -> memref<1x80xi32, #tpu.memory_space<vmem>>
    %dma_start3A_12 = tpu.memref_squeeze %dma_start3A_11 : memref<1x80xi32, #tpu.memory_space<vmem>> -> memref<80xi32, #tpu.memory_space<vmem>>
    %dma_start3A_13 = arith.constant 0 : i32
    %dma_start3A_14 = arith.constant 0 : i32
    %dma_start3A_15 = tpu.memref_slice %arg3[%dma_start3A_13, %dma_start3A_14] : memref<4096x128xf32, #tpu.memory_space<hbm>> -> memref<4096x128xf32, #tpu.memory_space<hbm>>
    tpu.enqueue_indirect_dma source(%dma_start3A_15 : memref<4096x128xf32, #tpu.memory_space<hbm>>) target(%arg7 : memref<80x128xf32, #tpu.memory_space<vmem>>) offsets(%dma_start3A_12 : memref<80xi32, #tpu.memory_space<vmem>>) semaphore(%arg11 : memref<!tpu.dma_semaphore, #tpu.memory_space<semaphore_mem>>)
    %scan3A = arith.constant 0 : i32
    %scan3A_16 = arith.constant 0 : i32
    %scan3A_17 = arith.constant 8 : i32
    %scan3A_18 = arith.addi %scan3A_16, %scan3A_17 : i32
    %scan3A_19 = arith.constant 1 : i32
    %scan3A_20 = scf.for %scan3A_37 = %scan3A_16 to %scan3A_18 step %scan3A_19 iter_args(%scan3A_38 = %scan3A) -> (i32)  : i32 {
      %mul3A_39 = arith.constant 4 : i32
      %mul3A_40 = arith.muli %scan3A_37, %mul3A_39 : i32
      %add3A_41 = arith.constant 0 : i32
      %add3A_42 = arith.addi %mul3A_40, %add3A_41 : i32
      %dma_wait3A_43 = arith.constant 0 : i32
      %dma_wait3A_44 = tpu.memref_slice %arg5[%add3A_42, %dma_wait3A_43] : memref<32x80xi32, #tpu.memory_space<vmem>> -> memref<1x80xi32, #tpu.memory_space<vmem>>
      %dma_wait3A_45 = tpu.memref_squeeze %dma_wait3A_44 : memref<1x80xi32, #tpu.memory_space<vmem>> -> memref<80xi32, #tpu.memory_space<vmem>>
      %dma_wait3A_46 = arith.constant 0 : i32
      %dma_wait3A_47 = arith.constant 0 : i32
      %dma_wait3A_48 = tpu.memref_slice %arg3[%dma_wait3A_46, %dma_wait3A_47] : memref<4096x128xf32, #tpu.memory_space<hbm>> -> memref<4096x128xf32, #tpu.memory_space<hbm>>
      tpu.wait_indirect_dma semaphore(%arg10 : memref<!tpu.dma_semaphore, #tpu.memory_space<semaphore_mem>>) src(%dma_wait3A_48 : memref<4096x128xf32, #tpu.memory_space<hbm>>) dst(%arg6 : memref<80x128xf32, #tpu.memory_space<vmem>>)
      %add3A_49 = arith.addi %mul3A_2, %add3A_42 : i32
      %mul3A_50 = arith.constant 80 : i32
      %mul3A_51 = arith.muli %add3A_49, %mul3A_50 : i32
      %dma_start3A_52 = arith.constant 0 : i32
      %dma_start3A_53 = tpu.memref_slice %arg4[%mul3A_51, %dma_start3A_52] : memref<81920x128xf32, #tpu.memory_space<hbm>> -> memref<80x128xf32, #tpu.memory_space<hbm>>
      %dma_start3A_54 = arith.constant 0 : i32
      %dma_start3A_55 = tpu.memref_slice %arg4[%mul3A_51, %dma_start3A_54] : memref<81920x128xf32, #tpu.memory_space<hbm>> -> memref<80x128xf32, #tpu.memory_space<hbm>>
      tpu.enqueue_dma source(%arg6 : memref<80x128xf32, #tpu.memory_space<vmem>>) target(%dma_start3A_55 : memref<80x128xf32, #tpu.memory_space<hbm>>) target_semaphore(%arg14 : memref<!tpu.dma_semaphore, #tpu.memory_space<semaphore_mem>>)
      %ge3A = arith.constant 2 : i32
      %ge3A_56 = arith.cmpi sge, %add3A_42, %ge3A : i32
      %convert_element_type3A = arith.extui %ge3A_56 : i1 to i32
      %cond3A = arith.constant 0 : i32
      %cond3A_57 = arith.cmpi ne, %convert_element_type3A, %cond3A : i32
      scf.if %cond3A_57 {
        %sub3A = arith.constant 2 : i32
        %sub3A_152 = arith.subi %add3A_42, %sub3A : i32
        %add3A_153 = arith.addi %mul3A_2, %sub3A_152 : i32
        %mul3A_154 = arith.constant 80 : i32
        %mul3A_155 = arith.muli %add3A_153, %mul3A_154 : i32
        %dma_wait3A_156 = arith.constant 0 : i32
        %dma_wait3A_157 = tpu.memref_slice %arg4[%mul3A_155, %dma_wait3A_156] : memref<81920x128xf32, #tpu.memory_space<hbm>> -> memref<80x128xf32, #tpu.memory_space<hbm>>
        %dma_wait3A_158 = arith.constant 0 : i32
        %dma_wait3A_159 = tpu.memref_slice %arg4[%mul3A_155, %dma_wait3A_158] : memref<81920x128xf32, #tpu.memory_space<hbm>> -> memref<80x128xf32, #tpu.memory_space<hbm>>
        tpu.wait_dma2 semaphore(%arg16 : memref<!tpu.dma_semaphore, #tpu.memory_space<semaphore_mem>>) src(%arg8 : memref<80x128xf32, #tpu.memory_space<vmem>>) dst(%dma_wait3A_159 : memref<80x128xf32, #tpu.memory_space<hbm>>)
      } else {
      }
      %add3A_58 = arith.constant 2 : i32
      %add3A_59 = arith.addi %add3A_42, %add3A_58 : i32
      %lt3A = arith.constant 32 : i32
      %lt3A_60 = arith.cmpi slt, %add3A_59, %lt3A : i32
      %convert_element_type3A_61 = arith.extui %lt3A_60 : i1 to i32
      %cond3A_62 = arith.constant 0 : i32
      %cond3A_63 = arith.cmpi ne, %convert_element_type3A_61, %cond3A_62 : i32
      scf.if %cond3A_63 {
        %add3A_152 = arith.constant 2 : i32
        %add3A_153 = arith.addi %add3A_42, %add3A_152 : i32
        %dma_start3A_154 = arith.constant 0 : i32
        %dma_start3A_155 = tpu.memref_slice %arg5[%add3A_153, %dma_start3A_154] : memref<32x80xi32, #tpu.memory_space<vmem>> -> memref<1x80xi32, #tpu.memory_space<vmem>>
        %dma_start3A_156 = tpu.memref_squeeze %dma_start3A_155 : memref<1x80xi32, #tpu.memory_space<vmem>> -> memref<80xi32, #tpu.memory_space<vmem>>
        %dma_start3A_157 = arith.constant 0 : i32
        %dma_start3A_158 = arith.constant 0 : i32
        %dma_start3A_159 = tpu.memref_slice %arg3[%dma_start3A_157, %dma_start3A_158] : memref<4096x128xf32, #tpu.memory_space<hbm>> -> memref<4096x128xf32, #tpu.memory_space<hbm>>
        tpu.enqueue_indirect_dma source(%dma_start3A_159 : memref<4096x128xf32, #tpu.memory_space<hbm>>) target(%arg8 : memref<80x128xf32, #tpu.memory_space<vmem>>) offsets(%dma_start3A_156 : memref<80xi32, #tpu.memory_space<vmem>>) semaphore(%arg12 : memref<!tpu.dma_semaphore, #tpu.memory_space<semaphore_mem>>)
      } else {
      }
      %mul3A_64 = arith.constant 4 : i32
      %mul3A_65 = arith.muli %scan3A_37, %mul3A_64 : i32
      %add3A_66 = arith.constant 1 : i32
      %add3A_67 = arith.addi %mul3A_65, %add3A_66 : i32
      %dma_wait3A_68 = arith.constant 0 : i32
      %dma_wait3A_69 = tpu.memref_slice %arg5[%add3A_67, %dma_wait3A_68] : memref<32x80xi32, #tpu.memory_space<vmem>> -> memref<1x80xi32, #tpu.memory_space<vmem>>
      %dma_wait3A_70 = tpu.memref_squeeze %dma_wait3A_69 : memref<1x80xi32, #tpu.memory_space<vmem>> -> memref<80xi32, #tpu.memory_space<vmem>>
      %dma_wait3A_71 = arith.constant 0 : i32
      %dma_wait3A_72 = arith.constant 0 : i32
      %dma_wait3A_73 = tpu.memref_slice %arg3[%dma_wait3A_71, %dma_wait3A_72] : memref<4096x128xf32, #tpu.memory_space<hbm>> -> memref<4096x128xf32, #tpu.memory_space<hbm>>
      tpu.wait_indirect_dma semaphore(%arg11 : memref<!tpu.dma_semaphore, #tpu.memory_space<semaphore_mem>>) src(%dma_wait3A_73 : memref<4096x128xf32, #tpu.memory_space<hbm>>) dst(%arg7 : memref<80x128xf32, #tpu.memory_space<vmem>>)
      %add3A_74 = arith.addi %mul3A_2, %add3A_67 : i32
      %mul3A_75 = arith.constant 80 : i32
      %mul3A_76 = arith.muli %add3A_74, %mul3A_75 : i32
      %dma_start3A_77 = arith.constant 0 : i32
      %dma_start3A_78 = tpu.memref_slice %arg4[%mul3A_76, %dma_start3A_77] : memref<81920x128xf32, #tpu.memory_space<hbm>> -> memref<80x128xf32, #tpu.memory_space<hbm>>
      %dma_start3A_79 = arith.constant 0 : i32
      %dma_start3A_80 = tpu.memref_slice %arg4[%mul3A_76, %dma_start3A_79] : memref<81920x128xf32, #tpu.memory_space<hbm>> -> memref<80x128xf32, #tpu.memory_space<hbm>>
      tpu.enqueue_dma source(%arg7 : memref<80x128xf32, #tpu.memory_space<vmem>>) target(%dma_start3A_80 : memref<80x128xf32, #tpu.memory_space<hbm>>) target_semaphore(%arg15 : memref<!tpu.dma_semaphore, #tpu.memory_space<semaphore_mem>>)
      %ge3A_81 = arith.constant 2 : i32
      %ge3A_82 = arith.cmpi sge, %add3A_67, %ge3A_81 : i32
      %convert_element_type3A_83 = arith.extui %ge3A_82 : i1 to i32
      %cond3A_84 = arith.constant 0 : i32
      %cond3A_85 = arith.cmpi ne, %convert_element_type3A_83, %cond3A_84 : i32
      scf.if %cond3A_85 {
        %sub3A = arith.constant 2 : i32
        %sub3A_152 = arith.subi %add3A_67, %sub3A : i32
        %add3A_153 = arith.addi %mul3A_2, %sub3A_152 : i32
        %mul3A_154 = arith.constant 80 : i32
        %mul3A_155 = arith.muli %add3A_153, %mul3A_154 : i32
        %dma_wait3A_156 = arith.constant 0 : i32
        %dma_wait3A_157 = tpu.memref_slice %arg4[%mul3A_155, %dma_wait3A_156] : memref<81920x128xf32, #tpu.memory_space<hbm>> -> memref<80x128xf32, #tpu.memory_space<hbm>>
        %dma_wait3A_158 = arith.constant 0 : i32
        %dma_wait3A_159 = tpu.memref_slice %arg4[%mul3A_155, %dma_wait3A_158] : memref<81920x128xf32, #tpu.memory_space<hbm>> -> memref<80x128xf32, #tpu.memory_space<hbm>>
        tpu.wait_dma2 semaphore(%arg17 : memref<!tpu.dma_semaphore, #tpu.memory_space<semaphore_mem>>) src(%arg9 : memref<80x128xf32, #tpu.memory_space<vmem>>) dst(%dma_wait3A_159 : memref<80x128xf32, #tpu.memory_space<hbm>>)
      } else {
      }
      %add3A_86 = arith.constant 2 : i32
      %add3A_87 = arith.addi %add3A_67, %add3A_86 : i32
      %lt3A_88 = arith.constant 32 : i32
      %lt3A_89 = arith.cmpi slt, %add3A_87, %lt3A_88 : i32
      %convert_element_type3A_90 = arith.extui %lt3A_89 : i1 to i32
      %cond3A_91 = arith.constant 0 : i32
      %cond3A_92 = arith.cmpi ne, %convert_element_type3A_90, %cond3A_91 : i32
      scf.if %cond3A_92 {
        %add3A_152 = arith.constant 2 : i32
        %add3A_153 = arith.addi %add3A_67, %add3A_152 : i32
        %dma_start3A_154 = arith.constant 0 : i32
        %dma_start3A_155 = tpu.memref_slice %arg5[%add3A_153, %dma_start3A_154] : memref<32x80xi32, #tpu.memory_space<vmem>> -> memref<1x80xi32, #tpu.memory_space<vmem>>
        %dma_start3A_156 = tpu.memref_squeeze %dma_start3A_155 : memref<1x80xi32, #tpu.memory_space<vmem>> -> memref<80xi32, #tpu.memory_space<vmem>>
        %dma_start3A_157 = arith.constant 0 : i32
        %dma_start3A_158 = arith.constant 0 : i32
        %dma_start3A_159 = tpu.memref_slice %arg3[%dma_start3A_157, %dma_start3A_158] : memref<4096x128xf32, #tpu.memory_space<hbm>> -> memref<4096x128xf32, #tpu.memory_space<hbm>>
        tpu.enqueue_indirect_dma source(%dma_start3A_159 : memref<4096x128xf32, #tpu.memory_space<hbm>>) target(%arg9 : memref<80x128xf32, #tpu.memory_space<vmem>>) offsets(%dma_start3A_156 : memref<80xi32, #tpu.memory_space<vmem>>) semaphore(%arg13 : memref<!tpu.dma_semaphore, #tpu.memory_space<semaphore_mem>>)
      } else {
      }
      %mul3A_93 = arith.constant 4 : i32
      %mul3A_94 = arith.muli %scan3A_37, %mul3A_93 : i32
      %add3A_95 = arith.constant 2 : i32
      %add3A_96 = arith.addi %mul3A_94, %add3A_95 : i32
      %dma_wait3A_97 = arith.constant 0 : i32
      %dma_wait3A_98 = tpu.memref_slice %arg5[%add3A_96, %dma_wait3A_97] : memref<32x80xi32, #tpu.memory_space<vmem>> -> memref<1x80xi32, #tpu.memory_space<vmem>>
      %dma_wait3A_99 = tpu.memref_squeeze %dma_wait3A_98 : memref<1x80xi32, #tpu.memory_space<vmem>> -> memref<80xi32, #tpu.memory_space<vmem>>
      %dma_wait3A_100 = arith.constant 0 : i32
      %dma_wait3A_101 = arith.constant 0 : i32
      %dma_wait3A_102 = tpu.memref_slice %arg3[%dma_wait3A_100, %dma_wait3A_101] : memref<4096x128xf32, #tpu.memory_space<hbm>> -> memref<4096x128xf32, #tpu.memory_space<hbm>>
      tpu.wait_indirect_dma semaphore(%arg12 : memref<!tpu.dma_semaphore, #tpu.memory_space<semaphore_mem>>) src(%dma_wait3A_102 : memref<4096x128xf32, #tpu.memory_space<hbm>>) dst(%arg8 : memref<80x128xf32, #tpu.memory_space<vmem>>)
      %add3A_103 = arith.addi %mul3A_2, %add3A_96 : i32
      %mul3A_104 = arith.constant 80 : i32
      %mul3A_105 = arith.muli %add3A_103, %mul3A_104 : i32
      %dma_start3A_106 = arith.constant 0 : i32
      %dma_start3A_107 = tpu.memref_slice %arg4[%mul3A_105, %dma_start3A_106] : memref<81920x128xf32, #tpu.memory_space<hbm>> -> memref<80x128xf32, #tpu.memory_space<hbm>>
      %dma_start3A_108 = arith.constant 0 : i32
      %dma_start3A_109 = tpu.memref_slice %arg4[%mul3A_105, %dma_start3A_108] : memref<81920x128xf32, #tpu.memory_space<hbm>> -> memref<80x128xf32, #tpu.memory_space<hbm>>
      tpu.enqueue_dma source(%arg8 : memref<80x128xf32, #tpu.memory_space<vmem>>) target(%dma_start3A_109 : memref<80x128xf32, #tpu.memory_space<hbm>>) target_semaphore(%arg16 : memref<!tpu.dma_semaphore, #tpu.memory_space<semaphore_mem>>)
      %ge3A_110 = arith.constant 2 : i32
      %ge3A_111 = arith.cmpi sge, %add3A_96, %ge3A_110 : i32
      %convert_element_type3A_112 = arith.extui %ge3A_111 : i1 to i32
      %cond3A_113 = arith.constant 0 : i32
      %cond3A_114 = arith.cmpi ne, %convert_element_type3A_112, %cond3A_113 : i32
      scf.if %cond3A_114 {
        %sub3A = arith.constant 2 : i32
        %sub3A_152 = arith.subi %add3A_96, %sub3A : i32
        %add3A_153 = arith.addi %mul3A_2, %sub3A_152 : i32
        %mul3A_154 = arith.constant 80 : i32
        %mul3A_155 = arith.muli %add3A_153, %mul3A_154 : i32
        %dma_wait3A_156 = arith.constant 0 : i32
        %dma_wait3A_157 = tpu.memref_slice %arg4[%mul3A_155, %dma_wait3A_156] : memref<81920x128xf32, #tpu.memory_space<hbm>> -> memref<80x128xf32, #tpu.memory_space<hbm>>
        %dma_wait3A_158 = arith.constant 0 : i32
        %dma_wait3A_159 = tpu.memref_slice %arg4[%mul3A_155, %dma_wait3A_158] : memref<81920x128xf32, #tpu.memory_space<hbm>> -> memref<80x128xf32, #tpu.memory_space<hbm>>
        tpu.wait_dma2 semaphore(%arg14 : memref<!tpu.dma_semaphore, #tpu.memory_space<semaphore_mem>>) src(%arg6 : memref<80x128xf32, #tpu.memory_space<vmem>>) dst(%dma_wait3A_159 : memref<80x128xf32, #tpu.memory_space<hbm>>)
      } else {
      }
      %add3A_115 = arith.constant 2 : i32
      %add3A_116 = arith.addi %add3A_96, %add3A_115 : i32
      %lt3A_117 = arith.constant 32 : i32
      %lt3A_118 = arith.cmpi slt, %add3A_116, %lt3A_117 : i32
      %convert_element_type3A_119 = arith.extui %lt3A_118 : i1 to i32
      %cond3A_120 = arith.constant 0 : i32
      %cond3A_121 = arith.cmpi ne, %convert_element_type3A_119, %cond3A_120 : i32
      scf.if %cond3A_121 {
        %add3A_152 = arith.constant 2 : i32
        %add3A_153 = arith.addi %add3A_96, %add3A_152 : i32
        %dma_start3A_154 = arith.constant 0 : i32
        %dma_start3A_155 = tpu.memref_slice %arg5[%add3A_153, %dma_start3A_154] : memref<32x80xi32, #tpu.memory_space<vmem>> -> memref<1x80xi32, #tpu.memory_space<vmem>>
        %dma_start3A_156 = tpu.memref_squeeze %dma_start3A_155 : memref<1x80xi32, #tpu.memory_space<vmem>> -> memref<80xi32, #tpu.memory_space<vmem>>
        %dma_start3A_157 = arith.constant 0 : i32
        %dma_start3A_158 = arith.constant 0 : i32
        %dma_start3A_159 = tpu.memref_slice %arg3[%dma_start3A_157, %dma_start3A_158] : memref<4096x128xf32, #tpu.memory_space<hbm>> -> memref<4096x128xf32, #tpu.memory_space<hbm>>
        tpu.enqueue_indirect_dma source(%dma_start3A_159 : memref<4096x128xf32, #tpu.memory_space<hbm>>) target(%arg6 : memref<80x128xf32, #tpu.memory_space<vmem>>) offsets(%dma_start3A_156 : memref<80xi32, #tpu.memory_space<vmem>>) semaphore(%arg10 : memref<!tpu.dma_semaphore, #tpu.memory_space<semaphore_mem>>)
      } else {
      }
      %mul3A_122 = arith.constant 4 : i32
      %mul3A_123 = arith.muli %scan3A_37, %mul3A_122 : i32
      %add3A_124 = arith.constant 3 : i32
      %add3A_125 = arith.addi %mul3A_123, %add3A_124 : i32
      %dma_wait3A_126 = arith.constant 0 : i32
      %dma_wait3A_127 = tpu.memref_slice %arg5[%add3A_125, %dma_wait3A_126] : memref<32x80xi32, #tpu.memory_space<vmem>> -> memref<1x80xi32, #tpu.memory_space<vmem>>
      %dma_wait3A_128 = tpu.memref_squeeze %dma_wait3A_127 : memref<1x80xi32, #tpu.memory_space<vmem>> -> memref<80xi32, #tpu.memory_space<vmem>>
      %dma_wait3A_129 = arith.constant 0 : i32
      %dma_wait3A_130 = arith.constant 0 : i32
      %dma_wait3A_131 = tpu.memref_slice %arg3[%dma_wait3A_129, %dma_wait3A_130] : memref<4096x128xf32, #tpu.memory_space<hbm>> -> memref<4096x128xf32, #tpu.memory_space<hbm>>
      tpu.wait_indirect_dma semaphore(%arg13 : memref<!tpu.dma_semaphore, #tpu.memory_space<semaphore_mem>>) src(%dma_wait3A_131 : memref<4096x128xf32, #tpu.memory_space<hbm>>) dst(%arg9 : memref<80x128xf32, #tpu.memory_space<vmem>>)
      %add3A_132 = arith.addi %mul3A_2, %add3A_125 : i32
      %mul3A_133 = arith.constant 80 : i32
      %mul3A_134 = arith.muli %add3A_132, %mul3A_133 : i32
      %dma_start3A_135 = arith.constant 0 : i32
      %dma_start3A_136 = tpu.memref_slice %arg4[%mul3A_134, %dma_start3A_135] : memref<81920x128xf32, #tpu.memory_space<hbm>> -> memref<80x128xf32, #tpu.memory_space<hbm>>
      %dma_start3A_137 = arith.constant 0 : i32
      %dma_start3A_138 = tpu.memref_slice %arg4[%mul3A_134, %dma_start3A_137] : memref<81920x128xf32, #tpu.memory_space<hbm>> -> memref<80x128xf32, #tpu.memory_space<hbm>>
      tpu.enqueue_dma source(%arg9 : memref<80x128xf32, #tpu.memory_space<vmem>>) target(%dma_start3A_138 : memref<80x128xf32, #tpu.memory_space<hbm>>) target_semaphore(%arg17 : memref<!tpu.dma_semaphore, #tpu.memory_space<semaphore_mem>>)
      %ge3A_139 = arith.constant 2 : i32
      %ge3A_140 = arith.cmpi sge, %add3A_125, %ge3A_139 : i32
      %convert_element_type3A_141 = arith.extui %ge3A_140 : i1 to i32
      %cond3A_142 = arith.constant 0 : i32
      %cond3A_143 = arith.cmpi ne, %convert_element_type3A_141, %cond3A_142 : i32
      scf.if %cond3A_143 {
        %sub3A = arith.constant 2 : i32
        %sub3A_152 = arith.subi %add3A_125, %sub3A : i32
        %add3A_153 = arith.addi %mul3A_2, %sub3A_152 : i32
        %mul3A_154 = arith.constant 80 : i32
        %mul3A_155 = arith.muli %add3A_153, %mul3A_154 : i32
        %dma_wait3A_156 = arith.constant 0 : i32
        %dma_wait3A_157 = tpu.memref_slice %arg4[%mul3A_155, %dma_wait3A_156] : memref<81920x128xf32, #tpu.memory_space<hbm>> -> memref<80x128xf32, #tpu.memory_space<hbm>>
        %dma_wait3A_158 = arith.constant 0 : i32
        %dma_wait3A_159 = tpu.memref_slice %arg4[%mul3A_155, %dma_wait3A_158] : memref<81920x128xf32, #tpu.memory_space<hbm>> -> memref<80x128xf32, #tpu.memory_space<hbm>>
        tpu.wait_dma2 semaphore(%arg15 : memref<!tpu.dma_semaphore, #tpu.memory_space<semaphore_mem>>) src(%arg7 : memref<80x128xf32, #tpu.memory_space<vmem>>) dst(%dma_wait3A_159 : memref<80x128xf32, #tpu.memory_space<hbm>>)
      } else {
      }
      %add3A_144 = arith.constant 2 : i32
      %add3A_145 = arith.addi %add3A_125, %add3A_144 : i32
      %lt3A_146 = arith.constant 32 : i32
      %lt3A_147 = arith.cmpi slt, %add3A_145, %lt3A_146 : i32
      %convert_element_type3A_148 = arith.extui %lt3A_147 : i1 to i32
      %cond3A_149 = arith.constant 0 : i32
      %cond3A_150 = arith.cmpi ne, %convert_element_type3A_148, %cond3A_149 : i32
      scf.if %cond3A_150 {
        %add3A_152 = arith.constant 2 : i32
        %add3A_153 = arith.addi %add3A_125, %add3A_152 : i32
        %dma_start3A_154 = arith.constant 0 : i32
        %dma_start3A_155 = tpu.memref_slice %arg5[%add3A_153, %dma_start3A_154] : memref<32x80xi32, #tpu.memory_space<vmem>> -> memref<1x80xi32, #tpu.memory_space<vmem>>
        %dma_start3A_156 = tpu.memref_squeeze %dma_start3A_155 : memref<1x80xi32, #tpu.memory_space<vmem>> -> memref<80xi32, #tpu.memory_space<vmem>>
        %dma_start3A_157 = arith.constant 0 : i32
        %dma_start3A_158 = arith.constant 0 : i32
        %dma_start3A_159 = tpu.memref_slice %arg3[%dma_start3A_157, %dma_start3A_158] : memref<4096x128xf32, #tpu.memory_space<hbm>> -> memref<4096x128xf32, #tpu.memory_space<hbm>>
        tpu.enqueue_indirect_dma source(%dma_start3A_159 : memref<4096x128xf32, #tpu.memory_space<hbm>>) target(%arg7 : memref<80x128xf32, #tpu.memory_space<vmem>>) offsets(%dma_start3A_156 : memref<80xi32, #tpu.memory_space<vmem>>) semaphore(%arg11 : memref<!tpu.dma_semaphore, #tpu.memory_space<semaphore_mem>>)
      } else {
      }
      %scan3A_151 = arith.constant 0 : i32
      scf.yield %scan3A_151 : i32
    }
    %scan3A_21 = arith.constant 8 : i32
    %add3A_22 = arith.constant 30 : i32
    %add3A_23 = arith.addi %mul3A_2, %add3A_22 : i32
    %mul3A_24 = arith.constant 80 : i32
    %mul3A_25 = arith.muli %add3A_23, %mul3A_24 : i32
    %dma_wait3A = arith.constant 0 : i32
    %dma_wait3A_26 = tpu.memref_slice %arg4[%mul3A_25, %dma_wait3A] : memref<81920x128xf32, #tpu.memory_space<hbm>> -> memref<80x128xf32, #tpu.memory_space<hbm>>
    %dma_wait3A_27 = arith.constant 0 : i32
    %dma_wait3A_28 = tpu.memref_slice %arg4[%mul3A_25, %dma_wait3A_27] : memref<81920x128xf32, #tpu.memory_space<hbm>> -> memref<80x128xf32, #tpu.memory_space<hbm>>
    tpu.wait_dma2 semaphore(%arg16 : memref<!tpu.dma_semaphore, #tpu.memory_space<semaphore_mem>>) src(%arg8 : memref<80x128xf32, #tpu.memory_space<vmem>>) dst(%dma_wait3A_28 : memref<80x128xf32, #tpu.memory_space<hbm>>)
    %add3A_29 = arith.constant 31 : i32
    %add3A_30 = arith.addi %mul3A_2, %add3A_29 : i32
    %mul3A_31 = arith.constant 80 : i32
    %mul3A_32 = arith.muli %add3A_30, %mul3A_31 : i32
    %dma_wait3A_33 = arith.constant 0 : i32
    %dma_wait3A_34 = tpu.memref_slice %arg4[%mul3A_32, %dma_wait3A_33] : memref<81920x128xf32, #tpu.memory_space<hbm>> -> memref<80x128xf32, #tpu.memory_space<hbm>>
    %dma_wait3A_35 = arith.constant 0 : i32
    %dma_wait3A_36 = tpu.memref_slice %arg4[%mul3A_32, %dma_wait3A_35] : memref<81920x128xf32, #tpu.memory_space<hbm>> -> memref<80x128xf32, #tpu.memory_space<hbm>>
    tpu.wait_dma2 semaphore(%arg17 : memref<!tpu.dma_semaphore, #tpu.memory_space<semaphore_mem>>) src(%arg9 : memref<80x128xf32, #tpu.memory_space<vmem>>) dst(%dma_wait3A_36 : memref<80x128xf32, #tpu.memory_space<hbm>>)
    return
  }
}

module attributes {stable_mosaic.version = 14 : i64} {
  func.func @body(%arg0: memref<4x1024x128xf32, #tpu.memory_space<vmem>>, %arg1: memref<4x1024x1xf32, #tpu.memory_space<vmem>>, %arg2: memref<4x1x1024xf32, #tpu.memory_space<vmem>>, %arg3: memref<4x1024x20xi32, #tpu.memory_space<vmem>>, %arg4: memref<1024x1024xf32, #tpu.memory_space<vmem>>) attributes {dimension_semantics = [], scalar_prefetch = 0 : i64, scratch_operands = 1 : i64, tpu.core_type = #tpu.core_type<tc>} {
    %get3A = arith.constant 0 : index
    %get3A_0 = arith.constant 0 : index
    %get3A_1 = arith.constant 0 : index
    %get3A_2 = vector.load %arg0[%get3A, %get3A_0, %get3A_1] : memref<4x1024x128xf32, #tpu.memory_space<vmem>>, vector<1x1024x128xf32>
    %get3A_3 = vector.shape_cast %get3A_2 : vector<1x1024x128xf32> to vector<1024x128xf32>
    %dot_general3A = arith.constant dense<0.000000e+00> : vector<1024x1024xf32>
    %dot_general3A_4 = tpu.matmul %get3A_3, %get3A_3, %dot_general3A {dimension_numbers = #tpu.dot_dimension_numbers<[1], [1], [0], [0], [0, 0, 1, 0], [], []>, transpose_lhs_hint = false} : vector<1024x128xf32>, vector<1024x128xf32>, vector<1024x1024xf32> -> vector<1024x1024xf32>
    %get3A_5 = arith.constant 0 : index
    %get3A_6 = arith.constant 0 : index
    %get3A_7 = arith.constant 0 : index
    %get3A_8 = vector.load %arg1[%get3A_5, %get3A_6, %get3A_7] : memref<4x1024x1xf32, #tpu.memory_space<vmem>>, vector<1x1024x1xf32>
    %get3A_9 = vector.shape_cast %get3A_8 : vector<1x1024x1xf32> to vector<1024x1xf32>
    %sub3A = arith.constant 0.000000e+00 : f32
    %sub3A_10 = vector.broadcast %sub3A : f32 to vector<1024x1xf32>
    %sub3A_11 = arith.subf %sub3A_10, %get3A_9 : vector<1024x1xf32>
    %mul3A = arith.constant 2.000000e+00 : f32
    %mul3A_12 = vector.broadcast %mul3A : f32 to vector<1024x1024xf32>
    %mul3A_13 = arith.mulf %mul3A_12, %dot_general3A_4 : vector<1024x1024xf32>
    %add3A = vector.broadcast %sub3A_11 : vector<1024x1xf32> to vector<1024x1024xf32>
    %add3A_14 = arith.addf %add3A, %mul3A_13 : vector<1024x1024xf32>
    %get3A_15 = arith.constant 0 : index
    %get3A_16 = arith.constant 0 : index
    %get3A_17 = arith.constant 0 : index
    %get3A_18 = vector.load %arg2[%get3A_15, %get3A_16, %get3A_17] : memref<4x1x1024xf32, #tpu.memory_space<vmem>>, vector<1x1x1024xf32>
    %get3A_19 = vector.shape_cast %get3A_18 : vector<1x1x1024xf32> to vector<1x1024xf32>
    %sub3A_20 = vector.broadcast %get3A_19 : vector<1x1024xf32> to vector<1024x1024xf32>
    %sub3A_21 = arith.subf %add3A_14, %sub3A_20 : vector<1024x1024xf32>
    %swap3A = arith.constant 0 : index
    %swap3A_22 = arith.constant 0 : index
    %swap3A_23 = vector.load %arg4[%swap3A, %swap3A_22] : memref<1024x1024xf32, #tpu.memory_space<vmem>>, vector<1024x1024xf32>
    tpu.vector_store %arg4[%swap3A, %swap3A_22], %sub3A_21 {strides = array<i32>} : memref<1024x1024xf32, #tpu.memory_space<vmem>>, vector<1024x1024xf32>,
    %iota3A = tpu.iota {dimensions = array<i32: 1>} : vector<512x1024xi32>
    %iota3A_24 = tpu.iota {dimensions = array<i32: 1>} : vector<512x20xi32>
    %scan3A = arith.constant 0 : i32
    %scan3A_25 = arith.constant 2 : i32
    %scan3A_26 = arith.addi %scan3A, %scan3A_25 : i32
    %scan3A_27 = arith.constant 1 : i32
    scf.for %scan3A_140 = %scan3A to %scan3A_26 step %scan3A_27  : i32 {
      %mul3A_141 = arith.constant 512 : i32
      %mul3A_142 = arith.muli %scan3A_140, %mul3A_141 : i32
      %get3A_143 = arith.index_cast %mul3A_142 : i32 to index
      %get3A_144 = arith.constant 0 : index
      %get3A_145 = vector.load %arg4[%get3A_143, %get3A_144] : memref<1024x1024xf32, #tpu.memory_space<vmem>>, vector<512x1024xf32>
      %broadcast_in_dim3A = arith.constant 0 : i32
      %broadcast_in_dim3A_146 = vector.broadcast %broadcast_in_dim3A : i32 to vector<512x20xi32>
      %argmax3A = tpu.reduce_index %get3A_145 {axis = 1 : i32, kind = #tpu.reduction_kind<arg_max>} : vector<512x1024xf32> -> vector<512xi32>
      %eq3A = arith.constant 0 : i32
      %eq3A_147 = vector.broadcast %eq3A : i32 to vector<512x20xi32>
      %eq3A_148 = arith.cmpi eq, %iota3A_24, %eq3A_147 : vector<512x20xi32>
      %broadcast_in_dim3A_149 = vector.shape_cast %argmax3A : vector<512xi32> to vector<512x1xi32>
      %broadcast_in_dim3A_150 = vector.shape_cast %broadcast_in_dim3A_149 : vector<512x1xi32> to vector<512x1xi32>
      %broadcast_in_dim3A_151 = vector.broadcast %broadcast_in_dim3A_150 : vector<512x1xi32> to vector<512x20xi32>
      %select_n3A = arith.select %eq3A_148, %broadcast_in_dim3A_151, %broadcast_in_dim3A_146 : vector<512x20xi1>, vector<512x20xi32>
      %broadcast_in_dim3A_152 = vector.shape_cast %argmax3A : vector<512xi32> to vector<512x1xi32>
      %eq3A_153 = vector.broadcast %broadcast_in_dim3A_152 : vector<512x1xi32> to vector<512x1024xi32>
      %eq3A_154 = arith.cmpi eq, %iota3A, %eq3A_153 : vector<512x1024xi32>
      %jit3A = arith.constant -1.000000e+30 : f32
      %broadcast_in_dim3A_155 = vector.broadcast %jit3A : f32 to vector<512x1024xf32>
      %select_n3A_156 = arith.select %eq3A_154, %broadcast_in_dim3A_155, %get3A_145 : vector<512x1024xi1>, vector<512x1024xf32>
      %argmax3A_157 = tpu.reduce_index %select_n3A_156 {axis = 1 : i32, kind = #tpu.reduction_kind<arg_max>} : vector<512x1024xf32> -> vector<512xi32>
      %eq3A_158 = arith.constant 1 : i32
      %eq3A_159 = vector.broadcast %eq3A_158 : i32 to vector<512x20xi32>
      %eq3A_160 = arith.cmpi eq, %iota3A_24, %eq3A_159 : vector<512x20xi32>
      %broadcast_in_dim3A_161 = vector.shape_cast %argmax3A_157 : vector<512xi32> to vector<512x1xi32>
      %broadcast_in_dim3A_162 = vector.shape_cast %broadcast_in_dim3A_161 : vector<512x1xi32> to vector<512x1xi32>
      %broadcast_in_dim3A_163 = vector.broadcast %broadcast_in_dim3A_162 : vector<512x1xi32> to vector<512x20xi32>
      %select_n3A_164 = arith.select %eq3A_160, %broadcast_in_dim3A_163, %select_n3A : vector<512x20xi1>, vector<512x20xi32>
      %broadcast_in_dim3A_165 = vector.shape_cast %argmax3A_157 : vector<512xi32> to vector<512x1xi32>
      %eq3A_166 = vector.broadcast %broadcast_in_dim3A_165 : vector<512x1xi32> to vector<512x1024xi32>
      %eq3A_167 = arith.cmpi eq, %iota3A, %eq3A_166 : vector<512x1024xi32>
      %jit3A_168 = arith.constant -1.000000e+30 : f32
      %broadcast_in_dim3A_169 = vector.broadcast %jit3A_168 : f32 to vector<512x1024xf32>
      %select_n3A_170 = arith.select %eq3A_167, %broadcast_in_dim3A_169, %select_n3A_156 : vector<512x1024xi1>, vector<512x1024xf32>
      %argmax3A_171 = tpu.reduce_index %select_n3A_170 {axis = 1 : i32, kind = #tpu.reduction_kind<arg_max>} : vector<512x1024xf32> -> vector<512xi32>
      %eq3A_172 = arith.constant 2 : i32
      %eq3A_173 = vector.broadcast %eq3A_172 : i32 to vector<512x20xi32>
      %eq3A_174 = arith.cmpi eq, %iota3A_24, %eq3A_173 : vector<512x20xi32>
      %broadcast_in_dim3A_175 = vector.shape_cast %argmax3A_171 : vector<512xi32> to vector<512x1xi32>
      %broadcast_in_dim3A_176 = vector.shape_cast %broadcast_in_dim3A_175 : vector<512x1xi32> to vector<512x1xi32>
      %broadcast_in_dim3A_177 = vector.broadcast %broadcast_in_dim3A_176 : vector<512x1xi32> to vector<512x20xi32>
      %select_n3A_178 = arith.select %eq3A_174, %broadcast_in_dim3A_177, %select_n3A_164 : vector<512x20xi1>, vector<512x20xi32>
      %broadcast_in_dim3A_179 = vector.shape_cast %argmax3A_171 : vector<512xi32> to vector<512x1xi32>
      %eq3A_180 = vector.broadcast %broadcast_in_dim3A_179 : vector<512x1xi32> to vector<512x1024xi32>
      %eq3A_181 = arith.cmpi eq, %iota3A, %eq3A_180 : vector<512x1024xi32>
      %jit3A_182 = arith.constant -1.000000e+30 : f32
      %broadcast_in_dim3A_183 = vector.broadcast %jit3A_182 : f32 to vector<512x1024xf32>
      %select_n3A_184 = arith.select %eq3A_181, %broadcast_in_dim3A_183, %select_n3A_170 : vector<512x1024xi1>, vector<512x1024xf32>
      %argmax3A_185 = tpu.reduce_index %select_n3A_184 {axis = 1 : i32, kind = #tpu.reduction_kind<arg_max>} : vector<512x1024xf32> -> vector<512xi32>
      %eq3A_186 = arith.constant 3 : i32
      %eq3A_187 = vector.broadcast %eq3A_186 : i32 to vector<512x20xi32>
      %eq3A_188 = arith.cmpi eq, %iota3A_24, %eq3A_187 : vector<512x20xi32>
      %broadcast_in_dim3A_189 = vector.shape_cast %argmax3A_185 : vector<512xi32> to vector<512x1xi32>
      %broadcast_in_dim3A_190 = vector.shape_cast %broadcast_in_dim3A_189 : vector<512x1xi32> to vector<512x1xi32>
      %broadcast_in_dim3A_191 = vector.broadcast %broadcast_in_dim3A_190 : vector<512x1xi32> to vector<512x20xi32>
      %select_n3A_192 = arith.select %eq3A_188, %broadcast_in_dim3A_191, %select_n3A_178 : vector<512x20xi1>, vector<512x20xi32>
      %broadcast_in_dim3A_193 = vector.shape_cast %argmax3A_185 : vector<512xi32> to vector<512x1xi32>
      %eq3A_194 = vector.broadcast %broadcast_in_dim3A_193 : vector<512x1xi32> to vector<512x1024xi32>
      %eq3A_195 = arith.cmpi eq, %iota3A, %eq3A_194 : vector<512x1024xi32>
      %jit3A_196 = arith.constant -1.000000e+30 : f32
      %broadcast_in_dim3A_197 = vector.broadcast %jit3A_196 : f32 to vector<512x1024xf32>
      %select_n3A_198 = arith.select %eq3A_195, %broadcast_in_dim3A_197, %select_n3A_184 : vector<512x1024xi1>, vector<512x1024xf32>
      %argmax3A_199 = tpu.reduce_index %select_n3A_198 {axis = 1 : i32, kind = #tpu.reduction_kind<arg_max>} : vector<512x1024xf32> -> vector<512xi32>
      %eq3A_200 = arith.constant 4 : i32
      %eq3A_201 = vector.broadcast %eq3A_200 : i32 to vector<512x20xi32>
      %eq3A_202 = arith.cmpi eq, %iota3A_24, %eq3A_201 : vector<512x20xi32>
      %broadcast_in_dim3A_203 = vector.shape_cast %argmax3A_199 : vector<512xi32> to vector<512x1xi32>
      %broadcast_in_dim3A_204 = vector.shape_cast %broadcast_in_dim3A_203 : vector<512x1xi32> to vector<512x1xi32>
      %broadcast_in_dim3A_205 = vector.broadcast %broadcast_in_dim3A_204 : vector<512x1xi32> to vector<512x20xi32>
      %select_n3A_206 = arith.select %eq3A_202, %broadcast_in_dim3A_205, %select_n3A_192 : vector<512x20xi1>, vector<512x20xi32>
      %broadcast_in_dim3A_207 = vector.shape_cast %argmax3A_199 : vector<512xi32> to vector<512x1xi32>
      %eq3A_208 = vector.broadcast %broadcast_in_dim3A_207 : vector<512x1xi32> to vector<512x1024xi32>
      %eq3A_209 = arith.cmpi eq, %iota3A, %eq3A_208 : vector<512x1024xi32>
      %jit3A_210 = arith.constant -1.000000e+30 : f32
      %broadcast_in_dim3A_211 = vector.broadcast %jit3A_210 : f32 to vector<512x1024xf32>
      %select_n3A_212 = arith.select %eq3A_209, %broadcast_in_dim3A_211, %select_n3A_198 : vector<512x1024xi1>, vector<512x1024xf32>
      %argmax3A_213 = tpu.reduce_index %select_n3A_212 {axis = 1 : i32, kind = #tpu.reduction_kind<arg_max>} : vector<512x1024xf32> -> vector<512xi32>
      %eq3A_214 = arith.constant 5 : i32
      %eq3A_215 = vector.broadcast %eq3A_214 : i32 to vector<512x20xi32>
      %eq3A_216 = arith.cmpi eq, %iota3A_24, %eq3A_215 : vector<512x20xi32>
      %broadcast_in_dim3A_217 = vector.shape_cast %argmax3A_213 : vector<512xi32> to vector<512x1xi32>
      %broadcast_in_dim3A_218 = vector.shape_cast %broadcast_in_dim3A_217 : vector<512x1xi32> to vector<512x1xi32>
      %broadcast_in_dim3A_219 = vector.broadcast %broadcast_in_dim3A_218 : vector<512x1xi32> to vector<512x20xi32>
      %select_n3A_220 = arith.select %eq3A_216, %broadcast_in_dim3A_219, %select_n3A_206 : vector<512x20xi1>, vector<512x20xi32>
      %broadcast_in_dim3A_221 = vector.shape_cast %argmax3A_213 : vector<512xi32> to vector<512x1xi32>
      %eq3A_222 = vector.broadcast %broadcast_in_dim3A_221 : vector<512x1xi32> to vector<512x1024xi32>
      %eq3A_223 = arith.cmpi eq, %iota3A, %eq3A_222 : vector<512x1024xi32>
      %jit3A_224 = arith.constant -1.000000e+30 : f32
      %broadcast_in_dim3A_225 = vector.broadcast %jit3A_224 : f32 to vector<512x1024xf32>
      %select_n3A_226 = arith.select %eq3A_223, %broadcast_in_dim3A_225, %select_n3A_212 : vector<512x1024xi1>, vector<512x1024xf32>
      %argmax3A_227 = tpu.reduce_index %select_n3A_226 {axis = 1 : i32, kind = #tpu.reduction_kind<arg_max>} : vector<512x1024xf32> -> vector<512xi32>
      %eq3A_228 = arith.constant 6 : i32
      %eq3A_229 = vector.broadcast %eq3A_228 : i32 to vector<512x20xi32>
      %eq3A_230 = arith.cmpi eq, %iota3A_24, %eq3A_229 : vector<512x20xi32>
      %broadcast_in_dim3A_231 = vector.shape_cast %argmax3A_227 : vector<512xi32> to vector<512x1xi32>
      %broadcast_in_dim3A_232 = vector.shape_cast %broadcast_in_dim3A_231 : vector<512x1xi32> to vector<512x1xi32>
      %broadcast_in_dim3A_233 = vector.broadcast %broadcast_in_dim3A_232 : vector<512x1xi32> to vector<512x20xi32>
      %select_n3A_234 = arith.select %eq3A_230, %broadcast_in_dim3A_233, %select_n3A_220 : vector<512x20xi1>, vector<512x20xi32>
      %broadcast_in_dim3A_235 = vector.shape_cast %argmax3A_227 : vector<512xi32> to vector<512x1xi32>
      %eq3A_236 = vector.broadcast %broadcast_in_dim3A_235 : vector<512x1xi32> to vector<512x1024xi32>
      %eq3A_237 = arith.cmpi eq, %iota3A, %eq3A_236 : vector<512x1024xi32>
      %jit3A_238 = arith.constant -1.000000e+30 : f32
      %broadcast_in_dim3A_239 = vector.broadcast %jit3A_238 : f32 to vector<512x1024xf32>
      %select_n3A_240 = arith.select %eq3A_237, %broadcast_in_dim3A_239, %select_n3A_226 : vector<512x1024xi1>, vector<512x1024xf32>
      %argmax3A_241 = tpu.reduce_index %select_n3A_240 {axis = 1 : i32, kind = #tpu.reduction_kind<arg_max>} : vector<512x1024xf32> -> vector<512xi32>
      %eq3A_242 = arith.constant 7 : i32
      %eq3A_243 = vector.broadcast %eq3A_242 : i32 to vector<512x20xi32>
      %eq3A_244 = arith.cmpi eq, %iota3A_24, %eq3A_243 : vector<512x20xi32>
      %broadcast_in_dim3A_245 = vector.shape_cast %argmax3A_241 : vector<512xi32> to vector<512x1xi32>
      %broadcast_in_dim3A_246 = vector.shape_cast %broadcast_in_dim3A_245 : vector<512x1xi32> to vector<512x1xi32>
      %broadcast_in_dim3A_247 = vector.broadcast %broadcast_in_dim3A_246 : vector<512x1xi32> to vector<512x20xi32>
      %select_n3A_248 = arith.select %eq3A_244, %broadcast_in_dim3A_247, %select_n3A_234 : vector<512x20xi1>, vector<512x20xi32>
      %broadcast_in_dim3A_249 = vector.shape_cast %argmax3A_241 : vector<512xi32> to vector<512x1xi32>
      %eq3A_250 = vector.broadcast %broadcast_in_dim3A_249 : vector<512x1xi32> to vector<512x1024xi32>
      %eq3A_251 = arith.cmpi eq, %iota3A, %eq3A_250 : vector<512x1024xi32>
      %jit3A_252 = arith.constant -1.000000e+30 : f32
      %broadcast_in_dim3A_253 = vector.broadcast %jit3A_252 : f32 to vector<512x1024xf32>
      %select_n3A_254 = arith.select %eq3A_251, %broadcast_in_dim3A_253, %select_n3A_240 : vector<512x1024xi1>, vector<512x1024xf32>
      %argmax3A_255 = tpu.reduce_index %select_n3A_254 {axis = 1 : i32, kind = #tpu.reduction_kind<arg_max>} : vector<512x1024xf32> -> vector<512xi32>
      %eq3A_256 = arith.constant 8 : i32
      %eq3A_257 = vector.broadcast %eq3A_256 : i32 to vector<512x20xi32>
      %eq3A_258 = arith.cmpi eq, %iota3A_24, %eq3A_257 : vector<512x20xi32>
      %broadcast_in_dim3A_259 = vector.shape_cast %argmax3A_255 : vector<512xi32> to vector<512x1xi32>
      %broadcast_in_dim3A_260 = vector.shape_cast %broadcast_in_dim3A_259 : vector<512x1xi32> to vector<512x1xi32>
      %broadcast_in_dim3A_261 = vector.broadcast %broadcast_in_dim3A_260 : vector<512x1xi32> to vector<512x20xi32>
      %select_n3A_262 = arith.select %eq3A_258, %broadcast_in_dim3A_261, %select_n3A_248 : vector<512x20xi1>, vector<512x20xi32>
      %broadcast_in_dim3A_263 = vector.shape_cast %argmax3A_255 : vector<512xi32> to vector<512x1xi32>
      %eq3A_264 = vector.broadcast %broadcast_in_dim3A_263 : vector<512x1xi32> to vector<512x1024xi32>
      %eq3A_265 = arith.cmpi eq, %iota3A, %eq3A_264 : vector<512x1024xi32>
      %jit3A_266 = arith.constant -1.000000e+30 : f32
      %broadcast_in_dim3A_267 = vector.broadcast %jit3A_266 : f32 to vector<512x1024xf32>
      %select_n3A_268 = arith.select %eq3A_265, %broadcast_in_dim3A_267, %select_n3A_254 : vector<512x1024xi1>, vector<512x1024xf32>
      %argmax3A_269 = tpu.reduce_index %select_n3A_268 {axis = 1 : i32, kind = #tpu.reduction_kind<arg_max>} : vector<512x1024xf32> -> vector<512xi32>
      %eq3A_270 = arith.constant 9 : i32
      %eq3A_271 = vector.broadcast %eq3A_270 : i32 to vector<512x20xi32>
      %eq3A_272 = arith.cmpi eq, %iota3A_24, %eq3A_271 : vector<512x20xi32>
      %broadcast_in_dim3A_273 = vector.shape_cast %argmax3A_269 : vector<512xi32> to vector<512x1xi32>
      %broadcast_in_dim3A_274 = vector.shape_cast %broadcast_in_dim3A_273 : vector<512x1xi32> to vector<512x1xi32>
      %broadcast_in_dim3A_275 = vector.broadcast %broadcast_in_dim3A_274 : vector<512x1xi32> to vector<512x20xi32>
      %select_n3A_276 = arith.select %eq3A_272, %broadcast_in_dim3A_275, %select_n3A_262 : vector<512x20xi1>, vector<512x20xi32>
      %broadcast_in_dim3A_277 = vector.shape_cast %argmax3A_269 : vector<512xi32> to vector<512x1xi32>
      %eq3A_278 = vector.broadcast %broadcast_in_dim3A_277 : vector<512x1xi32> to vector<512x1024xi32>
      %eq3A_279 = arith.cmpi eq, %iota3A, %eq3A_278 : vector<512x1024xi32>
      %jit3A_280 = arith.constant -1.000000e+30 : f32
      %broadcast_in_dim3A_281 = vector.broadcast %jit3A_280 : f32 to vector<512x1024xf32>
      %select_n3A_282 = arith.select %eq3A_279, %broadcast_in_dim3A_281, %select_n3A_268 : vector<512x1024xi1>, vector<512x1024xf32>
      %argmax3A_283 = tpu.reduce_index %select_n3A_282 {axis = 1 : i32, kind = #tpu.reduction_kind<arg_max>} : vector<512x1024xf32> -> vector<512xi32>
      %eq3A_284 = arith.constant 10 : i32
      %eq3A_285 = vector.broadcast %eq3A_284 : i32 to vector<512x20xi32>
      %eq3A_286 = arith.cmpi eq, %iota3A_24, %eq3A_285 : vector<512x20xi32>
      %broadcast_in_dim3A_287 = vector.shape_cast %argmax3A_283 : vector<512xi32> to vector<512x1xi32>
      %broadcast_in_dim3A_288 = vector.shape_cast %broadcast_in_dim3A_287 : vector<512x1xi32> to vector<512x1xi32>
      %broadcast_in_dim3A_289 = vector.broadcast %broadcast_in_dim3A_288 : vector<512x1xi32> to vector<512x20xi32>
      %select_n3A_290 = arith.select %eq3A_286, %broadcast_in_dim3A_289, %select_n3A_276 : vector<512x20xi1>, vector<512x20xi32>
      %broadcast_in_dim3A_291 = vector.shape_cast %argmax3A_283 : vector<512xi32> to vector<512x1xi32>
      %eq3A_292 = vector.broadcast %broadcast_in_dim3A_291 : vector<512x1xi32> to vector<512x1024xi32>
      %eq3A_293 = arith.cmpi eq, %iota3A, %eq3A_292 : vector<512x1024xi32>
      %jit3A_294 = arith.constant -1.000000e+30 : f32
      %broadcast_in_dim3A_295 = vector.broadcast %jit3A_294 : f32 to vector<512x1024xf32>
      %select_n3A_296 = arith.select %eq3A_293, %broadcast_in_dim3A_295, %select_n3A_282 : vector<512x1024xi1>, vector<512x1024xf32>
      %argmax3A_297 = tpu.reduce_index %select_n3A_296 {axis = 1 : i32, kind = #tpu.reduction_kind<arg_max>} : vector<512x1024xf32> -> vector<512xi32>
      %eq3A_298 = arith.constant 11 : i32
      %eq3A_299 = vector.broadcast %eq3A_298 : i32 to vector<512x20xi32>
      %eq3A_300 = arith.cmpi eq, %iota3A_24, %eq3A_299 : vector<512x20xi32>
      %broadcast_in_dim3A_301 = vector.shape_cast %argmax3A_297 : vector<512xi32> to vector<512x1xi32>
      %broadcast_in_dim3A_302 = vector.shape_cast %broadcast_in_dim3A_301 : vector<512x1xi32> to vector<512x1xi32>
      %broadcast_in_dim3A_303 = vector.broadcast %broadcast_in_dim3A_302 : vector<512x1xi32> to vector<512x20xi32>
      %select_n3A_304 = arith.select %eq3A_300, %broadcast_in_dim3A_303, %select_n3A_290 : vector<512x20xi1>, vector<512x20xi32>
      %broadcast_in_dim3A_305 = vector.shape_cast %argmax3A_297 : vector<512xi32> to vector<512x1xi32>
      %eq3A_306 = vector.broadcast %broadcast_in_dim3A_305 : vector<512x1xi32> to vector<512x1024xi32>
      %eq3A_307 = arith.cmpi eq, %iota3A, %eq3A_306 : vector<512x1024xi32>
      %jit3A_308 = arith.constant -1.000000e+30 : f32
      %broadcast_in_dim3A_309 = vector.broadcast %jit3A_308 : f32 to vector<512x1024xf32>
      %select_n3A_310 = arith.select %eq3A_307, %broadcast_in_dim3A_309, %select_n3A_296 : vector<512x1024xi1>, vector<512x1024xf32>
      %argmax3A_311 = tpu.reduce_index %select_n3A_310 {axis = 1 : i32, kind = #tpu.reduction_kind<arg_max>} : vector<512x1024xf32> -> vector<512xi32>
      %eq3A_312 = arith.constant 12 : i32
      %eq3A_313 = vector.broadcast %eq3A_312 : i32 to vector<512x20xi32>
      %eq3A_314 = arith.cmpi eq, %iota3A_24, %eq3A_313 : vector<512x20xi32>
      %broadcast_in_dim3A_315 = vector.shape_cast %argmax3A_311 : vector<512xi32> to vector<512x1xi32>
      %broadcast_in_dim3A_316 = vector.shape_cast %broadcast_in_dim3A_315 : vector<512x1xi32> to vector<512x1xi32>
      %broadcast_in_dim3A_317 = vector.broadcast %broadcast_in_dim3A_316 : vector<512x1xi32> to vector<512x20xi32>
      %select_n3A_318 = arith.select %eq3A_314, %broadcast_in_dim3A_317, %select_n3A_304 : vector<512x20xi1>, vector<512x20xi32>
      %broadcast_in_dim3A_319 = vector.shape_cast %argmax3A_311 : vector<512xi32> to vector<512x1xi32>
      %eq3A_320 = vector.broadcast %broadcast_in_dim3A_319 : vector<512x1xi32> to vector<512x1024xi32>
      %eq3A_321 = arith.cmpi eq, %iota3A, %eq3A_320 : vector<512x1024xi32>
      %jit3A_322 = arith.constant -1.000000e+30 : f32
      %broadcast_in_dim3A_323 = vector.broadcast %jit3A_322 : f32 to vector<512x1024xf32>
      %select_n3A_324 = arith.select %eq3A_321, %broadcast_in_dim3A_323, %select_n3A_310 : vector<512x1024xi1>, vector<512x1024xf32>
      %argmax3A_325 = tpu.reduce_index %select_n3A_324 {axis = 1 : i32, kind = #tpu.reduction_kind<arg_max>} : vector<512x1024xf32> -> vector<512xi32>
      %eq3A_326 = arith.constant 13 : i32
      %eq3A_327 = vector.broadcast %eq3A_326 : i32 to vector<512x20xi32>
      %eq3A_328 = arith.cmpi eq, %iota3A_24, %eq3A_327 : vector<512x20xi32>
      %broadcast_in_dim3A_329 = vector.shape_cast %argmax3A_325 : vector<512xi32> to vector<512x1xi32>
      %broadcast_in_dim3A_330 = vector.shape_cast %broadcast_in_dim3A_329 : vector<512x1xi32> to vector<512x1xi32>
      %broadcast_in_dim3A_331 = vector.broadcast %broadcast_in_dim3A_330 : vector<512x1xi32> to vector<512x20xi32>
      %select_n3A_332 = arith.select %eq3A_328, %broadcast_in_dim3A_331, %select_n3A_318 : vector<512x20xi1>, vector<512x20xi32>
      %broadcast_in_dim3A_333 = vector.shape_cast %argmax3A_325 : vector<512xi32> to vector<512x1xi32>
      %eq3A_334 = vector.broadcast %broadcast_in_dim3A_333 : vector<512x1xi32> to vector<512x1024xi32>
      %eq3A_335 = arith.cmpi eq, %iota3A, %eq3A_334 : vector<512x1024xi32>
      %jit3A_336 = arith.constant -1.000000e+30 : f32
      %broadcast_in_dim3A_337 = vector.broadcast %jit3A_336 : f32 to vector<512x1024xf32>
      %select_n3A_338 = arith.select %eq3A_335, %broadcast_in_dim3A_337, %select_n3A_324 : vector<512x1024xi1>, vector<512x1024xf32>
      %argmax3A_339 = tpu.reduce_index %select_n3A_338 {axis = 1 : i32, kind = #tpu.reduction_kind<arg_max>} : vector<512x1024xf32> -> vector<512xi32>
      %eq3A_340 = arith.constant 14 : i32
      %eq3A_341 = vector.broadcast %eq3A_340 : i32 to vector<512x20xi32>
      %eq3A_342 = arith.cmpi eq, %iota3A_24, %eq3A_341 : vector<512x20xi32>
      %broadcast_in_dim3A_343 = vector.shape_cast %argmax3A_339 : vector<512xi32> to vector<512x1xi32>
      %broadcast_in_dim3A_344 = vector.shape_cast %broadcast_in_dim3A_343 : vector<512x1xi32> to vector<512x1xi32>
      %broadcast_in_dim3A_345 = vector.broadcast %broadcast_in_dim3A_344 : vector<512x1xi32> to vector<512x20xi32>
      %select_n3A_346 = arith.select %eq3A_342, %broadcast_in_dim3A_345, %select_n3A_332 : vector<512x20xi1>, vector<512x20xi32>
      %broadcast_in_dim3A_347 = vector.shape_cast %argmax3A_339 : vector<512xi32> to vector<512x1xi32>
      %eq3A_348 = vector.broadcast %broadcast_in_dim3A_347 : vector<512x1xi32> to vector<512x1024xi32>
      %eq3A_349 = arith.cmpi eq, %iota3A, %eq3A_348 : vector<512x1024xi32>
      %jit3A_350 = arith.constant -1.000000e+30 : f32
      %broadcast_in_dim3A_351 = vector.broadcast %jit3A_350 : f32 to vector<512x1024xf32>
      %select_n3A_352 = arith.select %eq3A_349, %broadcast_in_dim3A_351, %select_n3A_338 : vector<512x1024xi1>, vector<512x1024xf32>
      %argmax3A_353 = tpu.reduce_index %select_n3A_352 {axis = 1 : i32, kind = #tpu.reduction_kind<arg_max>} : vector<512x1024xf32> -> vector<512xi32>
      %eq3A_354 = arith.constant 15 : i32
      %eq3A_355 = vector.broadcast %eq3A_354 : i32 to vector<512x20xi32>
      %eq3A_356 = arith.cmpi eq, %iota3A_24, %eq3A_355 : vector<512x20xi32>
      %broadcast_in_dim3A_357 = vector.shape_cast %argmax3A_353 : vector<512xi32> to vector<512x1xi32>
      %broadcast_in_dim3A_358 = vector.shape_cast %broadcast_in_dim3A_357 : vector<512x1xi32> to vector<512x1xi32>
      %broadcast_in_dim3A_359 = vector.broadcast %broadcast_in_dim3A_358 : vector<512x1xi32> to vector<512x20xi32>
      %select_n3A_360 = arith.select %eq3A_356, %broadcast_in_dim3A_359, %select_n3A_346 : vector<512x20xi1>, vector<512x20xi32>
      %broadcast_in_dim3A_361 = vector.shape_cast %argmax3A_353 : vector<512xi32> to vector<512x1xi32>
      %eq3A_362 = vector.broadcast %broadcast_in_dim3A_361 : vector<512x1xi32> to vector<512x1024xi32>
      %eq3A_363 = arith.cmpi eq, %iota3A, %eq3A_362 : vector<512x1024xi32>
      %jit3A_364 = arith.constant -1.000000e+30 : f32
      %broadcast_in_dim3A_365 = vector.broadcast %jit3A_364 : f32 to vector<512x1024xf32>
      %select_n3A_366 = arith.select %eq3A_363, %broadcast_in_dim3A_365, %select_n3A_352 : vector<512x1024xi1>, vector<512x1024xf32>
      %argmax3A_367 = tpu.reduce_index %select_n3A_366 {axis = 1 : i32, kind = #tpu.reduction_kind<arg_max>} : vector<512x1024xf32> -> vector<512xi32>
      %eq3A_368 = arith.constant 16 : i32
      %eq3A_369 = vector.broadcast %eq3A_368 : i32 to vector<512x20xi32>
      %eq3A_370 = arith.cmpi eq, %iota3A_24, %eq3A_369 : vector<512x20xi32>
      %broadcast_in_dim3A_371 = vector.shape_cast %argmax3A_367 : vector<512xi32> to vector<512x1xi32>
      %broadcast_in_dim3A_372 = vector.shape_cast %broadcast_in_dim3A_371 : vector<512x1xi32> to vector<512x1xi32>
      %broadcast_in_dim3A_373 = vector.broadcast %broadcast_in_dim3A_372 : vector<512x1xi32> to vector<512x20xi32>
      %select_n3A_374 = arith.select %eq3A_370, %broadcast_in_dim3A_373, %select_n3A_360 : vector<512x20xi1>, vector<512x20xi32>
      %broadcast_in_dim3A_375 = vector.shape_cast %argmax3A_367 : vector<512xi32> to vector<512x1xi32>
      %eq3A_376 = vector.broadcast %broadcast_in_dim3A_375 : vector<512x1xi32> to vector<512x1024xi32>
      %eq3A_377 = arith.cmpi eq, %iota3A, %eq3A_376 : vector<512x1024xi32>
      %jit3A_378 = arith.constant -1.000000e+30 : f32
      %broadcast_in_dim3A_379 = vector.broadcast %jit3A_378 : f32 to vector<512x1024xf32>
      %select_n3A_380 = arith.select %eq3A_377, %broadcast_in_dim3A_379, %select_n3A_366 : vector<512x1024xi1>, vector<512x1024xf32>
      %argmax3A_381 = tpu.reduce_index %select_n3A_380 {axis = 1 : i32, kind = #tpu.reduction_kind<arg_max>} : vector<512x1024xf32> -> vector<512xi32>
      %eq3A_382 = arith.constant 17 : i32
      %eq3A_383 = vector.broadcast %eq3A_382 : i32 to vector<512x20xi32>
      %eq3A_384 = arith.cmpi eq, %iota3A_24, %eq3A_383 : vector<512x20xi32>
      %broadcast_in_dim3A_385 = vector.shape_cast %argmax3A_381 : vector<512xi32> to vector<512x1xi32>
      %broadcast_in_dim3A_386 = vector.shape_cast %broadcast_in_dim3A_385 : vector<512x1xi32> to vector<512x1xi32>
      %broadcast_in_dim3A_387 = vector.broadcast %broadcast_in_dim3A_386 : vector<512x1xi32> to vector<512x20xi32>
      %select_n3A_388 = arith.select %eq3A_384, %broadcast_in_dim3A_387, %select_n3A_374 : vector<512x20xi1>, vector<512x20xi32>
      %broadcast_in_dim3A_389 = vector.shape_cast %argmax3A_381 : vector<512xi32> to vector<512x1xi32>
      %eq3A_390 = vector.broadcast %broadcast_in_dim3A_389 : vector<512x1xi32> to vector<512x1024xi32>
      %eq3A_391 = arith.cmpi eq, %iota3A, %eq3A_390 : vector<512x1024xi32>
      %jit3A_392 = arith.constant -1.000000e+30 : f32
      %broadcast_in_dim3A_393 = vector.broadcast %jit3A_392 : f32 to vector<512x1024xf32>
      %select_n3A_394 = arith.select %eq3A_391, %broadcast_in_dim3A_393, %select_n3A_380 : vector<512x1024xi1>, vector<512x1024xf32>
      %argmax3A_395 = tpu.reduce_index %select_n3A_394 {axis = 1 : i32, kind = #tpu.reduction_kind<arg_max>} : vector<512x1024xf32> -> vector<512xi32>
      %eq3A_396 = arith.constant 18 : i32
      %eq3A_397 = vector.broadcast %eq3A_396 : i32 to vector<512x20xi32>
      %eq3A_398 = arith.cmpi eq, %iota3A_24, %eq3A_397 : vector<512x20xi32>
      %broadcast_in_dim3A_399 = vector.shape_cast %argmax3A_395 : vector<512xi32> to vector<512x1xi32>
      %broadcast_in_dim3A_400 = vector.shape_cast %broadcast_in_dim3A_399 : vector<512x1xi32> to vector<512x1xi32>
      %broadcast_in_dim3A_401 = vector.broadcast %broadcast_in_dim3A_400 : vector<512x1xi32> to vector<512x20xi32>
      %select_n3A_402 = arith.select %eq3A_398, %broadcast_in_dim3A_401, %select_n3A_388 : vector<512x20xi1>, vector<512x20xi32>
      %broadcast_in_dim3A_403 = vector.shape_cast %argmax3A_395 : vector<512xi32> to vector<512x1xi32>
      %eq3A_404 = vector.broadcast %broadcast_in_dim3A_403 : vector<512x1xi32> to vector<512x1024xi32>
      %eq3A_405 = arith.cmpi eq, %iota3A, %eq3A_404 : vector<512x1024xi32>
      %jit3A_406 = arith.constant -1.000000e+30 : f32
      %broadcast_in_dim3A_407 = vector.broadcast %jit3A_406 : f32 to vector<512x1024xf32>
      %select_n3A_408 = arith.select %eq3A_405, %broadcast_in_dim3A_407, %select_n3A_394 : vector<512x1024xi1>, vector<512x1024xf32>
      %argmax3A_409 = tpu.reduce_index %select_n3A_408 {axis = 1 : i32, kind = #tpu.reduction_kind<arg_max>} : vector<512x1024xf32> -> vector<512xi32>
      %eq3A_410 = arith.constant 19 : i32
      %eq3A_411 = vector.broadcast %eq3A_410 : i32 to vector<512x20xi32>
      %eq3A_412 = arith.cmpi eq, %iota3A_24, %eq3A_411 : vector<512x20xi32>
      %broadcast_in_dim3A_413 = vector.shape_cast %argmax3A_409 : vector<512xi32> to vector<512x1xi32>
      %broadcast_in_dim3A_414 = vector.shape_cast %broadcast_in_dim3A_413 : vector<512x1xi32> to vector<512x1xi32>
      %broadcast_in_dim3A_415 = vector.broadcast %broadcast_in_dim3A_414 : vector<512x1xi32> to vector<512x20xi32>
      %select_n3A_416 = arith.select %eq3A_412, %broadcast_in_dim3A_415, %select_n3A_402 : vector<512x20xi1>, vector<512x20xi32>
      %add3A_417 = arith.constant 0 : i32
      %add3A_418 = vector.broadcast %add3A_417 : i32 to vector<512x20xi32>
      %add3A_419 = arith.addi %select_n3A_416, %add3A_418 : vector<512x20xi32>
      %swap3A_420 = arith.constant 0 : index
      %swap3A_421 = arith.index_cast %mul3A_142 : i32 to index
      %swap3A_422 = arith.constant 0 : index
      %swap3A_423 = vector.load %arg3[%swap3A_420, %swap3A_421, %swap3A_422] : memref<4x1024x20xi32, #tpu.memory_space<vmem>>, vector<1x512x20xi32>
      %swap3A_424 = vector.shape_cast %swap3A_423 : vector<1x512x20xi32> to vector<512x20xi32>
      %swap3A_425 = vector.shape_cast %add3A_419 : vector<512x20xi32> to vector<1x512x20xi32>
      tpu.vector_store %arg3[%swap3A_420, %swap3A_421, %swap3A_422], %swap3A_425 {strides = array<i32>} : memref<4x1024x20xi32, #tpu.memory_space<vmem>>, vector<1x512x20xi32>,
    }
    %scan3A_28 = arith.constant 2 : i32
    %get3A_29 = arith.constant 1 : index
    %get3A_30 = arith.constant 0 : index
    %get3A_31 = arith.constant 0 : index
    %get3A_32 = vector.load %arg0[%get3A_29, %get3A_30, %get3A_31] : memref<4x1024x128xf32, #tpu.memory_space<vmem>>, vector<1x1024x128xf32>
    %get3A_33 = vector.shape_cast %get3A_32 : vector<1x1024x128xf32> to vector<1024x128xf32>
    %dot_general3A_34 = arith.constant dense<0.000000e+00> : vector<1024x1024xf32>
    %dot_general3A_35 = tpu.matmul %get3A_33, %get3A_33, %dot_general3A_34 {dimension_numbers = #tpu.dot_dimension_numbers<[1], [1], [0], [0], [0, 0, 1, 0], [], []>, transpose_lhs_hint = false} : vector<1024x128xf32>, vector<1024x128xf32>, vector<1024x1024xf32> -> vector<1024x1024xf32>
    %get3A_36 = arith.constant 1 : index
    %get3A_37 = arith.constant 0 : index
    %get3A_38 = arith.constant 0 : index
    %get3A_39 = vector.load %arg1[%get3A_36, %get3A_37, %get3A_38] : memref<4x1024x1xf32, #tpu.memory_space<vmem>>, vector<1x1024x1xf32>
    %get3A_40 = vector.shape_cast %get3A_39 : vector<1x1024x1xf32> to vector<1024x1xf32>
    %sub3A_41 = arith.constant 0.000000e+00 : f32
    %sub3A_42 = vector.broadcast %sub3A_41 : f32 to vector<1024x1xf32>
    %sub3A_43 = arith.subf %sub3A_42, %get3A_40 : vector<1024x1xf32>
    %mul3A_44 = arith.constant 2.000000e+00 : f32
    %mul3A_45 = vector.broadcast %mul3A_44 : f32 to vector<1024x1024xf32>
    %mul3A_46 = arith.mulf %mul3A_45, %dot_general3A_35 : vector<1024x1024xf32>
    %add3A_47 = vector.broadcast %sub3A_43 : vector<1024x1xf32> to vector<1024x1024xf32>
    %add3A_48 = arith.addf %add3A_47, %mul3A_46 : vector<1024x1024xf32>
    %get3A_49 = arith.constant 1 : index
    %get3A_50 = arith.constant 0 : index
    %get3A_51 = arith.constant 0 : index
    %get3A_52 = vector.load %arg2[%get3A_49, %get3A_50, %get3A_51] : memref<4x1x1024xf32, #tpu.memory_space<vmem>>, vector<1x1x1024xf32>
    %get3A_53 = vector.shape_cast %get3A_52 : vector<1x1x1024xf32> to vector<1x1024xf32>
    %sub3A_54 = vector.broadcast %get3A_53 : vector<1x1024xf32> to vector<1024x1024xf32>
    %sub3A_55 = arith.subf %add3A_48, %sub3A_54 : vector<1024x1024xf32>
    %swap3A_56 = arith.constant 0 : index
    %swap3A_57 = arith.constant 0 : index
    %swap3A_58 = vector.load %arg4[%swap3A_56, %swap3A_57] : memref<1024x1024xf32, #tpu.memory_space<vmem>>, vector<1024x1024xf32>
    tpu.vector_store %arg4[%swap3A_56, %swap3A_57], %sub3A_55 {strides = array<i32>} : memref<1024x1024xf32, #tpu.memory_space<vmem>>, vector<1024x1024xf32>,
    %iota3A_59 = tpu.iota {dimensions = array<i32: 1>} : vector<512x1024xi32>
    %iota3A_60 = tpu.iota {dimensions = array<i32: 1>} : vector<512x20xi32>
    %scan3A_61 = arith.constant 0 : i32
    %scan3A_62 = arith.constant 2 : i32
    %scan3A_63 = arith.addi %scan3A_61, %scan3A_62 : i32
    %scan3A_64 = arith.constant 1 : i32
    scf.for %scan3A_140 = %scan3A_61 to %scan3A_63 step %scan3A_64  : i32 {
      %mul3A_141 = arith.constant 512 : i32
      %mul3A_142 = arith.muli %scan3A_140, %mul3A_141 : i32
      %get3A_143 = arith.index_cast %mul3A_142 : i32 to index
      %get3A_144 = arith.constant 0 : index
      %get3A_145 = vector.load %arg4[%get3A_143, %get3A_144] : memref<1024x1024xf32, #tpu.memory_space<vmem>>, vector<512x1024xf32>
      %broadcast_in_dim3A = arith.constant 0 : i32
      %broadcast_in_dim3A_146 = vector.broadcast %broadcast_in_dim3A : i32 to vector<512x20xi32>
      %argmax3A = tpu.reduce_index %get3A_145 {axis = 1 : i32, kind = #tpu.reduction_kind<arg_max>} : vector<512x1024xf32> -> vector<512xi32>
      %eq3A = arith.constant 0 : i32
      %eq3A_147 = vector.broadcast %eq3A : i32 to vector<512x20xi32>
      %eq3A_148 = arith.cmpi eq, %iota3A_60, %eq3A_147 : vector<512x20xi32>
      %broadcast_in_dim3A_149 = vector.shape_cast %argmax3A : vector<512xi32> to vector<512x1xi32>
      %broadcast_in_dim3A_150 = vector.shape_cast %broadcast_in_dim3A_149 : vector<512x1xi32> to vector<512x1xi32>
      %broadcast_in_dim3A_151 = vector.broadcast %broadcast_in_dim3A_150 : vector<512x1xi32> to vector<512x20xi32>
      %select_n3A = arith.select %eq3A_148, %broadcast_in_dim3A_151, %broadcast_in_dim3A_146 : vector<512x20xi1>, vector<512x20xi32>
      %broadcast_in_dim3A_152 = vector.shape_cast %argmax3A : vector<512xi32> to vector<512x1xi32>
      %eq3A_153 = vector.broadcast %broadcast_in_dim3A_152 : vector<512x1xi32> to vector<512x1024xi32>
      %eq3A_154 = arith.cmpi eq, %iota3A_59, %eq3A_153 : vector<512x1024xi32>
      %jit3A = arith.constant -1.000000e+30 : f32
      %broadcast_in_dim3A_155 = vector.broadcast %jit3A : f32 to vector<512x1024xf32>
      %select_n3A_156 = arith.select %eq3A_154, %broadcast_in_dim3A_155, %get3A_145 : vector<512x1024xi1>, vector<512x1024xf32>
      %argmax3A_157 = tpu.reduce_index %select_n3A_156 {axis = 1 : i32, kind = #tpu.reduction_kind<arg_max>} : vector<512x1024xf32> -> vector<512xi32>
      %eq3A_158 = arith.constant 1 : i32
      %eq3A_159 = vector.broadcast %eq3A_158 : i32 to vector<512x20xi32>
      %eq3A_160 = arith.cmpi eq, %iota3A_60, %eq3A_159 : vector<512x20xi32>
      %broadcast_in_dim3A_161 = vector.shape_cast %argmax3A_157 : vector<512xi32> to vector<512x1xi32>
      %broadcast_in_dim3A_162 = vector.shape_cast %broadcast_in_dim3A_161 : vector<512x1xi32> to vector<512x1xi32>
      %broadcast_in_dim3A_163 = vector.broadcast %broadcast_in_dim3A_162 : vector<512x1xi32> to vector<512x20xi32>
      %select_n3A_164 = arith.select %eq3A_160, %broadcast_in_dim3A_163, %select_n3A : vector<512x20xi1>, vector<512x20xi32>
      %broadcast_in_dim3A_165 = vector.shape_cast %argmax3A_157 : vector<512xi32> to vector<512x1xi32>
      %eq3A_166 = vector.broadcast %broadcast_in_dim3A_165 : vector<512x1xi32> to vector<512x1024xi32>
      %eq3A_167 = arith.cmpi eq, %iota3A_59, %eq3A_166 : vector<512x1024xi32>
      %jit3A_168 = arith.constant -1.000000e+30 : f32
      %broadcast_in_dim3A_169 = vector.broadcast %jit3A_168 : f32 to vector<512x1024xf32>
      %select_n3A_170 = arith.select %eq3A_167, %broadcast_in_dim3A_169, %select_n3A_156 : vector<512x1024xi1>, vector<512x1024xf32>
      %argmax3A_171 = tpu.reduce_index %select_n3A_170 {axis = 1 : i32, kind = #tpu.reduction_kind<arg_max>} : vector<512x1024xf32> -> vector<512xi32>
      %eq3A_172 = arith.constant 2 : i32
      %eq3A_173 = vector.broadcast %eq3A_172 : i32 to vector<512x20xi32>
      %eq3A_174 = arith.cmpi eq, %iota3A_60, %eq3A_173 : vector<512x20xi32>
      %broadcast_in_dim3A_175 = vector.shape_cast %argmax3A_171 : vector<512xi32> to vector<512x1xi32>
      %broadcast_in_dim3A_176 = vector.shape_cast %broadcast_in_dim3A_175 : vector<512x1xi32> to vector<512x1xi32>
      %broadcast_in_dim3A_177 = vector.broadcast %broadcast_in_dim3A_176 : vector<512x1xi32> to vector<512x20xi32>
      %select_n3A_178 = arith.select %eq3A_174, %broadcast_in_dim3A_177, %select_n3A_164 : vector<512x20xi1>, vector<512x20xi32>
      %broadcast_in_dim3A_179 = vector.shape_cast %argmax3A_171 : vector<512xi32> to vector<512x1xi32>
      %eq3A_180 = vector.broadcast %broadcast_in_dim3A_179 : vector<512x1xi32> to vector<512x1024xi32>
      %eq3A_181 = arith.cmpi eq, %iota3A_59, %eq3A_180 : vector<512x1024xi32>
      %jit3A_182 = arith.constant -1.000000e+30 : f32
      %broadcast_in_dim3A_183 = vector.broadcast %jit3A_182 : f32 to vector<512x1024xf32>
      %select_n3A_184 = arith.select %eq3A_181, %broadcast_in_dim3A_183, %select_n3A_170 : vector<512x1024xi1>, vector<512x1024xf32>
      %argmax3A_185 = tpu.reduce_index %select_n3A_184 {axis = 1 : i32, kind = #tpu.reduction_kind<arg_max>} : vector<512x1024xf32> -> vector<512xi32>
      %eq3A_186 = arith.constant 3 : i32
      %eq3A_187 = vector.broadcast %eq3A_186 : i32 to vector<512x20xi32>
      %eq3A_188 = arith.cmpi eq, %iota3A_60, %eq3A_187 : vector<512x20xi32>
      %broadcast_in_dim3A_189 = vector.shape_cast %argmax3A_185 : vector<512xi32> to vector<512x1xi32>
      %broadcast_in_dim3A_190 = vector.shape_cast %broadcast_in_dim3A_189 : vector<512x1xi32> to vector<512x1xi32>
      %broadcast_in_dim3A_191 = vector.broadcast %broadcast_in_dim3A_190 : vector<512x1xi32> to vector<512x20xi32>
      %select_n3A_192 = arith.select %eq3A_188, %broadcast_in_dim3A_191, %select_n3A_178 : vector<512x20xi1>, vector<512x20xi32>
      %broadcast_in_dim3A_193 = vector.shape_cast %argmax3A_185 : vector<512xi32> to vector<512x1xi32>
      %eq3A_194 = vector.broadcast %broadcast_in_dim3A_193 : vector<512x1xi32> to vector<512x1024xi32>
      %eq3A_195 = arith.cmpi eq, %iota3A_59, %eq3A_194 : vector<512x1024xi32>
      %jit3A_196 = arith.constant -1.000000e+30 : f32
      %broadcast_in_dim3A_197 = vector.broadcast %jit3A_196 : f32 to vector<512x1024xf32>
      %select_n3A_198 = arith.select %eq3A_195, %broadcast_in_dim3A_197, %select_n3A_184 : vector<512x1024xi1>, vector<512x1024xf32>
      %argmax3A_199 = tpu.reduce_index %select_n3A_198 {axis = 1 : i32, kind = #tpu.reduction_kind<arg_max>} : vector<512x1024xf32> -> vector<512xi32>
      %eq3A_200 = arith.constant 4 : i32
      %eq3A_201 = vector.broadcast %eq3A_200 : i32 to vector<512x20xi32>
      %eq3A_202 = arith.cmpi eq, %iota3A_60, %eq3A_201 : vector<512x20xi32>
      %broadcast_in_dim3A_203 = vector.shape_cast %argmax3A_199 : vector<512xi32> to vector<512x1xi32>
      %broadcast_in_dim3A_204 = vector.shape_cast %broadcast_in_dim3A_203 : vector<512x1xi32> to vector<512x1xi32>
      %broadcast_in_dim3A_205 = vector.broadcast %broadcast_in_dim3A_204 : vector<512x1xi32> to vector<512x20xi32>
      %select_n3A_206 = arith.select %eq3A_202, %broadcast_in_dim3A_205, %select_n3A_192 : vector<512x20xi1>, vector<512x20xi32>
      %broadcast_in_dim3A_207 = vector.shape_cast %argmax3A_199 : vector<512xi32> to vector<512x1xi32>
      %eq3A_208 = vector.broadcast %broadcast_in_dim3A_207 : vector<512x1xi32> to vector<512x1024xi32>
      %eq3A_209 = arith.cmpi eq, %iota3A_59, %eq3A_208 : vector<512x1024xi32>
      %jit3A_210 = arith.constant -1.000000e+30 : f32
      %broadcast_in_dim3A_211 = vector.broadcast %jit3A_210 : f32 to vector<512x1024xf32>
      %select_n3A_212 = arith.select %eq3A_209, %broadcast_in_dim3A_211, %select_n3A_198 : vector<512x1024xi1>, vector<512x1024xf32>
      %argmax3A_213 = tpu.reduce_index %select_n3A_212 {axis = 1 : i32, kind = #tpu.reduction_kind<arg_max>} : vector<512x1024xf32> -> vector<512xi32>
      %eq3A_214 = arith.constant 5 : i32
      %eq3A_215 = vector.broadcast %eq3A_214 : i32 to vector<512x20xi32>
      %eq3A_216 = arith.cmpi eq, %iota3A_60, %eq3A_215 : vector<512x20xi32>
      %broadcast_in_dim3A_217 = vector.shape_cast %argmax3A_213 : vector<512xi32> to vector<512x1xi32>
      %broadcast_in_dim3A_218 = vector.shape_cast %broadcast_in_dim3A_217 : vector<512x1xi32> to vector<512x1xi32>
      %broadcast_in_dim3A_219 = vector.broadcast %broadcast_in_dim3A_218 : vector<512x1xi32> to vector<512x20xi32>
      %select_n3A_220 = arith.select %eq3A_216, %broadcast_in_dim3A_219, %select_n3A_206 : vector<512x20xi1>, vector<512x20xi32>
      %broadcast_in_dim3A_221 = vector.shape_cast %argmax3A_213 : vector<512xi32> to vector<512x1xi32>
      %eq3A_222 = vector.broadcast %broadcast_in_dim3A_221 : vector<512x1xi32> to vector<512x1024xi32>
      %eq3A_223 = arith.cmpi eq, %iota3A_59, %eq3A_222 : vector<512x1024xi32>
      %jit3A_224 = arith.constant -1.000000e+30 : f32
      %broadcast_in_dim3A_225 = vector.broadcast %jit3A_224 : f32 to vector<512x1024xf32>
      %select_n3A_226 = arith.select %eq3A_223, %broadcast_in_dim3A_225, %select_n3A_212 : vector<512x1024xi1>, vector<512x1024xf32>
      %argmax3A_227 = tpu.reduce_index %select_n3A_226 {axis = 1 : i32, kind = #tpu.reduction_kind<arg_max>} : vector<512x1024xf32> -> vector<512xi32>
      %eq3A_228 = arith.constant 6 : i32
      %eq3A_229 = vector.broadcast %eq3A_228 : i32 to vector<512x20xi32>
      %eq3A_230 = arith.cmpi eq, %iota3A_60, %eq3A_229 : vector<512x20xi32>
      %broadcast_in_dim3A_231 = vector.shape_cast %argmax3A_227 : vector<512xi32> to vector<512x1xi32>
      %broadcast_in_dim3A_232 = vector.shape_cast %broadcast_in_dim3A_231 : vector<512x1xi32> to vector<512x1xi32>
      %broadcast_in_dim3A_233 = vector.broadcast %broadcast_in_dim3A_232 : vector<512x1xi32> to vector<512x20xi32>
      %select_n3A_234 = arith.select %eq3A_230, %broadcast_in_dim3A_233, %select_n3A_220 : vector<512x20xi1>, vector<512x20xi32>
      %broadcast_in_dim3A_235 = vector.shape_cast %argmax3A_227 : vector<512xi32> to vector<512x1xi32>
      %eq3A_236 = vector.broadcast %broadcast_in_dim3A_235 : vector<512x1xi32> to vector<512x1024xi32>
      %eq3A_237 = arith.cmpi eq, %iota3A_59, %eq3A_236 : vector<512x1024xi32>
      %jit3A_238 = arith.constant -1.000000e+30 : f32
      %broadcast_in_dim3A_239 = vector.broadcast %jit3A_238 : f32 to vector<512x1024xf32>
      %select_n3A_240 = arith.select %eq3A_237, %broadcast_in_dim3A_239, %select_n3A_226 : vector<512x1024xi1>, vector<512x1024xf32>
      %argmax3A_241 = tpu.reduce_index %select_n3A_240 {axis = 1 : i32, kind = #tpu.reduction_kind<arg_max>} : vector<512x1024xf32> -> vector<512xi32>
      %eq3A_242 = arith.constant 7 : i32
      %eq3A_243 = vector.broadcast %eq3A_242 : i32 to vector<512x20xi32>
      %eq3A_244 = arith.cmpi eq, %iota3A_60, %eq3A_243 : vector<512x20xi32>
      %broadcast_in_dim3A_245 = vector.shape_cast %argmax3A_241 : vector<512xi32> to vector<512x1xi32>
      %broadcast_in_dim3A_246 = vector.shape_cast %broadcast_in_dim3A_245 : vector<512x1xi32> to vector<512x1xi32>
      %broadcast_in_dim3A_247 = vector.broadcast %broadcast_in_dim3A_246 : vector<512x1xi32> to vector<512x20xi32>
      %select_n3A_248 = arith.select %eq3A_244, %broadcast_in_dim3A_247, %select_n3A_234 : vector<512x20xi1>, vector<512x20xi32>
      %broadcast_in_dim3A_249 = vector.shape_cast %argmax3A_241 : vector<512xi32> to vector<512x1xi32>
      %eq3A_250 = vector.broadcast %broadcast_in_dim3A_249 : vector<512x1xi32> to vector<512x1024xi32>
      %eq3A_251 = arith.cmpi eq, %iota3A_59, %eq3A_250 : vector<512x1024xi32>
      %jit3A_252 = arith.constant -1.000000e+30 : f32
      %broadcast_in_dim3A_253 = vector.broadcast %jit3A_252 : f32 to vector<512x1024xf32>
      %select_n3A_254 = arith.select %eq3A_251, %broadcast_in_dim3A_253, %select_n3A_240 : vector<512x1024xi1>, vector<512x1024xf32>
      %argmax3A_255 = tpu.reduce_index %select_n3A_254 {axis = 1 : i32, kind = #tpu.reduction_kind<arg_max>} : vector<512x1024xf32> -> vector<512xi32>
      %eq3A_256 = arith.constant 8 : i32
      %eq3A_257 = vector.broadcast %eq3A_256 : i32 to vector<512x20xi32>
      %eq3A_258 = arith.cmpi eq, %iota3A_60, %eq3A_257 : vector<512x20xi32>
      %broadcast_in_dim3A_259 = vector.shape_cast %argmax3A_255 : vector<512xi32> to vector<512x1xi32>
      %broadcast_in_dim3A_260 = vector.shape_cast %broadcast_in_dim3A_259 : vector<512x1xi32> to vector<512x1xi32>
      %broadcast_in_dim3A_261 = vector.broadcast %broadcast_in_dim3A_260 : vector<512x1xi32> to vector<512x20xi32>
      %select_n3A_262 = arith.select %eq3A_258, %broadcast_in_dim3A_261, %select_n3A_248 : vector<512x20xi1>, vector<512x20xi32>
      %broadcast_in_dim3A_263 = vector.shape_cast %argmax3A_255 : vector<512xi32> to vector<512x1xi32>
      %eq3A_264 = vector.broadcast %broadcast_in_dim3A_263 : vector<512x1xi32> to vector<512x1024xi32>
      %eq3A_265 = arith.cmpi eq, %iota3A_59, %eq3A_264 : vector<512x1024xi32>
      %jit3A_266 = arith.constant -1.000000e+30 : f32
      %broadcast_in_dim3A_267 = vector.broadcast %jit3A_266 : f32 to vector<512x1024xf32>
      %select_n3A_268 = arith.select %eq3A_265, %broadcast_in_dim3A_267, %select_n3A_254 : vector<512x1024xi1>, vector<512x1024xf32>
      %argmax3A_269 = tpu.reduce_index %select_n3A_268 {axis = 1 : i32, kind = #tpu.reduction_kind<arg_max>} : vector<512x1024xf32> -> vector<512xi32>
      %eq3A_270 = arith.constant 9 : i32
      %eq3A_271 = vector.broadcast %eq3A_270 : i32 to vector<512x20xi32>
      %eq3A_272 = arith.cmpi eq, %iota3A_60, %eq3A_271 : vector<512x20xi32>
      %broadcast_in_dim3A_273 = vector.shape_cast %argmax3A_269 : vector<512xi32> to vector<512x1xi32>
      %broadcast_in_dim3A_274 = vector.shape_cast %broadcast_in_dim3A_273 : vector<512x1xi32> to vector<512x1xi32>
      %broadcast_in_dim3A_275 = vector.broadcast %broadcast_in_dim3A_274 : vector<512x1xi32> to vector<512x20xi32>
      %select_n3A_276 = arith.select %eq3A_272, %broadcast_in_dim3A_275, %select_n3A_262 : vector<512x20xi1>, vector<512x20xi32>
      %broadcast_in_dim3A_277 = vector.shape_cast %argmax3A_269 : vector<512xi32> to vector<512x1xi32>
      %eq3A_278 = vector.broadcast %broadcast_in_dim3A_277 : vector<512x1xi32> to vector<512x1024xi32>
      %eq3A_279 = arith.cmpi eq, %iota3A_59, %eq3A_278 : vector<512x1024xi32>
      %jit3A_280 = arith.constant -1.000000e+30 : f32
      %broadcast_in_dim3A_281 = vector.broadcast %jit3A_280 : f32 to vector<512x1024xf32>
      %select_n3A_282 = arith.select %eq3A_279, %broadcast_in_dim3A_281, %select_n3A_268 : vector<512x1024xi1>, vector<512x1024xf32>
      %argmax3A_283 = tpu.reduce_index %select_n3A_282 {axis = 1 : i32, kind = #tpu.reduction_kind<arg_max>} : vector<512x1024xf32> -> vector<512xi32>
      %eq3A_284 = arith.constant 10 : i32
      %eq3A_285 = vector.broadcast %eq3A_284 : i32 to vector<512x20xi32>
      %eq3A_286 = arith.cmpi eq, %iota3A_60, %eq3A_285 : vector<512x20xi32>
      %broadcast_in_dim3A_287 = vector.shape_cast %argmax3A_283 : vector<512xi32> to vector<512x1xi32>
      %broadcast_in_dim3A_288 = vector.shape_cast %broadcast_in_dim3A_287 : vector<512x1xi32> to vector<512x1xi32>
      %broadcast_in_dim3A_289 = vector.broadcast %broadcast_in_dim3A_288 : vector<512x1xi32> to vector<512x20xi32>
      %select_n3A_290 = arith.select %eq3A_286, %broadcast_in_dim3A_289, %select_n3A_276 : vector<512x20xi1>, vector<512x20xi32>
      %broadcast_in_dim3A_291 = vector.shape_cast %argmax3A_283 : vector<512xi32> to vector<512x1xi32>
      %eq3A_292 = vector.broadcast %broadcast_in_dim3A_291 : vector<512x1xi32> to vector<512x1024xi32>
      %eq3A_293 = arith.cmpi eq, %iota3A_59, %eq3A_292 : vector<512x1024xi32>
      %jit3A_294 = arith.constant -1.000000e+30 : f32
      %broadcast_in_dim3A_295 = vector.broadcast %jit3A_294 : f32 to vector<512x1024xf32>
      %select_n3A_296 = arith.select %eq3A_293, %broadcast_in_dim3A_295, %select_n3A_282 : vector<512x1024xi1>, vector<512x1024xf32>
      %argmax3A_297 = tpu.reduce_index %select_n3A_296 {axis = 1 : i32, kind = #tpu.reduction_kind<arg_max>} : vector<512x1024xf32> -> vector<512xi32>
      %eq3A_298 = arith.constant 11 : i32
      %eq3A_299 = vector.broadcast %eq3A_298 : i32 to vector<512x20xi32>
      %eq3A_300 = arith.cmpi eq, %iota3A_60, %eq3A_299 : vector<512x20xi32>
      %broadcast_in_dim3A_301 = vector.shape_cast %argmax3A_297 : vector<512xi32> to vector<512x1xi32>
      %broadcast_in_dim3A_302 = vector.shape_cast %broadcast_in_dim3A_301 : vector<512x1xi32> to vector<512x1xi32>
      %broadcast_in_dim3A_303 = vector.broadcast %broadcast_in_dim3A_302 : vector<512x1xi32> to vector<512x20xi32>
      %select_n3A_304 = arith.select %eq3A_300, %broadcast_in_dim3A_303, %select_n3A_290 : vector<512x20xi1>, vector<512x20xi32>
      %broadcast_in_dim3A_305 = vector.shape_cast %argmax3A_297 : vector<512xi32> to vector<512x1xi32>
      %eq3A_306 = vector.broadcast %broadcast_in_dim3A_305 : vector<512x1xi32> to vector<512x1024xi32>
      %eq3A_307 = arith.cmpi eq, %iota3A_59, %eq3A_306 : vector<512x1024xi32>
      %jit3A_308 = arith.constant -1.000000e+30 : f32
      %broadcast_in_dim3A_309 = vector.broadcast %jit3A_308 : f32 to vector<512x1024xf32>
      %select_n3A_310 = arith.select %eq3A_307, %broadcast_in_dim3A_309, %select_n3A_296 : vector<512x1024xi1>, vector<512x1024xf32>
      %argmax3A_311 = tpu.reduce_index %select_n3A_310 {axis = 1 : i32, kind = #tpu.reduction_kind<arg_max>} : vector<512x1024xf32> -> vector<512xi32>
      %eq3A_312 = arith.constant 12 : i32
      %eq3A_313 = vector.broadcast %eq3A_312 : i32 to vector<512x20xi32>
      %eq3A_314 = arith.cmpi eq, %iota3A_60, %eq3A_313 : vector<512x20xi32>
      %broadcast_in_dim3A_315 = vector.shape_cast %argmax3A_311 : vector<512xi32> to vector<512x1xi32>
      %broadcast_in_dim3A_316 = vector.shape_cast %broadcast_in_dim3A_315 : vector<512x1xi32> to vector<512x1xi32>
      %broadcast_in_dim3A_317 = vector.broadcast %broadcast_in_dim3A_316 : vector<512x1xi32> to vector<512x20xi32>
      %select_n3A_318 = arith.select %eq3A_314, %broadcast_in_dim3A_317, %select_n3A_304 : vector<512x20xi1>, vector<512x20xi32>
      %broadcast_in_dim3A_319 = vector.shape_cast %argmax3A_311 : vector<512xi32> to vector<512x1xi32>
      %eq3A_320 = vector.broadcast %broadcast_in_dim3A_319 : vector<512x1xi32> to vector<512x1024xi32>
      %eq3A_321 = arith.cmpi eq, %iota3A_59, %eq3A_320 : vector<512x1024xi32>
      %jit3A_322 = arith.constant -1.000000e+30 : f32
      %broadcast_in_dim3A_323 = vector.broadcast %jit3A_322 : f32 to vector<512x1024xf32>
      %select_n3A_324 = arith.select %eq3A_321, %broadcast_in_dim3A_323, %select_n3A_310 : vector<512x1024xi1>, vector<512x1024xf32>
      %argmax3A_325 = tpu.reduce_index %select_n3A_324 {axis = 1 : i32, kind = #tpu.reduction_kind<arg_max>} : vector<512x1024xf32> -> vector<512xi32>
      %eq3A_326 = arith.constant 13 : i32
      %eq3A_327 = vector.broadcast %eq3A_326 : i32 to vector<512x20xi32>
      %eq3A_328 = arith.cmpi eq, %iota3A_60, %eq3A_327 : vector<512x20xi32>
      %broadcast_in_dim3A_329 = vector.shape_cast %argmax3A_325 : vector<512xi32> to vector<512x1xi32>
      %broadcast_in_dim3A_330 = vector.shape_cast %broadcast_in_dim3A_329 : vector<512x1xi32> to vector<512x1xi32>
      %broadcast_in_dim3A_331 = vector.broadcast %broadcast_in_dim3A_330 : vector<512x1xi32> to vector<512x20xi32>
      %select_n3A_332 = arith.select %eq3A_328, %broadcast_in_dim3A_331, %select_n3A_318 : vector<512x20xi1>, vector<512x20xi32>
      %broadcast_in_dim3A_333 = vector.shape_cast %argmax3A_325 : vector<512xi32> to vector<512x1xi32>
      %eq3A_334 = vector.broadcast %broadcast_in_dim3A_333 : vector<512x1xi32> to vector<512x1024xi32>
      %eq3A_335 = arith.cmpi eq, %iota3A_59, %eq3A_334 : vector<512x1024xi32>
      %jit3A_336 = arith.constant -1.000000e+30 : f32
      %broadcast_in_dim3A_337 = vector.broadcast %jit3A_336 : f32 to vector<512x1024xf32>
      %select_n3A_338 = arith.select %eq3A_335, %broadcast_in_dim3A_337, %select_n3A_324 : vector<512x1024xi1>, vector<512x1024xf32>
      %argmax3A_339 = tpu.reduce_index %select_n3A_338 {axis = 1 : i32, kind = #tpu.reduction_kind<arg_max>} : vector<512x1024xf32> -> vector<512xi32>
      %eq3A_340 = arith.constant 14 : i32
      %eq3A_341 = vector.broadcast %eq3A_340 : i32 to vector<512x20xi32>
      %eq3A_342 = arith.cmpi eq, %iota3A_60, %eq3A_341 : vector<512x20xi32>
      %broadcast_in_dim3A_343 = vector.shape_cast %argmax3A_339 : vector<512xi32> to vector<512x1xi32>
      %broadcast_in_dim3A_344 = vector.shape_cast %broadcast_in_dim3A_343 : vector<512x1xi32> to vector<512x1xi32>
      %broadcast_in_dim3A_345 = vector.broadcast %broadcast_in_dim3A_344 : vector<512x1xi32> to vector<512x20xi32>
      %select_n3A_346 = arith.select %eq3A_342, %broadcast_in_dim3A_345, %select_n3A_332 : vector<512x20xi1>, vector<512x20xi32>
      %broadcast_in_dim3A_347 = vector.shape_cast %argmax3A_339 : vector<512xi32> to vector<512x1xi32>
      %eq3A_348 = vector.broadcast %broadcast_in_dim3A_347 : vector<512x1xi32> to vector<512x1024xi32>
      %eq3A_349 = arith.cmpi eq, %iota3A_59, %eq3A_348 : vector<512x1024xi32>
      %jit3A_350 = arith.constant -1.000000e+30 : f32
      %broadcast_in_dim3A_351 = vector.broadcast %jit3A_350 : f32 to vector<512x1024xf32>
      %select_n3A_352 = arith.select %eq3A_349, %broadcast_in_dim3A_351, %select_n3A_338 : vector<512x1024xi1>, vector<512x1024xf32>
      %argmax3A_353 = tpu.reduce_index %select_n3A_352 {axis = 1 : i32, kind = #tpu.reduction_kind<arg_max>} : vector<512x1024xf32> -> vector<512xi32>
      %eq3A_354 = arith.constant 15 : i32
      %eq3A_355 = vector.broadcast %eq3A_354 : i32 to vector<512x20xi32>
      %eq3A_356 = arith.cmpi eq, %iota3A_60, %eq3A_355 : vector<512x20xi32>
      %broadcast_in_dim3A_357 = vector.shape_cast %argmax3A_353 : vector<512xi32> to vector<512x1xi32>
      %broadcast_in_dim3A_358 = vector.shape_cast %broadcast_in_dim3A_357 : vector<512x1xi32> to vector<512x1xi32>
      %broadcast_in_dim3A_359 = vector.broadcast %broadcast_in_dim3A_358 : vector<512x1xi32> to vector<512x20xi32>
      %select_n3A_360 = arith.select %eq3A_356, %broadcast_in_dim3A_359, %select_n3A_346 : vector<512x20xi1>, vector<512x20xi32>
      %broadcast_in_dim3A_361 = vector.shape_cast %argmax3A_353 : vector<512xi32> to vector<512x1xi32>
      %eq3A_362 = vector.broadcast %broadcast_in_dim3A_361 : vector<512x1xi32> to vector<512x1024xi32>
      %eq3A_363 = arith.cmpi eq, %iota3A_59, %eq3A_362 : vector<512x1024xi32>
      %jit3A_364 = arith.constant -1.000000e+30 : f32
      %broadcast_in_dim3A_365 = vector.broadcast %jit3A_364 : f32 to vector<512x1024xf32>
      %select_n3A_366 = arith.select %eq3A_363, %broadcast_in_dim3A_365, %select_n3A_352 : vector<512x1024xi1>, vector<512x1024xf32>
      %argmax3A_367 = tpu.reduce_index %select_n3A_366 {axis = 1 : i32, kind = #tpu.reduction_kind<arg_max>} : vector<512x1024xf32> -> vector<512xi32>
      %eq3A_368 = arith.constant 16 : i32
      %eq3A_369 = vector.broadcast %eq3A_368 : i32 to vector<512x20xi32>
      %eq3A_370 = arith.cmpi eq, %iota3A_60, %eq3A_369 : vector<512x20xi32>
      %broadcast_in_dim3A_371 = vector.shape_cast %argmax3A_367 : vector<512xi32> to vector<512x1xi32>
      %broadcast_in_dim3A_372 = vector.shape_cast %broadcast_in_dim3A_371 : vector<512x1xi32> to vector<512x1xi32>
      %broadcast_in_dim3A_373 = vector.broadcast %broadcast_in_dim3A_372 : vector<512x1xi32> to vector<512x20xi32>
      %select_n3A_374 = arith.select %eq3A_370, %broadcast_in_dim3A_373, %select_n3A_360 : vector<512x20xi1>, vector<512x20xi32>
      %broadcast_in_dim3A_375 = vector.shape_cast %argmax3A_367 : vector<512xi32> to vector<512x1xi32>
      %eq3A_376 = vector.broadcast %broadcast_in_dim3A_375 : vector<512x1xi32> to vector<512x1024xi32>
      %eq3A_377 = arith.cmpi eq, %iota3A_59, %eq3A_376 : vector<512x1024xi32>
      %jit3A_378 = arith.constant -1.000000e+30 : f32
      %broadcast_in_dim3A_379 = vector.broadcast %jit3A_378 : f32 to vector<512x1024xf32>
      %select_n3A_380 = arith.select %eq3A_377, %broadcast_in_dim3A_379, %select_n3A_366 : vector<512x1024xi1>, vector<512x1024xf32>
      %argmax3A_381 = tpu.reduce_index %select_n3A_380 {axis = 1 : i32, kind = #tpu.reduction_kind<arg_max>} : vector<512x1024xf32> -> vector<512xi32>
      %eq3A_382 = arith.constant 17 : i32
      %eq3A_383 = vector.broadcast %eq3A_382 : i32 to vector<512x20xi32>
      %eq3A_384 = arith.cmpi eq, %iota3A_60, %eq3A_383 : vector<512x20xi32>
      %broadcast_in_dim3A_385 = vector.shape_cast %argmax3A_381 : vector<512xi32> to vector<512x1xi32>
      %broadcast_in_dim3A_386 = vector.shape_cast %broadcast_in_dim3A_385 : vector<512x1xi32> to vector<512x1xi32>
      %broadcast_in_dim3A_387 = vector.broadcast %broadcast_in_dim3A_386 : vector<512x1xi32> to vector<512x20xi32>
      %select_n3A_388 = arith.select %eq3A_384, %broadcast_in_dim3A_387, %select_n3A_374 : vector<512x20xi1>, vector<512x20xi32>
      %broadcast_in_dim3A_389 = vector.shape_cast %argmax3A_381 : vector<512xi32> to vector<512x1xi32>
      %eq3A_390 = vector.broadcast %broadcast_in_dim3A_389 : vector<512x1xi32> to vector<512x1024xi32>
      %eq3A_391 = arith.cmpi eq, %iota3A_59, %eq3A_390 : vector<512x1024xi32>
      %jit3A_392 = arith.constant -1.000000e+30 : f32
      %broadcast_in_dim3A_393 = vector.broadcast %jit3A_392 : f32 to vector<512x1024xf32>
      %select_n3A_394 = arith.select %eq3A_391, %broadcast_in_dim3A_393, %select_n3A_380 : vector<512x1024xi1>, vector<512x1024xf32>
      %argmax3A_395 = tpu.reduce_index %select_n3A_394 {axis = 1 : i32, kind = #tpu.reduction_kind<arg_max>} : vector<512x1024xf32> -> vector<512xi32>
      %eq3A_396 = arith.constant 18 : i32
      %eq3A_397 = vector.broadcast %eq3A_396 : i32 to vector<512x20xi32>
      %eq3A_398 = arith.cmpi eq, %iota3A_60, %eq3A_397 : vector<512x20xi32>
      %broadcast_in_dim3A_399 = vector.shape_cast %argmax3A_395 : vector<512xi32> to vector<512x1xi32>
      %broadcast_in_dim3A_400 = vector.shape_cast %broadcast_in_dim3A_399 : vector<512x1xi32> to vector<512x1xi32>
      %broadcast_in_dim3A_401 = vector.broadcast %broadcast_in_dim3A_400 : vector<512x1xi32> to vector<512x20xi32>
      %select_n3A_402 = arith.select %eq3A_398, %broadcast_in_dim3A_401, %select_n3A_388 : vector<512x20xi1>, vector<512x20xi32>
      %broadcast_in_dim3A_403 = vector.shape_cast %argmax3A_395 : vector<512xi32> to vector<512x1xi32>
      %eq3A_404 = vector.broadcast %broadcast_in_dim3A_403 : vector<512x1xi32> to vector<512x1024xi32>
      %eq3A_405 = arith.cmpi eq, %iota3A_59, %eq3A_404 : vector<512x1024xi32>
      %jit3A_406 = arith.constant -1.000000e+30 : f32
      %broadcast_in_dim3A_407 = vector.broadcast %jit3A_406 : f32 to vector<512x1024xf32>
      %select_n3A_408 = arith.select %eq3A_405, %broadcast_in_dim3A_407, %select_n3A_394 : vector<512x1024xi1>, vector<512x1024xf32>
      %argmax3A_409 = tpu.reduce_index %select_n3A_408 {axis = 1 : i32, kind = #tpu.reduction_kind<arg_max>} : vector<512x1024xf32> -> vector<512xi32>
      %eq3A_410 = arith.constant 19 : i32
      %eq3A_411 = vector.broadcast %eq3A_410 : i32 to vector<512x20xi32>
      %eq3A_412 = arith.cmpi eq, %iota3A_60, %eq3A_411 : vector<512x20xi32>
      %broadcast_in_dim3A_413 = vector.shape_cast %argmax3A_409 : vector<512xi32> to vector<512x1xi32>
      %broadcast_in_dim3A_414 = vector.shape_cast %broadcast_in_dim3A_413 : vector<512x1xi32> to vector<512x1xi32>
      %broadcast_in_dim3A_415 = vector.broadcast %broadcast_in_dim3A_414 : vector<512x1xi32> to vector<512x20xi32>
      %select_n3A_416 = arith.select %eq3A_412, %broadcast_in_dim3A_415, %select_n3A_402 : vector<512x20xi1>, vector<512x20xi32>
      %add3A_417 = arith.constant 1024 : i32
      %add3A_418 = vector.broadcast %add3A_417 : i32 to vector<512x20xi32>
      %add3A_419 = arith.addi %select_n3A_416, %add3A_418 : vector<512x20xi32>
      %swap3A_420 = arith.constant 1 : index
      %swap3A_421 = arith.index_cast %mul3A_142 : i32 to index
      %swap3A_422 = arith.constant 0 : index
      %swap3A_423 = vector.load %arg3[%swap3A_420, %swap3A_421, %swap3A_422] : memref<4x1024x20xi32, #tpu.memory_space<vmem>>, vector<1x512x20xi32>
      %swap3A_424 = vector.shape_cast %swap3A_423 : vector<1x512x20xi32> to vector<512x20xi32>
      %swap3A_425 = vector.shape_cast %add3A_419 : vector<512x20xi32> to vector<1x512x20xi32>
      tpu.vector_store %arg3[%swap3A_420, %swap3A_421, %swap3A_422], %swap3A_425 {strides = array<i32>} : memref<4x1024x20xi32, #tpu.memory_space<vmem>>, vector<1x512x20xi32>,
    }
    %scan3A_65 = arith.constant 2 : i32
    %get3A_66 = arith.constant 2 : index
    %get3A_67 = arith.constant 0 : index
    %get3A_68 = arith.constant 0 : index
    %get3A_69 = vector.load %arg0[%get3A_66, %get3A_67, %get3A_68] : memref<4x1024x128xf32, #tpu.memory_space<vmem>>, vector<1x1024x128xf32>
    %get3A_70 = vector.shape_cast %get3A_69 : vector<1x1024x128xf32> to vector<1024x128xf32>
    %dot_general3A_71 = arith.constant dense<0.000000e+00> : vector<1024x1024xf32>
    %dot_general3A_72 = tpu.matmul %get3A_70, %get3A_70, %dot_general3A_71 {dimension_numbers = #tpu.dot_dimension_numbers<[1], [1], [0], [0], [0, 0, 1, 0], [], []>, transpose_lhs_hint = false} : vector<1024x128xf32>, vector<1024x128xf32>, vector<1024x1024xf32> -> vector<1024x1024xf32>
    %get3A_73 = arith.constant 2 : index
    %get3A_74 = arith.constant 0 : index
    %get3A_75 = arith.constant 0 : index
    %get3A_76 = vector.load %arg1[%get3A_73, %get3A_74, %get3A_75] : memref<4x1024x1xf32, #tpu.memory_space<vmem>>, vector<1x1024x1xf32>
    %get3A_77 = vector.shape_cast %get3A_76 : vector<1x1024x1xf32> to vector<1024x1xf32>
    %sub3A_78 = arith.constant 0.000000e+00 : f32
    %sub3A_79 = vector.broadcast %sub3A_78 : f32 to vector<1024x1xf32>
    %sub3A_80 = arith.subf %sub3A_79, %get3A_77 : vector<1024x1xf32>
    %mul3A_81 = arith.constant 2.000000e+00 : f32
    %mul3A_82 = vector.broadcast %mul3A_81 : f32 to vector<1024x1024xf32>
    %mul3A_83 = arith.mulf %mul3A_82, %dot_general3A_72 : vector<1024x1024xf32>
    %add3A_84 = vector.broadcast %sub3A_80 : vector<1024x1xf32> to vector<1024x1024xf32>
    %add3A_85 = arith.addf %add3A_84, %mul3A_83 : vector<1024x1024xf32>
    %get3A_86 = arith.constant 2 : index
    %get3A_87 = arith.constant 0 : index
    %get3A_88 = arith.constant 0 : index
    %get3A_89 = vector.load %arg2[%get3A_86, %get3A_87, %get3A_88] : memref<4x1x1024xf32, #tpu.memory_space<vmem>>, vector<1x1x1024xf32>
    %get3A_90 = vector.shape_cast %get3A_89 : vector<1x1x1024xf32> to vector<1x1024xf32>
    %sub3A_91 = vector.broadcast %get3A_90 : vector<1x1024xf32> to vector<1024x1024xf32>
    %sub3A_92 = arith.subf %add3A_85, %sub3A_91 : vector<1024x1024xf32>
    %swap3A_93 = arith.constant 0 : index
    %swap3A_94 = arith.constant 0 : index
    %swap3A_95 = vector.load %arg4[%swap3A_93, %swap3A_94] : memref<1024x1024xf32, #tpu.memory_space<vmem>>, vector<1024x1024xf32>
    tpu.vector_store %arg4[%swap3A_93, %swap3A_94], %sub3A_92 {strides = array<i32>} : memref<1024x1024xf32, #tpu.memory_space<vmem>>, vector<1024x1024xf32>,
    %iota3A_96 = tpu.iota {dimensions = array<i32: 1>} : vector<512x1024xi32>
    %iota3A_97 = tpu.iota {dimensions = array<i32: 1>} : vector<512x20xi32>
    %scan3A_98 = arith.constant 0 : i32
    %scan3A_99 = arith.constant 2 : i32
    %scan3A_100 = arith.addi %scan3A_98, %scan3A_99 : i32
    %scan3A_101 = arith.constant 1 : i32
    scf.for %scan3A_140 = %scan3A_98 to %scan3A_100 step %scan3A_101  : i32 {
      %mul3A_141 = arith.constant 512 : i32
      %mul3A_142 = arith.muli %scan3A_140, %mul3A_141 : i32
      %get3A_143 = arith.index_cast %mul3A_142 : i32 to index
      %get3A_144 = arith.constant 0 : index
      %get3A_145 = vector.load %arg4[%get3A_143, %get3A_144] : memref<1024x1024xf32, #tpu.memory_space<vmem>>, vector<512x1024xf32>
      %broadcast_in_dim3A = arith.constant 0 : i32
      %broadcast_in_dim3A_146 = vector.broadcast %broadcast_in_dim3A : i32 to vector<512x20xi32>
      %argmax3A = tpu.reduce_index %get3A_145 {axis = 1 : i32, kind = #tpu.reduction_kind<arg_max>} : vector<512x1024xf32> -> vector<512xi32>
      %eq3A = arith.constant 0 : i32
      %eq3A_147 = vector.broadcast %eq3A : i32 to vector<512x20xi32>
      %eq3A_148 = arith.cmpi eq, %iota3A_97, %eq3A_147 : vector<512x20xi32>
      %broadcast_in_dim3A_149 = vector.shape_cast %argmax3A : vector<512xi32> to vector<512x1xi32>
      %broadcast_in_dim3A_150 = vector.shape_cast %broadcast_in_dim3A_149 : vector<512x1xi32> to vector<512x1xi32>
      %broadcast_in_dim3A_151 = vector.broadcast %broadcast_in_dim3A_150 : vector<512x1xi32> to vector<512x20xi32>
      %select_n3A = arith.select %eq3A_148, %broadcast_in_dim3A_151, %broadcast_in_dim3A_146 : vector<512x20xi1>, vector<512x20xi32>
      %broadcast_in_dim3A_152 = vector.shape_cast %argmax3A : vector<512xi32> to vector<512x1xi32>
      %eq3A_153 = vector.broadcast %broadcast_in_dim3A_152 : vector<512x1xi32> to vector<512x1024xi32>
      %eq3A_154 = arith.cmpi eq, %iota3A_96, %eq3A_153 : vector<512x1024xi32>
      %jit3A = arith.constant -1.000000e+30 : f32
      %broadcast_in_dim3A_155 = vector.broadcast %jit3A : f32 to vector<512x1024xf32>
      %select_n3A_156 = arith.select %eq3A_154, %broadcast_in_dim3A_155, %get3A_145 : vector<512x1024xi1>, vector<512x1024xf32>
      %argmax3A_157 = tpu.reduce_index %select_n3A_156 {axis = 1 : i32, kind = #tpu.reduction_kind<arg_max>} : vector<512x1024xf32> -> vector<512xi32>
      %eq3A_158 = arith.constant 1 : i32
      %eq3A_159 = vector.broadcast %eq3A_158 : i32 to vector<512x20xi32>
      %eq3A_160 = arith.cmpi eq, %iota3A_97, %eq3A_159 : vector<512x20xi32>
      %broadcast_in_dim3A_161 = vector.shape_cast %argmax3A_157 : vector<512xi32> to vector<512x1xi32>
      %broadcast_in_dim3A_162 = vector.shape_cast %broadcast_in_dim3A_161 : vector<512x1xi32> to vector<512x1xi32>
      %broadcast_in_dim3A_163 = vector.broadcast %broadcast_in_dim3A_162 : vector<512x1xi32> to vector<512x20xi32>
      %select_n3A_164 = arith.select %eq3A_160, %broadcast_in_dim3A_163, %select_n3A : vector<512x20xi1>, vector<512x20xi32>
      %broadcast_in_dim3A_165 = vector.shape_cast %argmax3A_157 : vector<512xi32> to vector<512x1xi32>
      %eq3A_166 = vector.broadcast %broadcast_in_dim3A_165 : vector<512x1xi32> to vector<512x1024xi32>
      %eq3A_167 = arith.cmpi eq, %iota3A_96, %eq3A_166 : vector<512x1024xi32>
      %jit3A_168 = arith.constant -1.000000e+30 : f32
      %broadcast_in_dim3A_169 = vector.broadcast %jit3A_168 : f32 to vector<512x1024xf32>
      %select_n3A_170 = arith.select %eq3A_167, %broadcast_in_dim3A_169, %select_n3A_156 : vector<512x1024xi1>, vector<512x1024xf32>
      %argmax3A_171 = tpu.reduce_index %select_n3A_170 {axis = 1 : i32, kind = #tpu.reduction_kind<arg_max>} : vector<512x1024xf32> -> vector<512xi32>
      %eq3A_172 = arith.constant 2 : i32
      %eq3A_173 = vector.broadcast %eq3A_172 : i32 to vector<512x20xi32>
      %eq3A_174 = arith.cmpi eq, %iota3A_97, %eq3A_173 : vector<512x20xi32>
      %broadcast_in_dim3A_175 = vector.shape_cast %argmax3A_171 : vector<512xi32> to vector<512x1xi32>
      %broadcast_in_dim3A_176 = vector.shape_cast %broadcast_in_dim3A_175 : vector<512x1xi32> to vector<512x1xi32>
      %broadcast_in_dim3A_177 = vector.broadcast %broadcast_in_dim3A_176 : vector<512x1xi32> to vector<512x20xi32>
      %select_n3A_178 = arith.select %eq3A_174, %broadcast_in_dim3A_177, %select_n3A_164 : vector<512x20xi1>, vector<512x20xi32>
      %broadcast_in_dim3A_179 = vector.shape_cast %argmax3A_171 : vector<512xi32> to vector<512x1xi32>
      %eq3A_180 = vector.broadcast %broadcast_in_dim3A_179 : vector<512x1xi32> to vector<512x1024xi32>
      %eq3A_181 = arith.cmpi eq, %iota3A_96, %eq3A_180 : vector<512x1024xi32>
      %jit3A_182 = arith.constant -1.000000e+30 : f32
      %broadcast_in_dim3A_183 = vector.broadcast %jit3A_182 : f32 to vector<512x1024xf32>
      %select_n3A_184 = arith.select %eq3A_181, %broadcast_in_dim3A_183, %select_n3A_170 : vector<512x1024xi1>, vector<512x1024xf32>
      %argmax3A_185 = tpu.reduce_index %select_n3A_184 {axis = 1 : i32, kind = #tpu.reduction_kind<arg_max>} : vector<512x1024xf32> -> vector<512xi32>
      %eq3A_186 = arith.constant 3 : i32
      %eq3A_187 = vector.broadcast %eq3A_186 : i32 to vector<512x20xi32>
      %eq3A_188 = arith.cmpi eq, %iota3A_97, %eq3A_187 : vector<512x20xi32>
      %broadcast_in_dim3A_189 = vector.shape_cast %argmax3A_185 : vector<512xi32> to vector<512x1xi32>
      %broadcast_in_dim3A_190 = vector.shape_cast %broadcast_in_dim3A_189 : vector<512x1xi32> to vector<512x1xi32>
      %broadcast_in_dim3A_191 = vector.broadcast %broadcast_in_dim3A_190 : vector<512x1xi32> to vector<512x20xi32>
      %select_n3A_192 = arith.select %eq3A_188, %broadcast_in_dim3A_191, %select_n3A_178 : vector<512x20xi1>, vector<512x20xi32>
      %broadcast_in_dim3A_193 = vector.shape_cast %argmax3A_185 : vector<512xi32> to vector<512x1xi32>
      %eq3A_194 = vector.broadcast %broadcast_in_dim3A_193 : vector<512x1xi32> to vector<512x1024xi32>
      %eq3A_195 = arith.cmpi eq, %iota3A_96, %eq3A_194 : vector<512x1024xi32>
      %jit3A_196 = arith.constant -1.000000e+30 : f32
      %broadcast_in_dim3A_197 = vector.broadcast %jit3A_196 : f32 to vector<512x1024xf32>
      %select_n3A_198 = arith.select %eq3A_195, %broadcast_in_dim3A_197, %select_n3A_184 : vector<512x1024xi1>, vector<512x1024xf32>
      %argmax3A_199 = tpu.reduce_index %select_n3A_198 {axis = 1 : i32, kind = #tpu.reduction_kind<arg_max>} : vector<512x1024xf32> -> vector<512xi32>
      %eq3A_200 = arith.constant 4 : i32
      %eq3A_201 = vector.broadcast %eq3A_200 : i32 to vector<512x20xi32>
      %eq3A_202 = arith.cmpi eq, %iota3A_97, %eq3A_201 : vector<512x20xi32>
      %broadcast_in_dim3A_203 = vector.shape_cast %argmax3A_199 : vector<512xi32> to vector<512x1xi32>
      %broadcast_in_dim3A_204 = vector.shape_cast %broadcast_in_dim3A_203 : vector<512x1xi32> to vector<512x1xi32>
      %broadcast_in_dim3A_205 = vector.broadcast %broadcast_in_dim3A_204 : vector<512x1xi32> to vector<512x20xi32>
      %select_n3A_206 = arith.select %eq3A_202, %broadcast_in_dim3A_205, %select_n3A_192 : vector<512x20xi1>, vector<512x20xi32>
      %broadcast_in_dim3A_207 = vector.shape_cast %argmax3A_199 : vector<512xi32> to vector<512x1xi32>
      %eq3A_208 = vector.broadcast %broadcast_in_dim3A_207 : vector<512x1xi32> to vector<512x1024xi32>
      %eq3A_209 = arith.cmpi eq, %iota3A_96, %eq3A_208 : vector<512x1024xi32>
      %jit3A_210 = arith.constant -1.000000e+30 : f32
      %broadcast_in_dim3A_211 = vector.broadcast %jit3A_210 : f32 to vector<512x1024xf32>
      %select_n3A_212 = arith.select %eq3A_209, %broadcast_in_dim3A_211, %select_n3A_198 : vector<512x1024xi1>, vector<512x1024xf32>
      %argmax3A_213 = tpu.reduce_index %select_n3A_212 {axis = 1 : i32, kind = #tpu.reduction_kind<arg_max>} : vector<512x1024xf32> -> vector<512xi32>
      %eq3A_214 = arith.constant 5 : i32
      %eq3A_215 = vector.broadcast %eq3A_214 : i32 to vector<512x20xi32>
      %eq3A_216 = arith.cmpi eq, %iota3A_97, %eq3A_215 : vector<512x20xi32>
      %broadcast_in_dim3A_217 = vector.shape_cast %argmax3A_213 : vector<512xi32> to vector<512x1xi32>
      %broadcast_in_dim3A_218 = vector.shape_cast %broadcast_in_dim3A_217 : vector<512x1xi32> to vector<512x1xi32>
      %broadcast_in_dim3A_219 = vector.broadcast %broadcast_in_dim3A_218 : vector<512x1xi32> to vector<512x20xi32>
      %select_n3A_220 = arith.select %eq3A_216, %broadcast_in_dim3A_219, %select_n3A_206 : vector<512x20xi1>, vector<512x20xi32>
      %broadcast_in_dim3A_221 = vector.shape_cast %argmax3A_213 : vector<512xi32> to vector<512x1xi32>
      %eq3A_222 = vector.broadcast %broadcast_in_dim3A_221 : vector<512x1xi32> to vector<512x1024xi32>
      %eq3A_223 = arith.cmpi eq, %iota3A_96, %eq3A_222 : vector<512x1024xi32>
      %jit3A_224 = arith.constant -1.000000e+30 : f32
      %broadcast_in_dim3A_225 = vector.broadcast %jit3A_224 : f32 to vector<512x1024xf32>
      %select_n3A_226 = arith.select %eq3A_223, %broadcast_in_dim3A_225, %select_n3A_212 : vector<512x1024xi1>, vector<512x1024xf32>
      %argmax3A_227 = tpu.reduce_index %select_n3A_226 {axis = 1 : i32, kind = #tpu.reduction_kind<arg_max>} : vector<512x1024xf32> -> vector<512xi32>
      %eq3A_228 = arith.constant 6 : i32
      %eq3A_229 = vector.broadcast %eq3A_228 : i32 to vector<512x20xi32>
      %eq3A_230 = arith.cmpi eq, %iota3A_97, %eq3A_229 : vector<512x20xi32>
      %broadcast_in_dim3A_231 = vector.shape_cast %argmax3A_227 : vector<512xi32> to vector<512x1xi32>
      %broadcast_in_dim3A_232 = vector.shape_cast %broadcast_in_dim3A_231 : vector<512x1xi32> to vector<512x1xi32>
      %broadcast_in_dim3A_233 = vector.broadcast %broadcast_in_dim3A_232 : vector<512x1xi32> to vector<512x20xi32>
      %select_n3A_234 = arith.select %eq3A_230, %broadcast_in_dim3A_233, %select_n3A_220 : vector<512x20xi1>, vector<512x20xi32>
      %broadcast_in_dim3A_235 = vector.shape_cast %argmax3A_227 : vector<512xi32> to vector<512x1xi32>
      %eq3A_236 = vector.broadcast %broadcast_in_dim3A_235 : vector<512x1xi32> to vector<512x1024xi32>
      %eq3A_237 = arith.cmpi eq, %iota3A_96, %eq3A_236 : vector<512x1024xi32>
      %jit3A_238 = arith.constant -1.000000e+30 : f32
      %broadcast_in_dim3A_239 = vector.broadcast %jit3A_238 : f32 to vector<512x1024xf32>
      %select_n3A_240 = arith.select %eq3A_237, %broadcast_in_dim3A_239, %select_n3A_226 : vector<512x1024xi1>, vector<512x1024xf32>
      %argmax3A_241 = tpu.reduce_index %select_n3A_240 {axis = 1 : i32, kind = #tpu.reduction_kind<arg_max>} : vector<512x1024xf32> -> vector<512xi32>
      %eq3A_242 = arith.constant 7 : i32
      %eq3A_243 = vector.broadcast %eq3A_242 : i32 to vector<512x20xi32>
      %eq3A_244 = arith.cmpi eq, %iota3A_97, %eq3A_243 : vector<512x20xi32>
      %broadcast_in_dim3A_245 = vector.shape_cast %argmax3A_241 : vector<512xi32> to vector<512x1xi32>
      %broadcast_in_dim3A_246 = vector.shape_cast %broadcast_in_dim3A_245 : vector<512x1xi32> to vector<512x1xi32>
      %broadcast_in_dim3A_247 = vector.broadcast %broadcast_in_dim3A_246 : vector<512x1xi32> to vector<512x20xi32>
      %select_n3A_248 = arith.select %eq3A_244, %broadcast_in_dim3A_247, %select_n3A_234 : vector<512x20xi1>, vector<512x20xi32>
      %broadcast_in_dim3A_249 = vector.shape_cast %argmax3A_241 : vector<512xi32> to vector<512x1xi32>
      %eq3A_250 = vector.broadcast %broadcast_in_dim3A_249 : vector<512x1xi32> to vector<512x1024xi32>
      %eq3A_251 = arith.cmpi eq, %iota3A_96, %eq3A_250 : vector<512x1024xi32>
      %jit3A_252 = arith.constant -1.000000e+30 : f32
      %broadcast_in_dim3A_253 = vector.broadcast %jit3A_252 : f32 to vector<512x1024xf32>
      %select_n3A_254 = arith.select %eq3A_251, %broadcast_in_dim3A_253, %select_n3A_240 : vector<512x1024xi1>, vector<512x1024xf32>
      %argmax3A_255 = tpu.reduce_index %select_n3A_254 {axis = 1 : i32, kind = #tpu.reduction_kind<arg_max>} : vector<512x1024xf32> -> vector<512xi32>
      %eq3A_256 = arith.constant 8 : i32
      %eq3A_257 = vector.broadcast %eq3A_256 : i32 to vector<512x20xi32>
      %eq3A_258 = arith.cmpi eq, %iota3A_97, %eq3A_257 : vector<512x20xi32>
      %broadcast_in_dim3A_259 = vector.shape_cast %argmax3A_255 : vector<512xi32> to vector<512x1xi32>
      %broadcast_in_dim3A_260 = vector.shape_cast %broadcast_in_dim3A_259 : vector<512x1xi32> to vector<512x1xi32>
      %broadcast_in_dim3A_261 = vector.broadcast %broadcast_in_dim3A_260 : vector<512x1xi32> to vector<512x20xi32>
      %select_n3A_262 = arith.select %eq3A_258, %broadcast_in_dim3A_261, %select_n3A_248 : vector<512x20xi1>, vector<512x20xi32>
      %broadcast_in_dim3A_263 = vector.shape_cast %argmax3A_255 : vector<512xi32> to vector<512x1xi32>
      %eq3A_264 = vector.broadcast %broadcast_in_dim3A_263 : vector<512x1xi32> to vector<512x1024xi32>
      %eq3A_265 = arith.cmpi eq, %iota3A_96, %eq3A_264 : vector<512x1024xi32>
      %jit3A_266 = arith.constant -1.000000e+30 : f32
      %broadcast_in_dim3A_267 = vector.broadcast %jit3A_266 : f32 to vector<512x1024xf32>
      %select_n3A_268 = arith.select %eq3A_265, %broadcast_in_dim3A_267, %select_n3A_254 : vector<512x1024xi1>, vector<512x1024xf32>
      %argmax3A_269 = tpu.reduce_index %select_n3A_268 {axis = 1 : i32, kind = #tpu.reduction_kind<arg_max>} : vector<512x1024xf32> -> vector<512xi32>
      %eq3A_270 = arith.constant 9 : i32
      %eq3A_271 = vector.broadcast %eq3A_270 : i32 to vector<512x20xi32>
      %eq3A_272 = arith.cmpi eq, %iota3A_97, %eq3A_271 : vector<512x20xi32>
      %broadcast_in_dim3A_273 = vector.shape_cast %argmax3A_269 : vector<512xi32> to vector<512x1xi32>
      %broadcast_in_dim3A_274 = vector.shape_cast %broadcast_in_dim3A_273 : vector<512x1xi32> to vector<512x1xi32>
      %broadcast_in_dim3A_275 = vector.broadcast %broadcast_in_dim3A_274 : vector<512x1xi32> to vector<512x20xi32>
      %select_n3A_276 = arith.select %eq3A_272, %broadcast_in_dim3A_275, %select_n3A_262 : vector<512x20xi1>, vector<512x20xi32>
      %broadcast_in_dim3A_277 = vector.shape_cast %argmax3A_269 : vector<512xi32> to vector<512x1xi32>
      %eq3A_278 = vector.broadcast %broadcast_in_dim3A_277 : vector<512x1xi32> to vector<512x1024xi32>
      %eq3A_279 = arith.cmpi eq, %iota3A_96, %eq3A_278 : vector<512x1024xi32>
      %jit3A_280 = arith.constant -1.000000e+30 : f32
      %broadcast_in_dim3A_281 = vector.broadcast %jit3A_280 : f32 to vector<512x1024xf32>
      %select_n3A_282 = arith.select %eq3A_279, %broadcast_in_dim3A_281, %select_n3A_268 : vector<512x1024xi1>, vector<512x1024xf32>
      %argmax3A_283 = tpu.reduce_index %select_n3A_282 {axis = 1 : i32, kind = #tpu.reduction_kind<arg_max>} : vector<512x1024xf32> -> vector<512xi32>
      %eq3A_284 = arith.constant 10 : i32
      %eq3A_285 = vector.broadcast %eq3A_284 : i32 to vector<512x20xi32>
      %eq3A_286 = arith.cmpi eq, %iota3A_97, %eq3A_285 : vector<512x20xi32>
      %broadcast_in_dim3A_287 = vector.shape_cast %argmax3A_283 : vector<512xi32> to vector<512x1xi32>
      %broadcast_in_dim3A_288 = vector.shape_cast %broadcast_in_dim3A_287 : vector<512x1xi32> to vector<512x1xi32>
      %broadcast_in_dim3A_289 = vector.broadcast %broadcast_in_dim3A_288 : vector<512x1xi32> to vector<512x20xi32>
      %select_n3A_290 = arith.select %eq3A_286, %broadcast_in_dim3A_289, %select_n3A_276 : vector<512x20xi1>, vector<512x20xi32>
      %broadcast_in_dim3A_291 = vector.shape_cast %argmax3A_283 : vector<512xi32> to vector<512x1xi32>
      %eq3A_292 = vector.broadcast %broadcast_in_dim3A_291 : vector<512x1xi32> to vector<512x1024xi32>
      %eq3A_293 = arith.cmpi eq, %iota3A_96, %eq3A_292 : vector<512x1024xi32>
      %jit3A_294 = arith.constant -1.000000e+30 : f32
      %broadcast_in_dim3A_295 = vector.broadcast %jit3A_294 : f32 to vector<512x1024xf32>
      %select_n3A_296 = arith.select %eq3A_293, %broadcast_in_dim3A_295, %select_n3A_282 : vector<512x1024xi1>, vector<512x1024xf32>
      %argmax3A_297 = tpu.reduce_index %select_n3A_296 {axis = 1 : i32, kind = #tpu.reduction_kind<arg_max>} : vector<512x1024xf32> -> vector<512xi32>
      %eq3A_298 = arith.constant 11 : i32
      %eq3A_299 = vector.broadcast %eq3A_298 : i32 to vector<512x20xi32>
      %eq3A_300 = arith.cmpi eq, %iota3A_97, %eq3A_299 : vector<512x20xi32>
      %broadcast_in_dim3A_301 = vector.shape_cast %argmax3A_297 : vector<512xi32> to vector<512x1xi32>
      %broadcast_in_dim3A_302 = vector.shape_cast %broadcast_in_dim3A_301 : vector<512x1xi32> to vector<512x1xi32>
      %broadcast_in_dim3A_303 = vector.broadcast %broadcast_in_dim3A_302 : vector<512x1xi32> to vector<512x20xi32>
      %select_n3A_304 = arith.select %eq3A_300, %broadcast_in_dim3A_303, %select_n3A_290 : vector<512x20xi1>, vector<512x20xi32>
      %broadcast_in_dim3A_305 = vector.shape_cast %argmax3A_297 : vector<512xi32> to vector<512x1xi32>
      %eq3A_306 = vector.broadcast %broadcast_in_dim3A_305 : vector<512x1xi32> to vector<512x1024xi32>
      %eq3A_307 = arith.cmpi eq, %iota3A_96, %eq3A_306 : vector<512x1024xi32>
      %jit3A_308 = arith.constant -1.000000e+30 : f32
      %broadcast_in_dim3A_309 = vector.broadcast %jit3A_308 : f32 to vector<512x1024xf32>
      %select_n3A_310 = arith.select %eq3A_307, %broadcast_in_dim3A_309, %select_n3A_296 : vector<512x1024xi1>, vector<512x1024xf32>
      %argmax3A_311 = tpu.reduce_index %select_n3A_310 {axis = 1 : i32, kind = #tpu.reduction_kind<arg_max>} : vector<512x1024xf32> -> vector<512xi32>
      %eq3A_312 = arith.constant 12 : i32
      %eq3A_313 = vector.broadcast %eq3A_312 : i32 to vector<512x20xi32>
      %eq3A_314 = arith.cmpi eq, %iota3A_97, %eq3A_313 : vector<512x20xi32>
      %broadcast_in_dim3A_315 = vector.shape_cast %argmax3A_311 : vector<512xi32> to vector<512x1xi32>
      %broadcast_in_dim3A_316 = vector.shape_cast %broadcast_in_dim3A_315 : vector<512x1xi32> to vector<512x1xi32>
      %broadcast_in_dim3A_317 = vector.broadcast %broadcast_in_dim3A_316 : vector<512x1xi32> to vector<512x20xi32>
      %select_n3A_318 = arith.select %eq3A_314, %broadcast_in_dim3A_317, %select_n3A_304 : vector<512x20xi1>, vector<512x20xi32>
      %broadcast_in_dim3A_319 = vector.shape_cast %argmax3A_311 : vector<512xi32> to vector<512x1xi32>
      %eq3A_320 = vector.broadcast %broadcast_in_dim3A_319 : vector<512x1xi32> to vector<512x1024xi32>
      %eq3A_321 = arith.cmpi eq, %iota3A_96, %eq3A_320 : vector<512x1024xi32>
      %jit3A_322 = arith.constant -1.000000e+30 : f32
      %broadcast_in_dim3A_323 = vector.broadcast %jit3A_322 : f32 to vector<512x1024xf32>
      %select_n3A_324 = arith.select %eq3A_321, %broadcast_in_dim3A_323, %select_n3A_310 : vector<512x1024xi1>, vector<512x1024xf32>
      %argmax3A_325 = tpu.reduce_index %select_n3A_324 {axis = 1 : i32, kind = #tpu.reduction_kind<arg_max>} : vector<512x1024xf32> -> vector<512xi32>
      %eq3A_326 = arith.constant 13 : i32
      %eq3A_327 = vector.broadcast %eq3A_326 : i32 to vector<512x20xi32>
      %eq3A_328 = arith.cmpi eq, %iota3A_97, %eq3A_327 : vector<512x20xi32>
      %broadcast_in_dim3A_329 = vector.shape_cast %argmax3A_325 : vector<512xi32> to vector<512x1xi32>
      %broadcast_in_dim3A_330 = vector.shape_cast %broadcast_in_dim3A_329 : vector<512x1xi32> to vector<512x1xi32>
      %broadcast_in_dim3A_331 = vector.broadcast %broadcast_in_dim3A_330 : vector<512x1xi32> to vector<512x20xi32>
      %select_n3A_332 = arith.select %eq3A_328, %broadcast_in_dim3A_331, %select_n3A_318 : vector<512x20xi1>, vector<512x20xi32>
      %broadcast_in_dim3A_333 = vector.shape_cast %argmax3A_325 : vector<512xi32> to vector<512x1xi32>
      %eq3A_334 = vector.broadcast %broadcast_in_dim3A_333 : vector<512x1xi32> to vector<512x1024xi32>
      %eq3A_335 = arith.cmpi eq, %iota3A_96, %eq3A_334 : vector<512x1024xi32>
      %jit3A_336 = arith.constant -1.000000e+30 : f32
      %broadcast_in_dim3A_337 = vector.broadcast %jit3A_336 : f32 to vector<512x1024xf32>
      %select_n3A_338 = arith.select %eq3A_335, %broadcast_in_dim3A_337, %select_n3A_324 : vector<512x1024xi1>, vector<512x1024xf32>
      %argmax3A_339 = tpu.reduce_index %select_n3A_338 {axis = 1 : i32, kind = #tpu.reduction_kind<arg_max>} : vector<512x1024xf32> -> vector<512xi32>
      %eq3A_340 = arith.constant 14 : i32
      %eq3A_341 = vector.broadcast %eq3A_340 : i32 to vector<512x20xi32>
      %eq3A_342 = arith.cmpi eq, %iota3A_97, %eq3A_341 : vector<512x20xi32>
      %broadcast_in_dim3A_343 = vector.shape_cast %argmax3A_339 : vector<512xi32> to vector<512x1xi32>
      %broadcast_in_dim3A_344 = vector.shape_cast %broadcast_in_dim3A_343 : vector<512x1xi32> to vector<512x1xi32>
      %broadcast_in_dim3A_345 = vector.broadcast %broadcast_in_dim3A_344 : vector<512x1xi32> to vector<512x20xi32>
      %select_n3A_346 = arith.select %eq3A_342, %broadcast_in_dim3A_345, %select_n3A_332 : vector<512x20xi1>, vector<512x20xi32>
      %broadcast_in_dim3A_347 = vector.shape_cast %argmax3A_339 : vector<512xi32> to vector<512x1xi32>
      %eq3A_348 = vector.broadcast %broadcast_in_dim3A_347 : vector<512x1xi32> to vector<512x1024xi32>
      %eq3A_349 = arith.cmpi eq, %iota3A_96, %eq3A_348 : vector<512x1024xi32>
      %jit3A_350 = arith.constant -1.000000e+30 : f32
      %broadcast_in_dim3A_351 = vector.broadcast %jit3A_350 : f32 to vector<512x1024xf32>
      %select_n3A_352 = arith.select %eq3A_349, %broadcast_in_dim3A_351, %select_n3A_338 : vector<512x1024xi1>, vector<512x1024xf32>
      %argmax3A_353 = tpu.reduce_index %select_n3A_352 {axis = 1 : i32, kind = #tpu.reduction_kind<arg_max>} : vector<512x1024xf32> -> vector<512xi32>
      %eq3A_354 = arith.constant 15 : i32
      %eq3A_355 = vector.broadcast %eq3A_354 : i32 to vector<512x20xi32>
      %eq3A_356 = arith.cmpi eq, %iota3A_97, %eq3A_355 : vector<512x20xi32>
      %broadcast_in_dim3A_357 = vector.shape_cast %argmax3A_353 : vector<512xi32> to vector<512x1xi32>
      %broadcast_in_dim3A_358 = vector.shape_cast %broadcast_in_dim3A_357 : vector<512x1xi32> to vector<512x1xi32>
      %broadcast_in_dim3A_359 = vector.broadcast %broadcast_in_dim3A_358 : vector<512x1xi32> to vector<512x20xi32>
      %select_n3A_360 = arith.select %eq3A_356, %broadcast_in_dim3A_359, %select_n3A_346 : vector<512x20xi1>, vector<512x20xi32>
      %broadcast_in_dim3A_361 = vector.shape_cast %argmax3A_353 : vector<512xi32> to vector<512x1xi32>
      %eq3A_362 = vector.broadcast %broadcast_in_dim3A_361 : vector<512x1xi32> to vector<512x1024xi32>
      %eq3A_363 = arith.cmpi eq, %iota3A_96, %eq3A_362 : vector<512x1024xi32>
      %jit3A_364 = arith.constant -1.000000e+30 : f32
      %broadcast_in_dim3A_365 = vector.broadcast %jit3A_364 : f32 to vector<512x1024xf32>
      %select_n3A_366 = arith.select %eq3A_363, %broadcast_in_dim3A_365, %select_n3A_352 : vector<512x1024xi1>, vector<512x1024xf32>
      %argmax3A_367 = tpu.reduce_index %select_n3A_366 {axis = 1 : i32, kind = #tpu.reduction_kind<arg_max>} : vector<512x1024xf32> -> vector<512xi32>
      %eq3A_368 = arith.constant 16 : i32
      %eq3A_369 = vector.broadcast %eq3A_368 : i32 to vector<512x20xi32>
      %eq3A_370 = arith.cmpi eq, %iota3A_97, %eq3A_369 : vector<512x20xi32>
      %broadcast_in_dim3A_371 = vector.shape_cast %argmax3A_367 : vector<512xi32> to vector<512x1xi32>
      %broadcast_in_dim3A_372 = vector.shape_cast %broadcast_in_dim3A_371 : vector<512x1xi32> to vector<512x1xi32>
      %broadcast_in_dim3A_373 = vector.broadcast %broadcast_in_dim3A_372 : vector<512x1xi32> to vector<512x20xi32>
      %select_n3A_374 = arith.select %eq3A_370, %broadcast_in_dim3A_373, %select_n3A_360 : vector<512x20xi1>, vector<512x20xi32>
      %broadcast_in_dim3A_375 = vector.shape_cast %argmax3A_367 : vector<512xi32> to vector<512x1xi32>
      %eq3A_376 = vector.broadcast %broadcast_in_dim3A_375 : vector<512x1xi32> to vector<512x1024xi32>
      %eq3A_377 = arith.cmpi eq, %iota3A_96, %eq3A_376 : vector<512x1024xi32>
      %jit3A_378 = arith.constant -1.000000e+30 : f32
      %broadcast_in_dim3A_379 = vector.broadcast %jit3A_378 : f32 to vector<512x1024xf32>
      %select_n3A_380 = arith.select %eq3A_377, %broadcast_in_dim3A_379, %select_n3A_366 : vector<512x1024xi1>, vector<512x1024xf32>
      %argmax3A_381 = tpu.reduce_index %select_n3A_380 {axis = 1 : i32, kind = #tpu.reduction_kind<arg_max>} : vector<512x1024xf32> -> vector<512xi32>
      %eq3A_382 = arith.constant 17 : i32
      %eq3A_383 = vector.broadcast %eq3A_382 : i32 to vector<512x20xi32>
      %eq3A_384 = arith.cmpi eq, %iota3A_97, %eq3A_383 : vector<512x20xi32>
      %broadcast_in_dim3A_385 = vector.shape_cast %argmax3A_381 : vector<512xi32> to vector<512x1xi32>
      %broadcast_in_dim3A_386 = vector.shape_cast %broadcast_in_dim3A_385 : vector<512x1xi32> to vector<512x1xi32>
      %broadcast_in_dim3A_387 = vector.broadcast %broadcast_in_dim3A_386 : vector<512x1xi32> to vector<512x20xi32>
      %select_n3A_388 = arith.select %eq3A_384, %broadcast_in_dim3A_387, %select_n3A_374 : vector<512x20xi1>, vector<512x20xi32>
      %broadcast_in_dim3A_389 = vector.shape_cast %argmax3A_381 : vector<512xi32> to vector<512x1xi32>
      %eq3A_390 = vector.broadcast %broadcast_in_dim3A_389 : vector<512x1xi32> to vector<512x1024xi32>
      %eq3A_391 = arith.cmpi eq, %iota3A_96, %eq3A_390 : vector<512x1024xi32>
      %jit3A_392 = arith.constant -1.000000e+30 : f32
      %broadcast_in_dim3A_393 = vector.broadcast %jit3A_392 : f32 to vector<512x1024xf32>
      %select_n3A_394 = arith.select %eq3A_391, %broadcast_in_dim3A_393, %select_n3A_380 : vector<512x1024xi1>, vector<512x1024xf32>
      %argmax3A_395 = tpu.reduce_index %select_n3A_394 {axis = 1 : i32, kind = #tpu.reduction_kind<arg_max>} : vector<512x1024xf32> -> vector<512xi32>
      %eq3A_396 = arith.constant 18 : i32
      %eq3A_397 = vector.broadcast %eq3A_396 : i32 to vector<512x20xi32>
      %eq3A_398 = arith.cmpi eq, %iota3A_97, %eq3A_397 : vector<512x20xi32>
      %broadcast_in_dim3A_399 = vector.shape_cast %argmax3A_395 : vector<512xi32> to vector<512x1xi32>
      %broadcast_in_dim3A_400 = vector.shape_cast %broadcast_in_dim3A_399 : vector<512x1xi32> to vector<512x1xi32>
      %broadcast_in_dim3A_401 = vector.broadcast %broadcast_in_dim3A_400 : vector<512x1xi32> to vector<512x20xi32>
      %select_n3A_402 = arith.select %eq3A_398, %broadcast_in_dim3A_401, %select_n3A_388 : vector<512x20xi1>, vector<512x20xi32>
      %broadcast_in_dim3A_403 = vector.shape_cast %argmax3A_395 : vector<512xi32> to vector<512x1xi32>
      %eq3A_404 = vector.broadcast %broadcast_in_dim3A_403 : vector<512x1xi32> to vector<512x1024xi32>
      %eq3A_405 = arith.cmpi eq, %iota3A_96, %eq3A_404 : vector<512x1024xi32>
      %jit3A_406 = arith.constant -1.000000e+30 : f32
      %broadcast_in_dim3A_407 = vector.broadcast %jit3A_406 : f32 to vector<512x1024xf32>
      %select_n3A_408 = arith.select %eq3A_405, %broadcast_in_dim3A_407, %select_n3A_394 : vector<512x1024xi1>, vector<512x1024xf32>
      %argmax3A_409 = tpu.reduce_index %select_n3A_408 {axis = 1 : i32, kind = #tpu.reduction_kind<arg_max>} : vector<512x1024xf32> -> vector<512xi32>
      %eq3A_410 = arith.constant 19 : i32
      %eq3A_411 = vector.broadcast %eq3A_410 : i32 to vector<512x20xi32>
      %eq3A_412 = arith.cmpi eq, %iota3A_97, %eq3A_411 : vector<512x20xi32>
      %broadcast_in_dim3A_413 = vector.shape_cast %argmax3A_409 : vector<512xi32> to vector<512x1xi32>
      %broadcast_in_dim3A_414 = vector.shape_cast %broadcast_in_dim3A_413 : vector<512x1xi32> to vector<512x1xi32>
      %broadcast_in_dim3A_415 = vector.broadcast %broadcast_in_dim3A_414 : vector<512x1xi32> to vector<512x20xi32>
      %select_n3A_416 = arith.select %eq3A_412, %broadcast_in_dim3A_415, %select_n3A_402 : vector<512x20xi1>, vector<512x20xi32>
      %add3A_417 = arith.constant 2048 : i32
      %add3A_418 = vector.broadcast %add3A_417 : i32 to vector<512x20xi32>
      %add3A_419 = arith.addi %select_n3A_416, %add3A_418 : vector<512x20xi32>
      %swap3A_420 = arith.constant 2 : index
      %swap3A_421 = arith.index_cast %mul3A_142 : i32 to index
      %swap3A_422 = arith.constant 0 : index
      %swap3A_423 = vector.load %arg3[%swap3A_420, %swap3A_421, %swap3A_422] : memref<4x1024x20xi32, #tpu.memory_space<vmem>>, vector<1x512x20xi32>
      %swap3A_424 = vector.shape_cast %swap3A_423 : vector<1x512x20xi32> to vector<512x20xi32>
      %swap3A_425 = vector.shape_cast %add3A_419 : vector<512x20xi32> to vector<1x512x20xi32>
      tpu.vector_store %arg3[%swap3A_420, %swap3A_421, %swap3A_422], %swap3A_425 {strides = array<i32>} : memref<4x1024x20xi32, #tpu.memory_space<vmem>>, vector<1x512x20xi32>,
    }
    %scan3A_102 = arith.constant 2 : i32
    %get3A_103 = arith.constant 3 : index
    %get3A_104 = arith.constant 0 : index
    %get3A_105 = arith.constant 0 : index
    %get3A_106 = vector.load %arg0[%get3A_103, %get3A_104, %get3A_105] : memref<4x1024x128xf32, #tpu.memory_space<vmem>>, vector<1x1024x128xf32>
    %get3A_107 = vector.shape_cast %get3A_106 : vector<1x1024x128xf32> to vector<1024x128xf32>
    %dot_general3A_108 = arith.constant dense<0.000000e+00> : vector<1024x1024xf32>
    %dot_general3A_109 = tpu.matmul %get3A_107, %get3A_107, %dot_general3A_108 {dimension_numbers = #tpu.dot_dimension_numbers<[1], [1], [0], [0], [0, 0, 1, 0], [], []>, transpose_lhs_hint = false} : vector<1024x128xf32>, vector<1024x128xf32>, vector<1024x1024xf32> -> vector<1024x1024xf32>
    %get3A_110 = arith.constant 3 : index
    %get3A_111 = arith.constant 0 : index
    %get3A_112 = arith.constant 0 : index
    %get3A_113 = vector.load %arg1[%get3A_110, %get3A_111, %get3A_112] : memref<4x1024x1xf32, #tpu.memory_space<vmem>>, vector<1x1024x1xf32>
    %get3A_114 = vector.shape_cast %get3A_113 : vector<1x1024x1xf32> to vector<1024x1xf32>
    %sub3A_115 = arith.constant 0.000000e+00 : f32
    %sub3A_116 = vector.broadcast %sub3A_115 : f32 to vector<1024x1xf32>
    %sub3A_117 = arith.subf %sub3A_116, %get3A_114 : vector<1024x1xf32>
    %mul3A_118 = arith.constant 2.000000e+00 : f32
    %mul3A_119 = vector.broadcast %mul3A_118 : f32 to vector<1024x1024xf32>
    %mul3A_120 = arith.mulf %mul3A_119, %dot_general3A_109 : vector<1024x1024xf32>
    %add3A_121 = vector.broadcast %sub3A_117 : vector<1024x1xf32> to vector<1024x1024xf32>
    %add3A_122 = arith.addf %add3A_121, %mul3A_120 : vector<1024x1024xf32>
    %get3A_123 = arith.constant 3 : index
    %get3A_124 = arith.constant 0 : index
    %get3A_125 = arith.constant 0 : index
    %get3A_126 = vector.load %arg2[%get3A_123, %get3A_124, %get3A_125] : memref<4x1x1024xf32, #tpu.memory_space<vmem>>, vector<1x1x1024xf32>
    %get3A_127 = vector.shape_cast %get3A_126 : vector<1x1x1024xf32> to vector<1x1024xf32>
    %sub3A_128 = vector.broadcast %get3A_127 : vector<1x1024xf32> to vector<1024x1024xf32>
    %sub3A_129 = arith.subf %add3A_122, %sub3A_128 : vector<1024x1024xf32>
    %swap3A_130 = arith.constant 0 : index
    %swap3A_131 = arith.constant 0 : index
    %swap3A_132 = vector.load %arg4[%swap3A_130, %swap3A_131] : memref<1024x1024xf32, #tpu.memory_space<vmem>>, vector<1024x1024xf32>
    tpu.vector_store %arg4[%swap3A_130, %swap3A_131], %sub3A_129 {strides = array<i32>} : memref<1024x1024xf32, #tpu.memory_space<vmem>>, vector<1024x1024xf32>,
    %iota3A_133 = tpu.iota {dimensions = array<i32: 1>} : vector<512x1024xi32>
    %iota3A_134 = tpu.iota {dimensions = array<i32: 1>} : vector<512x20xi32>
    %scan3A_135 = arith.constant 0 : i32
    %scan3A_136 = arith.constant 2 : i32
    %scan3A_137 = arith.addi %scan3A_135, %scan3A_136 : i32
    %scan3A_138 = arith.constant 1 : i32
    scf.for %scan3A_140 = %scan3A_135 to %scan3A_137 step %scan3A_138  : i32 {
      %mul3A_141 = arith.constant 512 : i32
      %mul3A_142 = arith.muli %scan3A_140, %mul3A_141 : i32
      %get3A_143 = arith.index_cast %mul3A_142 : i32 to index
      %get3A_144 = arith.constant 0 : index
      %get3A_145 = vector.load %arg4[%get3A_143, %get3A_144] : memref<1024x1024xf32, #tpu.memory_space<vmem>>, vector<512x1024xf32>
      %broadcast_in_dim3A = arith.constant 0 : i32
      %broadcast_in_dim3A_146 = vector.broadcast %broadcast_in_dim3A : i32 to vector<512x20xi32>
      %argmax3A = tpu.reduce_index %get3A_145 {axis = 1 : i32, kind = #tpu.reduction_kind<arg_max>} : vector<512x1024xf32> -> vector<512xi32>
      %eq3A = arith.constant 0 : i32
      %eq3A_147 = vector.broadcast %eq3A : i32 to vector<512x20xi32>
      %eq3A_148 = arith.cmpi eq, %iota3A_134, %eq3A_147 : vector<512x20xi32>
      %broadcast_in_dim3A_149 = vector.shape_cast %argmax3A : vector<512xi32> to vector<512x1xi32>
      %broadcast_in_dim3A_150 = vector.shape_cast %broadcast_in_dim3A_149 : vector<512x1xi32> to vector<512x1xi32>
      %broadcast_in_dim3A_151 = vector.broadcast %broadcast_in_dim3A_150 : vector<512x1xi32> to vector<512x20xi32>
      %select_n3A = arith.select %eq3A_148, %broadcast_in_dim3A_151, %broadcast_in_dim3A_146 : vector<512x20xi1>, vector<512x20xi32>
      %broadcast_in_dim3A_152 = vector.shape_cast %argmax3A : vector<512xi32> to vector<512x1xi32>
      %eq3A_153 = vector.broadcast %broadcast_in_dim3A_152 : vector<512x1xi32> to vector<512x1024xi32>
      %eq3A_154 = arith.cmpi eq, %iota3A_133, %eq3A_153 : vector<512x1024xi32>
      %jit3A = arith.constant -1.000000e+30 : f32
      %broadcast_in_dim3A_155 = vector.broadcast %jit3A : f32 to vector<512x1024xf32>
      %select_n3A_156 = arith.select %eq3A_154, %broadcast_in_dim3A_155, %get3A_145 : vector<512x1024xi1>, vector<512x1024xf32>
      %argmax3A_157 = tpu.reduce_index %select_n3A_156 {axis = 1 : i32, kind = #tpu.reduction_kind<arg_max>} : vector<512x1024xf32> -> vector<512xi32>
      %eq3A_158 = arith.constant 1 : i32
      %eq3A_159 = vector.broadcast %eq3A_158 : i32 to vector<512x20xi32>
      %eq3A_160 = arith.cmpi eq, %iota3A_134, %eq3A_159 : vector<512x20xi32>
      %broadcast_in_dim3A_161 = vector.shape_cast %argmax3A_157 : vector<512xi32> to vector<512x1xi32>
      %broadcast_in_dim3A_162 = vector.shape_cast %broadcast_in_dim3A_161 : vector<512x1xi32> to vector<512x1xi32>
      %broadcast_in_dim3A_163 = vector.broadcast %broadcast_in_dim3A_162 : vector<512x1xi32> to vector<512x20xi32>
      %select_n3A_164 = arith.select %eq3A_160, %broadcast_in_dim3A_163, %select_n3A : vector<512x20xi1>, vector<512x20xi32>
      %broadcast_in_dim3A_165 = vector.shape_cast %argmax3A_157 : vector<512xi32> to vector<512x1xi32>
      %eq3A_166 = vector.broadcast %broadcast_in_dim3A_165 : vector<512x1xi32> to vector<512x1024xi32>
      %eq3A_167 = arith.cmpi eq, %iota3A_133, %eq3A_166 : vector<512x1024xi32>
      %jit3A_168 = arith.constant -1.000000e+30 : f32
      %broadcast_in_dim3A_169 = vector.broadcast %jit3A_168 : f32 to vector<512x1024xf32>
      %select_n3A_170 = arith.select %eq3A_167, %broadcast_in_dim3A_169, %select_n3A_156 : vector<512x1024xi1>, vector<512x1024xf32>
      %argmax3A_171 = tpu.reduce_index %select_n3A_170 {axis = 1 : i32, kind = #tpu.reduction_kind<arg_max>} : vector<512x1024xf32> -> vector<512xi32>
      %eq3A_172 = arith.constant 2 : i32
      %eq3A_173 = vector.broadcast %eq3A_172 : i32 to vector<512x20xi32>
      %eq3A_174 = arith.cmpi eq, %iota3A_134, %eq3A_173 : vector<512x20xi32>
      %broadcast_in_dim3A_175 = vector.shape_cast %argmax3A_171 : vector<512xi32> to vector<512x1xi32>
      %broadcast_in_dim3A_176 = vector.shape_cast %broadcast_in_dim3A_175 : vector<512x1xi32> to vector<512x1xi32>
      %broadcast_in_dim3A_177 = vector.broadcast %broadcast_in_dim3A_176 : vector<512x1xi32> to vector<512x20xi32>
      %select_n3A_178 = arith.select %eq3A_174, %broadcast_in_dim3A_177, %select_n3A_164 : vector<512x20xi1>, vector<512x20xi32>
      %broadcast_in_dim3A_179 = vector.shape_cast %argmax3A_171 : vector<512xi32> to vector<512x1xi32>
      %eq3A_180 = vector.broadcast %broadcast_in_dim3A_179 : vector<512x1xi32> to vector<512x1024xi32>
      %eq3A_181 = arith.cmpi eq, %iota3A_133, %eq3A_180 : vector<512x1024xi32>
      %jit3A_182 = arith.constant -1.000000e+30 : f32
      %broadcast_in_dim3A_183 = vector.broadcast %jit3A_182 : f32 to vector<512x1024xf32>
      %select_n3A_184 = arith.select %eq3A_181, %broadcast_in_dim3A_183, %select_n3A_170 : vector<512x1024xi1>, vector<512x1024xf32>
      %argmax3A_185 = tpu.reduce_index %select_n3A_184 {axis = 1 : i32, kind = #tpu.reduction_kind<arg_max>} : vector<512x1024xf32> -> vector<512xi32>
      %eq3A_186 = arith.constant 3 : i32
      %eq3A_187 = vector.broadcast %eq3A_186 : i32 to vector<512x20xi32>
      %eq3A_188 = arith.cmpi eq, %iota3A_134, %eq3A_187 : vector<512x20xi32>
      %broadcast_in_dim3A_189 = vector.shape_cast %argmax3A_185 : vector<512xi32> to vector<512x1xi32>
      %broadcast_in_dim3A_190 = vector.shape_cast %broadcast_in_dim3A_189 : vector<512x1xi32> to vector<512x1xi32>
      %broadcast_in_dim3A_191 = vector.broadcast %broadcast_in_dim3A_190 : vector<512x1xi32> to vector<512x20xi32>
      %select_n3A_192 = arith.select %eq3A_188, %broadcast_in_dim3A_191, %select_n3A_178 : vector<512x20xi1>, vector<512x20xi32>
      %broadcast_in_dim3A_193 = vector.shape_cast %argmax3A_185 : vector<512xi32> to vector<512x1xi32>
      %eq3A_194 = vector.broadcast %broadcast_in_dim3A_193 : vector<512x1xi32> to vector<512x1024xi32>
      %eq3A_195 = arith.cmpi eq, %iota3A_133, %eq3A_194 : vector<512x1024xi32>
      %jit3A_196 = arith.constant -1.000000e+30 : f32
      %broadcast_in_dim3A_197 = vector.broadcast %jit3A_196 : f32 to vector<512x1024xf32>
      %select_n3A_198 = arith.select %eq3A_195, %broadcast_in_dim3A_197, %select_n3A_184 : vector<512x1024xi1>, vector<512x1024xf32>
      %argmax3A_199 = tpu.reduce_index %select_n3A_198 {axis = 1 : i32, kind = #tpu.reduction_kind<arg_max>} : vector<512x1024xf32> -> vector<512xi32>
      %eq3A_200 = arith.constant 4 : i32
      %eq3A_201 = vector.broadcast %eq3A_200 : i32 to vector<512x20xi32>
      %eq3A_202 = arith.cmpi eq, %iota3A_134, %eq3A_201 : vector<512x20xi32>
      %broadcast_in_dim3A_203 = vector.shape_cast %argmax3A_199 : vector<512xi32> to vector<512x1xi32>
      %broadcast_in_dim3A_204 = vector.shape_cast %broadcast_in_dim3A_203 : vector<512x1xi32> to vector<512x1xi32>
      %broadcast_in_dim3A_205 = vector.broadcast %broadcast_in_dim3A_204 : vector<512x1xi32> to vector<512x20xi32>
      %select_n3A_206 = arith.select %eq3A_202, %broadcast_in_dim3A_205, %select_n3A_192 : vector<512x20xi1>, vector<512x20xi32>
      %broadcast_in_dim3A_207 = vector.shape_cast %argmax3A_199 : vector<512xi32> to vector<512x1xi32>
      %eq3A_208 = vector.broadcast %broadcast_in_dim3A_207 : vector<512x1xi32> to vector<512x1024xi32>
      %eq3A_209 = arith.cmpi eq, %iota3A_133, %eq3A_208 : vector<512x1024xi32>
      %jit3A_210 = arith.constant -1.000000e+30 : f32
      %broadcast_in_dim3A_211 = vector.broadcast %jit3A_210 : f32 to vector<512x1024xf32>
      %select_n3A_212 = arith.select %eq3A_209, %broadcast_in_dim3A_211, %select_n3A_198 : vector<512x1024xi1>, vector<512x1024xf32>
      %argmax3A_213 = tpu.reduce_index %select_n3A_212 {axis = 1 : i32, kind = #tpu.reduction_kind<arg_max>} : vector<512x1024xf32> -> vector<512xi32>
      %eq3A_214 = arith.constant 5 : i32
      %eq3A_215 = vector.broadcast %eq3A_214 : i32 to vector<512x20xi32>
      %eq3A_216 = arith.cmpi eq, %iota3A_134, %eq3A_215 : vector<512x20xi32>
      %broadcast_in_dim3A_217 = vector.shape_cast %argmax3A_213 : vector<512xi32> to vector<512x1xi32>
      %broadcast_in_dim3A_218 = vector.shape_cast %broadcast_in_dim3A_217 : vector<512x1xi32> to vector<512x1xi32>
      %broadcast_in_dim3A_219 = vector.broadcast %broadcast_in_dim3A_218 : vector<512x1xi32> to vector<512x20xi32>
      %select_n3A_220 = arith.select %eq3A_216, %broadcast_in_dim3A_219, %select_n3A_206 : vector<512x20xi1>, vector<512x20xi32>
      %broadcast_in_dim3A_221 = vector.shape_cast %argmax3A_213 : vector<512xi32> to vector<512x1xi32>
      %eq3A_222 = vector.broadcast %broadcast_in_dim3A_221 : vector<512x1xi32> to vector<512x1024xi32>
      %eq3A_223 = arith.cmpi eq, %iota3A_133, %eq3A_222 : vector<512x1024xi32>
      %jit3A_224 = arith.constant -1.000000e+30 : f32
      %broadcast_in_dim3A_225 = vector.broadcast %jit3A_224 : f32 to vector<512x1024xf32>
      %select_n3A_226 = arith.select %eq3A_223, %broadcast_in_dim3A_225, %select_n3A_212 : vector<512x1024xi1>, vector<512x1024xf32>
      %argmax3A_227 = tpu.reduce_index %select_n3A_226 {axis = 1 : i32, kind = #tpu.reduction_kind<arg_max>} : vector<512x1024xf32> -> vector<512xi32>
      %eq3A_228 = arith.constant 6 : i32
      %eq3A_229 = vector.broadcast %eq3A_228 : i32 to vector<512x20xi32>
      %eq3A_230 = arith.cmpi eq, %iota3A_134, %eq3A_229 : vector<512x20xi32>
      %broadcast_in_dim3A_231 = vector.shape_cast %argmax3A_227 : vector<512xi32> to vector<512x1xi32>
      %broadcast_in_dim3A_232 = vector.shape_cast %broadcast_in_dim3A_231 : vector<512x1xi32> to vector<512x1xi32>
      %broadcast_in_dim3A_233 = vector.broadcast %broadcast_in_dim3A_232 : vector<512x1xi32> to vector<512x20xi32>
      %select_n3A_234 = arith.select %eq3A_230, %broadcast_in_dim3A_233, %select_n3A_220 : vector<512x20xi1>, vector<512x20xi32>
      %broadcast_in_dim3A_235 = vector.shape_cast %argmax3A_227 : vector<512xi32> to vector<512x1xi32>
      %eq3A_236 = vector.broadcast %broadcast_in_dim3A_235 : vector<512x1xi32> to vector<512x1024xi32>
      %eq3A_237 = arith.cmpi eq, %iota3A_133, %eq3A_236 : vector<512x1024xi32>
      %jit3A_238 = arith.constant -1.000000e+30 : f32
      %broadcast_in_dim3A_239 = vector.broadcast %jit3A_238 : f32 to vector<512x1024xf32>
      %select_n3A_240 = arith.select %eq3A_237, %broadcast_in_dim3A_239, %select_n3A_226 : vector<512x1024xi1>, vector<512x1024xf32>
      %argmax3A_241 = tpu.reduce_index %select_n3A_240 {axis = 1 : i32, kind = #tpu.reduction_kind<arg_max>} : vector<512x1024xf32> -> vector<512xi32>
      %eq3A_242 = arith.constant 7 : i32
      %eq3A_243 = vector.broadcast %eq3A_242 : i32 to vector<512x20xi32>
      %eq3A_244 = arith.cmpi eq, %iota3A_134, %eq3A_243 : vector<512x20xi32>
      %broadcast_in_dim3A_245 = vector.shape_cast %argmax3A_241 : vector<512xi32> to vector<512x1xi32>
      %broadcast_in_dim3A_246 = vector.shape_cast %broadcast_in_dim3A_245 : vector<512x1xi32> to vector<512x1xi32>
      %broadcast_in_dim3A_247 = vector.broadcast %broadcast_in_dim3A_246 : vector<512x1xi32> to vector<512x20xi32>
      %select_n3A_248 = arith.select %eq3A_244, %broadcast_in_dim3A_247, %select_n3A_234 : vector<512x20xi1>, vector<512x20xi32>
      %broadcast_in_dim3A_249 = vector.shape_cast %argmax3A_241 : vector<512xi32> to vector<512x1xi32>
      %eq3A_250 = vector.broadcast %broadcast_in_dim3A_249 : vector<512x1xi32> to vector<512x1024xi32>
      %eq3A_251 = arith.cmpi eq, %iota3A_133, %eq3A_250 : vector<512x1024xi32>
      %jit3A_252 = arith.constant -1.000000e+30 : f32
      %broadcast_in_dim3A_253 = vector.broadcast %jit3A_252 : f32 to vector<512x1024xf32>
      %select_n3A_254 = arith.select %eq3A_251, %broadcast_in_dim3A_253, %select_n3A_240 : vector<512x1024xi1>, vector<512x1024xf32>
      %argmax3A_255 = tpu.reduce_index %select_n3A_254 {axis = 1 : i32, kind = #tpu.reduction_kind<arg_max>} : vector<512x1024xf32> -> vector<512xi32>
      %eq3A_256 = arith.constant 8 : i32
      %eq3A_257 = vector.broadcast %eq3A_256 : i32 to vector<512x20xi32>
      %eq3A_258 = arith.cmpi eq, %iota3A_134, %eq3A_257 : vector<512x20xi32>
      %broadcast_in_dim3A_259 = vector.shape_cast %argmax3A_255 : vector<512xi32> to vector<512x1xi32>
      %broadcast_in_dim3A_260 = vector.shape_cast %broadcast_in_dim3A_259 : vector<512x1xi32> to vector<512x1xi32>
      %broadcast_in_dim3A_261 = vector.broadcast %broadcast_in_dim3A_260 : vector<512x1xi32> to vector<512x20xi32>
      %select_n3A_262 = arith.select %eq3A_258, %broadcast_in_dim3A_261, %select_n3A_248 : vector<512x20xi1>, vector<512x20xi32>
      %broadcast_in_dim3A_263 = vector.shape_cast %argmax3A_255 : vector<512xi32> to vector<512x1xi32>
      %eq3A_264 = vector.broadcast %broadcast_in_dim3A_263 : vector<512x1xi32> to vector<512x1024xi32>
      %eq3A_265 = arith.cmpi eq, %iota3A_133, %eq3A_264 : vector<512x1024xi32>
      %jit3A_266 = arith.constant -1.000000e+30 : f32
      %broadcast_in_dim3A_267 = vector.broadcast %jit3A_266 : f32 to vector<512x1024xf32>
      %select_n3A_268 = arith.select %eq3A_265, %broadcast_in_dim3A_267, %select_n3A_254 : vector<512x1024xi1>, vector<512x1024xf32>
      %argmax3A_269 = tpu.reduce_index %select_n3A_268 {axis = 1 : i32, kind = #tpu.reduction_kind<arg_max>} : vector<512x1024xf32> -> vector<512xi32>
      %eq3A_270 = arith.constant 9 : i32
      %eq3A_271 = vector.broadcast %eq3A_270 : i32 to vector<512x20xi32>
      %eq3A_272 = arith.cmpi eq, %iota3A_134, %eq3A_271 : vector<512x20xi32>
      %broadcast_in_dim3A_273 = vector.shape_cast %argmax3A_269 : vector<512xi32> to vector<512x1xi32>
      %broadcast_in_dim3A_274 = vector.shape_cast %broadcast_in_dim3A_273 : vector<512x1xi32> to vector<512x1xi32>
      %broadcast_in_dim3A_275 = vector.broadcast %broadcast_in_dim3A_274 : vector<512x1xi32> to vector<512x20xi32>
      %select_n3A_276 = arith.select %eq3A_272, %broadcast_in_dim3A_275, %select_n3A_262 : vector<512x20xi1>, vector<512x20xi32>
      %broadcast_in_dim3A_277 = vector.shape_cast %argmax3A_269 : vector<512xi32> to vector<512x1xi32>
      %eq3A_278 = vector.broadcast %broadcast_in_dim3A_277 : vector<512x1xi32> to vector<512x1024xi32>
      %eq3A_279 = arith.cmpi eq, %iota3A_133, %eq3A_278 : vector<512x1024xi32>
      %jit3A_280 = arith.constant -1.000000e+30 : f32
      %broadcast_in_dim3A_281 = vector.broadcast %jit3A_280 : f32 to vector<512x1024xf32>
      %select_n3A_282 = arith.select %eq3A_279, %broadcast_in_dim3A_281, %select_n3A_268 : vector<512x1024xi1>, vector<512x1024xf32>
      %argmax3A_283 = tpu.reduce_index %select_n3A_282 {axis = 1 : i32, kind = #tpu.reduction_kind<arg_max>} : vector<512x1024xf32> -> vector<512xi32>
      %eq3A_284 = arith.constant 10 : i32
      %eq3A_285 = vector.broadcast %eq3A_284 : i32 to vector<512x20xi32>
      %eq3A_286 = arith.cmpi eq, %iota3A_134, %eq3A_285 : vector<512x20xi32>
      %broadcast_in_dim3A_287 = vector.shape_cast %argmax3A_283 : vector<512xi32> to vector<512x1xi32>
      %broadcast_in_dim3A_288 = vector.shape_cast %broadcast_in_dim3A_287 : vector<512x1xi32> to vector<512x1xi32>
      %broadcast_in_dim3A_289 = vector.broadcast %broadcast_in_dim3A_288 : vector<512x1xi32> to vector<512x20xi32>
      %select_n3A_290 = arith.select %eq3A_286, %broadcast_in_dim3A_289, %select_n3A_276 : vector<512x20xi1>, vector<512x20xi32>
      %broadcast_in_dim3A_291 = vector.shape_cast %argmax3A_283 : vector<512xi32> to vector<512x1xi32>
      %eq3A_292 = vector.broadcast %broadcast_in_dim3A_291 : vector<512x1xi32> to vector<512x1024xi32>
      %eq3A_293 = arith.cmpi eq, %iota3A_133, %eq3A_292 : vector<512x1024xi32>
      %jit3A_294 = arith.constant -1.000000e+30 : f32
      %broadcast_in_dim3A_295 = vector.broadcast %jit3A_294 : f32 to vector<512x1024xf32>
      %select_n3A_296 = arith.select %eq3A_293, %broadcast_in_dim3A_295, %select_n3A_282 : vector<512x1024xi1>, vector<512x1024xf32>
      %argmax3A_297 = tpu.reduce_index %select_n3A_296 {axis = 1 : i32, kind = #tpu.reduction_kind<arg_max>} : vector<512x1024xf32> -> vector<512xi32>
      %eq3A_298 = arith.constant 11 : i32
      %eq3A_299 = vector.broadcast %eq3A_298 : i32 to vector<512x20xi32>
      %eq3A_300 = arith.cmpi eq, %iota3A_134, %eq3A_299 : vector<512x20xi32>
      %broadcast_in_dim3A_301 = vector.shape_cast %argmax3A_297 : vector<512xi32> to vector<512x1xi32>
      %broadcast_in_dim3A_302 = vector.shape_cast %broadcast_in_dim3A_301 : vector<512x1xi32> to vector<512x1xi32>
      %broadcast_in_dim3A_303 = vector.broadcast %broadcast_in_dim3A_302 : vector<512x1xi32> to vector<512x20xi32>
      %select_n3A_304 = arith.select %eq3A_300, %broadcast_in_dim3A_303, %select_n3A_290 : vector<512x20xi1>, vector<512x20xi32>
      %broadcast_in_dim3A_305 = vector.shape_cast %argmax3A_297 : vector<512xi32> to vector<512x1xi32>
      %eq3A_306 = vector.broadcast %broadcast_in_dim3A_305 : vector<512x1xi32> to vector<512x1024xi32>
      %eq3A_307 = arith.cmpi eq, %iota3A_133, %eq3A_306 : vector<512x1024xi32>
      %jit3A_308 = arith.constant -1.000000e+30 : f32
      %broadcast_in_dim3A_309 = vector.broadcast %jit3A_308 : f32 to vector<512x1024xf32>
      %select_n3A_310 = arith.select %eq3A_307, %broadcast_in_dim3A_309, %select_n3A_296 : vector<512x1024xi1>, vector<512x1024xf32>
      %argmax3A_311 = tpu.reduce_index %select_n3A_310 {axis = 1 : i32, kind = #tpu.reduction_kind<arg_max>} : vector<512x1024xf32> -> vector<512xi32>
      %eq3A_312 = arith.constant 12 : i32
      %eq3A_313 = vector.broadcast %eq3A_312 : i32 to vector<512x20xi32>
      %eq3A_314 = arith.cmpi eq, %iota3A_134, %eq3A_313 : vector<512x20xi32>
      %broadcast_in_dim3A_315 = vector.shape_cast %argmax3A_311 : vector<512xi32> to vector<512x1xi32>
      %broadcast_in_dim3A_316 = vector.shape_cast %broadcast_in_dim3A_315 : vector<512x1xi32> to vector<512x1xi32>
      %broadcast_in_dim3A_317 = vector.broadcast %broadcast_in_dim3A_316 : vector<512x1xi32> to vector<512x20xi32>
      %select_n3A_318 = arith.select %eq3A_314, %broadcast_in_dim3A_317, %select_n3A_304 : vector<512x20xi1>, vector<512x20xi32>
      %broadcast_in_dim3A_319 = vector.shape_cast %argmax3A_311 : vector<512xi32> to vector<512x1xi32>
      %eq3A_320 = vector.broadcast %broadcast_in_dim3A_319 : vector<512x1xi32> to vector<512x1024xi32>
      %eq3A_321 = arith.cmpi eq, %iota3A_133, %eq3A_320 : vector<512x1024xi32>
      %jit3A_322 = arith.constant -1.000000e+30 : f32
      %broadcast_in_dim3A_323 = vector.broadcast %jit3A_322 : f32 to vector<512x1024xf32>
      %select_n3A_324 = arith.select %eq3A_321, %broadcast_in_dim3A_323, %select_n3A_310 : vector<512x1024xi1>, vector<512x1024xf32>
      %argmax3A_325 = tpu.reduce_index %select_n3A_324 {axis = 1 : i32, kind = #tpu.reduction_kind<arg_max>} : vector<512x1024xf32> -> vector<512xi32>
      %eq3A_326 = arith.constant 13 : i32
      %eq3A_327 = vector.broadcast %eq3A_326 : i32 to vector<512x20xi32>
      %eq3A_328 = arith.cmpi eq, %iota3A_134, %eq3A_327 : vector<512x20xi32>
      %broadcast_in_dim3A_329 = vector.shape_cast %argmax3A_325 : vector<512xi32> to vector<512x1xi32>
      %broadcast_in_dim3A_330 = vector.shape_cast %broadcast_in_dim3A_329 : vector<512x1xi32> to vector<512x1xi32>
      %broadcast_in_dim3A_331 = vector.broadcast %broadcast_in_dim3A_330 : vector<512x1xi32> to vector<512x20xi32>
      %select_n3A_332 = arith.select %eq3A_328, %broadcast_in_dim3A_331, %select_n3A_318 : vector<512x20xi1>, vector<512x20xi32>
      %broadcast_in_dim3A_333 = vector.shape_cast %argmax3A_325 : vector<512xi32> to vector<512x1xi32>
      %eq3A_334 = vector.broadcast %broadcast_in_dim3A_333 : vector<512x1xi32> to vector<512x1024xi32>
      %eq3A_335 = arith.cmpi eq, %iota3A_133, %eq3A_334 : vector<512x1024xi32>
      %jit3A_336 = arith.constant -1.000000e+30 : f32
      %broadcast_in_dim3A_337 = vector.broadcast %jit3A_336 : f32 to vector<512x1024xf32>
      %select_n3A_338 = arith.select %eq3A_335, %broadcast_in_dim3A_337, %select_n3A_324 : vector<512x1024xi1>, vector<512x1024xf32>
      %argmax3A_339 = tpu.reduce_index %select_n3A_338 {axis = 1 : i32, kind = #tpu.reduction_kind<arg_max>} : vector<512x1024xf32> -> vector<512xi32>
      %eq3A_340 = arith.constant 14 : i32
      %eq3A_341 = vector.broadcast %eq3A_340 : i32 to vector<512x20xi32>
      %eq3A_342 = arith.cmpi eq, %iota3A_134, %eq3A_341 : vector<512x20xi32>
      %broadcast_in_dim3A_343 = vector.shape_cast %argmax3A_339 : vector<512xi32> to vector<512x1xi32>
      %broadcast_in_dim3A_344 = vector.shape_cast %broadcast_in_dim3A_343 : vector<512x1xi32> to vector<512x1xi32>
      %broadcast_in_dim3A_345 = vector.broadcast %broadcast_in_dim3A_344 : vector<512x1xi32> to vector<512x20xi32>
      %select_n3A_346 = arith.select %eq3A_342, %broadcast_in_dim3A_345, %select_n3A_332 : vector<512x20xi1>, vector<512x20xi32>
      %broadcast_in_dim3A_347 = vector.shape_cast %argmax3A_339 : vector<512xi32> to vector<512x1xi32>
      %eq3A_348 = vector.broadcast %broadcast_in_dim3A_347 : vector<512x1xi32> to vector<512x1024xi32>
      %eq3A_349 = arith.cmpi eq, %iota3A_133, %eq3A_348 : vector<512x1024xi32>
      %jit3A_350 = arith.constant -1.000000e+30 : f32
      %broadcast_in_dim3A_351 = vector.broadcast %jit3A_350 : f32 to vector<512x1024xf32>
      %select_n3A_352 = arith.select %eq3A_349, %broadcast_in_dim3A_351, %select_n3A_338 : vector<512x1024xi1>, vector<512x1024xf32>
      %argmax3A_353 = tpu.reduce_index %select_n3A_352 {axis = 1 : i32, kind = #tpu.reduction_kind<arg_max>} : vector<512x1024xf32> -> vector<512xi32>
      %eq3A_354 = arith.constant 15 : i32
      %eq3A_355 = vector.broadcast %eq3A_354 : i32 to vector<512x20xi32>
      %eq3A_356 = arith.cmpi eq, %iota3A_134, %eq3A_355 : vector<512x20xi32>
      %broadcast_in_dim3A_357 = vector.shape_cast %argmax3A_353 : vector<512xi32> to vector<512x1xi32>
      %broadcast_in_dim3A_358 = vector.shape_cast %broadcast_in_dim3A_357 : vector<512x1xi32> to vector<512x1xi32>
      %broadcast_in_dim3A_359 = vector.broadcast %broadcast_in_dim3A_358 : vector<512x1xi32> to vector<512x20xi32>
      %select_n3A_360 = arith.select %eq3A_356, %broadcast_in_dim3A_359, %select_n3A_346 : vector<512x20xi1>, vector<512x20xi32>
      %broadcast_in_dim3A_361 = vector.shape_cast %argmax3A_353 : vector<512xi32> to vector<512x1xi32>
      %eq3A_362 = vector.broadcast %broadcast_in_dim3A_361 : vector<512x1xi32> to vector<512x1024xi32>
      %eq3A_363 = arith.cmpi eq, %iota3A_133, %eq3A_362 : vector<512x1024xi32>
      %jit3A_364 = arith.constant -1.000000e+30 : f32
      %broadcast_in_dim3A_365 = vector.broadcast %jit3A_364 : f32 to vector<512x1024xf32>
      %select_n3A_366 = arith.select %eq3A_363, %broadcast_in_dim3A_365, %select_n3A_352 : vector<512x1024xi1>, vector<512x1024xf32>
      %argmax3A_367 = tpu.reduce_index %select_n3A_366 {axis = 1 : i32, kind = #tpu.reduction_kind<arg_max>} : vector<512x1024xf32> -> vector<512xi32>
      %eq3A_368 = arith.constant 16 : i32
      %eq3A_369 = vector.broadcast %eq3A_368 : i32 to vector<512x20xi32>
      %eq3A_370 = arith.cmpi eq, %iota3A_134, %eq3A_369 : vector<512x20xi32>
      %broadcast_in_dim3A_371 = vector.shape_cast %argmax3A_367 : vector<512xi32> to vector<512x1xi32>
      %broadcast_in_dim3A_372 = vector.shape_cast %broadcast_in_dim3A_371 : vector<512x1xi32> to vector<512x1xi32>
      %broadcast_in_dim3A_373 = vector.broadcast %broadcast_in_dim3A_372 : vector<512x1xi32> to vector<512x20xi32>
      %select_n3A_374 = arith.select %eq3A_370, %broadcast_in_dim3A_373, %select_n3A_360 : vector<512x20xi1>, vector<512x20xi32>
      %broadcast_in_dim3A_375 = vector.shape_cast %argmax3A_367 : vector<512xi32> to vector<512x1xi32>
      %eq3A_376 = vector.broadcast %broadcast_in_dim3A_375 : vector<512x1xi32> to vector<512x1024xi32>
      %eq3A_377 = arith.cmpi eq, %iota3A_133, %eq3A_376 : vector<512x1024xi32>
      %jit3A_378 = arith.constant -1.000000e+30 : f32
      %broadcast_in_dim3A_379 = vector.broadcast %jit3A_378 : f32 to vector<512x1024xf32>
      %select_n3A_380 = arith.select %eq3A_377, %broadcast_in_dim3A_379, %select_n3A_366 : vector<512x1024xi1>, vector<512x1024xf32>
      %argmax3A_381 = tpu.reduce_index %select_n3A_380 {axis = 1 : i32, kind = #tpu.reduction_kind<arg_max>} : vector<512x1024xf32> -> vector<512xi32>
      %eq3A_382 = arith.constant 17 : i32
      %eq3A_383 = vector.broadcast %eq3A_382 : i32 to vector<512x20xi32>
      %eq3A_384 = arith.cmpi eq, %iota3A_134, %eq3A_383 : vector<512x20xi32>
      %broadcast_in_dim3A_385 = vector.shape_cast %argmax3A_381 : vector<512xi32> to vector<512x1xi32>
      %broadcast_in_dim3A_386 = vector.shape_cast %broadcast_in_dim3A_385 : vector<512x1xi32> to vector<512x1xi32>
      %broadcast_in_dim3A_387 = vector.broadcast %broadcast_in_dim3A_386 : vector<512x1xi32> to vector<512x20xi32>
      %select_n3A_388 = arith.select %eq3A_384, %broadcast_in_dim3A_387, %select_n3A_374 : vector<512x20xi1>, vector<512x20xi32>
      %broadcast_in_dim3A_389 = vector.shape_cast %argmax3A_381 : vector<512xi32> to vector<512x1xi32>
      %eq3A_390 = vector.broadcast %broadcast_in_dim3A_389 : vector<512x1xi32> to vector<512x1024xi32>
      %eq3A_391 = arith.cmpi eq, %iota3A_133, %eq3A_390 : vector<512x1024xi32>
      %jit3A_392 = arith.constant -1.000000e+30 : f32
      %broadcast_in_dim3A_393 = vector.broadcast %jit3A_392 : f32 to vector<512x1024xf32>
      %select_n3A_394 = arith.select %eq3A_391, %broadcast_in_dim3A_393, %select_n3A_380 : vector<512x1024xi1>, vector<512x1024xf32>
      %argmax3A_395 = tpu.reduce_index %select_n3A_394 {axis = 1 : i32, kind = #tpu.reduction_kind<arg_max>} : vector<512x1024xf32> -> vector<512xi32>
      %eq3A_396 = arith.constant 18 : i32
      %eq3A_397 = vector.broadcast %eq3A_396 : i32 to vector<512x20xi32>
      %eq3A_398 = arith.cmpi eq, %iota3A_134, %eq3A_397 : vector<512x20xi32>
      %broadcast_in_dim3A_399 = vector.shape_cast %argmax3A_395 : vector<512xi32> to vector<512x1xi32>
      %broadcast_in_dim3A_400 = vector.shape_cast %broadcast_in_dim3A_399 : vector<512x1xi32> to vector<512x1xi32>
      %broadcast_in_dim3A_401 = vector.broadcast %broadcast_in_dim3A_400 : vector<512x1xi32> to vector<512x20xi32>
      %select_n3A_402 = arith.select %eq3A_398, %broadcast_in_dim3A_401, %select_n3A_388 : vector<512x20xi1>, vector<512x20xi32>
      %broadcast_in_dim3A_403 = vector.shape_cast %argmax3A_395 : vector<512xi32> to vector<512x1xi32>
      %eq3A_404 = vector.broadcast %broadcast_in_dim3A_403 : vector<512x1xi32> to vector<512x1024xi32>
      %eq3A_405 = arith.cmpi eq, %iota3A_133, %eq3A_404 : vector<512x1024xi32>
      %jit3A_406 = arith.constant -1.000000e+30 : f32
      %broadcast_in_dim3A_407 = vector.broadcast %jit3A_406 : f32 to vector<512x1024xf32>
      %select_n3A_408 = arith.select %eq3A_405, %broadcast_in_dim3A_407, %select_n3A_394 : vector<512x1024xi1>, vector<512x1024xf32>
      %argmax3A_409 = tpu.reduce_index %select_n3A_408 {axis = 1 : i32, kind = #tpu.reduction_kind<arg_max>} : vector<512x1024xf32> -> vector<512xi32>
      %eq3A_410 = arith.constant 19 : i32
      %eq3A_411 = vector.broadcast %eq3A_410 : i32 to vector<512x20xi32>
      %eq3A_412 = arith.cmpi eq, %iota3A_134, %eq3A_411 : vector<512x20xi32>
      %broadcast_in_dim3A_413 = vector.shape_cast %argmax3A_409 : vector<512xi32> to vector<512x1xi32>
      %broadcast_in_dim3A_414 = vector.shape_cast %broadcast_in_dim3A_413 : vector<512x1xi32> to vector<512x1xi32>
      %broadcast_in_dim3A_415 = vector.broadcast %broadcast_in_dim3A_414 : vector<512x1xi32> to vector<512x20xi32>
      %select_n3A_416 = arith.select %eq3A_412, %broadcast_in_dim3A_415, %select_n3A_402 : vector<512x20xi1>, vector<512x20xi32>
      %add3A_417 = arith.constant 3072 : i32
      %add3A_418 = vector.broadcast %add3A_417 : i32 to vector<512x20xi32>
      %add3A_419 = arith.addi %select_n3A_416, %add3A_418 : vector<512x20xi32>
      %swap3A_420 = arith.constant 3 : index
      %swap3A_421 = arith.index_cast %mul3A_142 : i32 to index
      %swap3A_422 = arith.constant 0 : index
      %swap3A_423 = vector.load %arg3[%swap3A_420, %swap3A_421, %swap3A_422] : memref<4x1024x20xi32, #tpu.memory_space<vmem>>, vector<1x512x20xi32>
      %swap3A_424 = vector.shape_cast %swap3A_423 : vector<1x512x20xi32> to vector<512x20xi32>
      %swap3A_425 = vector.shape_cast %add3A_419 : vector<512x20xi32> to vector<1x512x20xi32>
      tpu.vector_store %arg3[%swap3A_420, %swap3A_421, %swap3A_422], %swap3A_425 {strides = array<i32>} : memref<4x1024x20xi32, #tpu.memory_space<vmem>>, vector<1x512x20xi32>,
    }
    %scan3A_139 = arith.constant 2 : i32
    return
  }
}

module attributes {stable_mosaic.version = 14 : i64} {
  func.func @body(%arg0: i32, %arg1: memref<64x128xf32, #tpu.memory_space<vmem>>, %arg2: memref<1280x128xf32, #tpu.memory_space<vmem>>, %arg3: memref<6x64xf32, #tpu.memory_space<vmem>>, %arg4: memref<64x64xf32, #tpu.memory_space<vmem>>, %arg5: memref<2x64xf32, #tpu.memory_space<vmem>>) attributes {dimension_semantics = [#tpu.dimension_semantics<arbitrary>], iteration_bounds = array<i64: 64>, scalar_prefetch = 0 : i64, scratch_operands = 0 : i64, tpu.core_type = #tpu.core_type<tc>, window_params = [{transform_indices = @transform_0, window_bounds = array<i64: 64, 128>}, {transform_indices = @transform_1, window_bounds = array<i64: 1280, 128>}, {pipeline_mode = #tpu.pipeline_mode<synchronous>, transform_indices = @transform_2, window_bounds = array<i64: 6, 64>}, {transform_indices = @transform_3, window_bounds = array<i64: 64, 64>}, {pipeline_mode = #tpu.pipeline_mode<synchronous>, transform_indices = @transform_4, window_bounds = array<i64: 2, 64>}]} {
    %get3A = arith.constant 0 : index
    %get3A_0 = arith.constant 0 : index
    %get3A_1 = vector.load %arg1[%get3A, %get3A_0] : memref<64x128xf32, #tpu.memory_space<vmem>>, vector<64x128xf32>
    %broadcast_in_dim3A = vector.shape_cast %get3A_1 : vector<64x128xf32> to vector<64x1x128xf32>
    %broadcast_in_dim3A_2 = vector.shape_cast %broadcast_in_dim3A : vector<64x1x128xf32> to vector<64x1x128xf32>
    %broadcast_in_dim3A_3 = vector.broadcast %broadcast_in_dim3A_2 : vector<64x1x128xf32> to vector<64x20x128xf32>
    %reshape3A = vector.shape_cast %broadcast_in_dim3A_3 : vector<64x20x128xf32> to vector<1280x128xf32>
    %get3A_4 = arith.constant 0 : index
    %get3A_5 = arith.constant 0 : index
    %get3A_6 = vector.load %arg2[%get3A_4, %get3A_5] : memref<1280x128xf32, #tpu.memory_space<vmem>>, vector<1280x128xf32>
    %sub3A = arith.subf %get3A_6, %reshape3A : vector<1280x128xf32>
    %slice3A = vector.extract_strided_slice %reshape3A {offsets = [0, 0], sizes = [1280, 3], strides = [1, 1]} : vector<1280x128xf32> to vector<1280x3xf32>
    %slice3A_7 = vector.extract_strided_slice %sub3A {offsets = [0, 0], sizes = [1280, 3], strides = [1, 1]} : vector<1280x128xf32> to vector<1280x3xf32>
    %concatenate3A = tpu.concatenate %slice3A, %slice3A_7 in 1 : vector<1280x3xf32>, vector<1280x3xf32> -> vector<1280x6xf32>
    %get3A_8 = arith.constant 0 : index
    %get3A_9 = arith.constant 0 : index
    %get3A_10 = vector.load %arg3[%get3A_8, %get3A_9] : memref<6x64xf32, #tpu.memory_space<vmem>>, vector<6x64xf32>
    %dot_general3A = arith.constant dense<0.000000e+00> : vector<1280x64xf32>
    %dot_general3A_11 = tpu.matmul %concatenate3A, %get3A_10, %dot_general3A {dimension_numbers = #tpu.dot_dimension_numbers<[1], [0], [0], [1], [0, 0, 1, 1], [], []>, transpose_lhs_hint = false} : vector<1280x6xf32>, vector<6x64xf32>, vector<1280x64xf32> -> vector<1280x64xf32>
    %reshape3A_12 = vector.shape_cast %dot_general3A_11 : vector<1280x64xf32> to vector<64x20x64xf32>
    %slice3A_13 = vector.extract_strided_slice %reshape3A_12 {offsets = [0, 0, 0], sizes = [64, 1, 64], strides = [1, 1, 1]} : vector<64x20x64xf32> to vector<64x1x64xf32>
    %squeeze3A = vector.shape_cast %slice3A_13 : vector<64x1x64xf32> to vector<64x64xf32>
    %slice3A_14 = vector.extract_strided_slice %reshape3A_12 {offsets = [0, 1, 0], sizes = [64, 1, 64], strides = [1, 1, 1]} : vector<64x20x64xf32> to vector<64x1x64xf32>
    %squeeze3A_15 = vector.shape_cast %slice3A_14 : vector<64x1x64xf32> to vector<64x64xf32>
    %max3A = arith.maximumf %squeeze3A, %squeeze3A_15 : vector<64x64xf32>
    %slice3A_16 = vector.extract_strided_slice %reshape3A_12 {offsets = [0, 2, 0], sizes = [64, 1, 64], strides = [1, 1, 1]} : vector<64x20x64xf32> to vector<64x1x64xf32>
    %squeeze3A_17 = vector.shape_cast %slice3A_16 : vector<64x1x64xf32> to vector<64x64xf32>
    %max3A_18 = arith.maximumf %max3A, %squeeze3A_17 : vector<64x64xf32>
    %slice3A_19 = vector.extract_strided_slice %reshape3A_12 {offsets = [0, 3, 0], sizes = [64, 1, 64], strides = [1, 1, 1]} : vector<64x20x64xf32> to vector<64x1x64xf32>
    %squeeze3A_20 = vector.shape_cast %slice3A_19 : vector<64x1x64xf32> to vector<64x64xf32>
    %max3A_21 = arith.maximumf %max3A_18, %squeeze3A_20 : vector<64x64xf32>
    %slice3A_22 = vector.extract_strided_slice %reshape3A_12 {offsets = [0, 4, 0], sizes = [64, 1, 64], strides = [1, 1, 1]} : vector<64x20x64xf32> to vector<64x1x64xf32>
    %squeeze3A_23 = vector.shape_cast %slice3A_22 : vector<64x1x64xf32> to vector<64x64xf32>
    %max3A_24 = arith.maximumf %max3A_21, %squeeze3A_23 : vector<64x64xf32>
    %slice3A_25 = vector.extract_strided_slice %reshape3A_12 {offsets = [0, 5, 0], sizes = [64, 1, 64], strides = [1, 1, 1]} : vector<64x20x64xf32> to vector<64x1x64xf32>
    %squeeze3A_26 = vector.shape_cast %slice3A_25 : vector<64x1x64xf32> to vector<64x64xf32>
    %max3A_27 = arith.maximumf %max3A_24, %squeeze3A_26 : vector<64x64xf32>
    %slice3A_28 = vector.extract_strided_slice %reshape3A_12 {offsets = [0, 6, 0], sizes = [64, 1, 64], strides = [1, 1, 1]} : vector<64x20x64xf32> to vector<64x1x64xf32>
    %squeeze3A_29 = vector.shape_cast %slice3A_28 : vector<64x1x64xf32> to vector<64x64xf32>
    %max3A_30 = arith.maximumf %max3A_27, %squeeze3A_29 : vector<64x64xf32>
    %slice3A_31 = vector.extract_strided_slice %reshape3A_12 {offsets = [0, 7, 0], sizes = [64, 1, 64], strides = [1, 1, 1]} : vector<64x20x64xf32> to vector<64x1x64xf32>
    %squeeze3A_32 = vector.shape_cast %slice3A_31 : vector<64x1x64xf32> to vector<64x64xf32>
    %max3A_33 = arith.maximumf %max3A_30, %squeeze3A_32 : vector<64x64xf32>
    %slice3A_34 = vector.extract_strided_slice %reshape3A_12 {offsets = [0, 8, 0], sizes = [64, 1, 64], strides = [1, 1, 1]} : vector<64x20x64xf32> to vector<64x1x64xf32>
    %squeeze3A_35 = vector.shape_cast %slice3A_34 : vector<64x1x64xf32> to vector<64x64xf32>
    %max3A_36 = arith.maximumf %max3A_33, %squeeze3A_35 : vector<64x64xf32>
    %slice3A_37 = vector.extract_strided_slice %reshape3A_12 {offsets = [0, 9, 0], sizes = [64, 1, 64], strides = [1, 1, 1]} : vector<64x20x64xf32> to vector<64x1x64xf32>
    %squeeze3A_38 = vector.shape_cast %slice3A_37 : vector<64x1x64xf32> to vector<64x64xf32>
    %max3A_39 = arith.maximumf %max3A_36, %squeeze3A_38 : vector<64x64xf32>
    %slice3A_40 = vector.extract_strided_slice %reshape3A_12 {offsets = [0, 10, 0], sizes = [64, 1, 64], strides = [1, 1, 1]} : vector<64x20x64xf32> to vector<64x1x64xf32>
    %squeeze3A_41 = vector.shape_cast %slice3A_40 : vector<64x1x64xf32> to vector<64x64xf32>
    %max3A_42 = arith.maximumf %max3A_39, %squeeze3A_41 : vector<64x64xf32>
    %slice3A_43 = vector.extract_strided_slice %reshape3A_12 {offsets = [0, 11, 0], sizes = [64, 1, 64], strides = [1, 1, 1]} : vector<64x20x64xf32> to vector<64x1x64xf32>
    %squeeze3A_44 = vector.shape_cast %slice3A_43 : vector<64x1x64xf32> to vector<64x64xf32>
    %max3A_45 = arith.maximumf %max3A_42, %squeeze3A_44 : vector<64x64xf32>
    %slice3A_46 = vector.extract_strided_slice %reshape3A_12 {offsets = [0, 12, 0], sizes = [64, 1, 64], strides = [1, 1, 1]} : vector<64x20x64xf32> to vector<64x1x64xf32>
    %squeeze3A_47 = vector.shape_cast %slice3A_46 : vector<64x1x64xf32> to vector<64x64xf32>
    %max3A_48 = arith.maximumf %max3A_45, %squeeze3A_47 : vector<64x64xf32>
    %slice3A_49 = vector.extract_strided_slice %reshape3A_12 {offsets = [0, 13, 0], sizes = [64, 1, 64], strides = [1, 1, 1]} : vector<64x20x64xf32> to vector<64x1x64xf32>
    %squeeze3A_50 = vector.shape_cast %slice3A_49 : vector<64x1x64xf32> to vector<64x64xf32>
    %max3A_51 = arith.maximumf %max3A_48, %squeeze3A_50 : vector<64x64xf32>
    %slice3A_52 = vector.extract_strided_slice %reshape3A_12 {offsets = [0, 14, 0], sizes = [64, 1, 64], strides = [1, 1, 1]} : vector<64x20x64xf32> to vector<64x1x64xf32>
    %squeeze3A_53 = vector.shape_cast %slice3A_52 : vector<64x1x64xf32> to vector<64x64xf32>
    %max3A_54 = arith.maximumf %max3A_51, %squeeze3A_53 : vector<64x64xf32>
    %slice3A_55 = vector.extract_strided_slice %reshape3A_12 {offsets = [0, 15, 0], sizes = [64, 1, 64], strides = [1, 1, 1]} : vector<64x20x64xf32> to vector<64x1x64xf32>
    %squeeze3A_56 = vector.shape_cast %slice3A_55 : vector<64x1x64xf32> to vector<64x64xf32>
    %max3A_57 = arith.maximumf %max3A_54, %squeeze3A_56 : vector<64x64xf32>
    %slice3A_58 = vector.extract_strided_slice %reshape3A_12 {offsets = [0, 16, 0], sizes = [64, 1, 64], strides = [1, 1, 1]} : vector<64x20x64xf32> to vector<64x1x64xf32>
    %squeeze3A_59 = vector.shape_cast %slice3A_58 : vector<64x1x64xf32> to vector<64x64xf32>
    %max3A_60 = arith.maximumf %max3A_57, %squeeze3A_59 : vector<64x64xf32>
    %slice3A_61 = vector.extract_strided_slice %reshape3A_12 {offsets = [0, 17, 0], sizes = [64, 1, 64], strides = [1, 1, 1]} : vector<64x20x64xf32> to vector<64x1x64xf32>
    %squeeze3A_62 = vector.shape_cast %slice3A_61 : vector<64x1x64xf32> to vector<64x64xf32>
    %max3A_63 = arith.maximumf %max3A_60, %squeeze3A_62 : vector<64x64xf32>
    %slice3A_64 = vector.extract_strided_slice %reshape3A_12 {offsets = [0, 18, 0], sizes = [64, 1, 64], strides = [1, 1, 1]} : vector<64x20x64xf32> to vector<64x1x64xf32>
    %squeeze3A_65 = vector.shape_cast %slice3A_64 : vector<64x1x64xf32> to vector<64x64xf32>
    %max3A_66 = arith.maximumf %max3A_63, %squeeze3A_65 : vector<64x64xf32>
    %slice3A_67 = vector.extract_strided_slice %reshape3A_12 {offsets = [0, 19, 0], sizes = [64, 1, 64], strides = [1, 1, 1]} : vector<64x20x64xf32> to vector<64x1x64xf32>
    %squeeze3A_68 = vector.shape_cast %slice3A_67 : vector<64x1x64xf32> to vector<64x64xf32>
    %max3A_69 = arith.maximumf %max3A_66, %squeeze3A_68 : vector<64x64xf32>
    %swap3A = arith.constant 0 : index
    %swap3A_70 = arith.constant 0 : index
    %swap3A_71 = vector.load %arg4[%swap3A, %swap3A_70] : memref<64x64xf32, #tpu.memory_space<vmem>>, vector<64x64xf32>
    tpu.vector_store %arg4[%swap3A, %swap3A_70], %max3A_69 {strides = array<i32>} : memref<64x64xf32, #tpu.memory_space<vmem>>, vector<64x64xf32>,
    %reduce_sum3A = arith.constant dense<0.000000e+00> : vector<64xf32>
    %reduce_sum3A_72 = vector.multi_reduction <add>, %dot_general3A_11, %reduce_sum3A [0] : vector<1280x64xf32> to vector<64xf32>
    %mul3A = arith.mulf %dot_general3A_11, %dot_general3A_11 : vector<1280x64xf32>
    %reduce_sum3A_73 = arith.constant dense<0.000000e+00> : vector<64xf32>
    %reduce_sum3A_74 = vector.multi_reduction <add>, %mul3A, %reduce_sum3A_73 [0] : vector<1280x64xf32> to vector<64xf32>
    %eq3A = arith.constant 0 : i32
    %eq3A_75 = arith.cmpi eq, %arg0, %eq3A : i32
    %convert_element_type3A = arith.extui %eq3A_75 : i1 to i32
    %cond3A = arith.constant 0 : i32
    %cond3A_76 = arith.cmpi ne, %convert_element_type3A, %cond3A : i32
    scf.if %cond3A_76 {
      %broadcast_in_dim3A_96 = arith.constant 0.000000e+00 : f32
      %broadcast_in_dim3A_97 = vector.broadcast %broadcast_in_dim3A_96 : f32 to vector<2x64xf32>
      %swap3A_98 = arith.constant 0 : index
      %swap3A_99 = arith.constant 0 : index
      %swap3A_100 = vector.load %arg5[%swap3A_98, %swap3A_99] : memref<2x64xf32, #tpu.memory_space<vmem>>, vector<2x64xf32>
      tpu.vector_store %arg5[%swap3A_98, %swap3A_99], %broadcast_in_dim3A_97 {strides = array<i32>} : memref<2x64xf32, #tpu.memory_space<vmem>>, vector<2x64xf32>,
    } else {
    }
    %get3A_77 = arith.constant 0 : index
    %get3A_78 = arith.constant 0 : index
    %get3A_79 = vector.load %arg5[%get3A_77, %get3A_78] : memref<2x64xf32, #tpu.memory_space<vmem>>, vector<1x64xf32>
    %get3A_80 = vector.shape_cast %get3A_79 : vector<1x64xf32> to vector<64xf32>
    %add3A = arith.addf %get3A_80, %reduce_sum3A_72 : vector<64xf32>
    %swap3A_81 = arith.constant 0 : index
    %swap3A_82 = arith.constant 0 : index
    %swap3A_83 = vector.load %arg5[%swap3A_81, %swap3A_82] : memref<2x64xf32, #tpu.memory_space<vmem>>, vector<1x64xf32>
    %swap3A_84 = vector.shape_cast %swap3A_83 : vector<1x64xf32> to vector<64xf32>
    %swap3A_85 = vector.shape_cast %add3A : vector<64xf32> to vector<1x64xf32>
    tpu.vector_store %arg5[%swap3A_81, %swap3A_82], %swap3A_85 {strides = array<i32>} : memref<2x64xf32, #tpu.memory_space<vmem>>, vector<1x64xf32>,
    %get3A_86 = arith.constant 1 : index
    %get3A_87 = arith.constant 0 : index
    %get3A_88 = vector.load %arg5[%get3A_86, %get3A_87] : memref<2x64xf32, #tpu.memory_space<vmem>>, vector<1x64xf32>
    %get3A_89 = vector.shape_cast %get3A_88 : vector<1x64xf32> to vector<64xf32>
    %add3A_90 = arith.addf %get3A_89, %reduce_sum3A_74 : vector<64xf32>
    %swap3A_91 = arith.constant 1 : index
    %swap3A_92 = arith.constant 0 : index
    %swap3A_93 = vector.load %arg5[%swap3A_91, %swap3A_92] : memref<2x64xf32, #tpu.memory_space<vmem>>, vector<1x64xf32>
    %swap3A_94 = vector.shape_cast %swap3A_93 : vector<1x64xf32> to vector<64xf32>
    %swap3A_95 = vector.shape_cast %add3A_90 : vector<64xf32> to vector<1x64xf32>
    tpu.vector_store %arg5[%swap3A_91, %swap3A_92], %swap3A_95 {strides = array<i32>} : memref<2x64xf32, #tpu.memory_space<vmem>>, vector<1x64xf32>,
    return
  }
  func.func @transform_0(%arg0: i32) -> (i32, i32) {
    %c0_i32 = arith.constant 0 : i32
    %c0_i32_0 = arith.constant 0 : i32
    return %arg0, %c0_i32 : i32, i32
  }
  func.func @transform_1(%arg0: i32) -> (i32, i32) {
    %c0_i32 = arith.constant 0 : i32
    %c0_i32_0 = arith.constant 0 : i32
    return %arg0, %c0_i32 : i32, i32
  }
  func.func @transform_2(%arg0: i32) -> (i32, i32) {
    %c0_i32 = arith.constant 0 : i32
    %c0_i32_0 = arith.constant 0 : i32
    %c0_i32_1 = arith.constant 0 : i32
    return %c0_i32, %c0_i32_0 : i32, i32
  }
  func.func @transform_3(%arg0: i32) -> (i32, i32) {
    %c0_i32 = arith.constant 0 : i32
    %c0_i32_0 = arith.constant 0 : i32
    return %arg0, %c0_i32 : i32, i32
  }
  func.func @transform_4(%arg0: i32) -> (i32, i32) {
    %c0_i32 = arith.constant 0 : i32
    %c0_i32_0 = arith.constant 0 : i32
    %c0_i32_1 = arith.constant 0 : i32
    return %c0_i32, %c0_i32_0 : i32, i32
  }
}

module attributes {stable_mosaic.version = 14 : i64} {
  func.func @body(%arg0: memref<4x1024x64xf32, #tpu.memory_space<vmem>>, %arg1: memref<2x64xf32, #tpu.memory_space<vmem>>, %arg2: memref<1x64xf32, #tpu.memory_space<vmem>>, %arg3: memref<1x64xf32, #tpu.memory_space<vmem>>, %arg4: memref<4x1024x128xf32, #tpu.memory_space<vmem>>) attributes {dimension_semantics = [], scalar_prefetch = 0 : i64, scratch_operands = 0 : i64, tpu.core_type = #tpu.core_type<tc>} {
    %get3A = arith.constant 0 : index
    %get3A_0 = arith.constant 0 : index
    %get3A_1 = vector.load %arg1[%get3A, %get3A_0] : memref<2x64xf32, #tpu.memory_space<vmem>>, vector<1x64xf32>
    %get3A_2 = vector.shape_cast %get3A_1 : vector<1x64xf32> to vector<64xf32>
    %div3A = arith.constant 8.192000e+04 : f32
    %div3A_3 = vector.broadcast %div3A : f32 to vector<64xf32>
    %div3A_4 = arith.divf %get3A_2, %div3A_3 : vector<64xf32>
    %get3A_5 = arith.constant 1 : index
    %get3A_6 = arith.constant 0 : index
    %get3A_7 = vector.load %arg1[%get3A_5, %get3A_6] : memref<2x64xf32, #tpu.memory_space<vmem>>, vector<1x64xf32>
    %get3A_8 = vector.shape_cast %get3A_7 : vector<1x64xf32> to vector<64xf32>
    %div3A_9 = arith.constant 8.192000e+04 : f32
    %div3A_10 = vector.broadcast %div3A_9 : f32 to vector<64xf32>
    %div3A_11 = arith.divf %get3A_8, %div3A_10 : vector<64xf32>
    %mul3A = arith.mulf %div3A_4, %div3A_4 : vector<64xf32>
    %sub3A = arith.subf %div3A_11, %mul3A : vector<64xf32>
    %add3A = arith.constant 9.99999974E-6 : f32
    %add3A_12 = vector.broadcast %add3A : f32 to vector<64xf32>
    %add3A_13 = arith.addf %sub3A, %add3A_12 : vector<64xf32>
    %rsqrt3A = math.rsqrt %add3A_13 : vector<64xf32>
    %get3A_14 = arith.constant 0 : index
    %get3A_15 = arith.constant 0 : index
    %get3A_16 = vector.load %arg2[%get3A_14, %get3A_15] : memref<1x64xf32, #tpu.memory_space<vmem>>, vector<1x64xf32>
    %get3A_17 = vector.shape_cast %get3A_16 : vector<1x64xf32> to vector<64xf32>
    %get3A_18 = arith.constant 0 : index
    %get3A_19 = arith.constant 0 : index
    %get3A_20 = vector.load %arg3[%get3A_18, %get3A_19] : memref<1x64xf32, #tpu.memory_space<vmem>>, vector<1x64xf32>
    %get3A_21 = vector.shape_cast %get3A_20 : vector<1x64xf32> to vector<64xf32>
    %get3A_22 = arith.constant 0 : index
    %get3A_23 = arith.constant 0 : index
    %get3A_24 = arith.constant 0 : index
    %get3A_25 = vector.load %arg0[%get3A_22, %get3A_23, %get3A_24] : memref<4x1024x64xf32, #tpu.memory_space<vmem>>, vector<1x1024x64xf32>
    %get3A_26 = vector.shape_cast %get3A_25 : vector<1x1024x64xf32> to vector<1024x64xf32>
    %broadcast_in_dim3A = vector.shape_cast %div3A_4 : vector<64xf32> to vector<1x64xf32>
    %sub3A_27 = vector.broadcast %broadcast_in_dim3A : vector<1x64xf32> to vector<1024x64xf32>
    %sub3A_28 = arith.subf %get3A_26, %sub3A_27 : vector<1024x64xf32>
    %broadcast_in_dim3A_29 = vector.shape_cast %rsqrt3A : vector<64xf32> to vector<1x64xf32>
    %mul3A_30 = vector.broadcast %broadcast_in_dim3A_29 : vector<1x64xf32> to vector<1024x64xf32>
    %mul3A_31 = arith.mulf %sub3A_28, %mul3A_30 : vector<1024x64xf32>
    %broadcast_in_dim3A_32 = vector.shape_cast %get3A_17 : vector<64xf32> to vector<1x64xf32>
    %mul3A_33 = vector.broadcast %broadcast_in_dim3A_32 : vector<1x64xf32> to vector<1024x64xf32>
    %mul3A_34 = arith.mulf %mul3A_31, %mul3A_33 : vector<1024x64xf32>
    %broadcast_in_dim3A_35 = vector.shape_cast %get3A_21 : vector<64xf32> to vector<1x64xf32>
    %add3A_36 = vector.broadcast %broadcast_in_dim3A_35 : vector<1x64xf32> to vector<1024x64xf32>
    %add3A_37 = arith.addf %mul3A_34, %add3A_36 : vector<1024x64xf32>
    %ge3A = arith.constant 0.000000e+00 : f32
    %ge3A_38 = vector.broadcast %ge3A : f32 to vector<1024x64xf32>
    %ge3A_39 = arith.cmpf oge, %add3A_37, %ge3A_38 : vector<1024x64xf32>
    %mul3A_40 = arith.constant 2.000000e-01 : f32
    %mul3A_41 = vector.broadcast %mul3A_40 : f32 to vector<1024x64xf32>
    %mul3A_42 = arith.mulf %mul3A_41, %add3A_37 : vector<1024x64xf32>
    %select_n3A = arith.select %ge3A_39, %add3A_37, %mul3A_42 : vector<1024x64xi1>, vector<1024x64xf32>
    %broadcast_in_dim3A_43 = arith.constant 0.000000e+00 : f32
    %broadcast_in_dim3A_44 = vector.broadcast %broadcast_in_dim3A_43 : f32 to vector<1024x64xf32>
    %concatenate3A = tpu.concatenate %select_n3A, %broadcast_in_dim3A_44 in 1 : vector<1024x64xf32>, vector<1024x64xf32> -> vector<1024x128xf32>
    %swap3A = arith.constant 0 : index
    %swap3A_45 = arith.constant 0 : index
    %swap3A_46 = arith.constant 0 : index
    %swap3A_47 = vector.load %arg4[%swap3A, %swap3A_45, %swap3A_46] : memref<4x1024x128xf32, #tpu.memory_space<vmem>>, vector<1x1024x128xf32>
    %swap3A_48 = vector.shape_cast %swap3A_47 : vector<1x1024x128xf32> to vector<1024x128xf32>
    %swap3A_49 = vector.shape_cast %concatenate3A : vector<1024x128xf32> to vector<1x1024x128xf32>
    tpu.vector_store %arg4[%swap3A, %swap3A_45, %swap3A_46], %swap3A_49 {strides = array<i32>} : memref<4x1024x128xf32, #tpu.memory_space<vmem>>, vector<1x1024x128xf32>,
    %get3A_50 = arith.constant 1 : index
    %get3A_51 = arith.constant 0 : index
    %get3A_52 = arith.constant 0 : index
    %get3A_53 = vector.load %arg0[%get3A_50, %get3A_51, %get3A_52] : memref<4x1024x64xf32, #tpu.memory_space<vmem>>, vector<1x1024x64xf32>
    %get3A_54 = vector.shape_cast %get3A_53 : vector<1x1024x64xf32> to vector<1024x64xf32>
    %broadcast_in_dim3A_55 = vector.shape_cast %div3A_4 : vector<64xf32> to vector<1x64xf32>
    %sub3A_56 = vector.broadcast %broadcast_in_dim3A_55 : vector<1x64xf32> to vector<1024x64xf32>
    %sub3A_57 = arith.subf %get3A_54, %sub3A_56 : vector<1024x64xf32>
    %broadcast_in_dim3A_58 = vector.shape_cast %rsqrt3A : vector<64xf32> to vector<1x64xf32>
    %mul3A_59 = vector.broadcast %broadcast_in_dim3A_58 : vector<1x64xf32> to vector<1024x64xf32>
    %mul3A_60 = arith.mulf %sub3A_57, %mul3A_59 : vector<1024x64xf32>
    %broadcast_in_dim3A_61 = vector.shape_cast %get3A_17 : vector<64xf32> to vector<1x64xf32>
    %mul3A_62 = vector.broadcast %broadcast_in_dim3A_61 : vector<1x64xf32> to vector<1024x64xf32>
    %mul3A_63 = arith.mulf %mul3A_60, %mul3A_62 : vector<1024x64xf32>
    %broadcast_in_dim3A_64 = vector.shape_cast %get3A_21 : vector<64xf32> to vector<1x64xf32>
    %add3A_65 = vector.broadcast %broadcast_in_dim3A_64 : vector<1x64xf32> to vector<1024x64xf32>
    %add3A_66 = arith.addf %mul3A_63, %add3A_65 : vector<1024x64xf32>
    %ge3A_67 = arith.constant 0.000000e+00 : f32
    %ge3A_68 = vector.broadcast %ge3A_67 : f32 to vector<1024x64xf32>
    %ge3A_69 = arith.cmpf oge, %add3A_66, %ge3A_68 : vector<1024x64xf32>
    %mul3A_70 = arith.constant 2.000000e-01 : f32
    %mul3A_71 = vector.broadcast %mul3A_70 : f32 to vector<1024x64xf32>
    %mul3A_72 = arith.mulf %mul3A_71, %add3A_66 : vector<1024x64xf32>
    %select_n3A_73 = arith.select %ge3A_69, %add3A_66, %mul3A_72 : vector<1024x64xi1>, vector<1024x64xf32>
    %broadcast_in_dim3A_74 = arith.constant 0.000000e+00 : f32
    %broadcast_in_dim3A_75 = vector.broadcast %broadcast_in_dim3A_74 : f32 to vector<1024x64xf32>
    %concatenate3A_76 = tpu.concatenate %select_n3A_73, %broadcast_in_dim3A_75 in 1 : vector<1024x64xf32>, vector<1024x64xf32> -> vector<1024x128xf32>
    %swap3A_77 = arith.constant 1 : index
    %swap3A_78 = arith.constant 0 : index
    %swap3A_79 = arith.constant 0 : index
    %swap3A_80 = vector.load %arg4[%swap3A_77, %swap3A_78, %swap3A_79] : memref<4x1024x128xf32, #tpu.memory_space<vmem>>, vector<1x1024x128xf32>
    %swap3A_81 = vector.shape_cast %swap3A_80 : vector<1x1024x128xf32> to vector<1024x128xf32>
    %swap3A_82 = vector.shape_cast %concatenate3A_76 : vector<1024x128xf32> to vector<1x1024x128xf32>
    tpu.vector_store %arg4[%swap3A_77, %swap3A_78, %swap3A_79], %swap3A_82 {strides = array<i32>} : memref<4x1024x128xf32, #tpu.memory_space<vmem>>, vector<1x1024x128xf32>,
    %get3A_83 = arith.constant 2 : index
    %get3A_84 = arith.constant 0 : index
    %get3A_85 = arith.constant 0 : index
    %get3A_86 = vector.load %arg0[%get3A_83, %get3A_84, %get3A_85] : memref<4x1024x64xf32, #tpu.memory_space<vmem>>, vector<1x1024x64xf32>
    %get3A_87 = vector.shape_cast %get3A_86 : vector<1x1024x64xf32> to vector<1024x64xf32>
    %broadcast_in_dim3A_88 = vector.shape_cast %div3A_4 : vector<64xf32> to vector<1x64xf32>
    %sub3A_89 = vector.broadcast %broadcast_in_dim3A_88 : vector<1x64xf32> to vector<1024x64xf32>
    %sub3A_90 = arith.subf %get3A_87, %sub3A_89 : vector<1024x64xf32>
    %broadcast_in_dim3A_91 = vector.shape_cast %rsqrt3A : vector<64xf32> to vector<1x64xf32>
    %mul3A_92 = vector.broadcast %broadcast_in_dim3A_91 : vector<1x64xf32> to vector<1024x64xf32>
    %mul3A_93 = arith.mulf %sub3A_90, %mul3A_92 : vector<1024x64xf32>
    %broadcast_in_dim3A_94 = vector.shape_cast %get3A_17 : vector<64xf32> to vector<1x64xf32>
    %mul3A_95 = vector.broadcast %broadcast_in_dim3A_94 : vector<1x64xf32> to vector<1024x64xf32>
    %mul3A_96 = arith.mulf %mul3A_93, %mul3A_95 : vector<1024x64xf32>
    %broadcast_in_dim3A_97 = vector.shape_cast %get3A_21 : vector<64xf32> to vector<1x64xf32>
    %add3A_98 = vector.broadcast %broadcast_in_dim3A_97 : vector<1x64xf32> to vector<1024x64xf32>
    %add3A_99 = arith.addf %mul3A_96, %add3A_98 : vector<1024x64xf32>
    %ge3A_100 = arith.constant 0.000000e+00 : f32
    %ge3A_101 = vector.broadcast %ge3A_100 : f32 to vector<1024x64xf32>
    %ge3A_102 = arith.cmpf oge, %add3A_99, %ge3A_101 : vector<1024x64xf32>
    %mul3A_103 = arith.constant 2.000000e-01 : f32
    %mul3A_104 = vector.broadcast %mul3A_103 : f32 to vector<1024x64xf32>
    %mul3A_105 = arith.mulf %mul3A_104, %add3A_99 : vector<1024x64xf32>
    %select_n3A_106 = arith.select %ge3A_102, %add3A_99, %mul3A_105 : vector<1024x64xi1>, vector<1024x64xf32>
    %broadcast_in_dim3A_107 = arith.constant 0.000000e+00 : f32
    %broadcast_in_dim3A_108 = vector.broadcast %broadcast_in_dim3A_107 : f32 to vector<1024x64xf32>
    %concatenate3A_109 = tpu.concatenate %select_n3A_106, %broadcast_in_dim3A_108 in 1 : vector<1024x64xf32>, vector<1024x64xf32> -> vector<1024x128xf32>
    %swap3A_110 = arith.constant 2 : index
    %swap3A_111 = arith.constant 0 : index
    %swap3A_112 = arith.constant 0 : index
    %swap3A_113 = vector.load %arg4[%swap3A_110, %swap3A_111, %swap3A_112] : memref<4x1024x128xf32, #tpu.memory_space<vmem>>, vector<1x1024x128xf32>
    %swap3A_114 = vector.shape_cast %swap3A_113 : vector<1x1024x128xf32> to vector<1024x128xf32>
    %swap3A_115 = vector.shape_cast %concatenate3A_109 : vector<1024x128xf32> to vector<1x1024x128xf32>
    tpu.vector_store %arg4[%swap3A_110, %swap3A_111, %swap3A_112], %swap3A_115 {strides = array<i32>} : memref<4x1024x128xf32, #tpu.memory_space<vmem>>, vector<1x1024x128xf32>,
    %get3A_116 = arith.constant 3 : index
    %get3A_117 = arith.constant 0 : index
    %get3A_118 = arith.constant 0 : index
    %get3A_119 = vector.load %arg0[%get3A_116, %get3A_117, %get3A_118] : memref<4x1024x64xf32, #tpu.memory_space<vmem>>, vector<1x1024x64xf32>
    %get3A_120 = vector.shape_cast %get3A_119 : vector<1x1024x64xf32> to vector<1024x64xf32>
    %broadcast_in_dim3A_121 = vector.shape_cast %div3A_4 : vector<64xf32> to vector<1x64xf32>
    %sub3A_122 = vector.broadcast %broadcast_in_dim3A_121 : vector<1x64xf32> to vector<1024x64xf32>
    %sub3A_123 = arith.subf %get3A_120, %sub3A_122 : vector<1024x64xf32>
    %broadcast_in_dim3A_124 = vector.shape_cast %rsqrt3A : vector<64xf32> to vector<1x64xf32>
    %mul3A_125 = vector.broadcast %broadcast_in_dim3A_124 : vector<1x64xf32> to vector<1024x64xf32>
    %mul3A_126 = arith.mulf %sub3A_123, %mul3A_125 : vector<1024x64xf32>
    %broadcast_in_dim3A_127 = vector.shape_cast %get3A_17 : vector<64xf32> to vector<1x64xf32>
    %mul3A_128 = vector.broadcast %broadcast_in_dim3A_127 : vector<1x64xf32> to vector<1024x64xf32>
    %mul3A_129 = arith.mulf %mul3A_126, %mul3A_128 : vector<1024x64xf32>
    %broadcast_in_dim3A_130 = vector.shape_cast %get3A_21 : vector<64xf32> to vector<1x64xf32>
    %add3A_131 = vector.broadcast %broadcast_in_dim3A_130 : vector<1x64xf32> to vector<1024x64xf32>
    %add3A_132 = arith.addf %mul3A_129, %add3A_131 : vector<1024x64xf32>
    %ge3A_133 = arith.constant 0.000000e+00 : f32
    %ge3A_134 = vector.broadcast %ge3A_133 : f32 to vector<1024x64xf32>
    %ge3A_135 = arith.cmpf oge, %add3A_132, %ge3A_134 : vector<1024x64xf32>
    %mul3A_136 = arith.constant 2.000000e-01 : f32
    %mul3A_137 = vector.broadcast %mul3A_136 : f32 to vector<1024x64xf32>
    %mul3A_138 = arith.mulf %mul3A_137, %add3A_132 : vector<1024x64xf32>
    %select_n3A_139 = arith.select %ge3A_135, %add3A_132, %mul3A_138 : vector<1024x64xi1>, vector<1024x64xf32>
    %broadcast_in_dim3A_140 = arith.constant 0.000000e+00 : f32
    %broadcast_in_dim3A_141 = vector.broadcast %broadcast_in_dim3A_140 : f32 to vector<1024x64xf32>
    %concatenate3A_142 = tpu.concatenate %select_n3A_139, %broadcast_in_dim3A_141 in 1 : vector<1024x64xf32>, vector<1024x64xf32> -> vector<1024x128xf32>
    %swap3A_143 = arith.constant 3 : index
    %swap3A_144 = arith.constant 0 : index
    %swap3A_145 = arith.constant 0 : index
    %swap3A_146 = vector.load %arg4[%swap3A_143, %swap3A_144, %swap3A_145] : memref<4x1024x128xf32, #tpu.memory_space<vmem>>, vector<1x1024x128xf32>
    %swap3A_147 = vector.shape_cast %swap3A_146 : vector<1x1024x128xf32> to vector<1024x128xf32>
    %swap3A_148 = vector.shape_cast %concatenate3A_142 : vector<1024x128xf32> to vector<1x1024x128xf32>
    tpu.vector_store %arg4[%swap3A_143, %swap3A_144, %swap3A_145], %swap3A_148 {strides = array<i32>} : memref<4x1024x128xf32, #tpu.memory_space<vmem>>, vector<1x1024x128xf32>,
    return
  }
}

module attributes {stable_mosaic.version = 14 : i64} {
  func.func @body(%arg0: i32, %arg1: memref<64x128xf32, #tpu.memory_space<vmem>>, %arg2: memref<1280x128xf32, #tpu.memory_space<vmem>>, %arg3: memref<128x64xf32, #tpu.memory_space<vmem>>, %arg4: memref<64x64xf32, #tpu.memory_space<vmem>>, %arg5: memref<2x64xf32, #tpu.memory_space<vmem>>) attributes {dimension_semantics = [#tpu.dimension_semantics<arbitrary>], iteration_bounds = array<i64: 64>, scalar_prefetch = 0 : i64, scratch_operands = 0 : i64, tpu.core_type = #tpu.core_type<tc>, window_params = [{transform_indices = @transform_0, window_bounds = array<i64: 64, 128>}, {transform_indices = @transform_1, window_bounds = array<i64: 1280, 128>}, {pipeline_mode = #tpu.pipeline_mode<synchronous>, transform_indices = @transform_2, window_bounds = array<i64: 128, 64>}, {transform_indices = @transform_3, window_bounds = array<i64: 64, 64>}, {pipeline_mode = #tpu.pipeline_mode<synchronous>, transform_indices = @transform_4, window_bounds = array<i64: 2, 64>}]} {
    %get3A = arith.constant 0 : index
    %get3A_0 = arith.constant 0 : index
    %get3A_1 = vector.load %arg1[%get3A, %get3A_0] : memref<64x128xf32, #tpu.memory_space<vmem>>, vector<64x128xf32>
    %broadcast_in_dim3A = vector.shape_cast %get3A_1 : vector<64x128xf32> to vector<64x1x128xf32>
    %broadcast_in_dim3A_2 = vector.shape_cast %broadcast_in_dim3A : vector<64x1x128xf32> to vector<64x1x128xf32>
    %broadcast_in_dim3A_3 = vector.broadcast %broadcast_in_dim3A_2 : vector<64x1x128xf32> to vector<64x20x128xf32>
    %reshape3A = vector.shape_cast %broadcast_in_dim3A_3 : vector<64x20x128xf32> to vector<1280x128xf32>
    %get3A_4 = arith.constant 0 : index
    %get3A_5 = arith.constant 0 : index
    %get3A_6 = vector.load %arg2[%get3A_4, %get3A_5] : memref<1280x128xf32, #tpu.memory_space<vmem>>, vector<1280x128xf32>
    %sub3A = arith.subf %get3A_6, %reshape3A : vector<1280x128xf32>
    %slice3A = vector.extract_strided_slice %reshape3A {offsets = [0, 0], sizes = [1280, 64], strides = [1, 1]} : vector<1280x128xf32> to vector<1280x64xf32>
    %slice3A_7 = vector.extract_strided_slice %sub3A {offsets = [0, 0], sizes = [1280, 64], strides = [1, 1]} : vector<1280x128xf32> to vector<1280x64xf32>
    %concatenate3A = tpu.concatenate %slice3A, %slice3A_7 in 1 : vector<1280x64xf32>, vector<1280x64xf32> -> vector<1280x128xf32>
    %get3A_8 = arith.constant 0 : index
    %get3A_9 = arith.constant 0 : index
    %get3A_10 = vector.load %arg3[%get3A_8, %get3A_9] : memref<128x64xf32, #tpu.memory_space<vmem>>, vector<128x64xf32>
    %dot_general3A = arith.constant dense<0.000000e+00> : vector<1280x64xf32>
    %dot_general3A_11 = tpu.matmul %concatenate3A, %get3A_10, %dot_general3A {dimension_numbers = #tpu.dot_dimension_numbers<[1], [0], [0], [1], [0, 0, 1, 1], [], []>, transpose_lhs_hint = false} : vector<1280x128xf32>, vector<128x64xf32>, vector<1280x64xf32> -> vector<1280x64xf32>
    %reshape3A_12 = vector.shape_cast %dot_general3A_11 : vector<1280x64xf32> to vector<64x20x64xf32>
    %slice3A_13 = vector.extract_strided_slice %reshape3A_12 {offsets = [0, 0, 0], sizes = [64, 1, 64], strides = [1, 1, 1]} : vector<64x20x64xf32> to vector<64x1x64xf32>
    %squeeze3A = vector.shape_cast %slice3A_13 : vector<64x1x64xf32> to vector<64x64xf32>
    %slice3A_14 = vector.extract_strided_slice %reshape3A_12 {offsets = [0, 1, 0], sizes = [64, 1, 64], strides = [1, 1, 1]} : vector<64x20x64xf32> to vector<64x1x64xf32>
    %squeeze3A_15 = vector.shape_cast %slice3A_14 : vector<64x1x64xf32> to vector<64x64xf32>
    %max3A = arith.maximumf %squeeze3A, %squeeze3A_15 : vector<64x64xf32>
    %slice3A_16 = vector.extract_strided_slice %reshape3A_12 {offsets = [0, 2, 0], sizes = [64, 1, 64], strides = [1, 1, 1]} : vector<64x20x64xf32> to vector<64x1x64xf32>
    %squeeze3A_17 = vector.shape_cast %slice3A_16 : vector<64x1x64xf32> to vector<64x64xf32>
    %max3A_18 = arith.maximumf %max3A, %squeeze3A_17 : vector<64x64xf32>
    %slice3A_19 = vector.extract_strided_slice %reshape3A_12 {offsets = [0, 3, 0], sizes = [64, 1, 64], strides = [1, 1, 1]} : vector<64x20x64xf32> to vector<64x1x64xf32>
    %squeeze3A_20 = vector.shape_cast %slice3A_19 : vector<64x1x64xf32> to vector<64x64xf32>
    %max3A_21 = arith.maximumf %max3A_18, %squeeze3A_20 : vector<64x64xf32>
    %slice3A_22 = vector.extract_strided_slice %reshape3A_12 {offsets = [0, 4, 0], sizes = [64, 1, 64], strides = [1, 1, 1]} : vector<64x20x64xf32> to vector<64x1x64xf32>
    %squeeze3A_23 = vector.shape_cast %slice3A_22 : vector<64x1x64xf32> to vector<64x64xf32>
    %max3A_24 = arith.maximumf %max3A_21, %squeeze3A_23 : vector<64x64xf32>
    %slice3A_25 = vector.extract_strided_slice %reshape3A_12 {offsets = [0, 5, 0], sizes = [64, 1, 64], strides = [1, 1, 1]} : vector<64x20x64xf32> to vector<64x1x64xf32>
    %squeeze3A_26 = vector.shape_cast %slice3A_25 : vector<64x1x64xf32> to vector<64x64xf32>
    %max3A_27 = arith.maximumf %max3A_24, %squeeze3A_26 : vector<64x64xf32>
    %slice3A_28 = vector.extract_strided_slice %reshape3A_12 {offsets = [0, 6, 0], sizes = [64, 1, 64], strides = [1, 1, 1]} : vector<64x20x64xf32> to vector<64x1x64xf32>
    %squeeze3A_29 = vector.shape_cast %slice3A_28 : vector<64x1x64xf32> to vector<64x64xf32>
    %max3A_30 = arith.maximumf %max3A_27, %squeeze3A_29 : vector<64x64xf32>
    %slice3A_31 = vector.extract_strided_slice %reshape3A_12 {offsets = [0, 7, 0], sizes = [64, 1, 64], strides = [1, 1, 1]} : vector<64x20x64xf32> to vector<64x1x64xf32>
    %squeeze3A_32 = vector.shape_cast %slice3A_31 : vector<64x1x64xf32> to vector<64x64xf32>
    %max3A_33 = arith.maximumf %max3A_30, %squeeze3A_32 : vector<64x64xf32>
    %slice3A_34 = vector.extract_strided_slice %reshape3A_12 {offsets = [0, 8, 0], sizes = [64, 1, 64], strides = [1, 1, 1]} : vector<64x20x64xf32> to vector<64x1x64xf32>
    %squeeze3A_35 = vector.shape_cast %slice3A_34 : vector<64x1x64xf32> to vector<64x64xf32>
    %max3A_36 = arith.maximumf %max3A_33, %squeeze3A_35 : vector<64x64xf32>
    %slice3A_37 = vector.extract_strided_slice %reshape3A_12 {offsets = [0, 9, 0], sizes = [64, 1, 64], strides = [1, 1, 1]} : vector<64x20x64xf32> to vector<64x1x64xf32>
    %squeeze3A_38 = vector.shape_cast %slice3A_37 : vector<64x1x64xf32> to vector<64x64xf32>
    %max3A_39 = arith.maximumf %max3A_36, %squeeze3A_38 : vector<64x64xf32>
    %slice3A_40 = vector.extract_strided_slice %reshape3A_12 {offsets = [0, 10, 0], sizes = [64, 1, 64], strides = [1, 1, 1]} : vector<64x20x64xf32> to vector<64x1x64xf32>
    %squeeze3A_41 = vector.shape_cast %slice3A_40 : vector<64x1x64xf32> to vector<64x64xf32>
    %max3A_42 = arith.maximumf %max3A_39, %squeeze3A_41 : vector<64x64xf32>
    %slice3A_43 = vector.extract_strided_slice %reshape3A_12 {offsets = [0, 11, 0], sizes = [64, 1, 64], strides = [1, 1, 1]} : vector<64x20x64xf32> to vector<64x1x64xf32>
    %squeeze3A_44 = vector.shape_cast %slice3A_43 : vector<64x1x64xf32> to vector<64x64xf32>
    %max3A_45 = arith.maximumf %max3A_42, %squeeze3A_44 : vector<64x64xf32>
    %slice3A_46 = vector.extract_strided_slice %reshape3A_12 {offsets = [0, 12, 0], sizes = [64, 1, 64], strides = [1, 1, 1]} : vector<64x20x64xf32> to vector<64x1x64xf32>
    %squeeze3A_47 = vector.shape_cast %slice3A_46 : vector<64x1x64xf32> to vector<64x64xf32>
    %max3A_48 = arith.maximumf %max3A_45, %squeeze3A_47 : vector<64x64xf32>
    %slice3A_49 = vector.extract_strided_slice %reshape3A_12 {offsets = [0, 13, 0], sizes = [64, 1, 64], strides = [1, 1, 1]} : vector<64x20x64xf32> to vector<64x1x64xf32>
    %squeeze3A_50 = vector.shape_cast %slice3A_49 : vector<64x1x64xf32> to vector<64x64xf32>
    %max3A_51 = arith.maximumf %max3A_48, %squeeze3A_50 : vector<64x64xf32>
    %slice3A_52 = vector.extract_strided_slice %reshape3A_12 {offsets = [0, 14, 0], sizes = [64, 1, 64], strides = [1, 1, 1]} : vector<64x20x64xf32> to vector<64x1x64xf32>
    %squeeze3A_53 = vector.shape_cast %slice3A_52 : vector<64x1x64xf32> to vector<64x64xf32>
    %max3A_54 = arith.maximumf %max3A_51, %squeeze3A_53 : vector<64x64xf32>
    %slice3A_55 = vector.extract_strided_slice %reshape3A_12 {offsets = [0, 15, 0], sizes = [64, 1, 64], strides = [1, 1, 1]} : vector<64x20x64xf32> to vector<64x1x64xf32>
    %squeeze3A_56 = vector.shape_cast %slice3A_55 : vector<64x1x64xf32> to vector<64x64xf32>
    %max3A_57 = arith.maximumf %max3A_54, %squeeze3A_56 : vector<64x64xf32>
    %slice3A_58 = vector.extract_strided_slice %reshape3A_12 {offsets = [0, 16, 0], sizes = [64, 1, 64], strides = [1, 1, 1]} : vector<64x20x64xf32> to vector<64x1x64xf32>
    %squeeze3A_59 = vector.shape_cast %slice3A_58 : vector<64x1x64xf32> to vector<64x64xf32>
    %max3A_60 = arith.maximumf %max3A_57, %squeeze3A_59 : vector<64x64xf32>
    %slice3A_61 = vector.extract_strided_slice %reshape3A_12 {offsets = [0, 17, 0], sizes = [64, 1, 64], strides = [1, 1, 1]} : vector<64x20x64xf32> to vector<64x1x64xf32>
    %squeeze3A_62 = vector.shape_cast %slice3A_61 : vector<64x1x64xf32> to vector<64x64xf32>
    %max3A_63 = arith.maximumf %max3A_60, %squeeze3A_62 : vector<64x64xf32>
    %slice3A_64 = vector.extract_strided_slice %reshape3A_12 {offsets = [0, 18, 0], sizes = [64, 1, 64], strides = [1, 1, 1]} : vector<64x20x64xf32> to vector<64x1x64xf32>
    %squeeze3A_65 = vector.shape_cast %slice3A_64 : vector<64x1x64xf32> to vector<64x64xf32>
    %max3A_66 = arith.maximumf %max3A_63, %squeeze3A_65 : vector<64x64xf32>
    %slice3A_67 = vector.extract_strided_slice %reshape3A_12 {offsets = [0, 19, 0], sizes = [64, 1, 64], strides = [1, 1, 1]} : vector<64x20x64xf32> to vector<64x1x64xf32>
    %squeeze3A_68 = vector.shape_cast %slice3A_67 : vector<64x1x64xf32> to vector<64x64xf32>
    %max3A_69 = arith.maximumf %max3A_66, %squeeze3A_68 : vector<64x64xf32>
    %swap3A = arith.constant 0 : index
    %swap3A_70 = arith.constant 0 : index
    %swap3A_71 = vector.load %arg4[%swap3A, %swap3A_70] : memref<64x64xf32, #tpu.memory_space<vmem>>, vector<64x64xf32>
    tpu.vector_store %arg4[%swap3A, %swap3A_70], %max3A_69 {strides = array<i32>} : memref<64x64xf32, #tpu.memory_space<vmem>>, vector<64x64xf32>,
    %reduce_sum3A = arith.constant dense<0.000000e+00> : vector<64xf32>
    %reduce_sum3A_72 = vector.multi_reduction <add>, %dot_general3A_11, %reduce_sum3A [0] : vector<1280x64xf32> to vector<64xf32>
    %mul3A = arith.mulf %dot_general3A_11, %dot_general3A_11 : vector<1280x64xf32>
    %reduce_sum3A_73 = arith.constant dense<0.000000e+00> : vector<64xf32>
    %reduce_sum3A_74 = vector.multi_reduction <add>, %mul3A, %reduce_sum3A_73 [0] : vector<1280x64xf32> to vector<64xf32>
    %eq3A = arith.constant 0 : i32
    %eq3A_75 = arith.cmpi eq, %arg0, %eq3A : i32
    %convert_element_type3A = arith.extui %eq3A_75 : i1 to i32
    %cond3A = arith.constant 0 : i32
    %cond3A_76 = arith.cmpi ne, %convert_element_type3A, %cond3A : i32
    scf.if %cond3A_76 {
      %broadcast_in_dim3A_96 = arith.constant 0.000000e+00 : f32
      %broadcast_in_dim3A_97 = vector.broadcast %broadcast_in_dim3A_96 : f32 to vector<2x64xf32>
      %swap3A_98 = arith.constant 0 : index
      %swap3A_99 = arith.constant 0 : index
      %swap3A_100 = vector.load %arg5[%swap3A_98, %swap3A_99] : memref<2x64xf32, #tpu.memory_space<vmem>>, vector<2x64xf32>
      tpu.vector_store %arg5[%swap3A_98, %swap3A_99], %broadcast_in_dim3A_97 {strides = array<i32>} : memref<2x64xf32, #tpu.memory_space<vmem>>, vector<2x64xf32>,
    } else {
    }
    %get3A_77 = arith.constant 0 : index
    %get3A_78 = arith.constant 0 : index
    %get3A_79 = vector.load %arg5[%get3A_77, %get3A_78] : memref<2x64xf32, #tpu.memory_space<vmem>>, vector<1x64xf32>
    %get3A_80 = vector.shape_cast %get3A_79 : vector<1x64xf32> to vector<64xf32>
    %add3A = arith.addf %get3A_80, %reduce_sum3A_72 : vector<64xf32>
    %swap3A_81 = arith.constant 0 : index
    %swap3A_82 = arith.constant 0 : index
    %swap3A_83 = vector.load %arg5[%swap3A_81, %swap3A_82] : memref<2x64xf32, #tpu.memory_space<vmem>>, vector<1x64xf32>
    %swap3A_84 = vector.shape_cast %swap3A_83 : vector<1x64xf32> to vector<64xf32>
    %swap3A_85 = vector.shape_cast %add3A : vector<64xf32> to vector<1x64xf32>
    tpu.vector_store %arg5[%swap3A_81, %swap3A_82], %swap3A_85 {strides = array<i32>} : memref<2x64xf32, #tpu.memory_space<vmem>>, vector<1x64xf32>,
    %get3A_86 = arith.constant 1 : index
    %get3A_87 = arith.constant 0 : index
    %get3A_88 = vector.load %arg5[%get3A_86, %get3A_87] : memref<2x64xf32, #tpu.memory_space<vmem>>, vector<1x64xf32>
    %get3A_89 = vector.shape_cast %get3A_88 : vector<1x64xf32> to vector<64xf32>
    %add3A_90 = arith.addf %get3A_89, %reduce_sum3A_74 : vector<64xf32>
    %swap3A_91 = arith.constant 1 : index
    %swap3A_92 = arith.constant 0 : index
    %swap3A_93 = vector.load %arg5[%swap3A_91, %swap3A_92] : memref<2x64xf32, #tpu.memory_space<vmem>>, vector<1x64xf32>
    %swap3A_94 = vector.shape_cast %swap3A_93 : vector<1x64xf32> to vector<64xf32>
    %swap3A_95 = vector.shape_cast %add3A_90 : vector<64xf32> to vector<1x64xf32>
    tpu.vector_store %arg5[%swap3A_91, %swap3A_92], %swap3A_95 {strides = array<i32>} : memref<2x64xf32, #tpu.memory_space<vmem>>, vector<1x64xf32>,
    return
  }
  func.func @transform_0(%arg0: i32) -> (i32, i32) {
    %c0_i32 = arith.constant 0 : i32
    %c0_i32_0 = arith.constant 0 : i32
    return %arg0, %c0_i32 : i32, i32
  }
  func.func @transform_1(%arg0: i32) -> (i32, i32) {
    %c0_i32 = arith.constant 0 : i32
    %c0_i32_0 = arith.constant 0 : i32
    return %arg0, %c0_i32 : i32, i32
  }
  func.func @transform_2(%arg0: i32) -> (i32, i32) {
    %c0_i32 = arith.constant 0 : i32
    %c0_i32_0 = arith.constant 0 : i32
    %c0_i32_1 = arith.constant 0 : i32
    return %c0_i32, %c0_i32_0 : i32, i32
  }
  func.func @transform_3(%arg0: i32) -> (i32, i32) {
    %c0_i32 = arith.constant 0 : i32
    %c0_i32_0 = arith.constant 0 : i32
    return %arg0, %c0_i32 : i32, i32
  }
  func.func @transform_4(%arg0: i32) -> (i32, i32) {
    %c0_i32 = arith.constant 0 : i32
    %c0_i32_0 = arith.constant 0 : i32
    %c0_i32_1 = arith.constant 0 : i32
    return %c0_i32, %c0_i32_0 : i32, i32
  }
}

module attributes {stable_mosaic.version = 14 : i64} {
  func.func @body(%arg0: i32, %arg1: memref<64x128xf32, #tpu.memory_space<vmem>>, %arg2: memref<1280x128xf32, #tpu.memory_space<vmem>>, %arg3: memref<128x128xf32, #tpu.memory_space<vmem>>, %arg4: memref<64x128xf32, #tpu.memory_space<vmem>>, %arg5: memref<2x128xf32, #tpu.memory_space<vmem>>) attributes {dimension_semantics = [#tpu.dimension_semantics<arbitrary>], iteration_bounds = array<i64: 64>, scalar_prefetch = 0 : i64, scratch_operands = 0 : i64, tpu.core_type = #tpu.core_type<tc>, window_params = [{transform_indices = @transform_0, window_bounds = array<i64: 64, 128>}, {transform_indices = @transform_1, window_bounds = array<i64: 1280, 128>}, {pipeline_mode = #tpu.pipeline_mode<synchronous>, transform_indices = @transform_2, window_bounds = array<i64: 128, 128>}, {transform_indices = @transform_3, window_bounds = array<i64: 64, 128>}, {pipeline_mode = #tpu.pipeline_mode<synchronous>, transform_indices = @transform_4, window_bounds = array<i64: 2, 128>}]} {
    %get3A = arith.constant 0 : index
    %get3A_0 = arith.constant 0 : index
    %get3A_1 = vector.load %arg1[%get3A, %get3A_0] : memref<64x128xf32, #tpu.memory_space<vmem>>, vector<64x128xf32>
    %broadcast_in_dim3A = vector.shape_cast %get3A_1 : vector<64x128xf32> to vector<64x1x128xf32>
    %broadcast_in_dim3A_2 = vector.shape_cast %broadcast_in_dim3A : vector<64x1x128xf32> to vector<64x1x128xf32>
    %broadcast_in_dim3A_3 = vector.broadcast %broadcast_in_dim3A_2 : vector<64x1x128xf32> to vector<64x20x128xf32>
    %reshape3A = vector.shape_cast %broadcast_in_dim3A_3 : vector<64x20x128xf32> to vector<1280x128xf32>
    %get3A_4 = arith.constant 0 : index
    %get3A_5 = arith.constant 0 : index
    %get3A_6 = vector.load %arg2[%get3A_4, %get3A_5] : memref<1280x128xf32, #tpu.memory_space<vmem>>, vector<1280x128xf32>
    %sub3A = arith.subf %get3A_6, %reshape3A : vector<1280x128xf32>
    %slice3A = vector.extract_strided_slice %reshape3A {offsets = [0, 0], sizes = [1280, 64], strides = [1, 1]} : vector<1280x128xf32> to vector<1280x64xf32>
    %slice3A_7 = vector.extract_strided_slice %sub3A {offsets = [0, 0], sizes = [1280, 64], strides = [1, 1]} : vector<1280x128xf32> to vector<1280x64xf32>
    %concatenate3A = tpu.concatenate %slice3A, %slice3A_7 in 1 : vector<1280x64xf32>, vector<1280x64xf32> -> vector<1280x128xf32>
    %get3A_8 = arith.constant 0 : index
    %get3A_9 = arith.constant 0 : index
    %get3A_10 = vector.load %arg3[%get3A_8, %get3A_9] : memref<128x128xf32, #tpu.memory_space<vmem>>, vector<128x128xf32>
    %dot_general3A = arith.constant dense<0.000000e+00> : vector<1280x128xf32>
    %dot_general3A_11 = tpu.matmul %concatenate3A, %get3A_10, %dot_general3A {dimension_numbers = #tpu.dot_dimension_numbers<[1], [0], [0], [1], [0, 0, 1, 1], [], []>, transpose_lhs_hint = false} : vector<1280x128xf32>, vector<128x128xf32>, vector<1280x128xf32> -> vector<1280x128xf32>
    %reshape3A_12 = vector.shape_cast %dot_general3A_11 : vector<1280x128xf32> to vector<64x20x128xf32>
    %slice3A_13 = vector.extract_strided_slice %reshape3A_12 {offsets = [0, 0, 0], sizes = [64, 1, 128], strides = [1, 1, 1]} : vector<64x20x128xf32> to vector<64x1x128xf32>
    %squeeze3A = vector.shape_cast %slice3A_13 : vector<64x1x128xf32> to vector<64x128xf32>
    %slice3A_14 = vector.extract_strided_slice %reshape3A_12 {offsets = [0, 1, 0], sizes = [64, 1, 128], strides = [1, 1, 1]} : vector<64x20x128xf32> to vector<64x1x128xf32>
    %squeeze3A_15 = vector.shape_cast %slice3A_14 : vector<64x1x128xf32> to vector<64x128xf32>
    %max3A = arith.maximumf %squeeze3A, %squeeze3A_15 : vector<64x128xf32>
    %slice3A_16 = vector.extract_strided_slice %reshape3A_12 {offsets = [0, 2, 0], sizes = [64, 1, 128], strides = [1, 1, 1]} : vector<64x20x128xf32> to vector<64x1x128xf32>
    %squeeze3A_17 = vector.shape_cast %slice3A_16 : vector<64x1x128xf32> to vector<64x128xf32>
    %max3A_18 = arith.maximumf %max3A, %squeeze3A_17 : vector<64x128xf32>
    %slice3A_19 = vector.extract_strided_slice %reshape3A_12 {offsets = [0, 3, 0], sizes = [64, 1, 128], strides = [1, 1, 1]} : vector<64x20x128xf32> to vector<64x1x128xf32>
    %squeeze3A_20 = vector.shape_cast %slice3A_19 : vector<64x1x128xf32> to vector<64x128xf32>
    %max3A_21 = arith.maximumf %max3A_18, %squeeze3A_20 : vector<64x128xf32>
    %slice3A_22 = vector.extract_strided_slice %reshape3A_12 {offsets = [0, 4, 0], sizes = [64, 1, 128], strides = [1, 1, 1]} : vector<64x20x128xf32> to vector<64x1x128xf32>
    %squeeze3A_23 = vector.shape_cast %slice3A_22 : vector<64x1x128xf32> to vector<64x128xf32>
    %max3A_24 = arith.maximumf %max3A_21, %squeeze3A_23 : vector<64x128xf32>
    %slice3A_25 = vector.extract_strided_slice %reshape3A_12 {offsets = [0, 5, 0], sizes = [64, 1, 128], strides = [1, 1, 1]} : vector<64x20x128xf32> to vector<64x1x128xf32>
    %squeeze3A_26 = vector.shape_cast %slice3A_25 : vector<64x1x128xf32> to vector<64x128xf32>
    %max3A_27 = arith.maximumf %max3A_24, %squeeze3A_26 : vector<64x128xf32>
    %slice3A_28 = vector.extract_strided_slice %reshape3A_12 {offsets = [0, 6, 0], sizes = [64, 1, 128], strides = [1, 1, 1]} : vector<64x20x128xf32> to vector<64x1x128xf32>
    %squeeze3A_29 = vector.shape_cast %slice3A_28 : vector<64x1x128xf32> to vector<64x128xf32>
    %max3A_30 = arith.maximumf %max3A_27, %squeeze3A_29 : vector<64x128xf32>
    %slice3A_31 = vector.extract_strided_slice %reshape3A_12 {offsets = [0, 7, 0], sizes = [64, 1, 128], strides = [1, 1, 1]} : vector<64x20x128xf32> to vector<64x1x128xf32>
    %squeeze3A_32 = vector.shape_cast %slice3A_31 : vector<64x1x128xf32> to vector<64x128xf32>
    %max3A_33 = arith.maximumf %max3A_30, %squeeze3A_32 : vector<64x128xf32>
    %slice3A_34 = vector.extract_strided_slice %reshape3A_12 {offsets = [0, 8, 0], sizes = [64, 1, 128], strides = [1, 1, 1]} : vector<64x20x128xf32> to vector<64x1x128xf32>
    %squeeze3A_35 = vector.shape_cast %slice3A_34 : vector<64x1x128xf32> to vector<64x128xf32>
    %max3A_36 = arith.maximumf %max3A_33, %squeeze3A_35 : vector<64x128xf32>
    %slice3A_37 = vector.extract_strided_slice %reshape3A_12 {offsets = [0, 9, 0], sizes = [64, 1, 128], strides = [1, 1, 1]} : vector<64x20x128xf32> to vector<64x1x128xf32>
    %squeeze3A_38 = vector.shape_cast %slice3A_37 : vector<64x1x128xf32> to vector<64x128xf32>
    %max3A_39 = arith.maximumf %max3A_36, %squeeze3A_38 : vector<64x128xf32>
    %slice3A_40 = vector.extract_strided_slice %reshape3A_12 {offsets = [0, 10, 0], sizes = [64, 1, 128], strides = [1, 1, 1]} : vector<64x20x128xf32> to vector<64x1x128xf32>
    %squeeze3A_41 = vector.shape_cast %slice3A_40 : vector<64x1x128xf32> to vector<64x128xf32>
    %max3A_42 = arith.maximumf %max3A_39, %squeeze3A_41 : vector<64x128xf32>
    %slice3A_43 = vector.extract_strided_slice %reshape3A_12 {offsets = [0, 11, 0], sizes = [64, 1, 128], strides = [1, 1, 1]} : vector<64x20x128xf32> to vector<64x1x128xf32>
    %squeeze3A_44 = vector.shape_cast %slice3A_43 : vector<64x1x128xf32> to vector<64x128xf32>
    %max3A_45 = arith.maximumf %max3A_42, %squeeze3A_44 : vector<64x128xf32>
    %slice3A_46 = vector.extract_strided_slice %reshape3A_12 {offsets = [0, 12, 0], sizes = [64, 1, 128], strides = [1, 1, 1]} : vector<64x20x128xf32> to vector<64x1x128xf32>
    %squeeze3A_47 = vector.shape_cast %slice3A_46 : vector<64x1x128xf32> to vector<64x128xf32>
    %max3A_48 = arith.maximumf %max3A_45, %squeeze3A_47 : vector<64x128xf32>
    %slice3A_49 = vector.extract_strided_slice %reshape3A_12 {offsets = [0, 13, 0], sizes = [64, 1, 128], strides = [1, 1, 1]} : vector<64x20x128xf32> to vector<64x1x128xf32>
    %squeeze3A_50 = vector.shape_cast %slice3A_49 : vector<64x1x128xf32> to vector<64x128xf32>
    %max3A_51 = arith.maximumf %max3A_48, %squeeze3A_50 : vector<64x128xf32>
    %slice3A_52 = vector.extract_strided_slice %reshape3A_12 {offsets = [0, 14, 0], sizes = [64, 1, 128], strides = [1, 1, 1]} : vector<64x20x128xf32> to vector<64x1x128xf32>
    %squeeze3A_53 = vector.shape_cast %slice3A_52 : vector<64x1x128xf32> to vector<64x128xf32>
    %max3A_54 = arith.maximumf %max3A_51, %squeeze3A_53 : vector<64x128xf32>
    %slice3A_55 = vector.extract_strided_slice %reshape3A_12 {offsets = [0, 15, 0], sizes = [64, 1, 128], strides = [1, 1, 1]} : vector<64x20x128xf32> to vector<64x1x128xf32>
    %squeeze3A_56 = vector.shape_cast %slice3A_55 : vector<64x1x128xf32> to vector<64x128xf32>
    %max3A_57 = arith.maximumf %max3A_54, %squeeze3A_56 : vector<64x128xf32>
    %slice3A_58 = vector.extract_strided_slice %reshape3A_12 {offsets = [0, 16, 0], sizes = [64, 1, 128], strides = [1, 1, 1]} : vector<64x20x128xf32> to vector<64x1x128xf32>
    %squeeze3A_59 = vector.shape_cast %slice3A_58 : vector<64x1x128xf32> to vector<64x128xf32>
    %max3A_60 = arith.maximumf %max3A_57, %squeeze3A_59 : vector<64x128xf32>
    %slice3A_61 = vector.extract_strided_slice %reshape3A_12 {offsets = [0, 17, 0], sizes = [64, 1, 128], strides = [1, 1, 1]} : vector<64x20x128xf32> to vector<64x1x128xf32>
    %squeeze3A_62 = vector.shape_cast %slice3A_61 : vector<64x1x128xf32> to vector<64x128xf32>
    %max3A_63 = arith.maximumf %max3A_60, %squeeze3A_62 : vector<64x128xf32>
    %slice3A_64 = vector.extract_strided_slice %reshape3A_12 {offsets = [0, 18, 0], sizes = [64, 1, 128], strides = [1, 1, 1]} : vector<64x20x128xf32> to vector<64x1x128xf32>
    %squeeze3A_65 = vector.shape_cast %slice3A_64 : vector<64x1x128xf32> to vector<64x128xf32>
    %max3A_66 = arith.maximumf %max3A_63, %squeeze3A_65 : vector<64x128xf32>
    %slice3A_67 = vector.extract_strided_slice %reshape3A_12 {offsets = [0, 19, 0], sizes = [64, 1, 128], strides = [1, 1, 1]} : vector<64x20x128xf32> to vector<64x1x128xf32>
    %squeeze3A_68 = vector.shape_cast %slice3A_67 : vector<64x1x128xf32> to vector<64x128xf32>
    %max3A_69 = arith.maximumf %max3A_66, %squeeze3A_68 : vector<64x128xf32>
    %swap3A = arith.constant 0 : index
    %swap3A_70 = arith.constant 0 : index
    %swap3A_71 = vector.load %arg4[%swap3A, %swap3A_70] : memref<64x128xf32, #tpu.memory_space<vmem>>, vector<64x128xf32>
    tpu.vector_store %arg4[%swap3A, %swap3A_70], %max3A_69 {strides = array<i32>} : memref<64x128xf32, #tpu.memory_space<vmem>>, vector<64x128xf32>,
    %reduce_sum3A = arith.constant dense<0.000000e+00> : vector<128xf32>
    %reduce_sum3A_72 = vector.multi_reduction <add>, %dot_general3A_11, %reduce_sum3A [0] : vector<1280x128xf32> to vector<128xf32>
    %mul3A = arith.mulf %dot_general3A_11, %dot_general3A_11 : vector<1280x128xf32>
    %reduce_sum3A_73 = arith.constant dense<0.000000e+00> : vector<128xf32>
    %reduce_sum3A_74 = vector.multi_reduction <add>, %mul3A, %reduce_sum3A_73 [0] : vector<1280x128xf32> to vector<128xf32>
    %eq3A = arith.constant 0 : i32
    %eq3A_75 = arith.cmpi eq, %arg0, %eq3A : i32
    %convert_element_type3A = arith.extui %eq3A_75 : i1 to i32
    %cond3A = arith.constant 0 : i32
    %cond3A_76 = arith.cmpi ne, %convert_element_type3A, %cond3A : i32
    scf.if %cond3A_76 {
      %broadcast_in_dim3A_96 = arith.constant 0.000000e+00 : f32
      %broadcast_in_dim3A_97 = vector.broadcast %broadcast_in_dim3A_96 : f32 to vector<2x128xf32>
      %swap3A_98 = arith.constant 0 : index
      %swap3A_99 = arith.constant 0 : index
      %swap3A_100 = vector.load %arg5[%swap3A_98, %swap3A_99] : memref<2x128xf32, #tpu.memory_space<vmem>>, vector<2x128xf32>
      tpu.vector_store %arg5[%swap3A_98, %swap3A_99], %broadcast_in_dim3A_97 {strides = array<i32>} : memref<2x128xf32, #tpu.memory_space<vmem>>, vector<2x128xf32>,
    } else {
    }
    %get3A_77 = arith.constant 0 : index
    %get3A_78 = arith.constant 0 : index
    %get3A_79 = vector.load %arg5[%get3A_77, %get3A_78] : memref<2x128xf32, #tpu.memory_space<vmem>>, vector<1x128xf32>
    %get3A_80 = vector.shape_cast %get3A_79 : vector<1x128xf32> to vector<128xf32>
    %add3A = arith.addf %get3A_80, %reduce_sum3A_72 : vector<128xf32>
    %swap3A_81 = arith.constant 0 : index
    %swap3A_82 = arith.constant 0 : index
    %swap3A_83 = vector.load %arg5[%swap3A_81, %swap3A_82] : memref<2x128xf32, #tpu.memory_space<vmem>>, vector<1x128xf32>
    %swap3A_84 = vector.shape_cast %swap3A_83 : vector<1x128xf32> to vector<128xf32>
    %swap3A_85 = vector.shape_cast %add3A : vector<128xf32> to vector<1x128xf32>
    tpu.vector_store %arg5[%swap3A_81, %swap3A_82], %swap3A_85 {strides = array<i32>} : memref<2x128xf32, #tpu.memory_space<vmem>>, vector<1x128xf32>,
    %get3A_86 = arith.constant 1 : index
    %get3A_87 = arith.constant 0 : index
    %get3A_88 = vector.load %arg5[%get3A_86, %get3A_87] : memref<2x128xf32, #tpu.memory_space<vmem>>, vector<1x128xf32>
    %get3A_89 = vector.shape_cast %get3A_88 : vector<1x128xf32> to vector<128xf32>
    %add3A_90 = arith.addf %get3A_89, %reduce_sum3A_74 : vector<128xf32>
    %swap3A_91 = arith.constant 1 : index
    %swap3A_92 = arith.constant 0 : index
    %swap3A_93 = vector.load %arg5[%swap3A_91, %swap3A_92] : memref<2x128xf32, #tpu.memory_space<vmem>>, vector<1x128xf32>
    %swap3A_94 = vector.shape_cast %swap3A_93 : vector<1x128xf32> to vector<128xf32>
    %swap3A_95 = vector.shape_cast %add3A_90 : vector<128xf32> to vector<1x128xf32>
    tpu.vector_store %arg5[%swap3A_91, %swap3A_92], %swap3A_95 {strides = array<i32>} : memref<2x128xf32, #tpu.memory_space<vmem>>, vector<1x128xf32>,
    return
  }
  func.func @transform_0(%arg0: i32) -> (i32, i32) {
    %c0_i32 = arith.constant 0 : i32
    %c0_i32_0 = arith.constant 0 : i32
    return %arg0, %c0_i32 : i32, i32
  }
  func.func @transform_1(%arg0: i32) -> (i32, i32) {
    %c0_i32 = arith.constant 0 : i32
    %c0_i32_0 = arith.constant 0 : i32
    return %arg0, %c0_i32 : i32, i32
  }
  func.func @transform_2(%arg0: i32) -> (i32, i32) {
    %c0_i32 = arith.constant 0 : i32
    %c0_i32_0 = arith.constant 0 : i32
    %c0_i32_1 = arith.constant 0 : i32
    return %c0_i32, %c0_i32_0 : i32, i32
  }
  func.func @transform_3(%arg0: i32) -> (i32, i32) {
    %c0_i32 = arith.constant 0 : i32
    %c0_i32_0 = arith.constant 0 : i32
    return %arg0, %c0_i32 : i32, i32
  }
  func.func @transform_4(%arg0: i32) -> (i32, i32) {
    %c0_i32 = arith.constant 0 : i32
    %c0_i32_0 = arith.constant 0 : i32
    %c0_i32_1 = arith.constant 0 : i32
    return %c0_i32, %c0_i32_0 : i32, i32
  }
}

module attributes {stable_mosaic.version = 14 : i64} {
  func.func @body(%arg0: memref<4x1024x128xf32, #tpu.memory_space<vmem>>, %arg1: memref<2x128xf32, #tpu.memory_space<vmem>>, %arg2: memref<1x128xf32, #tpu.memory_space<vmem>>, %arg3: memref<1x128xf32, #tpu.memory_space<vmem>>, %arg4: memref<4x1024x128xf32, #tpu.memory_space<vmem>>) attributes {dimension_semantics = [], scalar_prefetch = 0 : i64, scratch_operands = 0 : i64, tpu.core_type = #tpu.core_type<tc>} {
    %get3A = arith.constant 0 : index
    %get3A_0 = arith.constant 0 : index
    %get3A_1 = vector.load %arg1[%get3A, %get3A_0] : memref<2x128xf32, #tpu.memory_space<vmem>>, vector<1x128xf32>
    %get3A_2 = vector.shape_cast %get3A_1 : vector<1x128xf32> to vector<128xf32>
    %div3A = arith.constant 8.192000e+04 : f32
    %div3A_3 = vector.broadcast %div3A : f32 to vector<128xf32>
    %div3A_4 = arith.divf %get3A_2, %div3A_3 : vector<128xf32>
    %get3A_5 = arith.constant 1 : index
    %get3A_6 = arith.constant 0 : index
    %get3A_7 = vector.load %arg1[%get3A_5, %get3A_6] : memref<2x128xf32, #tpu.memory_space<vmem>>, vector<1x128xf32>
    %get3A_8 = vector.shape_cast %get3A_7 : vector<1x128xf32> to vector<128xf32>
    %div3A_9 = arith.constant 8.192000e+04 : f32
    %div3A_10 = vector.broadcast %div3A_9 : f32 to vector<128xf32>
    %div3A_11 = arith.divf %get3A_8, %div3A_10 : vector<128xf32>
    %mul3A = arith.mulf %div3A_4, %div3A_4 : vector<128xf32>
    %sub3A = arith.subf %div3A_11, %mul3A : vector<128xf32>
    %add3A = arith.constant 9.99999974E-6 : f32
    %add3A_12 = vector.broadcast %add3A : f32 to vector<128xf32>
    %add3A_13 = arith.addf %sub3A, %add3A_12 : vector<128xf32>
    %rsqrt3A = math.rsqrt %add3A_13 : vector<128xf32>
    %get3A_14 = arith.constant 0 : index
    %get3A_15 = arith.constant 0 : index
    %get3A_16 = vector.load %arg2[%get3A_14, %get3A_15] : memref<1x128xf32, #tpu.memory_space<vmem>>, vector<1x128xf32>
    %get3A_17 = vector.shape_cast %get3A_16 : vector<1x128xf32> to vector<128xf32>
    %get3A_18 = arith.constant 0 : index
    %get3A_19 = arith.constant 0 : index
    %get3A_20 = vector.load %arg3[%get3A_18, %get3A_19] : memref<1x128xf32, #tpu.memory_space<vmem>>, vector<1x128xf32>
    %get3A_21 = vector.shape_cast %get3A_20 : vector<1x128xf32> to vector<128xf32>
    %get3A_22 = arith.constant 0 : index
    %get3A_23 = arith.constant 0 : index
    %get3A_24 = arith.constant 0 : index
    %get3A_25 = vector.load %arg0[%get3A_22, %get3A_23, %get3A_24] : memref<4x1024x128xf32, #tpu.memory_space<vmem>>, vector<1x1024x128xf32>
    %get3A_26 = vector.shape_cast %get3A_25 : vector<1x1024x128xf32> to vector<1024x128xf32>
    %broadcast_in_dim3A = vector.shape_cast %div3A_4 : vector<128xf32> to vector<1x128xf32>
    %sub3A_27 = vector.broadcast %broadcast_in_dim3A : vector<1x128xf32> to vector<1024x128xf32>
    %sub3A_28 = arith.subf %get3A_26, %sub3A_27 : vector<1024x128xf32>
    %broadcast_in_dim3A_29 = vector.shape_cast %rsqrt3A : vector<128xf32> to vector<1x128xf32>
    %mul3A_30 = vector.broadcast %broadcast_in_dim3A_29 : vector<1x128xf32> to vector<1024x128xf32>
    %mul3A_31 = arith.mulf %sub3A_28, %mul3A_30 : vector<1024x128xf32>
    %broadcast_in_dim3A_32 = vector.shape_cast %get3A_17 : vector<128xf32> to vector<1x128xf32>
    %mul3A_33 = vector.broadcast %broadcast_in_dim3A_32 : vector<1x128xf32> to vector<1024x128xf32>
    %mul3A_34 = arith.mulf %mul3A_31, %mul3A_33 : vector<1024x128xf32>
    %broadcast_in_dim3A_35 = vector.shape_cast %get3A_21 : vector<128xf32> to vector<1x128xf32>
    %add3A_36 = vector.broadcast %broadcast_in_dim3A_35 : vector<1x128xf32> to vector<1024x128xf32>
    %add3A_37 = arith.addf %mul3A_34, %add3A_36 : vector<1024x128xf32>
    %ge3A = arith.constant 0.000000e+00 : f32
    %ge3A_38 = vector.broadcast %ge3A : f32 to vector<1024x128xf32>
    %ge3A_39 = arith.cmpf oge, %add3A_37, %ge3A_38 : vector<1024x128xf32>
    %mul3A_40 = arith.constant 2.000000e-01 : f32
    %mul3A_41 = vector.broadcast %mul3A_40 : f32 to vector<1024x128xf32>
    %mul3A_42 = arith.mulf %mul3A_41, %add3A_37 : vector<1024x128xf32>
    %select_n3A = arith.select %ge3A_39, %add3A_37, %mul3A_42 : vector<1024x128xi1>, vector<1024x128xf32>
    %swap3A = arith.constant 0 : index
    %swap3A_43 = arith.constant 0 : index
    %swap3A_44 = arith.constant 0 : index
    %swap3A_45 = vector.load %arg4[%swap3A, %swap3A_43, %swap3A_44] : memref<4x1024x128xf32, #tpu.memory_space<vmem>>, vector<1x1024x128xf32>
    %swap3A_46 = vector.shape_cast %swap3A_45 : vector<1x1024x128xf32> to vector<1024x128xf32>
    %swap3A_47 = vector.shape_cast %select_n3A : vector<1024x128xf32> to vector<1x1024x128xf32>
    tpu.vector_store %arg4[%swap3A, %swap3A_43, %swap3A_44], %swap3A_47 {strides = array<i32>} : memref<4x1024x128xf32, #tpu.memory_space<vmem>>, vector<1x1024x128xf32>,
    %get3A_48 = arith.constant 1 : index
    %get3A_49 = arith.constant 0 : index
    %get3A_50 = arith.constant 0 : index
    %get3A_51 = vector.load %arg0[%get3A_48, %get3A_49, %get3A_50] : memref<4x1024x128xf32, #tpu.memory_space<vmem>>, vector<1x1024x128xf32>
    %get3A_52 = vector.shape_cast %get3A_51 : vector<1x1024x128xf32> to vector<1024x128xf32>
    %broadcast_in_dim3A_53 = vector.shape_cast %div3A_4 : vector<128xf32> to vector<1x128xf32>
    %sub3A_54 = vector.broadcast %broadcast_in_dim3A_53 : vector<1x128xf32> to vector<1024x128xf32>
    %sub3A_55 = arith.subf %get3A_52, %sub3A_54 : vector<1024x128xf32>
    %broadcast_in_dim3A_56 = vector.shape_cast %rsqrt3A : vector<128xf32> to vector<1x128xf32>
    %mul3A_57 = vector.broadcast %broadcast_in_dim3A_56 : vector<1x128xf32> to vector<1024x128xf32>
    %mul3A_58 = arith.mulf %sub3A_55, %mul3A_57 : vector<1024x128xf32>
    %broadcast_in_dim3A_59 = vector.shape_cast %get3A_17 : vector<128xf32> to vector<1x128xf32>
    %mul3A_60 = vector.broadcast %broadcast_in_dim3A_59 : vector<1x128xf32> to vector<1024x128xf32>
    %mul3A_61 = arith.mulf %mul3A_58, %mul3A_60 : vector<1024x128xf32>
    %broadcast_in_dim3A_62 = vector.shape_cast %get3A_21 : vector<128xf32> to vector<1x128xf32>
    %add3A_63 = vector.broadcast %broadcast_in_dim3A_62 : vector<1x128xf32> to vector<1024x128xf32>
    %add3A_64 = arith.addf %mul3A_61, %add3A_63 : vector<1024x128xf32>
    %ge3A_65 = arith.constant 0.000000e+00 : f32
    %ge3A_66 = vector.broadcast %ge3A_65 : f32 to vector<1024x128xf32>
    %ge3A_67 = arith.cmpf oge, %add3A_64, %ge3A_66 : vector<1024x128xf32>
    %mul3A_68 = arith.constant 2.000000e-01 : f32
    %mul3A_69 = vector.broadcast %mul3A_68 : f32 to vector<1024x128xf32>
    %mul3A_70 = arith.mulf %mul3A_69, %add3A_64 : vector<1024x128xf32>
    %select_n3A_71 = arith.select %ge3A_67, %add3A_64, %mul3A_70 : vector<1024x128xi1>, vector<1024x128xf32>
    %swap3A_72 = arith.constant 1 : index
    %swap3A_73 = arith.constant 0 : index
    %swap3A_74 = arith.constant 0 : index
    %swap3A_75 = vector.load %arg4[%swap3A_72, %swap3A_73, %swap3A_74] : memref<4x1024x128xf32, #tpu.memory_space<vmem>>, vector<1x1024x128xf32>
    %swap3A_76 = vector.shape_cast %swap3A_75 : vector<1x1024x128xf32> to vector<1024x128xf32>
    %swap3A_77 = vector.shape_cast %select_n3A_71 : vector<1024x128xf32> to vector<1x1024x128xf32>
    tpu.vector_store %arg4[%swap3A_72, %swap3A_73, %swap3A_74], %swap3A_77 {strides = array<i32>} : memref<4x1024x128xf32, #tpu.memory_space<vmem>>, vector<1x1024x128xf32>,
    %get3A_78 = arith.constant 2 : index
    %get3A_79 = arith.constant 0 : index
    %get3A_80 = arith.constant 0 : index
    %get3A_81 = vector.load %arg0[%get3A_78, %get3A_79, %get3A_80] : memref<4x1024x128xf32, #tpu.memory_space<vmem>>, vector<1x1024x128xf32>
    %get3A_82 = vector.shape_cast %get3A_81 : vector<1x1024x128xf32> to vector<1024x128xf32>
    %broadcast_in_dim3A_83 = vector.shape_cast %div3A_4 : vector<128xf32> to vector<1x128xf32>
    %sub3A_84 = vector.broadcast %broadcast_in_dim3A_83 : vector<1x128xf32> to vector<1024x128xf32>
    %sub3A_85 = arith.subf %get3A_82, %sub3A_84 : vector<1024x128xf32>
    %broadcast_in_dim3A_86 = vector.shape_cast %rsqrt3A : vector<128xf32> to vector<1x128xf32>
    %mul3A_87 = vector.broadcast %broadcast_in_dim3A_86 : vector<1x128xf32> to vector<1024x128xf32>
    %mul3A_88 = arith.mulf %sub3A_85, %mul3A_87 : vector<1024x128xf32>
    %broadcast_in_dim3A_89 = vector.shape_cast %get3A_17 : vector<128xf32> to vector<1x128xf32>
    %mul3A_90 = vector.broadcast %broadcast_in_dim3A_89 : vector<1x128xf32> to vector<1024x128xf32>
    %mul3A_91 = arith.mulf %mul3A_88, %mul3A_90 : vector<1024x128xf32>
    %broadcast_in_dim3A_92 = vector.shape_cast %get3A_21 : vector<128xf32> to vector<1x128xf32>
    %add3A_93 = vector.broadcast %broadcast_in_dim3A_92 : vector<1x128xf32> to vector<1024x128xf32>
    %add3A_94 = arith.addf %mul3A_91, %add3A_93 : vector<1024x128xf32>
    %ge3A_95 = arith.constant 0.000000e+00 : f32
    %ge3A_96 = vector.broadcast %ge3A_95 : f32 to vector<1024x128xf32>
    %ge3A_97 = arith.cmpf oge, %add3A_94, %ge3A_96 : vector<1024x128xf32>
    %mul3A_98 = arith.constant 2.000000e-01 : f32
    %mul3A_99 = vector.broadcast %mul3A_98 : f32 to vector<1024x128xf32>
    %mul3A_100 = arith.mulf %mul3A_99, %add3A_94 : vector<1024x128xf32>
    %select_n3A_101 = arith.select %ge3A_97, %add3A_94, %mul3A_100 : vector<1024x128xi1>, vector<1024x128xf32>
    %swap3A_102 = arith.constant 2 : index
    %swap3A_103 = arith.constant 0 : index
    %swap3A_104 = arith.constant 0 : index
    %swap3A_105 = vector.load %arg4[%swap3A_102, %swap3A_103, %swap3A_104] : memref<4x1024x128xf32, #tpu.memory_space<vmem>>, vector<1x1024x128xf32>
    %swap3A_106 = vector.shape_cast %swap3A_105 : vector<1x1024x128xf32> to vector<1024x128xf32>
    %swap3A_107 = vector.shape_cast %select_n3A_101 : vector<1024x128xf32> to vector<1x1024x128xf32>
    tpu.vector_store %arg4[%swap3A_102, %swap3A_103, %swap3A_104], %swap3A_107 {strides = array<i32>} : memref<4x1024x128xf32, #tpu.memory_space<vmem>>, vector<1x1024x128xf32>,
    %get3A_108 = arith.constant 3 : index
    %get3A_109 = arith.constant 0 : index
    %get3A_110 = arith.constant 0 : index
    %get3A_111 = vector.load %arg0[%get3A_108, %get3A_109, %get3A_110] : memref<4x1024x128xf32, #tpu.memory_space<vmem>>, vector<1x1024x128xf32>
    %get3A_112 = vector.shape_cast %get3A_111 : vector<1x1024x128xf32> to vector<1024x128xf32>
    %broadcast_in_dim3A_113 = vector.shape_cast %div3A_4 : vector<128xf32> to vector<1x128xf32>
    %sub3A_114 = vector.broadcast %broadcast_in_dim3A_113 : vector<1x128xf32> to vector<1024x128xf32>
    %sub3A_115 = arith.subf %get3A_112, %sub3A_114 : vector<1024x128xf32>
    %broadcast_in_dim3A_116 = vector.shape_cast %rsqrt3A : vector<128xf32> to vector<1x128xf32>
    %mul3A_117 = vector.broadcast %broadcast_in_dim3A_116 : vector<1x128xf32> to vector<1024x128xf32>
    %mul3A_118 = arith.mulf %sub3A_115, %mul3A_117 : vector<1024x128xf32>
    %broadcast_in_dim3A_119 = vector.shape_cast %get3A_17 : vector<128xf32> to vector<1x128xf32>
    %mul3A_120 = vector.broadcast %broadcast_in_dim3A_119 : vector<1x128xf32> to vector<1024x128xf32>
    %mul3A_121 = arith.mulf %mul3A_118, %mul3A_120 : vector<1024x128xf32>
    %broadcast_in_dim3A_122 = vector.shape_cast %get3A_21 : vector<128xf32> to vector<1x128xf32>
    %add3A_123 = vector.broadcast %broadcast_in_dim3A_122 : vector<1x128xf32> to vector<1024x128xf32>
    %add3A_124 = arith.addf %mul3A_121, %add3A_123 : vector<1024x128xf32>
    %ge3A_125 = arith.constant 0.000000e+00 : f32
    %ge3A_126 = vector.broadcast %ge3A_125 : f32 to vector<1024x128xf32>
    %ge3A_127 = arith.cmpf oge, %add3A_124, %ge3A_126 : vector<1024x128xf32>
    %mul3A_128 = arith.constant 2.000000e-01 : f32
    %mul3A_129 = vector.broadcast %mul3A_128 : f32 to vector<1024x128xf32>
    %mul3A_130 = arith.mulf %mul3A_129, %add3A_124 : vector<1024x128xf32>
    %select_n3A_131 = arith.select %ge3A_127, %add3A_124, %mul3A_130 : vector<1024x128xi1>, vector<1024x128xf32>
    %swap3A_132 = arith.constant 3 : index
    %swap3A_133 = arith.constant 0 : index
    %swap3A_134 = arith.constant 0 : index
    %swap3A_135 = vector.load %arg4[%swap3A_132, %swap3A_133, %swap3A_134] : memref<4x1024x128xf32, #tpu.memory_space<vmem>>, vector<1x1024x128xf32>
    %swap3A_136 = vector.shape_cast %swap3A_135 : vector<1x1024x128xf32> to vector<1024x128xf32>
    %swap3A_137 = vector.shape_cast %select_n3A_131 : vector<1024x128xf32> to vector<1x1024x128xf32>
    tpu.vector_store %arg4[%swap3A_132, %swap3A_133, %swap3A_134], %swap3A_137 {strides = array<i32>} : memref<4x1024x128xf32, #tpu.memory_space<vmem>>, vector<1x1024x128xf32>,
    return
  }
}

module attributes {stable_mosaic.version = 14 : i64} {
  func.func @body(%arg0: i32, %arg1: memref<64x128xf32, #tpu.memory_space<vmem>>, %arg2: memref<1280x128xf32, #tpu.memory_space<vmem>>, %arg3: memref<256x256xf32, #tpu.memory_space<vmem>>, %arg4: memref<64x256xf32, #tpu.memory_space<vmem>>, %arg5: memref<2x256xf32, #tpu.memory_space<vmem>>) attributes {dimension_semantics = [#tpu.dimension_semantics<arbitrary>], iteration_bounds = array<i64: 64>, scalar_prefetch = 0 : i64, scratch_operands = 0 : i64, tpu.core_type = #tpu.core_type<tc>, window_params = [{transform_indices = @transform_0, window_bounds = array<i64: 64, 128>}, {transform_indices = @transform_1, window_bounds = array<i64: 1280, 128>}, {pipeline_mode = #tpu.pipeline_mode<synchronous>, transform_indices = @transform_2, window_bounds = array<i64: 256, 256>}, {transform_indices = @transform_3, window_bounds = array<i64: 64, 256>}, {pipeline_mode = #tpu.pipeline_mode<synchronous>, transform_indices = @transform_4, window_bounds = array<i64: 2, 256>}]} {
    %get3A = arith.constant 0 : index
    %get3A_0 = arith.constant 0 : index
    %get3A_1 = vector.load %arg1[%get3A, %get3A_0] : memref<64x128xf32, #tpu.memory_space<vmem>>, vector<64x128xf32>
    %broadcast_in_dim3A = vector.shape_cast %get3A_1 : vector<64x128xf32> to vector<64x1x128xf32>
    %broadcast_in_dim3A_2 = vector.shape_cast %broadcast_in_dim3A : vector<64x1x128xf32> to vector<64x1x128xf32>
    %broadcast_in_dim3A_3 = vector.broadcast %broadcast_in_dim3A_2 : vector<64x1x128xf32> to vector<64x20x128xf32>
    %reshape3A = vector.shape_cast %broadcast_in_dim3A_3 : vector<64x20x128xf32> to vector<1280x128xf32>
    %get3A_4 = arith.constant 0 : index
    %get3A_5 = arith.constant 0 : index
    %get3A_6 = vector.load %arg2[%get3A_4, %get3A_5] : memref<1280x128xf32, #tpu.memory_space<vmem>>, vector<1280x128xf32>
    %sub3A = arith.subf %get3A_6, %reshape3A : vector<1280x128xf32>
    %concatenate3A = tpu.concatenate %reshape3A, %sub3A in 1 : vector<1280x128xf32>, vector<1280x128xf32> -> vector<1280x256xf32>
    %get3A_7 = arith.constant 0 : index
    %get3A_8 = arith.constant 0 : index
    %get3A_9 = vector.load %arg3[%get3A_7, %get3A_8] : memref<256x256xf32, #tpu.memory_space<vmem>>, vector<256x256xf32>
    %dot_general3A = arith.constant dense<0.000000e+00> : vector<1280x256xf32>
    %dot_general3A_10 = tpu.matmul %concatenate3A, %get3A_9, %dot_general3A {dimension_numbers = #tpu.dot_dimension_numbers<[1], [0], [0], [1], [0, 0, 1, 1], [], []>, transpose_lhs_hint = false} : vector<1280x256xf32>, vector<256x256xf32>, vector<1280x256xf32> -> vector<1280x256xf32>
    %reshape3A_11 = vector.shape_cast %dot_general3A_10 : vector<1280x256xf32> to vector<64x20x256xf32>
    %slice3A = vector.extract_strided_slice %reshape3A_11 {offsets = [0, 0, 0], sizes = [64, 1, 256], strides = [1, 1, 1]} : vector<64x20x256xf32> to vector<64x1x256xf32>
    %squeeze3A = vector.shape_cast %slice3A : vector<64x1x256xf32> to vector<64x256xf32>
    %slice3A_12 = vector.extract_strided_slice %reshape3A_11 {offsets = [0, 1, 0], sizes = [64, 1, 256], strides = [1, 1, 1]} : vector<64x20x256xf32> to vector<64x1x256xf32>
    %squeeze3A_13 = vector.shape_cast %slice3A_12 : vector<64x1x256xf32> to vector<64x256xf32>
    %max3A = arith.maximumf %squeeze3A, %squeeze3A_13 : vector<64x256xf32>
    %slice3A_14 = vector.extract_strided_slice %reshape3A_11 {offsets = [0, 2, 0], sizes = [64, 1, 256], strides = [1, 1, 1]} : vector<64x20x256xf32> to vector<64x1x256xf32>
    %squeeze3A_15 = vector.shape_cast %slice3A_14 : vector<64x1x256xf32> to vector<64x256xf32>
    %max3A_16 = arith.maximumf %max3A, %squeeze3A_15 : vector<64x256xf32>
    %slice3A_17 = vector.extract_strided_slice %reshape3A_11 {offsets = [0, 3, 0], sizes = [64, 1, 256], strides = [1, 1, 1]} : vector<64x20x256xf32> to vector<64x1x256xf32>
    %squeeze3A_18 = vector.shape_cast %slice3A_17 : vector<64x1x256xf32> to vector<64x256xf32>
    %max3A_19 = arith.maximumf %max3A_16, %squeeze3A_18 : vector<64x256xf32>
    %slice3A_20 = vector.extract_strided_slice %reshape3A_11 {offsets = [0, 4, 0], sizes = [64, 1, 256], strides = [1, 1, 1]} : vector<64x20x256xf32> to vector<64x1x256xf32>
    %squeeze3A_21 = vector.shape_cast %slice3A_20 : vector<64x1x256xf32> to vector<64x256xf32>
    %max3A_22 = arith.maximumf %max3A_19, %squeeze3A_21 : vector<64x256xf32>
    %slice3A_23 = vector.extract_strided_slice %reshape3A_11 {offsets = [0, 5, 0], sizes = [64, 1, 256], strides = [1, 1, 1]} : vector<64x20x256xf32> to vector<64x1x256xf32>
    %squeeze3A_24 = vector.shape_cast %slice3A_23 : vector<64x1x256xf32> to vector<64x256xf32>
    %max3A_25 = arith.maximumf %max3A_22, %squeeze3A_24 : vector<64x256xf32>
    %slice3A_26 = vector.extract_strided_slice %reshape3A_11 {offsets = [0, 6, 0], sizes = [64, 1, 256], strides = [1, 1, 1]} : vector<64x20x256xf32> to vector<64x1x256xf32>
    %squeeze3A_27 = vector.shape_cast %slice3A_26 : vector<64x1x256xf32> to vector<64x256xf32>
    %max3A_28 = arith.maximumf %max3A_25, %squeeze3A_27 : vector<64x256xf32>
    %slice3A_29 = vector.extract_strided_slice %reshape3A_11 {offsets = [0, 7, 0], sizes = [64, 1, 256], strides = [1, 1, 1]} : vector<64x20x256xf32> to vector<64x1x256xf32>
    %squeeze3A_30 = vector.shape_cast %slice3A_29 : vector<64x1x256xf32> to vector<64x256xf32>
    %max3A_31 = arith.maximumf %max3A_28, %squeeze3A_30 : vector<64x256xf32>
    %slice3A_32 = vector.extract_strided_slice %reshape3A_11 {offsets = [0, 8, 0], sizes = [64, 1, 256], strides = [1, 1, 1]} : vector<64x20x256xf32> to vector<64x1x256xf32>
    %squeeze3A_33 = vector.shape_cast %slice3A_32 : vector<64x1x256xf32> to vector<64x256xf32>
    %max3A_34 = arith.maximumf %max3A_31, %squeeze3A_33 : vector<64x256xf32>
    %slice3A_35 = vector.extract_strided_slice %reshape3A_11 {offsets = [0, 9, 0], sizes = [64, 1, 256], strides = [1, 1, 1]} : vector<64x20x256xf32> to vector<64x1x256xf32>
    %squeeze3A_36 = vector.shape_cast %slice3A_35 : vector<64x1x256xf32> to vector<64x256xf32>
    %max3A_37 = arith.maximumf %max3A_34, %squeeze3A_36 : vector<64x256xf32>
    %slice3A_38 = vector.extract_strided_slice %reshape3A_11 {offsets = [0, 10, 0], sizes = [64, 1, 256], strides = [1, 1, 1]} : vector<64x20x256xf32> to vector<64x1x256xf32>
    %squeeze3A_39 = vector.shape_cast %slice3A_38 : vector<64x1x256xf32> to vector<64x256xf32>
    %max3A_40 = arith.maximumf %max3A_37, %squeeze3A_39 : vector<64x256xf32>
    %slice3A_41 = vector.extract_strided_slice %reshape3A_11 {offsets = [0, 11, 0], sizes = [64, 1, 256], strides = [1, 1, 1]} : vector<64x20x256xf32> to vector<64x1x256xf32>
    %squeeze3A_42 = vector.shape_cast %slice3A_41 : vector<64x1x256xf32> to vector<64x256xf32>
    %max3A_43 = arith.maximumf %max3A_40, %squeeze3A_42 : vector<64x256xf32>
    %slice3A_44 = vector.extract_strided_slice %reshape3A_11 {offsets = [0, 12, 0], sizes = [64, 1, 256], strides = [1, 1, 1]} : vector<64x20x256xf32> to vector<64x1x256xf32>
    %squeeze3A_45 = vector.shape_cast %slice3A_44 : vector<64x1x256xf32> to vector<64x256xf32>
    %max3A_46 = arith.maximumf %max3A_43, %squeeze3A_45 : vector<64x256xf32>
    %slice3A_47 = vector.extract_strided_slice %reshape3A_11 {offsets = [0, 13, 0], sizes = [64, 1, 256], strides = [1, 1, 1]} : vector<64x20x256xf32> to vector<64x1x256xf32>
    %squeeze3A_48 = vector.shape_cast %slice3A_47 : vector<64x1x256xf32> to vector<64x256xf32>
    %max3A_49 = arith.maximumf %max3A_46, %squeeze3A_48 : vector<64x256xf32>
    %slice3A_50 = vector.extract_strided_slice %reshape3A_11 {offsets = [0, 14, 0], sizes = [64, 1, 256], strides = [1, 1, 1]} : vector<64x20x256xf32> to vector<64x1x256xf32>
    %squeeze3A_51 = vector.shape_cast %slice3A_50 : vector<64x1x256xf32> to vector<64x256xf32>
    %max3A_52 = arith.maximumf %max3A_49, %squeeze3A_51 : vector<64x256xf32>
    %slice3A_53 = vector.extract_strided_slice %reshape3A_11 {offsets = [0, 15, 0], sizes = [64, 1, 256], strides = [1, 1, 1]} : vector<64x20x256xf32> to vector<64x1x256xf32>
    %squeeze3A_54 = vector.shape_cast %slice3A_53 : vector<64x1x256xf32> to vector<64x256xf32>
    %max3A_55 = arith.maximumf %max3A_52, %squeeze3A_54 : vector<64x256xf32>
    %slice3A_56 = vector.extract_strided_slice %reshape3A_11 {offsets = [0, 16, 0], sizes = [64, 1, 256], strides = [1, 1, 1]} : vector<64x20x256xf32> to vector<64x1x256xf32>
    %squeeze3A_57 = vector.shape_cast %slice3A_56 : vector<64x1x256xf32> to vector<64x256xf32>
    %max3A_58 = arith.maximumf %max3A_55, %squeeze3A_57 : vector<64x256xf32>
    %slice3A_59 = vector.extract_strided_slice %reshape3A_11 {offsets = [0, 17, 0], sizes = [64, 1, 256], strides = [1, 1, 1]} : vector<64x20x256xf32> to vector<64x1x256xf32>
    %squeeze3A_60 = vector.shape_cast %slice3A_59 : vector<64x1x256xf32> to vector<64x256xf32>
    %max3A_61 = arith.maximumf %max3A_58, %squeeze3A_60 : vector<64x256xf32>
    %slice3A_62 = vector.extract_strided_slice %reshape3A_11 {offsets = [0, 18, 0], sizes = [64, 1, 256], strides = [1, 1, 1]} : vector<64x20x256xf32> to vector<64x1x256xf32>
    %squeeze3A_63 = vector.shape_cast %slice3A_62 : vector<64x1x256xf32> to vector<64x256xf32>
    %max3A_64 = arith.maximumf %max3A_61, %squeeze3A_63 : vector<64x256xf32>
    %slice3A_65 = vector.extract_strided_slice %reshape3A_11 {offsets = [0, 19, 0], sizes = [64, 1, 256], strides = [1, 1, 1]} : vector<64x20x256xf32> to vector<64x1x256xf32>
    %squeeze3A_66 = vector.shape_cast %slice3A_65 : vector<64x1x256xf32> to vector<64x256xf32>
    %max3A_67 = arith.maximumf %max3A_64, %squeeze3A_66 : vector<64x256xf32>
    %swap3A = arith.constant 0 : index
    %swap3A_68 = arith.constant 0 : index
    %swap3A_69 = vector.load %arg4[%swap3A, %swap3A_68] : memref<64x256xf32, #tpu.memory_space<vmem>>, vector<64x256xf32>
    tpu.vector_store %arg4[%swap3A, %swap3A_68], %max3A_67 {strides = array<i32>} : memref<64x256xf32, #tpu.memory_space<vmem>>, vector<64x256xf32>,
    %reduce_sum3A = arith.constant dense<0.000000e+00> : vector<256xf32>
    %reduce_sum3A_70 = vector.multi_reduction <add>, %dot_general3A_10, %reduce_sum3A [0] : vector<1280x256xf32> to vector<256xf32>
    %mul3A = arith.mulf %dot_general3A_10, %dot_general3A_10 : vector<1280x256xf32>
    %reduce_sum3A_71 = arith.constant dense<0.000000e+00> : vector<256xf32>
    %reduce_sum3A_72 = vector.multi_reduction <add>, %mul3A, %reduce_sum3A_71 [0] : vector<1280x256xf32> to vector<256xf32>
    %eq3A = arith.constant 0 : i32
    %eq3A_73 = arith.cmpi eq, %arg0, %eq3A : i32
    %convert_element_type3A = arith.extui %eq3A_73 : i1 to i32
    %cond3A = arith.constant 0 : i32
    %cond3A_74 = arith.cmpi ne, %convert_element_type3A, %cond3A : i32
    scf.if %cond3A_74 {
      %broadcast_in_dim3A_94 = arith.constant 0.000000e+00 : f32
      %broadcast_in_dim3A_95 = vector.broadcast %broadcast_in_dim3A_94 : f32 to vector<2x256xf32>
      %swap3A_96 = arith.constant 0 : index
      %swap3A_97 = arith.constant 0 : index
      %swap3A_98 = vector.load %arg5[%swap3A_96, %swap3A_97] : memref<2x256xf32, #tpu.memory_space<vmem>>, vector<2x256xf32>
      tpu.vector_store %arg5[%swap3A_96, %swap3A_97], %broadcast_in_dim3A_95 {strides = array<i32>} : memref<2x256xf32, #tpu.memory_space<vmem>>, vector<2x256xf32>,
    } else {
    }
    %get3A_75 = arith.constant 0 : index
    %get3A_76 = arith.constant 0 : index
    %get3A_77 = vector.load %arg5[%get3A_75, %get3A_76] : memref<2x256xf32, #tpu.memory_space<vmem>>, vector<1x256xf32>
    %get3A_78 = vector.shape_cast %get3A_77 : vector<1x256xf32> to vector<256xf32>
    %add3A = arith.addf %get3A_78, %reduce_sum3A_70 : vector<256xf32>
    %swap3A_79 = arith.constant 0 : index
    %swap3A_80 = arith.constant 0 : index
    %swap3A_81 = vector.load %arg5[%swap3A_79, %swap3A_80] : memref<2x256xf32, #tpu.memory_space<vmem>>, vector<1x256xf32>
    %swap3A_82 = vector.shape_cast %swap3A_81 : vector<1x256xf32> to vector<256xf32>
    %swap3A_83 = vector.shape_cast %add3A : vector<256xf32> to vector<1x256xf32>
    tpu.vector_store %arg5[%swap3A_79, %swap3A_80], %swap3A_83 {strides = array<i32>} : memref<2x256xf32, #tpu.memory_space<vmem>>, vector<1x256xf32>,
    %get3A_84 = arith.constant 1 : index
    %get3A_85 = arith.constant 0 : index
    %get3A_86 = vector.load %arg5[%get3A_84, %get3A_85] : memref<2x256xf32, #tpu.memory_space<vmem>>, vector<1x256xf32>
    %get3A_87 = vector.shape_cast %get3A_86 : vector<1x256xf32> to vector<256xf32>
    %add3A_88 = arith.addf %get3A_87, %reduce_sum3A_72 : vector<256xf32>
    %swap3A_89 = arith.constant 1 : index
    %swap3A_90 = arith.constant 0 : index
    %swap3A_91 = vector.load %arg5[%swap3A_89, %swap3A_90] : memref<2x256xf32, #tpu.memory_space<vmem>>, vector<1x256xf32>
    %swap3A_92 = vector.shape_cast %swap3A_91 : vector<1x256xf32> to vector<256xf32>
    %swap3A_93 = vector.shape_cast %add3A_88 : vector<256xf32> to vector<1x256xf32>
    tpu.vector_store %arg5[%swap3A_89, %swap3A_90], %swap3A_93 {strides = array<i32>} : memref<2x256xf32, #tpu.memory_space<vmem>>, vector<1x256xf32>,
    return
  }
  func.func @transform_0(%arg0: i32) -> (i32, i32) {
    %c0_i32 = arith.constant 0 : i32
    %c0_i32_0 = arith.constant 0 : i32
    return %arg0, %c0_i32 : i32, i32
  }
  func.func @transform_1(%arg0: i32) -> (i32, i32) {
    %c0_i32 = arith.constant 0 : i32
    %c0_i32_0 = arith.constant 0 : i32
    return %arg0, %c0_i32 : i32, i32
  }
  func.func @transform_2(%arg0: i32) -> (i32, i32) {
    %c0_i32 = arith.constant 0 : i32
    %c0_i32_0 = arith.constant 0 : i32
    %c0_i32_1 = arith.constant 0 : i32
    return %c0_i32, %c0_i32_0 : i32, i32
  }
  func.func @transform_3(%arg0: i32) -> (i32, i32) {
    %c0_i32 = arith.constant 0 : i32
    %c0_i32_0 = arith.constant 0 : i32
    return %arg0, %c0_i32 : i32, i32
  }
  func.func @transform_4(%arg0: i32) -> (i32, i32) {
    %c0_i32 = arith.constant 0 : i32
    %c0_i32_0 = arith.constant 0 : i32
    %c0_i32_1 = arith.constant 0 : i32
    return %c0_i32, %c0_i32_0 : i32, i32
  }
}

module attributes {stable_mosaic.version = 14 : i64} {
  func.func @body(%arg0: memref<4x1024x256xf32, #tpu.memory_space<vmem>>, %arg1: memref<2x256xf32, #tpu.memory_space<vmem>>, %arg2: memref<1x256xf32, #tpu.memory_space<vmem>>, %arg3: memref<1x256xf32, #tpu.memory_space<vmem>>, %arg4: memref<4x1024x128xf32, #tpu.memory_space<vmem>>, %arg5: memref<4x1024x128xf32, #tpu.memory_space<vmem>>, %arg6: memref<4x1024x128xf32, #tpu.memory_space<vmem>>, %arg7: memref<512x512xf32, #tpu.memory_space<vmem>>, %arg8: memref<1x512xf32, #tpu.memory_space<vmem>>, %arg9: memref<1x512xf32, #tpu.memory_space<vmem>>, %arg10: memref<4x512xf32, #tpu.memory_space<vmem>>) attributes {dimension_semantics = [], scalar_prefetch = 0 : i64, scratch_operands = 0 : i64, tpu.core_type = #tpu.core_type<tc>} {
    %get3A = arith.constant 0 : index
    %get3A_0 = arith.constant 0 : index
    %get3A_1 = vector.load %arg1[%get3A, %get3A_0] : memref<2x256xf32, #tpu.memory_space<vmem>>, vector<1x256xf32>
    %get3A_2 = vector.shape_cast %get3A_1 : vector<1x256xf32> to vector<256xf32>
    %div3A = arith.constant 8.192000e+04 : f32
    %div3A_3 = vector.broadcast %div3A : f32 to vector<256xf32>
    %div3A_4 = arith.divf %get3A_2, %div3A_3 : vector<256xf32>
    %get3A_5 = arith.constant 1 : index
    %get3A_6 = arith.constant 0 : index
    %get3A_7 = vector.load %arg1[%get3A_5, %get3A_6] : memref<2x256xf32, #tpu.memory_space<vmem>>, vector<1x256xf32>
    %get3A_8 = vector.shape_cast %get3A_7 : vector<1x256xf32> to vector<256xf32>
    %div3A_9 = arith.constant 8.192000e+04 : f32
    %div3A_10 = vector.broadcast %div3A_9 : f32 to vector<256xf32>
    %div3A_11 = arith.divf %get3A_8, %div3A_10 : vector<256xf32>
    %mul3A = arith.mulf %div3A_4, %div3A_4 : vector<256xf32>
    %sub3A = arith.subf %div3A_11, %mul3A : vector<256xf32>
    %add3A = arith.constant 9.99999974E-6 : f32
    %add3A_12 = vector.broadcast %add3A : f32 to vector<256xf32>
    %add3A_13 = arith.addf %sub3A, %add3A_12 : vector<256xf32>
    %rsqrt3A = math.rsqrt %add3A_13 : vector<256xf32>
    %get3A_14 = arith.constant 0 : index
    %get3A_15 = arith.constant 0 : index
    %get3A_16 = vector.load %arg2[%get3A_14, %get3A_15] : memref<1x256xf32, #tpu.memory_space<vmem>>, vector<1x256xf32>
    %get3A_17 = vector.shape_cast %get3A_16 : vector<1x256xf32> to vector<256xf32>
    %get3A_18 = arith.constant 0 : index
    %get3A_19 = arith.constant 0 : index
    %get3A_20 = vector.load %arg3[%get3A_18, %get3A_19] : memref<1x256xf32, #tpu.memory_space<vmem>>, vector<1x256xf32>
    %get3A_21 = vector.shape_cast %get3A_20 : vector<1x256xf32> to vector<256xf32>
    %broadcast_in_dim3A = arith.constant 0.000000e+00 : f32
    %broadcast_in_dim3A_22 = vector.broadcast %broadcast_in_dim3A : f32 to vector<512xf32>
    %broadcast_in_dim3A_23 = arith.constant 0.000000e+00 : f32
    %broadcast_in_dim3A_24 = vector.broadcast %broadcast_in_dim3A_23 : f32 to vector<512xf32>
    %get3A_25 = arith.constant 0 : index
    %get3A_26 = arith.constant 0 : index
    %get3A_27 = arith.constant 0 : index
    %get3A_28 = vector.load %arg0[%get3A_25, %get3A_26, %get3A_27] : memref<4x1024x256xf32, #tpu.memory_space<vmem>>, vector<1x1024x256xf32>
    %get3A_29 = vector.shape_cast %get3A_28 : vector<1x1024x256xf32> to vector<1024x256xf32>
    %broadcast_in_dim3A_30 = vector.shape_cast %div3A_4 : vector<256xf32> to vector<1x256xf32>
    %sub3A_31 = vector.broadcast %broadcast_in_dim3A_30 : vector<1x256xf32> to vector<1024x256xf32>
    %sub3A_32 = arith.subf %get3A_29, %sub3A_31 : vector<1024x256xf32>
    %broadcast_in_dim3A_33 = vector.shape_cast %rsqrt3A : vector<256xf32> to vector<1x256xf32>
    %mul3A_34 = vector.broadcast %broadcast_in_dim3A_33 : vector<1x256xf32> to vector<1024x256xf32>
    %mul3A_35 = arith.mulf %sub3A_32, %mul3A_34 : vector<1024x256xf32>
    %broadcast_in_dim3A_36 = vector.shape_cast %get3A_17 : vector<256xf32> to vector<1x256xf32>
    %mul3A_37 = vector.broadcast %broadcast_in_dim3A_36 : vector<1x256xf32> to vector<1024x256xf32>
    %mul3A_38 = arith.mulf %mul3A_35, %mul3A_37 : vector<1024x256xf32>
    %broadcast_in_dim3A_39 = vector.shape_cast %get3A_21 : vector<256xf32> to vector<1x256xf32>
    %add3A_40 = vector.broadcast %broadcast_in_dim3A_39 : vector<1x256xf32> to vector<1024x256xf32>
    %add3A_41 = arith.addf %mul3A_38, %add3A_40 : vector<1024x256xf32>
    %ge3A = arith.constant 0.000000e+00 : f32
    %ge3A_42 = vector.broadcast %ge3A : f32 to vector<1024x256xf32>
    %ge3A_43 = arith.cmpf oge, %add3A_41, %ge3A_42 : vector<1024x256xf32>
    %mul3A_44 = arith.constant 2.000000e-01 : f32
    %mul3A_45 = vector.broadcast %mul3A_44 : f32 to vector<1024x256xf32>
    %mul3A_46 = arith.mulf %mul3A_45, %add3A_41 : vector<1024x256xf32>
    %select_n3A = arith.select %ge3A_43, %add3A_41, %mul3A_46 : vector<1024x256xi1>, vector<1024x256xf32>
    %get3A_47 = arith.constant 0 : index
    %get3A_48 = arith.constant 0 : index
    %get3A_49 = arith.constant 0 : index
    %get3A_50 = vector.load %arg4[%get3A_47, %get3A_48, %get3A_49] : memref<4x1024x128xf32, #tpu.memory_space<vmem>>, vector<1x1024x64xf32>
    %get3A_51 = vector.shape_cast %get3A_50 : vector<1x1024x64xf32> to vector<1024x64xf32>
    %get3A_52 = arith.constant 0 : index
    %get3A_53 = arith.constant 0 : index
    %get3A_54 = arith.constant 0 : index
    %get3A_55 = vector.load %arg5[%get3A_52, %get3A_53, %get3A_54] : memref<4x1024x128xf32, #tpu.memory_space<vmem>>, vector<1x1024x64xf32>
    %get3A_56 = vector.shape_cast %get3A_55 : vector<1x1024x64xf32> to vector<1024x64xf32>
    %get3A_57 = arith.constant 0 : index
    %get3A_58 = arith.constant 0 : index
    %get3A_59 = arith.constant 0 : index
    %get3A_60 = vector.load %arg6[%get3A_57, %get3A_58, %get3A_59] : memref<4x1024x128xf32, #tpu.memory_space<vmem>>, vector<1x1024x128xf32>
    %get3A_61 = vector.shape_cast %get3A_60 : vector<1x1024x128xf32> to vector<1024x128xf32>
    %concatenate3A = tpu.concatenate %get3A_51, %get3A_56, %get3A_61, %select_n3A in 1 : vector<1024x64xf32>, vector<1024x64xf32>, vector<1024x128xf32>, vector<1024x256xf32> -> vector<1024x512xf32>
    %get3A_62 = arith.constant 0 : index
    %get3A_63 = arith.constant 0 : index
    %get3A_64 = vector.load %arg7[%get3A_62, %get3A_63] : memref<512x512xf32, #tpu.memory_space<vmem>>, vector<512x512xf32>
    %dot_general3A = arith.constant dense<0.000000e+00> : vector<1024x512xf32>
    %dot_general3A_65 = tpu.matmul %concatenate3A, %get3A_64, %dot_general3A {dimension_numbers = #tpu.dot_dimension_numbers<[1], [0], [0], [1], [0, 0, 1, 1], [], []>, transpose_lhs_hint = false} : vector<1024x512xf32>, vector<512x512xf32>, vector<1024x512xf32> -> vector<1024x512xf32>
    %reduce_sum3A = arith.constant dense<0.000000e+00> : vector<512xf32>
    %reduce_sum3A_66 = vector.multi_reduction <add>, %dot_general3A_65, %reduce_sum3A [0] : vector<1024x512xf32> to vector<512xf32>
    %add3A_67 = arith.addf %broadcast_in_dim3A_22, %reduce_sum3A_66 : vector<512xf32>
    %mul3A_68 = arith.mulf %dot_general3A_65, %dot_general3A_65 : vector<1024x512xf32>
    %reduce_sum3A_69 = arith.constant dense<0.000000e+00> : vector<512xf32>
    %reduce_sum3A_70 = vector.multi_reduction <add>, %mul3A_68, %reduce_sum3A_69 [0] : vector<1024x512xf32> to vector<512xf32>
    %add3A_71 = arith.addf %broadcast_in_dim3A_24, %reduce_sum3A_70 : vector<512xf32>
    %reduce_max3A = arith.constant dense<0xFF800000> : vector<512xf32>
    %reduce_max3A_72 = vector.multi_reduction <maximumf>, %dot_general3A_65, %reduce_max3A [0] : vector<1024x512xf32> to vector<512xf32>
    %get3A_73 = arith.constant 1 : index
    %get3A_74 = arith.constant 0 : index
    %get3A_75 = arith.constant 0 : index
    %get3A_76 = vector.load %arg0[%get3A_73, %get3A_74, %get3A_75] : memref<4x1024x256xf32, #tpu.memory_space<vmem>>, vector<1x1024x256xf32>
    %get3A_77 = vector.shape_cast %get3A_76 : vector<1x1024x256xf32> to vector<1024x256xf32>
    %broadcast_in_dim3A_78 = vector.shape_cast %div3A_4 : vector<256xf32> to vector<1x256xf32>
    %sub3A_79 = vector.broadcast %broadcast_in_dim3A_78 : vector<1x256xf32> to vector<1024x256xf32>
    %sub3A_80 = arith.subf %get3A_77, %sub3A_79 : vector<1024x256xf32>
    %broadcast_in_dim3A_81 = vector.shape_cast %rsqrt3A : vector<256xf32> to vector<1x256xf32>
    %mul3A_82 = vector.broadcast %broadcast_in_dim3A_81 : vector<1x256xf32> to vector<1024x256xf32>
    %mul3A_83 = arith.mulf %sub3A_80, %mul3A_82 : vector<1024x256xf32>
    %broadcast_in_dim3A_84 = vector.shape_cast %get3A_17 : vector<256xf32> to vector<1x256xf32>
    %mul3A_85 = vector.broadcast %broadcast_in_dim3A_84 : vector<1x256xf32> to vector<1024x256xf32>
    %mul3A_86 = arith.mulf %mul3A_83, %mul3A_85 : vector<1024x256xf32>
    %broadcast_in_dim3A_87 = vector.shape_cast %get3A_21 : vector<256xf32> to vector<1x256xf32>
    %add3A_88 = vector.broadcast %broadcast_in_dim3A_87 : vector<1x256xf32> to vector<1024x256xf32>
    %add3A_89 = arith.addf %mul3A_86, %add3A_88 : vector<1024x256xf32>
    %ge3A_90 = arith.constant 0.000000e+00 : f32
    %ge3A_91 = vector.broadcast %ge3A_90 : f32 to vector<1024x256xf32>
    %ge3A_92 = arith.cmpf oge, %add3A_89, %ge3A_91 : vector<1024x256xf32>
    %mul3A_93 = arith.constant 2.000000e-01 : f32
    %mul3A_94 = vector.broadcast %mul3A_93 : f32 to vector<1024x256xf32>
    %mul3A_95 = arith.mulf %mul3A_94, %add3A_89 : vector<1024x256xf32>
    %select_n3A_96 = arith.select %ge3A_92, %add3A_89, %mul3A_95 : vector<1024x256xi1>, vector<1024x256xf32>
    %get3A_97 = arith.constant 1 : index
    %get3A_98 = arith.constant 0 : index
    %get3A_99 = arith.constant 0 : index
    %get3A_100 = vector.load %arg4[%get3A_97, %get3A_98, %get3A_99] : memref<4x1024x128xf32, #tpu.memory_space<vmem>>, vector<1x1024x64xf32>
    %get3A_101 = vector.shape_cast %get3A_100 : vector<1x1024x64xf32> to vector<1024x64xf32>
    %get3A_102 = arith.constant 1 : index
    %get3A_103 = arith.constant 0 : index
    %get3A_104 = arith.constant 0 : index
    %get3A_105 = vector.load %arg5[%get3A_102, %get3A_103, %get3A_104] : memref<4x1024x128xf32, #tpu.memory_space<vmem>>, vector<1x1024x64xf32>
    %get3A_106 = vector.shape_cast %get3A_105 : vector<1x1024x64xf32> to vector<1024x64xf32>
    %get3A_107 = arith.constant 1 : index
    %get3A_108 = arith.constant 0 : index
    %get3A_109 = arith.constant 0 : index
    %get3A_110 = vector.load %arg6[%get3A_107, %get3A_108, %get3A_109] : memref<4x1024x128xf32, #tpu.memory_space<vmem>>, vector<1x1024x128xf32>
    %get3A_111 = vector.shape_cast %get3A_110 : vector<1x1024x128xf32> to vector<1024x128xf32>
    %concatenate3A_112 = tpu.concatenate %get3A_101, %get3A_106, %get3A_111, %select_n3A_96 in 1 : vector<1024x64xf32>, vector<1024x64xf32>, vector<1024x128xf32>, vector<1024x256xf32> -> vector<1024x512xf32>
    %get3A_113 = arith.constant 0 : index
    %get3A_114 = arith.constant 0 : index
    %get3A_115 = vector.load %arg7[%get3A_113, %get3A_114] : memref<512x512xf32, #tpu.memory_space<vmem>>, vector<512x512xf32>
    %dot_general3A_116 = arith.constant dense<0.000000e+00> : vector<1024x512xf32>
    %dot_general3A_117 = tpu.matmul %concatenate3A_112, %get3A_115, %dot_general3A_116 {dimension_numbers = #tpu.dot_dimension_numbers<[1], [0], [0], [1], [0, 0, 1, 1], [], []>, transpose_lhs_hint = false} : vector<1024x512xf32>, vector<512x512xf32>, vector<1024x512xf32> -> vector<1024x512xf32>
    %reduce_sum3A_118 = arith.constant dense<0.000000e+00> : vector<512xf32>
    %reduce_sum3A_119 = vector.multi_reduction <add>, %dot_general3A_117, %reduce_sum3A_118 [0] : vector<1024x512xf32> to vector<512xf32>
    %add3A_120 = arith.addf %add3A_67, %reduce_sum3A_119 : vector<512xf32>
    %mul3A_121 = arith.mulf %dot_general3A_117, %dot_general3A_117 : vector<1024x512xf32>
    %reduce_sum3A_122 = arith.constant dense<0.000000e+00> : vector<512xf32>
    %reduce_sum3A_123 = vector.multi_reduction <add>, %mul3A_121, %reduce_sum3A_122 [0] : vector<1024x512xf32> to vector<512xf32>
    %add3A_124 = arith.addf %add3A_71, %reduce_sum3A_123 : vector<512xf32>
    %reduce_max3A_125 = arith.constant dense<0xFF800000> : vector<512xf32>
    %reduce_max3A_126 = vector.multi_reduction <maximumf>, %dot_general3A_117, %reduce_max3A_125 [0] : vector<1024x512xf32> to vector<512xf32>
    %get3A_127 = arith.constant 2 : index
    %get3A_128 = arith.constant 0 : index
    %get3A_129 = arith.constant 0 : index
    %get3A_130 = vector.load %arg0[%get3A_127, %get3A_128, %get3A_129] : memref<4x1024x256xf32, #tpu.memory_space<vmem>>, vector<1x1024x256xf32>
    %get3A_131 = vector.shape_cast %get3A_130 : vector<1x1024x256xf32> to vector<1024x256xf32>
    %broadcast_in_dim3A_132 = vector.shape_cast %div3A_4 : vector<256xf32> to vector<1x256xf32>
    %sub3A_133 = vector.broadcast %broadcast_in_dim3A_132 : vector<1x256xf32> to vector<1024x256xf32>
    %sub3A_134 = arith.subf %get3A_131, %sub3A_133 : vector<1024x256xf32>
    %broadcast_in_dim3A_135 = vector.shape_cast %rsqrt3A : vector<256xf32> to vector<1x256xf32>
    %mul3A_136 = vector.broadcast %broadcast_in_dim3A_135 : vector<1x256xf32> to vector<1024x256xf32>
    %mul3A_137 = arith.mulf %sub3A_134, %mul3A_136 : vector<1024x256xf32>
    %broadcast_in_dim3A_138 = vector.shape_cast %get3A_17 : vector<256xf32> to vector<1x256xf32>
    %mul3A_139 = vector.broadcast %broadcast_in_dim3A_138 : vector<1x256xf32> to vector<1024x256xf32>
    %mul3A_140 = arith.mulf %mul3A_137, %mul3A_139 : vector<1024x256xf32>
    %broadcast_in_dim3A_141 = vector.shape_cast %get3A_21 : vector<256xf32> to vector<1x256xf32>
    %add3A_142 = vector.broadcast %broadcast_in_dim3A_141 : vector<1x256xf32> to vector<1024x256xf32>
    %add3A_143 = arith.addf %mul3A_140, %add3A_142 : vector<1024x256xf32>
    %ge3A_144 = arith.constant 0.000000e+00 : f32
    %ge3A_145 = vector.broadcast %ge3A_144 : f32 to vector<1024x256xf32>
    %ge3A_146 = arith.cmpf oge, %add3A_143, %ge3A_145 : vector<1024x256xf32>
    %mul3A_147 = arith.constant 2.000000e-01 : f32
    %mul3A_148 = vector.broadcast %mul3A_147 : f32 to vector<1024x256xf32>
    %mul3A_149 = arith.mulf %mul3A_148, %add3A_143 : vector<1024x256xf32>
    %select_n3A_150 = arith.select %ge3A_146, %add3A_143, %mul3A_149 : vector<1024x256xi1>, vector<1024x256xf32>
    %get3A_151 = arith.constant 2 : index
    %get3A_152 = arith.constant 0 : index
    %get3A_153 = arith.constant 0 : index
    %get3A_154 = vector.load %arg4[%get3A_151, %get3A_152, %get3A_153] : memref<4x1024x128xf32, #tpu.memory_space<vmem>>, vector<1x1024x64xf32>
    %get3A_155 = vector.shape_cast %get3A_154 : vector<1x1024x64xf32> to vector<1024x64xf32>
    %get3A_156 = arith.constant 2 : index
    %get3A_157 = arith.constant 0 : index
    %get3A_158 = arith.constant 0 : index
    %get3A_159 = vector.load %arg5[%get3A_156, %get3A_157, %get3A_158] : memref<4x1024x128xf32, #tpu.memory_space<vmem>>, vector<1x1024x64xf32>
    %get3A_160 = vector.shape_cast %get3A_159 : vector<1x1024x64xf32> to vector<1024x64xf32>
    %get3A_161 = arith.constant 2 : index
    %get3A_162 = arith.constant 0 : index
    %get3A_163 = arith.constant 0 : index
    %get3A_164 = vector.load %arg6[%get3A_161, %get3A_162, %get3A_163] : memref<4x1024x128xf32, #tpu.memory_space<vmem>>, vector<1x1024x128xf32>
    %get3A_165 = vector.shape_cast %get3A_164 : vector<1x1024x128xf32> to vector<1024x128xf32>
    %concatenate3A_166 = tpu.concatenate %get3A_155, %get3A_160, %get3A_165, %select_n3A_150 in 1 : vector<1024x64xf32>, vector<1024x64xf32>, vector<1024x128xf32>, vector<1024x256xf32> -> vector<1024x512xf32>
    %get3A_167 = arith.constant 0 : index
    %get3A_168 = arith.constant 0 : index
    %get3A_169 = vector.load %arg7[%get3A_167, %get3A_168] : memref<512x512xf32, #tpu.memory_space<vmem>>, vector<512x512xf32>
    %dot_general3A_170 = arith.constant dense<0.000000e+00> : vector<1024x512xf32>
    %dot_general3A_171 = tpu.matmul %concatenate3A_166, %get3A_169, %dot_general3A_170 {dimension_numbers = #tpu.dot_dimension_numbers<[1], [0], [0], [1], [0, 0, 1, 1], [], []>, transpose_lhs_hint = false} : vector<1024x512xf32>, vector<512x512xf32>, vector<1024x512xf32> -> vector<1024x512xf32>
    %reduce_sum3A_172 = arith.constant dense<0.000000e+00> : vector<512xf32>
    %reduce_sum3A_173 = vector.multi_reduction <add>, %dot_general3A_171, %reduce_sum3A_172 [0] : vector<1024x512xf32> to vector<512xf32>
    %add3A_174 = arith.addf %add3A_120, %reduce_sum3A_173 : vector<512xf32>
    %mul3A_175 = arith.mulf %dot_general3A_171, %dot_general3A_171 : vector<1024x512xf32>
    %reduce_sum3A_176 = arith.constant dense<0.000000e+00> : vector<512xf32>
    %reduce_sum3A_177 = vector.multi_reduction <add>, %mul3A_175, %reduce_sum3A_176 [0] : vector<1024x512xf32> to vector<512xf32>
    %add3A_178 = arith.addf %add3A_124, %reduce_sum3A_177 : vector<512xf32>
    %reduce_max3A_179 = arith.constant dense<0xFF800000> : vector<512xf32>
    %reduce_max3A_180 = vector.multi_reduction <maximumf>, %dot_general3A_171, %reduce_max3A_179 [0] : vector<1024x512xf32> to vector<512xf32>
    %get3A_181 = arith.constant 3 : index
    %get3A_182 = arith.constant 0 : index
    %get3A_183 = arith.constant 0 : index
    %get3A_184 = vector.load %arg0[%get3A_181, %get3A_182, %get3A_183] : memref<4x1024x256xf32, #tpu.memory_space<vmem>>, vector<1x1024x256xf32>
    %get3A_185 = vector.shape_cast %get3A_184 : vector<1x1024x256xf32> to vector<1024x256xf32>
    %broadcast_in_dim3A_186 = vector.shape_cast %div3A_4 : vector<256xf32> to vector<1x256xf32>
    %sub3A_187 = vector.broadcast %broadcast_in_dim3A_186 : vector<1x256xf32> to vector<1024x256xf32>
    %sub3A_188 = arith.subf %get3A_185, %sub3A_187 : vector<1024x256xf32>
    %broadcast_in_dim3A_189 = vector.shape_cast %rsqrt3A : vector<256xf32> to vector<1x256xf32>
    %mul3A_190 = vector.broadcast %broadcast_in_dim3A_189 : vector<1x256xf32> to vector<1024x256xf32>
    %mul3A_191 = arith.mulf %sub3A_188, %mul3A_190 : vector<1024x256xf32>
    %broadcast_in_dim3A_192 = vector.shape_cast %get3A_17 : vector<256xf32> to vector<1x256xf32>
    %mul3A_193 = vector.broadcast %broadcast_in_dim3A_192 : vector<1x256xf32> to vector<1024x256xf32>
    %mul3A_194 = arith.mulf %mul3A_191, %mul3A_193 : vector<1024x256xf32>
    %broadcast_in_dim3A_195 = vector.shape_cast %get3A_21 : vector<256xf32> to vector<1x256xf32>
    %add3A_196 = vector.broadcast %broadcast_in_dim3A_195 : vector<1x256xf32> to vector<1024x256xf32>
    %add3A_197 = arith.addf %mul3A_194, %add3A_196 : vector<1024x256xf32>
    %ge3A_198 = arith.constant 0.000000e+00 : f32
    %ge3A_199 = vector.broadcast %ge3A_198 : f32 to vector<1024x256xf32>
    %ge3A_200 = arith.cmpf oge, %add3A_197, %ge3A_199 : vector<1024x256xf32>
    %mul3A_201 = arith.constant 2.000000e-01 : f32
    %mul3A_202 = vector.broadcast %mul3A_201 : f32 to vector<1024x256xf32>
    %mul3A_203 = arith.mulf %mul3A_202, %add3A_197 : vector<1024x256xf32>
    %select_n3A_204 = arith.select %ge3A_200, %add3A_197, %mul3A_203 : vector<1024x256xi1>, vector<1024x256xf32>
    %get3A_205 = arith.constant 3 : index
    %get3A_206 = arith.constant 0 : index
    %get3A_207 = arith.constant 0 : index
    %get3A_208 = vector.load %arg4[%get3A_205, %get3A_206, %get3A_207] : memref<4x1024x128xf32, #tpu.memory_space<vmem>>, vector<1x1024x64xf32>
    %get3A_209 = vector.shape_cast %get3A_208 : vector<1x1024x64xf32> to vector<1024x64xf32>
    %get3A_210 = arith.constant 3 : index
    %get3A_211 = arith.constant 0 : index
    %get3A_212 = arith.constant 0 : index
    %get3A_213 = vector.load %arg5[%get3A_210, %get3A_211, %get3A_212] : memref<4x1024x128xf32, #tpu.memory_space<vmem>>, vector<1x1024x64xf32>
    %get3A_214 = vector.shape_cast %get3A_213 : vector<1x1024x64xf32> to vector<1024x64xf32>
    %get3A_215 = arith.constant 3 : index
    %get3A_216 = arith.constant 0 : index
    %get3A_217 = arith.constant 0 : index
    %get3A_218 = vector.load %arg6[%get3A_215, %get3A_216, %get3A_217] : memref<4x1024x128xf32, #tpu.memory_space<vmem>>, vector<1x1024x128xf32>
    %get3A_219 = vector.shape_cast %get3A_218 : vector<1x1024x128xf32> to vector<1024x128xf32>
    %concatenate3A_220 = tpu.concatenate %get3A_209, %get3A_214, %get3A_219, %select_n3A_204 in 1 : vector<1024x64xf32>, vector<1024x64xf32>, vector<1024x128xf32>, vector<1024x256xf32> -> vector<1024x512xf32>
    %get3A_221 = arith.constant 0 : index
    %get3A_222 = arith.constant 0 : index
    %get3A_223 = vector.load %arg7[%get3A_221, %get3A_222] : memref<512x512xf32, #tpu.memory_space<vmem>>, vector<512x512xf32>
    %dot_general3A_224 = arith.constant dense<0.000000e+00> : vector<1024x512xf32>
    %dot_general3A_225 = tpu.matmul %concatenate3A_220, %get3A_223, %dot_general3A_224 {dimension_numbers = #tpu.dot_dimension_numbers<[1], [0], [0], [1], [0, 0, 1, 1], [], []>, transpose_lhs_hint = false} : vector<1024x512xf32>, vector<512x512xf32>, vector<1024x512xf32> -> vector<1024x512xf32>
    %reduce_sum3A_226 = arith.constant dense<0.000000e+00> : vector<512xf32>
    %reduce_sum3A_227 = vector.multi_reduction <add>, %dot_general3A_225, %reduce_sum3A_226 [0] : vector<1024x512xf32> to vector<512xf32>
    %add3A_228 = arith.addf %add3A_174, %reduce_sum3A_227 : vector<512xf32>
    %mul3A_229 = arith.mulf %dot_general3A_225, %dot_general3A_225 : vector<1024x512xf32>
    %reduce_sum3A_230 = arith.constant dense<0.000000e+00> : vector<512xf32>
    %reduce_sum3A_231 = vector.multi_reduction <add>, %mul3A_229, %reduce_sum3A_230 [0] : vector<1024x512xf32> to vector<512xf32>
    %add3A_232 = arith.addf %add3A_178, %reduce_sum3A_231 : vector<512xf32>
    %reduce_max3A_233 = arith.constant dense<0xFF800000> : vector<512xf32>
    %reduce_max3A_234 = vector.multi_reduction <maximumf>, %dot_general3A_225, %reduce_max3A_233 [0] : vector<1024x512xf32> to vector<512xf32>
    %div3A_235 = arith.constant 4.096000e+03 : f32
    %div3A_236 = vector.broadcast %div3A_235 : f32 to vector<512xf32>
    %div3A_237 = arith.divf %add3A_228, %div3A_236 : vector<512xf32>
    %div3A_238 = arith.constant 4.096000e+03 : f32
    %div3A_239 = vector.broadcast %div3A_238 : f32 to vector<512xf32>
    %div3A_240 = arith.divf %add3A_232, %div3A_239 : vector<512xf32>
    %mul3A_241 = arith.mulf %div3A_237, %div3A_237 : vector<512xf32>
    %sub3A_242 = arith.subf %div3A_240, %mul3A_241 : vector<512xf32>
    %add3A_243 = arith.constant 9.99999974E-6 : f32
    %add3A_244 = vector.broadcast %add3A_243 : f32 to vector<512xf32>
    %add3A_245 = arith.addf %sub3A_242, %add3A_244 : vector<512xf32>
    %rsqrt3A_246 = math.rsqrt %add3A_245 : vector<512xf32>
    %get3A_247 = arith.constant 0 : index
    %get3A_248 = arith.constant 0 : index
    %get3A_249 = vector.load %arg8[%get3A_247, %get3A_248] : memref<1x512xf32, #tpu.memory_space<vmem>>, vector<1x512xf32>
    %get3A_250 = vector.shape_cast %get3A_249 : vector<1x512xf32> to vector<512xf32>
    %get3A_251 = arith.constant 0 : index
    %get3A_252 = arith.constant 0 : index
    %get3A_253 = vector.load %arg9[%get3A_251, %get3A_252] : memref<1x512xf32, #tpu.memory_space<vmem>>, vector<1x512xf32>
    %get3A_254 = vector.shape_cast %get3A_253 : vector<1x512xf32> to vector<512xf32>
    %sub3A_255 = arith.subf %reduce_max3A_72, %div3A_237 : vector<512xf32>
    %mul3A_256 = arith.mulf %sub3A_255, %rsqrt3A_246 : vector<512xf32>
    %mul3A_257 = arith.mulf %mul3A_256, %get3A_250 : vector<512xf32>
    %add3A_258 = arith.addf %mul3A_257, %get3A_254 : vector<512xf32>
    %ge3A_259 = arith.constant 0.000000e+00 : f32
    %ge3A_260 = vector.broadcast %ge3A_259 : f32 to vector<512xf32>
    %ge3A_261 = arith.cmpf oge, %add3A_258, %ge3A_260 : vector<512xf32>
    %mul3A_262 = arith.constant 2.000000e-01 : f32
    %mul3A_263 = vector.broadcast %mul3A_262 : f32 to vector<512xf32>
    %mul3A_264 = arith.mulf %mul3A_263, %add3A_258 : vector<512xf32>
    %select_n3A_265 = arith.select %ge3A_261, %add3A_258, %mul3A_264 : vector<512xi1>, vector<512xf32>
    %swap3A = arith.constant 0 : index
    %swap3A_266 = arith.constant 0 : index
    %swap3A_267 = vector.load %arg10[%swap3A, %swap3A_266] : memref<4x512xf32, #tpu.memory_space<vmem>>, vector<1x512xf32>
    %swap3A_268 = vector.shape_cast %swap3A_267 : vector<1x512xf32> to vector<512xf32>
    %swap3A_269 = vector.shape_cast %select_n3A_265 : vector<512xf32> to vector<1x512xf32>
    tpu.vector_store %arg10[%swap3A, %swap3A_266], %swap3A_269 {strides = array<i32>} : memref<4x512xf32, #tpu.memory_space<vmem>>, vector<1x512xf32>,
    %sub3A_270 = arith.subf %reduce_max3A_126, %div3A_237 : vector<512xf32>
    %mul3A_271 = arith.mulf %sub3A_270, %rsqrt3A_246 : vector<512xf32>
    %mul3A_272 = arith.mulf %mul3A_271, %get3A_250 : vector<512xf32>
    %add3A_273 = arith.addf %mul3A_272, %get3A_254 : vector<512xf32>
    %ge3A_274 = arith.constant 0.000000e+00 : f32
    %ge3A_275 = vector.broadcast %ge3A_274 : f32 to vector<512xf32>
    %ge3A_276 = arith.cmpf oge, %add3A_273, %ge3A_275 : vector<512xf32>
    %mul3A_277 = arith.constant 2.000000e-01 : f32
    %mul3A_278 = vector.broadcast %mul3A_277 : f32 to vector<512xf32>
    %mul3A_279 = arith.mulf %mul3A_278, %add3A_273 : vector<512xf32>
    %select_n3A_280 = arith.select %ge3A_276, %add3A_273, %mul3A_279 : vector<512xi1>, vector<512xf32>
    %swap3A_281 = arith.constant 1 : index
    %swap3A_282 = arith.constant 0 : index
    %swap3A_283 = vector.load %arg10[%swap3A_281, %swap3A_282] : memref<4x512xf32, #tpu.memory_space<vmem>>, vector<1x512xf32>
    %swap3A_284 = vector.shape_cast %swap3A_283 : vector<1x512xf32> to vector<512xf32>
    %swap3A_285 = vector.shape_cast %select_n3A_280 : vector<512xf32> to vector<1x512xf32>
    tpu.vector_store %arg10[%swap3A_281, %swap3A_282], %swap3A_285 {strides = array<i32>} : memref<4x512xf32, #tpu.memory_space<vmem>>, vector<1x512xf32>,
    %sub3A_286 = arith.subf %reduce_max3A_180, %div3A_237 : vector<512xf32>
    %mul3A_287 = arith.mulf %sub3A_286, %rsqrt3A_246 : vector<512xf32>
    %mul3A_288 = arith.mulf %mul3A_287, %get3A_250 : vector<512xf32>
    %add3A_289 = arith.addf %mul3A_288, %get3A_254 : vector<512xf32>
    %ge3A_290 = arith.constant 0.000000e+00 : f32
    %ge3A_291 = vector.broadcast %ge3A_290 : f32 to vector<512xf32>
    %ge3A_292 = arith.cmpf oge, %add3A_289, %ge3A_291 : vector<512xf32>
    %mul3A_293 = arith.constant 2.000000e-01 : f32
    %mul3A_294 = vector.broadcast %mul3A_293 : f32 to vector<512xf32>
    %mul3A_295 = arith.mulf %mul3A_294, %add3A_289 : vector<512xf32>
    %select_n3A_296 = arith.select %ge3A_292, %add3A_289, %mul3A_295 : vector<512xi1>, vector<512xf32>
    %swap3A_297 = arith.constant 2 : index
    %swap3A_298 = arith.constant 0 : index
    %swap3A_299 = vector.load %arg10[%swap3A_297, %swap3A_298] : memref<4x512xf32, #tpu.memory_space<vmem>>, vector<1x512xf32>
    %swap3A_300 = vector.shape_cast %swap3A_299 : vector<1x512xf32> to vector<512xf32>
    %swap3A_301 = vector.shape_cast %select_n3A_296 : vector<512xf32> to vector<1x512xf32>
    tpu.vector_store %arg10[%swap3A_297, %swap3A_298], %swap3A_301 {strides = array<i32>} : memref<4x512xf32, #tpu.memory_space<vmem>>, vector<1x512xf32>,
    %sub3A_302 = arith.subf %reduce_max3A_234, %div3A_237 : vector<512xf32>
    %mul3A_303 = arith.mulf %sub3A_302, %rsqrt3A_246 : vector<512xf32>
    %mul3A_304 = arith.mulf %mul3A_303, %get3A_250 : vector<512xf32>
    %add3A_305 = arith.addf %mul3A_304, %get3A_254 : vector<512xf32>
    %ge3A_306 = arith.constant 0.000000e+00 : f32
    %ge3A_307 = vector.broadcast %ge3A_306 : f32 to vector<512xf32>
    %ge3A_308 = arith.cmpf oge, %add3A_305, %ge3A_307 : vector<512xf32>
    %mul3A_309 = arith.constant 2.000000e-01 : f32
    %mul3A_310 = vector.broadcast %mul3A_309 : f32 to vector<512xf32>
    %mul3A_311 = arith.mulf %mul3A_310, %add3A_305 : vector<512xf32>
    %select_n3A_312 = arith.select %ge3A_308, %add3A_305, %mul3A_311 : vector<512xi1>, vector<512xf32>
    %swap3A_313 = arith.constant 3 : index
    %swap3A_314 = arith.constant 0 : index
    %swap3A_315 = vector.load %arg10[%swap3A_313, %swap3A_314] : memref<4x512xf32, #tpu.memory_space<vmem>>, vector<1x512xf32>
    %swap3A_316 = vector.shape_cast %swap3A_315 : vector<1x512xf32> to vector<512xf32>
    %swap3A_317 = vector.shape_cast %select_n3A_312 : vector<512xf32> to vector<1x512xf32>
    tpu.vector_store %arg10[%swap3A_313, %swap3A_314], %swap3A_317 {strides = array<i32>} : memref<4x512xf32, #tpu.memory_space<vmem>>, vector<1x512xf32>,
    return
  }
}

</mosaic_0001>

<sc_bundles>
// kernel: kernel.18.cloned.1.call-start
scs
__scs_entry_jumppad:
0x0: {  	(pc) =	sbr.rel $0x88, $3  }
0x1: {  	(tag) =	ssettag $0x0;
	lr =	simm.s32 $0x1  }
0x2: {  	[smem:$0x3F91] =	sst lr;
	_ =	strace $0xD0000000  }
0x3: {  	_ = 	snop  }
0x4: {  	_ = 	snop  }
0x5: {  	_ = 	snop  }
0x6: {  	_ = 	snop  }
0x7: {  	_ = 	snop  }
__scs_overlays_trampoline_lowered:
0x8: {  	[smem:$0x3FA0] =	sst s0  }
0x9: {  	[smem:$0x3FA1] =	sst s1  }
0xa: {  	[smem:$0x3FA2] =	sst s2  }
0xb: {  	[smem:$0x3FA3] =	sst s3  }
0xc: {  	[smem:$0x3FA4] =	sst s4  }
0xd: {  	[smem:$0x3FA5] =	sst s5  }
0xe: {  	[smem:$0x3FA6] =	sst s6  }
0xf: {  	[smem:$0x3FA7] =	sst s7  }
0x10: {  	[smem:$0x3FA8] =	sst s8  }
0x11: {  	[smem:$0x3FA9] =	sst s9;
	s0 =	simm.s32 @!p0 $0x0  }
0x12: {  	s1 =	sld [smem:$0x3F8F];
	s0 =	simm.s32 @p0 $0x1  }
0x13: {  	[smem:$0x3FAA] =	sst s0;
	s0 =	simm.s32 @!p1 $0x0  }
0x14: {  	s2 =	sld [smem:$0x3F8E];
	s0 =	simm.s32 @p1 $0x1  }
0x15: {  	[smem:$0x3FAB] =	sst s0;
	s0 =	simm.s32 @!p2 $0x0  }
0x16: {  	s3 =	sld [smem:$0x3FDB];
	s0 =	simm.s32 @p2 $0x1  }
0x17: {  	s4 =	simm.s32 $0x1BF5;
	[smem:$0x3FAD] =	sst s0  }
0x18: {  	s0 =	sld [smem:$0x3F90];
	_ =	swait.ge [sflag:s4], $0x0  }
0x19: {  	s7 =	sld [smem:$0x3F91]  }
0x1a: {  	s8 =	sadd.s32 $0xFFFFE003, lr  }
0x1b: {  	s9 =	sadd.s32 $0xFFFFFEF7, lr;
	s5 =	simm.s32 $0xFFFFFFFF;
	p2 =	slt.u32 s8, $0xFFFFF086  }
0x1c: {  	p1 =	slt.u32 s9, $0xF7A;
	s5 =	simm.s32 @!p2 $0x0  }
0x1d: {  	s5 =	simm.s32 @p1 $0x1;
	p0 =	seq.s32 s7, s2  }
0x1e: {  	s7 =	smul.u32 @!p0 $0xF7A, s2;
	p2 =	seq.s32 @!p0 s5, $0x0  }
0x1f: {  	s9 =	smul.u32 $0xF7A, s1;
	s8 =	simm.s32 @!p0 $0x1BF5;
	p2 =	por !p2, p0  }
0x20: {  	[sflag:s8] =	ssyncset.s32 @!p0 $0xFFFFF086;
	s6 =	sadd.s32 @!p0 s3, s7;
	s7 =	simm.s32 @!p0 $0x108  }
0x21: {  	s3 =	sadd.s32 s3, s9;
	s6 =	sadd.s32 @!p0 $0x88, s6;
	s7 =	simm.s32 @p2 $0x1082  }
0x22: {  	[simem:s7], [sflag:s8] =	dma.local @!p0 [hbm:s6], $0xF7A  }
0x23: {  	s9 =	sor.u32 $0xD0000000, s2;
	s6 =	simm.s32 $0x108;
	_ =	swait.ge @!p0 [sflag:s8], $0x0  }
0x24: {  	s3 =	sadd.s32 $0x88, s3;
	s6 =	simm.s32 @!p1 $0x1082;
	[sflag:s4] =	ssyncset.s32 $0xFFFFF086  }
0x25: {  	[simem:s6], [sflag:s4] =	dma.local [hbm:s3], $0xF7A  }
0x26: {  	[smem:$0x3F91] =	sst s1;
	(tag) =	ssettag s2;
	_ =	strace s9  }
0x27: {  	s1 =	sld [smem:$0x3FA1]  }
0x28: {  	s2 =	sld [smem:$0x3FA2]  }
0x29: {  	s4 =	sld [smem:$0x3FA4]  }
0x2a: {  	p0 =	seq.s32 s5, $0x0;
	s5 =	sld [smem:$0x3FA5]  }
0x2b: {  	s6 =	sld [smem:$0x3FA6]  }
0x2c: {  	s7 =	sld [smem:$0x3FA7]  }
0x2d: {  	s3 =	simm.s32 $0x108;
	s8 =	sld [smem:$0x3FA8]  }
0x2e: {  	s3 =	simm.s32 @!p0 $0x1082;
	s9 =	sld [smem:$0x3FA9]  }
0x2f: {  	lr =	sadd.s32 s0, s3;
	s0 =	sld [smem:$0x3FA0]  }
0x30: {  	s3 =	sld [smem:$0x3FA3]  }
0x31: {  	[smem:$0x3FAC] =	sst s10  }
0x32: {  	s10 =	sld [smem:$0x3FAA];
	_ =	sdelay $0x3  }
0x33: {  	p0 =	seq.s32 s10, $0x1;
	s10 =	sld [smem:$0x3FAC];
	_ =	sdelay $0x3  }
0x34: {  	[smem:$0x3FAC] =	sst s10  }
0x35: {  	s10 =	sld [smem:$0x3FAB];
	_ =	sdelay $0x3  }
0x36: {  	p1 =	seq.s32 s10, $0x1;
	s10 =	sld [smem:$0x3FAC];
	_ =	sdelay $0x3  }
0x37: {  	[smem:$0x3FAC] =	sst s10  }
0x38: {  	s10 =	sld [smem:$0x3FAD]  }
0x39: {  	_ = 	snop;
	(pc) =	sbr.ind lr, $3  }
0x3a: {  	_ = 	snop  }
0x3b: {  	_ = 	snop  }
0x3c: {  	p2 =	seq.s32 s10, $0x1;
	s10 =	sld [smem:$0x3FAC]  }
0x3d: {  	_ =	shalt  }
0x3e: {  	_ =	shalt  }
0x3f: {  	_ =	shalt  }
0x40: {  	_ =	shalt  }
0x41: {  	_ =	shalt  }
0x42: {  	_ =	shalt  }
0x43: {  	_ =	shalt  }
0x44: {  	_ =	shalt  }
0x45: {  	_ =	shalt  }
0x46: {  	_ =	shalt  }
0x47: {  	_ =	shalt  }
0x48: {  	_ =	shalt  }
0x49: {  	_ =	shalt  }
0x4a: {  	_ =	shalt  }
0x4b: {  	_ =	shalt  }
0x4c: {  	_ =	shalt  }
0x4d: {  	_ =	shalt  }
0x4e: {  	_ =	shalt  }
0x4f: {  	_ =	shalt  }
0x50: {  	_ =	shalt  }
0x51: {  	_ =	shalt  }
0x52: {  	_ =	shalt  }
0x53: {  	_ =	shalt  }
0x54: {  	_ =	shalt  }
0x55: {  	_ =	shalt  }
0x56: {  	_ =	shalt  }
0x57: {  	_ =	shalt  }
0x58: {  	_ =	shalt  }
0x59: {  	_ =	shalt  }
0x5a: {  	_ =	shalt  }
0x5b: {  	_ =	shalt  }
0x5c: {  	_ =	shalt  }
0x5d: {  	_ =	shalt  }
0x5e: {  	_ =	shalt  }
0x5f: {  	_ =	shalt  }
0x60: {  	_ =	shalt  }
0x61: {  	_ =	shalt  }
0x62: {  	_ =	shalt  }
0x63: {  	_ =	shalt  }
0x64: {  	_ =	shalt  }
0x65: {  	_ =	shalt  }
0x66: {  	_ =	shalt  }
0x67: {  	_ =	shalt  }
0x68: {  	_ =	shalt  }
0x69: {  	_ =	shalt  }
0x6a: {  	_ =	shalt  }
0x6b: {  	_ =	shalt  }
0x6c: {  	_ =	shalt  }
0x6d: {  	_ =	shalt  }
0x6e: {  	_ =	shalt  }
0x6f: {  	_ =	shalt  }
0x70: {  	_ =	shalt  }
0x71: {  	_ =	shalt  }
0x72: {  	_ =	shalt  }
0x73: {  	_ =	shalt  }
0x74: {  	_ =	shalt  }
0x75: {  	_ =	shalt  }
0x76: {  	_ =	shalt  }
0x77: {  	_ =	shalt  }
0x78: {  	_ =	shalt  }
0x79: {  	_ =	shalt  }
0x7a: {  	_ =	shalt  }
0x7b: {  	_ =	shalt  }
0x7c: {  	_ =	shalt  }
0x7d: {  	_ =	shalt  }
0x7e: {  	_ =	shalt  }
0x7f: {  	_ =	shalt  }
0x80: {  	_ =	shalt  }
0x81: {  	_ =	shalt  }
0x82: {  	_ =	shalt  }
0x83: {  	_ =	shalt  }
0x84: {  	_ =	shalt  }
0x85: {  	_ =	shalt  }
0x86: {  	_ =	shalt  }
0x87: {  	_ =	shalt  }
.Lfunc_end0:
.L_simem_size_0:
called_computation_lowered:
.L_overlay_start_0:
0x88: {  	s2 =	sld [smem:$0x3FD9]  }
0x89: {  	s3 =	sld [smem:$0x3FFE];
	_ =	sdelay $0x1  }
0x8a: {  	s1 =	srdreg.scid  }
0x8b: {  	s0 =	sand.u32 $0x1, s1  }
0x8c: {  	s16 =	sshll.u32 s0, $0xA;
	s2 =	sadd.s32 s3, s2  }
0x8d: {  	s2 =	sadd.s32 s2, s16  }
0x8e: {  	[smem:$0x3FB8] =	sst s2  }
0x8f: {  	_ = 	snop  }
0x90: {  	(tm) =	ssettm $0x1  }
0x91: {  	s17 =	sld [smem:$0x3FFB];
	_ =	sdelay $0x3  }
0x92: {  	_ =	strace s17  }
0x93: {  	s2 =	sld [smem:$0x3FFC];
	_ =	sdelay $0x3  }
0x94: {  	_ =	strace s2  }
0x95: {  	s2 =	sld [smem:$0x3FFD];
	_ =	sdelay $0x3  }
0x96: {  	_ =	strace s2  }
0x97: {  	_ =	strace $0x8FFFFFFF  }
0x98: {  	s18 =	sld [smem:$0x3FDB];
	_ =	sdelay $0x1  }
0x99: {  	s19 =	simm.s32 $_scs_section_size  }
0x9a: {  	s4 =	simm.s32 $_size__tile_overlayer_lowered;
	s5 =	simm.s32 $_tile_overlayer_lowered  }
0x9b: {  	s22 =	simm.s32 $0x1BFF;
	s21 =	sshll.u32 s5, $0x1;
	s2 =	sadd.s32 s19, s18  }
0x9c: {  	s6 =	simm.s32 $0x0;
	s20 =	sshll.u32 s4, $0x1;
	s4 =	sadd.s32 s21, s2  }
0x9d: {  	[timem:s6], [sflag:s22] =	dma.local [hbm:s4], s20  }
0x9e: {  	_ =	swait.ge [sflag:s22], s20  }
0x9f: {  	s3 =	ssub.s32 $0x0, s20;
	[sflag:s22] =	ssyncset.done $0x0  }
0xa0: {  	[sflag:s22] =	ssyncadd.s32 s3;
	_ =	sdelay $0x1  }
0xa1: {  	s23 =	simm.s32 $0x1B8B  }
0xa2: {  	_ =	swait.ge [sflag:s23], $0x1  }
0xa3: {  	[sflag:s23] =	ssyncset.done $0x0  }
0xa4: {  	s25 =	simm.s32 $0x1B8E;
	s24 =	sld [smem:$0x3FFE];
	[sflag:s23] =	ssyncadd.s32 $0xFFFFFFFF  }
0xa5: {  	s26 =	simm.s32 $execute0_lowered;
	[smem:$0x3FD2] =	sst s25  }
0xa6: {  	s4 =	sshll.u32 s26, $0x1;
	_ =	strace $0x80000046;
	[dreg:$0x1] =	wrdreg $0xFFFFFFFF  }
0xa7: {  	s28 =	simm.s32 $_size_execute0_lowered;
	s2 =	sadd.s32 s2, s4;
	[dreg:$0x0] =	wrdreg $0x0  }
0xa8: {  	s4 =	sshll.u32 s28, $0x1;
	[dreg:$0x2] =	wrdreg s2  }
0xa9: {  	[dreg:$0x3] =	wrdreg s4  }
0xaa: {  	[dreg:$0x4] =	wrdreg $0xC0  }
0xab: {  	_ =	task [dreg:s6], $0x5FFFF  }
0xac: {  	[dreg:$0x1] =	wrdreg $0xFFFFFFFF  }
0xad: {  	[dreg:$0x0] =	wrdreg $0x60  }
0xae: {  	[dreg:$0x2] =	wrdreg s24  }
0xaf: {  	[dreg:$0x3] =	wrdreg $0x9  }
0xb0: {  	_ =	task.clear_ibuf [dreg:s6], $0x4FFFF;
	_ =	strace $0x90000046  }
0xb1: {  	s29 =	simm.s32 $0x9;
	_ =	strace $0x80000048  }
0xb2: {  	_ =	swait.ge [sflag:s29], $0x1  }
0xb3: {  	[sflag:s29] =	ssyncadd.s32 $0xFFFFFFFF  }
0xb4: {  	_ =	strace $0x90000048  }
0xb5: {  	_ =	sfence  }
0xb6: {  	s30 =	sld [smem:$0x0];
	_ =	sdelay $0x2  }
0xb7: {  	s31 =	sshll.u32 s1, $0xD;
	s1 =	sshrl.u32 s1, $0x2  }
0xb8: {  	s3 =	sand.u32 $0x4000, s31;
	s1 =	sadd.s32 s1, s30  }
0xb9: {  	s0 =	sor.u32 s3, s0;
	s1 =	sshll.u32 s1, $0x11  }
0xba: {  	s0 =	sor.u32 s1, s0  }
0xbb: {  	s0 =	sadd.s32 $0x8F2B, s0  }
0xbc: {  	[sflag:s0] =	ssyncadd.remote.s32 $0x1  }
0xbd: {  	_ =	sfence.sel $0xFFFF  }
0xbe: {  	[dreg:$0x0] =	wrdreg $0xFFFFFFFF;
	(pc) =	sbr.abs _section_cstart, $3  }
0xbf: {  	[dreg:$0x1] =	wrdreg $0xFFFFFFFF  }
0xc0: {  	_ =	task.clear_ibuf [dreg:s6], $0x2FFFF;
	_ =	strace $0x9FFFFFFF  }
0xc1: {  	(tm) =	ssettm $0x7FFFFFFF  }
tec
execute0_lowered:
.L_overlay_start_1:
0x0: {  	(tag) =	ssettag $0x1  }
0x1: {  	s0 =	srdreg.scid  }
0x2: {  	s9 =	stileid.u32;
	s1 =	rddreg [dreg:$0x0];
	s2 =	simm.s32 $0x0  }
0x3: {  	s11 =	simm.s32 $0x9;
	s12 =	simm.s32 $0x50;
	s13 =	simm.s32 $0x1000  }
0x4: {  	s15 =	simm.s32 $0x3800;
	s16 =	simm.s32 $0x1;
	s18 =	simm.s32 $0x6000  }
0x5: {  	s19 =	simm.s32 $0x2;
	s21 =	simm.s32 $0x8800;
	s22 =	simm.s32 $0x3  }
0x6: {  	s23 =	simm.s32 $0x5;
	s25 =	simm.s32 $0x4;
	s26 =	simm.s32 $0x6  }
0x7: {  	s28 =	simm.s32 $0x280;
	s29 =	simm.s32 $0x7;
	s30 =	simm.s32 $0x8  }
0x8: {  	s31 =	simm.s32 $0x0;
	s0 =	sand.u32 $0x1, s0;
	s3 =	sshll.u32 s9, $0x6  }
0x9: {  	[smem:$0x7FF] =	sst s2;
	s9 =	smul.u32 $0x14000, s9;
	s4 =	sshll.u32 s0, $0x5  }
0xa: {  	s6 =	ssub.s32 $0x2, s0;
	s0 =	smul.u32 $0xA000, s0;
	s4 =	sor.u32 s4, s3  }
0xb: {  	_ =	strace $0x80000047;
	s7 =	sshrl.u32 s6, $0x1;
	s8 =	smul.u32 $0x500, s4  }
.Ltmp0:
0xc: {  	s3 =	sshll.u32 s4, $0x4;
	s6 =	ssub.s32 s6, s7;
	(pc) =	sbr.rel .LBB2_1-.Ltmp0, $4  }
0xd: {  	s5 =	sadd.s32 s3, s1;
	s3 =	sadd.s32 $0x3200, s1;
	s1 =	sadd.s32 $0x17200, s1  }
0xe: {  	s4 =	sadd.s32 $0x13200, s5;
	s5 =	sadd.s32 s1, s8;
	s1 =	sadd.s32 s9, s1  }
0xf: {  	s6 =	smax.u32 s6, $0x1;
	s7 =	sadd.s32 $0x500, s5;
	s0 =	sadd.s32 s0, s1  }
0x10: {  	s8 =	sadd.s32 $0xA00, s5;
	s9 =	sadd.s32 $0xF00, s5;
	s1 =	sadd.s32 $0x1400, s0  }
.LBB2_4:
0x11: {  	s31 =	sadd.s32 $0x1, s31  }
0x12: {  	_ =	swait.ge [sflag:s29], $0x2800;
	p0 =	sne.s32 s31, s6  }
.Ltmp1:
0x13: {  	[sflag:s29] =	ssyncset.done $0x0;
	(pc) =	sbr.rel @!p0 .LBB2_5-.Ltmp1, $4  }
0x14: {  	[sflag:s29] =	ssyncadd.s32 $0xFFFFD800  }
0x15: {  	_ =	swait.ge [sflag:s30], $0x2800  }
0x16: {  	[sflag:s30] =	ssyncset.done $0x0  }
0x17: {  	[sflag:s30] =	ssyncadd.s32 $0xFFFFD800  }
.LBB2_1:
0x18: {  	[tilespmem:s2], [sflag:$0x9] =	stream.linear.gather [hbm4b:s4+s2], $0x1000, $0x38;
	[tilespmem:$0xB000] =	vst v63  }
0x19: {  	_ =	swait.ge [sflag:s11], $0x1000  }
0x1a: {  	[sflag:s11] =	ssyncset.done $0x0  }
0x1b: {  	[sflag:s11] =	ssyncadd.s32 $0xFFFFF000  }
0x1c: {  	[tilespmem:s13], [sflag:$0x1] =	stream.indirect.gather [hbm4b:s3+s12], $0x80, s2, s12, $0xb8;
	[tilespmem:$0xB000] =	vst v63  }
0x1d: {  	s0 =	simm.s32 $0x80  }
0x1e: {  	[tilespmem:s15], [sflag:$0x2] =	stream.indirect.gather [hbm4b:s3+s12], $0x80, s0, s12, $0xb8;
	[tilespmem:$0xB000] =	vst v63  }
0x1f: {  	_ =	swait.ge [sflag:s16], $0x2800  }
0x20: {  	[sflag:s16] =	ssyncset.done $0x0  }
0x21: {  	[sflag:s16] =	ssyncadd.s32 $0xFFFFD800  }
0x22: {  	[hbm4b:s5+s2] =	stream.linear.scatter [tilespmem:s13], [sflag:$0x5], $0x2800, $0x38;
	[tilespmem:$0xB000] =	vst v63  }
0x23: {  	s17 =	simm.s32 $0x100  }
0x24: {  	[tilespmem:s18], [sflag:$0x3] =	stream.indirect.gather [hbm4b:s3+s12], $0x80, s17, s12, $0xb8;
	[tilespmem:$0xB000] =	vst v63  }
0x25: {  	_ =	swait.ge [sflag:s19], $0x2800  }
0x26: {  	[sflag:s19] =	ssyncset.done $0x0  }
0x27: {  	[sflag:s19] =	ssyncadd.s32 $0xFFFFD800  }
0x28: {  	[hbm4b:s7+s2] =	stream.linear.scatter [tilespmem:s15], [sflag:$0x6], $0x2800, $0x38;
	[tilespmem:$0xB000] =	vst v63  }
0x29: {  	s20 =	simm.s32 $0x180  }
0x2a: {  	[tilespmem:s21], [sflag:$0x4] =	stream.indirect.gather [hbm4b:s3+s12], $0x80, s20, s12, $0xb8;
	[tilespmem:$0xB000] =	vst v63  }
0x2b: {  	_ =	swait.ge [sflag:s22], $0x2800  }
0x2c: {  	[sflag:s22] =	ssyncset.done $0x0  }
0x2d: {  	[sflag:s22] =	ssyncadd.s32 $0xFFFFD800  }
0x2e: {  	[hbm4b:s8+s2] =	stream.linear.scatter [tilespmem:s18], [sflag:$0x7], $0x2800, $0x38;
	[tilespmem:$0xB000] =	vst v63  }
0x2f: {  	_ =	swait.ge [sflag:s23], $0x2800  }
0x30: {  	[sflag:s23] =	ssyncset.done $0x0  }
0x31: {  	s24 =	simm.s32 $0x200;
	[sflag:s23] =	ssyncadd.s32 $0xFFFFD800  }
0x32: {  	[tilespmem:s13], [sflag:$0x1] =	stream.indirect.gather [hbm4b:s3+s12], $0x80, s24, s12, $0xb8;
	[tilespmem:$0xB000] =	vst v63  }
0x33: {  	_ =	swait.ge [sflag:s25], $0x2800  }
0x34: {  	[sflag:s25] =	ssyncset.done $0x0  }
0x35: {  	[sflag:s25] =	ssyncadd.s32 $0xFFFFD800  }
0x36: {  	[hbm4b:s9+s2] =	stream.linear.scatter [tilespmem:s21], [sflag:$0x8], $0x2800, $0x38;
	[tilespmem:$0xB000] =	vst v63  }
0x37: {  	_ =	swait.ge [sflag:s26], $0x2800  }
0x38: {  	[sflag:s26] =	ssyncset.done $0x0  }
0x39: {  	s10 =	smov.u32 s1;
	s0 =	simm.s32 $0x0;
	[sflag:s26] =	ssyncadd.s32 $0xFFFFD800  }
0x3a: {  	[tilespmem:s15], [sflag:$0x2] =	stream.indirect.gather [hbm4b:s3+s12], $0x80, s28, s12, $0xb8;
	[tilespmem:$0xB000] =	vst v63  }
.LBB2_2:
0x3b: {  	_ =	swait.ge [sflag:s16], $0x2800  }
0x3c: {  	[sflag:s16] =	ssyncset.done $0x0  }
0x3d: {  	[sflag:s16] =	ssyncadd.s32 $0xFFFFD800  }
0x3e: {  	[hbm4b:s10+s2] =	stream.linear.scatter [tilespmem:s13], [sflag:$0x5], $0x2800, $0x38;
	[tilespmem:$0xB000] =	vst v63  }
0x3f: {  	_ =	swait.ge [sflag:s29], $0x2800  }
0x40: {  	s14 =	sshra.s32 s0, $0x2;
	[sflag:s29] =	ssyncset.done $0x0  }
0x41: {  	s17 =	sadd.s32 $0x300, s14;
	[sflag:s29] =	ssyncadd.s32 $0xFFFFD800  }
0x42: {  	[tilespmem:s18], [sflag:$0x3] =	stream.indirect.gather [hbm4b:s3+s12], $0x80, s17, s12, $0xb8;
	[tilespmem:$0xB000] =	vst v63  }
0x43: {  	_ =	swait.ge [sflag:s19], $0x2800  }
0x44: {  	[sflag:s19] =	ssyncset.done $0x0  }
0x45: {  	s20 =	sadd.s32 $0x500, s10;
	[sflag:s19] =	ssyncadd.s32 $0xFFFFD800  }
0x46: {  	[hbm4b:s20+s2] =	stream.linear.scatter [tilespmem:s15], [sflag:$0x6], $0x2800, $0x38;
	[tilespmem:$0xB000] =	vst v63  }
0x47: {  	_ =	swait.ge [sflag:s30], $0x2800  }
0x48: {  	[sflag:s30] =	ssyncset.done $0x0  }
0x49: {  	s24 =	sadd.s32 $0x380, s14;
	[sflag:s30] =	ssyncadd.s32 $0xFFFFD800  }
0x4a: {  	[tilespmem:s21], [sflag:$0x4] =	stream.indirect.gather [hbm4b:s3+s12], $0x80, s24, s12, $0xb8;
	[tilespmem:$0xB000] =	vst v63  }
0x4b: {  	_ =	swait.ge [sflag:s22], $0x2800  }
0x4c: {  	[sflag:s22] =	ssyncset.done $0x0  }
0x4d: {  	p0 =	seq.s32 s0, $0x3000;
	s20 =	sadd.s32 $0xA00, s10;
	[sflag:s22] =	ssyncadd.s32 $0xFFFFD800  }
0x4e: {  	[hbm4b:s20+s2] =	stream.linear.scatter [tilespmem:s18], [sflag:$0x7], $0x2800, $0x38;
	[tilespmem:$0xB000] =	vst v63  }
0x4f: {  	s17 =	sshra.s32 @!p0 s0, $0x2;
	_ =	swait.ge [sflag:s23], $0x2800  }
0x50: {  	s17 =	sadd.s32 @!p0 $0x400, s17;
	[sflag:s23] =	ssyncset.done $0x0  }
0x51: {  	s24 =	simm.s32 @!p0 $0x1000;
	s20 =	simm.s32 @!p0 $0x50;
	[sflag:s23] =	ssyncadd.s32 $0xFFFFD800  }
0x52: {  	[tilespmem:s24], [sflag:$0x1] =	stream.indirect.gather @!p0 [hbm4b:s3+s20], $0x80, s17, s20, $0xb8;
	[tilespmem:$0xB000] =	vst v63  }
0x53: {  	_ =	swait.ge [sflag:s25], $0x2800  }
0x54: {  	[sflag:s25] =	ssyncset.done $0x0  }
.Ltmp2:
0x55: {  	s24 =	sadd.s32 $0xF00, s10;
	[sflag:s25] =	ssyncadd.s32 $0xFFFFD800;
	(pc) =	sbr.rel @p0 .LBB2_4-.Ltmp2, $4  }
0x56: {  	[hbm4b:s24+s2] =	stream.linear.scatter [tilespmem:s21], [sflag:$0x8], $0x2800, $0x38;
	[tilespmem:$0xB000] =	vst v63  }
0x57: {  	_ =	swait.ge [sflag:s26], $0x2800  }
0x58: {  	[sflag:s26] =	ssyncset.done $0x0  }
0x59: {  	[sflag:s26] =	ssyncadd.s32 $0xFFFFD800  }
.Ltmp3:
0x5a: {  	(pc) =	sbr.rel .LBB2_2-.Ltmp3, $3  }
0x5b: {  	_ =	sdelay $0x1  }
0x5c: {  	s14 =	sadd.s32 $0x480, s14;
	s0 =	sadd.s32 $0x800, s0;
	s10 =	sadd.s32 $0x1400, s10  }
0x5d: {  	[tilespmem:s15], [sflag:$0x2] =	stream.indirect.gather [hbm4b:s3+s12], $0x80, s14, s12, $0xb8;
	[tilespmem:$0xB000] =	vst v63  }
.LBB2_5:
0x5e: {  	_ =	sfence.sel $0x180000  }
0x5f: {  	[bflag:$0x0] =	sbarrier.arrive $0xFFFF  }
0x60: {  	_ =	strace $0x90000047  }
0x61: {  	s0 =	stileid.u32;
	[bflag:$0x2] =	sbarrier.arrive $0xFFFF  }
0x62: {  	p0 =	sne.s32 s0, $0x0;
	s0 =	rddreg [dreg:$0x1]  }
0x63: {  	s0 =	sadd.s32 @!p0 $0x100000, s0  }
0x64: {  	[sflag:s0] =	ssyncadd.tile.s32 @!p0 $0x1;
	_ =	shalt  }
.Lfunc_end2:
_tile_overlayer_lowered:
.L_overlay_start_2:
0x65: {  	(tag) =	ssettag $0x2  }
0x66: {  	s0 =	rddreg [dreg:$0x0];
	s2 =	stileid.u32  }
0x67: {  	s1 =	rddreg [dreg:$0x1];
	p0 =	sne.s32 s2, $0x0  }
0x68: {  	s3 =	rddreg [dreg:$0x2];
	[bflag:$0x3] =	sbarrier.arrive $0xFFFF;
	s2 =	simm.s32 @!p0 $0x1C09  }
0x69: {  	[timem:s3], [sflag:s2] =	dma.local @!p0 [hbm:s0], s1  }
0x6a: {  	s0 =	simm.s32 @!p0 $0x9  }
0x6b: {  	_ =	swait.ge @!p0 [sflag:s0], s1  }
0x6c: {  	s1 =	ssub.s32 @!p0 $0x0, s1;
	[sflag:s0] =	ssyncset.done @!p0 $0x0  }
0x6d: {  	[sflag:s0] =	ssyncadd.s32 @!p0 s1  }
0x6e: {  	[bflag:$0x3] =	sbarrier.arrive $0xFFFF  }
0x6f: {  	_ =	shalt  }

// kernel: kernel.21.cloned.1.call-start
scs
__scs_entry_jumppad:
0x0: {  	(pc) =	sbr.rel $0x88, $3  }
0x1: {  	(tag) =	ssettag $0x0;
	lr =	simm.s32 $0x1  }
0x2: {  	[smem:$0x3F91] =	sst lr;
	_ =	strace $0xD0000000  }
0x3: {  	_ = 	snop  }
0x4: {  	_ = 	snop  }
0x5: {  	_ = 	snop  }
0x6: {  	_ = 	snop  }
0x7: {  	_ = 	snop  }
__scs_overlays_trampoline_lowered:
0x8: {  	[smem:$0x3FA0] =	sst s0  }
0x9: {  	[smem:$0x3FA1] =	sst s1  }
0xa: {  	[smem:$0x3FA2] =	sst s2  }
0xb: {  	[smem:$0x3FA3] =	sst s3  }
0xc: {  	[smem:$0x3FA4] =	sst s4  }
0xd: {  	[smem:$0x3FA5] =	sst s5  }
0xe: {  	[smem:$0x3FA6] =	sst s6  }
0xf: {  	[smem:$0x3FA7] =	sst s7  }
0x10: {  	[smem:$0x3FA8] =	sst s8  }
0x11: {  	[smem:$0x3FA9] =	sst s9;
	s0 =	simm.s32 @!p0 $0x0  }
0x12: {  	s1 =	sld [smem:$0x3F8F];
	s0 =	simm.s32 @p0 $0x1  }
0x13: {  	[smem:$0x3FAA] =	sst s0;
	s0 =	simm.s32 @!p1 $0x0  }
0x14: {  	s2 =	sld [smem:$0x3F8E];
	s0 =	simm.s32 @p1 $0x1  }
0x15: {  	[smem:$0x3FAB] =	sst s0;
	s0 =	simm.s32 @!p2 $0x0  }
0x16: {  	s3 =	sld [smem:$0x3FDB];
	s0 =	simm.s32 @p2 $0x1  }
0x17: {  	s4 =	simm.s32 $0x1BF5;
	[smem:$0x3FAD] =	sst s0  }
0x18: {  	s0 =	sld [smem:$0x3F90];
	_ =	swait.ge [sflag:s4], $0x0  }
0x19: {  	s7 =	sld [smem:$0x3F91]  }
0x1a: {  	s8 =	sadd.s32 $0xFFFFE003, lr  }
0x1b: {  	s9 =	sadd.s32 $0xFFFFFEF7, lr;
	s5 =	simm.s32 $0xFFFFFFFF;
	p2 =	slt.u32 s8, $0xFFFFF086  }
0x1c: {  	p1 =	slt.u32 s9, $0xF7A;
	s5 =	simm.s32 @!p2 $0x0  }
0x1d: {  	s5 =	simm.s32 @p1 $0x1;
	p0 =	seq.s32 s7, s2  }
0x1e: {  	s7 =	smul.u32 @!p0 $0xF7A, s2;
	p2 =	seq.s32 @!p0 s5, $0x0  }
0x1f: {  	s9 =	smul.u32 $0xF7A, s1;
	s8 =	simm.s32 @!p0 $0x1BF5;
	p2 =	por !p2, p0  }
0x20: {  	[sflag:s8] =	ssyncset.s32 @!p0 $0xFFFFF086;
	s6 =	sadd.s32 @!p0 s3, s7;
	s7 =	simm.s32 @!p0 $0x108  }
0x21: {  	s3 =	sadd.s32 s3, s9;
	s6 =	sadd.s32 @!p0 $0x88, s6;
	s7 =	simm.s32 @p2 $0x1082  }
0x22: {  	[simem:s7], [sflag:s8] =	dma.local @!p0 [hbm:s6], $0xF7A  }
0x23: {  	s9 =	sor.u32 $0xD0000000, s2;
	s6 =	simm.s32 $0x108;
	_ =	swait.ge @!p0 [sflag:s8], $0x0  }
0x24: {  	s3 =	sadd.s32 $0x88, s3;
	s6 =	simm.s32 @!p1 $0x1082;
	[sflag:s4] =	ssyncset.s32 $0xFFFFF086  }
0x25: {  	[simem:s6], [sflag:s4] =	dma.local [hbm:s3], $0xF7A  }
0x26: {  	[smem:$0x3F91] =	sst s1;
	(tag) =	ssettag s2;
	_ =	strace s9  }
0x27: {  	s1 =	sld [smem:$0x3FA1]  }
0x28: {  	s2 =	sld [smem:$0x3FA2]  }
0x29: {  	s4 =	sld [smem:$0x3FA4]  }
0x2a: {  	p0 =	seq.s32 s5, $0x0;
	s5 =	sld [smem:$0x3FA5]  }
0x2b: {  	s6 =	sld [smem:$0x3FA6]  }
0x2c: {  	s7 =	sld [smem:$0x3FA7]  }
0x2d: {  	s3 =	simm.s32 $0x108;
	s8 =	sld [smem:$0x3FA8]  }
0x2e: {  	s3 =	simm.s32 @!p0 $0x1082;
	s9 =	sld [smem:$0x3FA9]  }
0x2f: {  	lr =	sadd.s32 s0, s3;
	s0 =	sld [smem:$0x3FA0]  }
0x30: {  	s3 =	sld [smem:$0x3FA3]  }
0x31: {  	[smem:$0x3FAC] =	sst s10  }
0x32: {  	s10 =	sld [smem:$0x3FAA];
	_ =	sdelay $0x3  }
0x33: {  	p0 =	seq.s32 s10, $0x1;
	s10 =	sld [smem:$0x3FAC];
	_ =	sdelay $0x3  }
0x34: {  	[smem:$0x3FAC] =	sst s10  }
0x35: {  	s10 =	sld [smem:$0x3FAB];
	_ =	sdelay $0x3  }
0x36: {  	p1 =	seq.s32 s10, $0x1;
	s10 =	sld [smem:$0x3FAC];
	_ =	sdelay $0x3  }
0x37: {  	[smem:$0x3FAC] =	sst s10  }
0x38: {  	s10 =	sld [smem:$0x3FAD]  }
0x39: {  	_ = 	snop;
	(pc) =	sbr.ind lr, $3  }
0x3a: {  	_ = 	snop  }
0x3b: {  	_ = 	snop  }
0x3c: {  	p2 =	seq.s32 s10, $0x1;
	s10 =	sld [smem:$0x3FAC]  }
0x3d: {  	_ =	shalt  }
0x3e: {  	_ =	shalt  }
0x3f: {  	_ =	shalt  }
0x40: {  	_ =	shalt  }
0x41: {  	_ =	shalt  }
0x42: {  	_ =	shalt  }
0x43: {  	_ =	shalt  }
0x44: {  	_ =	shalt  }
0x45: {  	_ =	shalt  }
0x46: {  	_ =	shalt  }
0x47: {  	_ =	shalt  }
0x48: {  	_ =	shalt  }
0x49: {  	_ =	shalt  }
0x4a: {  	_ =	shalt  }
0x4b: {  	_ =	shalt  }
0x4c: {  	_ =	shalt  }
0x4d: {  	_ =	shalt  }
0x4e: {  	_ =	shalt  }
0x4f: {  	_ =	shalt  }
0x50: {  	_ =	shalt  }
0x51: {  	_ =	shalt  }
0x52: {  	_ =	shalt  }
0x53: {  	_ =	shalt  }
0x54: {  	_ =	shalt  }
0x55: {  	_ =	shalt  }
0x56: {  	_ =	shalt  }
0x57: {  	_ =	shalt  }
0x58: {  	_ =	shalt  }
0x59: {  	_ =	shalt  }
0x5a: {  	_ =	shalt  }
0x5b: {  	_ =	shalt  }
0x5c: {  	_ =	shalt  }
0x5d: {  	_ =	shalt  }
0x5e: {  	_ =	shalt  }
0x5f: {  	_ =	shalt  }
0x60: {  	_ =	shalt  }
0x61: {  	_ =	shalt  }
0x62: {  	_ =	shalt  }
0x63: {  	_ =	shalt  }
0x64: {  	_ =	shalt  }
0x65: {  	_ =	shalt  }
0x66: {  	_ =	shalt  }
0x67: {  	_ =	shalt  }
0x68: {  	_ =	shalt  }
0x69: {  	_ =	shalt  }
0x6a: {  	_ =	shalt  }
0x6b: {  	_ =	shalt  }
0x6c: {  	_ =	shalt  }
0x6d: {  	_ =	shalt  }
0x6e: {  	_ =	shalt  }
0x6f: {  	_ =	shalt  }
0x70: {  	_ =	shalt  }
0x71: {  	_ =	shalt  }
0x72: {  	_ =	shalt  }
0x73: {  	_ =	shalt  }
0x74: {  	_ =	shalt  }
0x75: {  	_ =	shalt  }
0x76: {  	_ =	shalt  }
0x77: {  	_ =	shalt  }
0x78: {  	_ =	shalt  }
0x79: {  	_ =	shalt  }
0x7a: {  	_ =	shalt  }
0x7b: {  	_ =	shalt  }
0x7c: {  	_ =	shalt  }
0x7d: {  	_ =	shalt  }
0x7e: {  	_ =	shalt  }
0x7f: {  	_ =	shalt  }
0x80: {  	_ =	shalt  }
0x81: {  	_ =	shalt  }
0x82: {  	_ =	shalt  }
0x83: {  	_ =	shalt  }
0x84: {  	_ =	shalt  }
0x85: {  	_ =	shalt  }
0x86: {  	_ =	shalt  }
0x87: {  	_ =	shalt  }
.Lfunc_end0:
.L_simem_size_0:
called_computation.1_lowered:
.L_overlay_start_0:
0x88: {  	s2 =	sld [smem:$0x3FD9]  }
0x89: {  	s3 =	sld [smem:$0x3FFE];
	_ =	sdelay $0x1  }
0x8a: {  	s1 =	srdreg.scid  }
0x8b: {  	s0 =	sand.u32 $0x1, s1  }
0x8c: {  	s16 =	sshll.u32 s0, $0xA;
	s2 =	sadd.s32 s3, s2  }
0x8d: {  	s2 =	sadd.s32 s2, s16  }
0x8e: {  	[smem:$0x3FB8] =	sst s2  }
0x8f: {  	_ = 	snop  }
0x90: {  	(tm) =	ssettm $0x1  }
0x91: {  	s17 =	sld [smem:$0x3FFB];
	_ =	sdelay $0x3  }
0x92: {  	_ =	strace s17  }
0x93: {  	s2 =	sld [smem:$0x3FFC];
	_ =	sdelay $0x3  }
0x94: {  	_ =	strace s2  }
0x95: {  	s2 =	sld [smem:$0x3FFD];
	_ =	sdelay $0x3  }
0x96: {  	_ =	strace s2  }
0x97: {  	_ =	strace $0x8FFFFFFF  }
0x98: {  	s18 =	sld [smem:$0x3FDB];
	_ =	sdelay $0x1  }
0x99: {  	s19 =	simm.s32 $_scs_section_size  }
0x9a: {  	s4 =	simm.s32 $_size__tile_overlayer_lowered;
	s5 =	simm.s32 $_tile_overlayer_lowered  }
0x9b: {  	s22 =	simm.s32 $0x1BFF;
	s21 =	sshll.u32 s5, $0x1;
	s2 =	sadd.s32 s19, s18  }
0x9c: {  	s6 =	simm.s32 $0x0;
	s20 =	sshll.u32 s4, $0x1;
	s4 =	sadd.s32 s21, s2  }
0x9d: {  	[timem:s6], [sflag:s22] =	dma.local [hbm:s4], s20  }
0x9e: {  	_ =	swait.ge [sflag:s22], s20  }
0x9f: {  	s3 =	ssub.s32 $0x0, s20;
	[sflag:s22] =	ssyncset.done $0x0  }
0xa0: {  	[sflag:s22] =	ssyncadd.s32 s3;
	_ =	sdelay $0x1  }
0xa1: {  	s23 =	simm.s32 $0x1B8B  }
0xa2: {  	_ =	swait.ge [sflag:s23], $0x1  }
0xa3: {  	[sflag:s23] =	ssyncset.done $0x0  }
0xa4: {  	s25 =	simm.s32 $0x1B8E;
	s24 =	sld [smem:$0x3FFE];
	[sflag:s23] =	ssyncadd.s32 $0xFFFFFFFF  }
0xa5: {  	s26 =	simm.s32 $execute0_lowered;
	[smem:$0x3FD2] =	sst s25  }
0xa6: {  	s4 =	sshll.u32 s26, $0x1;
	_ =	strace $0x80000049;
	[dreg:$0x1] =	wrdreg $0xFFFFFFFF  }
0xa7: {  	s28 =	simm.s32 $_size_execute0_lowered;
	s2 =	sadd.s32 s2, s4;
	[dreg:$0x0] =	wrdreg $0x0  }
0xa8: {  	s4 =	sshll.u32 s28, $0x1;
	[dreg:$0x2] =	wrdreg s2  }
0xa9: {  	[dreg:$0x3] =	wrdreg s4  }
0xaa: {  	[dreg:$0x4] =	wrdreg $0xC0  }
0xab: {  	_ =	task [dreg:s6], $0x5FFFF  }
0xac: {  	[dreg:$0x1] =	wrdreg $0xFFFFFFFF  }
0xad: {  	[dreg:$0x0] =	wrdreg $0x60  }
0xae: {  	[dreg:$0x2] =	wrdreg s24  }
0xaf: {  	[dreg:$0x3] =	wrdreg $0x9  }
0xb0: {  	_ =	task.clear_ibuf [dreg:s6], $0x4FFFF;
	_ =	strace $0x90000049  }
0xb1: {  	s29 =	simm.s32 $0x9;
	_ =	strace $0x8000004B  }
0xb2: {  	_ =	swait.ge [sflag:s29], $0x1  }
0xb3: {  	[sflag:s29] =	ssyncadd.s32 $0xFFFFFFFF  }
0xb4: {  	_ =	strace $0x9000004B  }
0xb5: {  	_ =	sfence  }
0xb6: {  	s30 =	sld [smem:$0x0];
	_ =	sdelay $0x2  }
0xb7: {  	s31 =	sshll.u32 s1, $0xD;
	s1 =	sshrl.u32 s1, $0x2  }
0xb8: {  	s3 =	sand.u32 $0x4000, s31;
	s1 =	sadd.s32 s1, s30  }
0xb9: {  	s0 =	sor.u32 s3, s0;
	s1 =	sshll.u32 s1, $0x11  }
0xba: {  	s0 =	sor.u32 s1, s0  }
0xbb: {  	s0 =	sadd.s32 $0x8F2B, s0  }
0xbc: {  	[sflag:s0] =	ssyncadd.remote.s32 $0x1  }
0xbd: {  	_ =	sfence.sel $0xFFFF  }
0xbe: {  	[dreg:$0x0] =	wrdreg $0xFFFFFFFF;
	(pc) =	sbr.abs _section_cstart, $3  }
0xbf: {  	[dreg:$0x1] =	wrdreg $0xFFFFFFFF  }
0xc0: {  	_ =	task.clear_ibuf [dreg:s6], $0x2FFFF;
	_ =	strace $0x9FFFFFFF  }
0xc1: {  	(tm) =	ssettm $0x7FFFFFFF  }
tec
execute0_lowered:
.L_overlay_start_1:
0x0: {  	(tag) =	ssettag $0x1  }
0x1: {  	s0 =	srdreg.scid  }
0x2: {  	s9 =	stileid.u32;
	s1 =	rddreg [dreg:$0x0];
	s2 =	simm.s32 $0x0  }
0x3: {  	s11 =	simm.s32 $0x9;
	s12 =	simm.s32 $0x50;
	s13 =	simm.s32 $0x1000  }
0x4: {  	s15 =	simm.s32 $0x3800;
	s16 =	simm.s32 $0x1;
	s18 =	simm.s32 $0x6000  }
0x5: {  	s19 =	simm.s32 $0x2;
	s21 =	simm.s32 $0x8800;
	s22 =	simm.s32 $0x3  }
0x6: {  	s23 =	simm.s32 $0x5;
	s25 =	simm.s32 $0x4;
	s26 =	simm.s32 $0x6  }
0x7: {  	s28 =	simm.s32 $0x280;
	s29 =	simm.s32 $0x7;
	s30 =	simm.s32 $0x8  }
0x8: {  	s31 =	simm.s32 $0x0;
	s0 =	sand.u32 $0x1, s0;
	s3 =	sshll.u32 s9, $0x6  }
0x9: {  	[smem:$0x7FF] =	sst s2;
	s9 =	smul.u32 $0x14000, s9;
	s4 =	sshll.u32 s0, $0x5  }
0xa: {  	s6 =	ssub.s32 $0x2, s0;
	s0 =	smul.u32 $0xA000, s0;
	s4 =	sor.u32 s4, s3  }
0xb: {  	_ =	strace $0x8000004A;
	s7 =	sshrl.u32 s6, $0x1;
	s8 =	smul.u32 $0x500, s4  }
.Ltmp0:
0xc: {  	s3 =	sshll.u32 s4, $0x4;
	s6 =	ssub.s32 s6, s7;
	(pc) =	sbr.rel .LBB2_1-.Ltmp0, $4  }
0xd: {  	s5 =	sadd.s32 s3, s1;
	s3 =	sadd.s32 $0x3200, s1;
	s1 =	sadd.s32 $0x17200, s1  }
0xe: {  	s4 =	sadd.s32 $0x13200, s5;
	s5 =	sadd.s32 s1, s8;
	s1 =	sadd.s32 s9, s1  }
0xf: {  	s6 =	smax.u32 s6, $0x1;
	s7 =	sadd.s32 $0x500, s5;
	s0 =	sadd.s32 s0, s1  }
0x10: {  	s8 =	sadd.s32 $0xA00, s5;
	s9 =	sadd.s32 $0xF00, s5;
	s1 =	sadd.s32 $0x1400, s0  }
.LBB2_4:
0x11: {  	s31 =	sadd.s32 $0x1, s31  }
0x12: {  	_ =	swait.ge [sflag:s29], $0x2800;
	p0 =	sne.s32 s31, s6  }
.Ltmp1:
0x13: {  	[sflag:s29] =	ssyncset.done $0x0;
	(pc) =	sbr.rel @!p0 .LBB2_5-.Ltmp1, $4  }
0x14: {  	[sflag:s29] =	ssyncadd.s32 $0xFFFFD800  }
0x15: {  	_ =	swait.ge [sflag:s30], $0x2800  }
0x16: {  	[sflag:s30] =	ssyncset.done $0x0  }
0x17: {  	[sflag:s30] =	ssyncadd.s32 $0xFFFFD800  }
.LBB2_1:
0x18: {  	[tilespmem:s2], [sflag:$0x9] =	stream.linear.gather [hbm4b:s4+s2], $0x1000, $0x38;
	[tilespmem:$0xB000] =	vst v63  }
0x19: {  	_ =	swait.ge [sflag:s11], $0x1000  }
0x1a: {  	[sflag:s11] =	ssyncset.done $0x0  }
0x1b: {  	[sflag:s11] =	ssyncadd.s32 $0xFFFFF000  }
0x1c: {  	[tilespmem:s13], [sflag:$0x1] =	stream.indirect.gather [hbm4b:s3+s12], $0x80, s2, s12, $0xb8;
	[tilespmem:$0xB000] =	vst v63  }
0x1d: {  	s0 =	simm.s32 $0x80  }
0x1e: {  	[tilespmem:s15], [sflag:$0x2] =	stream.indirect.gather [hbm4b:s3+s12], $0x80, s0, s12, $0xb8;
	[tilespmem:$0xB000] =	vst v63  }
0x1f: {  	_ =	swait.ge [sflag:s16], $0x2800  }
0x20: {  	[sflag:s16] =	ssyncset.done $0x0  }
0x21: {  	[sflag:s16] =	ssyncadd.s32 $0xFFFFD800  }
0x22: {  	[hbm4b:s5+s2] =	stream.linear.scatter [tilespmem:s13], [sflag:$0x5], $0x2800, $0x38;
	[tilespmem:$0xB000] =	vst v63  }
0x23: {  	s17 =	simm.s32 $0x100  }
0x24: {  	[tilespmem:s18], [sflag:$0x3] =	stream.indirect.gather [hbm4b:s3+s12], $0x80, s17, s12, $0xb8;
	[tilespmem:$0xB000] =	vst v63  }
0x25: {  	_ =	swait.ge [sflag:s19], $0x2800  }
0x26: {  	[sflag:s19] =	ssyncset.done $0x0  }
0x27: {  	[sflag:s19] =	ssyncadd.s32 $0xFFFFD800  }
0x28: {  	[hbm4b:s7+s2] =	stream.linear.scatter [tilespmem:s15], [sflag:$0x6], $0x2800, $0x38;
	[tilespmem:$0xB000] =	vst v63  }
0x29: {  	s20 =	simm.s32 $0x180  }
0x2a: {  	[tilespmem:s21], [sflag:$0x4] =	stream.indirect.gather [hbm4b:s3+s12], $0x80, s20, s12, $0xb8;
	[tilespmem:$0xB000] =	vst v63  }
0x2b: {  	_ =	swait.ge [sflag:s22], $0x2800  }
0x2c: {  	[sflag:s22] =	ssyncset.done $0x0  }
0x2d: {  	[sflag:s22] =	ssyncadd.s32 $0xFFFFD800  }
0x2e: {  	[hbm4b:s8+s2] =	stream.linear.scatter [tilespmem:s18], [sflag:$0x7], $0x2800, $0x38;
	[tilespmem:$0xB000] =	vst v63  }
0x2f: {  	_ =	swait.ge [sflag:s23], $0x2800  }
0x30: {  	[sflag:s23] =	ssyncset.done $0x0  }
0x31: {  	s24 =	simm.s32 $0x200;
	[sflag:s23] =	ssyncadd.s32 $0xFFFFD800  }
0x32: {  	[tilespmem:s13], [sflag:$0x1] =	stream.indirect.gather [hbm4b:s3+s12], $0x80, s24, s12, $0xb8;
	[tilespmem:$0xB000] =	vst v63  }
0x33: {  	_ =	swait.ge [sflag:s25], $0x2800  }
0x34: {  	[sflag:s25] =	ssyncset.done $0x0  }
0x35: {  	[sflag:s25] =	ssyncadd.s32 $0xFFFFD800  }
0x36: {  	[hbm4b:s9+s2] =	stream.linear.scatter [tilespmem:s21], [sflag:$0x8], $0x2800, $0x38;
	[tilespmem:$0xB000] =	vst v63  }
0x37: {  	_ =	swait.ge [sflag:s26], $0x2800  }
0x38: {  	[sflag:s26] =	ssyncset.done $0x0  }
0x39: {  	s10 =	smov.u32 s1;
	s0 =	simm.s32 $0x0;
	[sflag:s26] =	ssyncadd.s32 $0xFFFFD800  }
0x3a: {  	[tilespmem:s15], [sflag:$0x2] =	stream.indirect.gather [hbm4b:s3+s12], $0x80, s28, s12, $0xb8;
	[tilespmem:$0xB000] =	vst v63  }
.LBB2_2:
0x3b: {  	_ =	swait.ge [sflag:s16], $0x2800  }
0x3c: {  	[sflag:s16] =	ssyncset.done $0x0  }
0x3d: {  	[sflag:s16] =	ssyncadd.s32 $0xFFFFD800  }
0x3e: {  	[hbm4b:s10+s2] =	stream.linear.scatter [tilespmem:s13], [sflag:$0x5], $0x2800, $0x38;
	[tilespmem:$0xB000] =	vst v63  }
0x3f: {  	_ =	swait.ge [sflag:s29], $0x2800  }
0x40: {  	s14 =	sshra.s32 s0, $0x2;
	[sflag:s29] =	ssyncset.done $0x0  }
0x41: {  	s17 =	sadd.s32 $0x300, s14;
	[sflag:s29] =	ssyncadd.s32 $0xFFFFD800  }
0x42: {  	[tilespmem:s18], [sflag:$0x3] =	stream.indirect.gather [hbm4b:s3+s12], $0x80, s17, s12, $0xb8;
	[tilespmem:$0xB000] =	vst v63  }
0x43: {  	_ =	swait.ge [sflag:s19], $0x2800  }
0x44: {  	[sflag:s19] =	ssyncset.done $0x0  }
0x45: {  	s20 =	sadd.s32 $0x500, s10;
	[sflag:s19] =	ssyncadd.s32 $0xFFFFD800  }
0x46: {  	[hbm4b:s20+s2] =	stream.linear.scatter [tilespmem:s15], [sflag:$0x6], $0x2800, $0x38;
	[tilespmem:$0xB000] =	vst v63  }
0x47: {  	_ =	swait.ge [sflag:s30], $0x2800  }
0x48: {  	[sflag:s30] =	ssyncset.done $0x0  }
0x49: {  	s24 =	sadd.s32 $0x380, s14;
	[sflag:s30] =	ssyncadd.s32 $0xFFFFD800  }
0x4a: {  	[tilespmem:s21], [sflag:$0x4] =	stream.indirect.gather [hbm4b:s3+s12], $0x80, s24, s12, $0xb8;
	[tilespmem:$0xB000] =	vst v63  }
0x4b: {  	_ =	swait.ge [sflag:s22], $0x2800  }
0x4c: {  	[sflag:s22] =	ssyncset.done $0x0  }
0x4d: {  	p0 =	seq.s32 s0, $0x3000;
	s20 =	sadd.s32 $0xA00, s10;
	[sflag:s22] =	ssyncadd.s32 $0xFFFFD800  }
0x4e: {  	[hbm4b:s20+s2] =	stream.linear.scatter [tilespmem:s18], [sflag:$0x7], $0x2800, $0x38;
	[tilespmem:$0xB000] =	vst v63  }
0x4f: {  	s17 =	sshra.s32 @!p0 s0, $0x2;
	_ =	swait.ge [sflag:s23], $0x2800  }
0x50: {  	s17 =	sadd.s32 @!p0 $0x400, s17;
	[sflag:s23] =	ssyncset.done $0x0  }
0x51: {  	s24 =	simm.s32 @!p0 $0x1000;
	s20 =	simm.s32 @!p0 $0x50;
	[sflag:s23] =	ssyncadd.s32 $0xFFFFD800  }
0x52: {  	[tilespmem:s24], [sflag:$0x1] =	stream.indirect.gather @!p0 [hbm4b:s3+s20], $0x80, s17, s20, $0xb8;
	[tilespmem:$0xB000] =	vst v63  }
0x53: {  	_ =	swait.ge [sflag:s25], $0x2800  }
0x54: {  	[sflag:s25] =	ssyncset.done $0x0  }
.Ltmp2:
0x55: {  	s24 =	sadd.s32 $0xF00, s10;
	[sflag:s25] =	ssyncadd.s32 $0xFFFFD800;
	(pc) =	sbr.rel @p0 .LBB2_4-.Ltmp2, $4  }
0x56: {  	[hbm4b:s24+s2] =	stream.linear.scatter [tilespmem:s21], [sflag:$0x8], $0x2800, $0x38;
	[tilespmem:$0xB000] =	vst v63  }
0x57: {  	_ =	swait.ge [sflag:s26], $0x2800  }
0x58: {  	[sflag:s26] =	ssyncset.done $0x0  }
0x59: {  	[sflag:s26] =	ssyncadd.s32 $0xFFFFD800  }
.Ltmp3:
0x5a: {  	(pc) =	sbr.rel .LBB2_2-.Ltmp3, $3  }
0x5b: {  	_ =	sdelay $0x1  }
0x5c: {  	s14 =	sadd.s32 $0x480, s14;
	s0 =	sadd.s32 $0x800, s0;
	s10 =	sadd.s32 $0x1400, s10  }
0x5d: {  	[tilespmem:s15], [sflag:$0x2] =	stream.indirect.gather [hbm4b:s3+s12], $0x80, s14, s12, $0xb8;
	[tilespmem:$0xB000] =	vst v63  }
.LBB2_5:
0x5e: {  	_ =	sfence.sel $0x180000  }
0x5f: {  	[bflag:$0x0] =	sbarrier.arrive $0xFFFF  }
0x60: {  	_ =	strace $0x9000004A  }
0x61: {  	s0 =	stileid.u32;
	[bflag:$0x2] =	sbarrier.arrive $0xFFFF  }
0x62: {  	p0 =	sne.s32 s0, $0x0;
	s0 =	rddreg [dreg:$0x1]  }
0x63: {  	s0 =	sadd.s32 @!p0 $0x100000, s0  }
0x64: {  	[sflag:s0] =	ssyncadd.tile.s32 @!p0 $0x1;
	_ =	shalt  }
.Lfunc_end2:
_tile_overlayer_lowered:
.L_overlay_start_2:
0x65: {  	(tag) =	ssettag $0x2  }
0x66: {  	s0 =	rddreg [dreg:$0x0];
	s2 =	stileid.u32  }
0x67: {  	s1 =	rddreg [dreg:$0x1];
	p0 =	sne.s32 s2, $0x0  }
0x68: {  	s3 =	rddreg [dreg:$0x2];
	[bflag:$0x3] =	sbarrier.arrive $0xFFFF;
	s2 =	simm.s32 @!p0 $0x1C09  }
0x69: {  	[timem:s3], [sflag:s2] =	dma.local @!p0 [hbm:s0], s1  }
0x6a: {  	s0 =	simm.s32 @!p0 $0x9  }
0x6b: {  	_ =	swait.ge @!p0 [sflag:s0], s1  }
0x6c: {  	s1 =	ssub.s32 @!p0 $0x0, s1;
	[sflag:s0] =	ssyncset.done @!p0 $0x0  }
0x6d: {  	[sflag:s0] =	ssyncadd.s32 @!p0 s1  }
0x6e: {  	[bflag:$0x3] =	sbarrier.arrive $0xFFFF  }
0x6f: {  	_ =	shalt  }

// kernel: kernel.24.cloned.1.call-start
scs
__scs_entry_jumppad:
0x0: {  	(pc) =	sbr.rel $0x88, $3  }
0x1: {  	(tag) =	ssettag $0x0;
	lr =	simm.s32 $0x1  }
0x2: {  	[smem:$0x3F91] =	sst lr;
	_ =	strace $0xD0000000  }
0x3: {  	_ = 	snop  }
0x4: {  	_ = 	snop  }
0x5: {  	_ = 	snop  }
0x6: {  	_ = 	snop  }
0x7: {  	_ = 	snop  }
__scs_overlays_trampoline_lowered:
0x8: {  	[smem:$0x3FA0] =	sst s0  }
0x9: {  	[smem:$0x3FA1] =	sst s1  }
0xa: {  	[smem:$0x3FA2] =	sst s2  }
0xb: {  	[smem:$0x3FA3] =	sst s3  }
0xc: {  	[smem:$0x3FA4] =	sst s4  }
0xd: {  	[smem:$0x3FA5] =	sst s5  }
0xe: {  	[smem:$0x3FA6] =	sst s6  }
0xf: {  	[smem:$0x3FA7] =	sst s7  }
0x10: {  	[smem:$0x3FA8] =	sst s8  }
0x11: {  	[smem:$0x3FA9] =	sst s9;
	s0 =	simm.s32 @!p0 $0x0  }
0x12: {  	s1 =	sld [smem:$0x3F8F];
	s0 =	simm.s32 @p0 $0x1  }
0x13: {  	[smem:$0x3FAA] =	sst s0;
	s0 =	simm.s32 @!p1 $0x0  }
0x14: {  	s2 =	sld [smem:$0x3F8E];
	s0 =	simm.s32 @p1 $0x1  }
0x15: {  	[smem:$0x3FAB] =	sst s0;
	s0 =	simm.s32 @!p2 $0x0  }
0x16: {  	s3 =	sld [smem:$0x3FDB];
	s0 =	simm.s32 @p2 $0x1  }
0x17: {  	s4 =	simm.s32 $0x1BF5;
	[smem:$0x3FAD] =	sst s0  }
0x18: {  	s0 =	sld [smem:$0x3F90];
	_ =	swait.ge [sflag:s4], $0x0  }
0x19: {  	s7 =	sld [smem:$0x3F91]  }
0x1a: {  	s8 =	sadd.s32 $0xFFFFE003, lr  }
0x1b: {  	s9 =	sadd.s32 $0xFFFFFEF7, lr;
	s5 =	simm.s32 $0xFFFFFFFF;
	p2 =	slt.u32 s8, $0xFFFFF086  }
0x1c: {  	p1 =	slt.u32 s9, $0xF7A;
	s5 =	simm.s32 @!p2 $0x0  }
0x1d: {  	s5 =	simm.s32 @p1 $0x1;
	p0 =	seq.s32 s7, s2  }
0x1e: {  	s7 =	smul.u32 @!p0 $0xF7A, s2;
	p2 =	seq.s32 @!p0 s5, $0x0  }
0x1f: {  	s9 =	smul.u32 $0xF7A, s1;
	s8 =	simm.s32 @!p0 $0x1BF5;
	p2 =	por !p2, p0  }
0x20: {  	[sflag:s8] =	ssyncset.s32 @!p0 $0xFFFFF086;
	s6 =	sadd.s32 @!p0 s3, s7;
	s7 =	simm.s32 @!p0 $0x108  }
0x21: {  	s3 =	sadd.s32 s3, s9;
	s6 =	sadd.s32 @!p0 $0x88, s6;
	s7 =	simm.s32 @p2 $0x1082  }
0x22: {  	[simem:s7], [sflag:s8] =	dma.local @!p0 [hbm:s6], $0xF7A  }
0x23: {  	s9 =	sor.u32 $0xD0000000, s2;
	s6 =	simm.s32 $0x108;
	_ =	swait.ge @!p0 [sflag:s8], $0x0  }
0x24: {  	s3 =	sadd.s32 $0x88, s3;
	s6 =	simm.s32 @!p1 $0x1082;
	[sflag:s4] =	ssyncset.s32 $0xFFFFF086  }
0x25: {  	[simem:s6], [sflag:s4] =	dma.local [hbm:s3], $0xF7A  }
0x26: {  	[smem:$0x3F91] =	sst s1;
	(tag) =	ssettag s2;
	_ =	strace s9  }
0x27: {  	s1 =	sld [smem:$0x3FA1]  }
0x28: {  	s2 =	sld [smem:$0x3FA2]  }
0x29: {  	s4 =	sld [smem:$0x3FA4]  }
0x2a: {  	p0 =	seq.s32 s5, $0x0;
	s5 =	sld [smem:$0x3FA5]  }
0x2b: {  	s6 =	sld [smem:$0x3FA6]  }
0x2c: {  	s7 =	sld [smem:$0x3FA7]  }
0x2d: {  	s3 =	simm.s32 $0x108;
	s8 =	sld [smem:$0x3FA8]  }
0x2e: {  	s3 =	simm.s32 @!p0 $0x1082;
	s9 =	sld [smem:$0x3FA9]  }
0x2f: {  	lr =	sadd.s32 s0, s3;
	s0 =	sld [smem:$0x3FA0]  }
0x30: {  	s3 =	sld [smem:$0x3FA3]  }
0x31: {  	[smem:$0x3FAC] =	sst s10  }
0x32: {  	s10 =	sld [smem:$0x3FAA];
	_ =	sdelay $0x3  }
0x33: {  	p0 =	seq.s32 s10, $0x1;
	s10 =	sld [smem:$0x3FAC];
	_ =	sdelay $0x3  }
0x34: {  	[smem:$0x3FAC] =	sst s10  }
0x35: {  	s10 =	sld [smem:$0x3FAB];
	_ =	sdelay $0x3  }
0x36: {  	p1 =	seq.s32 s10, $0x1;
	s10 =	sld [smem:$0x3FAC];
	_ =	sdelay $0x3  }
0x37: {  	[smem:$0x3FAC] =	sst s10  }
0x38: {  	s10 =	sld [smem:$0x3FAD]  }
0x39: {  	_ = 	snop;
	(pc) =	sbr.ind lr, $3  }
0x3a: {  	_ = 	snop  }
0x3b: {  	_ = 	snop  }
0x3c: {  	p2 =	seq.s32 s10, $0x1;
	s10 =	sld [smem:$0x3FAC]  }
0x3d: {  	_ =	shalt  }
0x3e: {  	_ =	shalt  }
0x3f: {  	_ =	shalt  }
0x40: {  	_ =	shalt  }
0x41: {  	_ =	shalt  }
0x42: {  	_ =	shalt  }
0x43: {  	_ =	shalt  }
0x44: {  	_ =	shalt  }
0x45: {  	_ =	shalt  }
0x46: {  	_ =	shalt  }
0x47: {  	_ =	shalt  }
0x48: {  	_ =	shalt  }
0x49: {  	_ =	shalt  }
0x4a: {  	_ =	shalt  }
0x4b: {  	_ =	shalt  }
0x4c: {  	_ =	shalt  }
0x4d: {  	_ =	shalt  }
0x4e: {  	_ =	shalt  }
0x4f: {  	_ =	shalt  }
0x50: {  	_ =	shalt  }
0x51: {  	_ =	shalt  }
0x52: {  	_ =	shalt  }
0x53: {  	_ =	shalt  }
0x54: {  	_ =	shalt  }
0x55: {  	_ =	shalt  }
0x56: {  	_ =	shalt  }
0x57: {  	_ =	shalt  }
0x58: {  	_ =	shalt  }
0x59: {  	_ =	shalt  }
0x5a: {  	_ =	shalt  }
0x5b: {  	_ =	shalt  }
0x5c: {  	_ =	shalt  }
0x5d: {  	_ =	shalt  }
0x5e: {  	_ =	shalt  }
0x5f: {  	_ =	shalt  }
0x60: {  	_ =	shalt  }
0x61: {  	_ =	shalt  }
0x62: {  	_ =	shalt  }
0x63: {  	_ =	shalt  }
0x64: {  	_ =	shalt  }
0x65: {  	_ =	shalt  }
0x66: {  	_ =	shalt  }
0x67: {  	_ =	shalt  }
0x68: {  	_ =	shalt  }
0x69: {  	_ =	shalt  }
0x6a: {  	_ =	shalt  }
0x6b: {  	_ =	shalt  }
0x6c: {  	_ =	shalt  }
0x6d: {  	_ =	shalt  }
0x6e: {  	_ =	shalt  }
0x6f: {  	_ =	shalt  }
0x70: {  	_ =	shalt  }
0x71: {  	_ =	shalt  }
0x72: {  	_ =	shalt  }
0x73: {  	_ =	shalt  }
0x74: {  	_ =	shalt  }
0x75: {  	_ =	shalt  }
0x76: {  	_ =	shalt  }
0x77: {  	_ =	shalt  }
0x78: {  	_ =	shalt  }
0x79: {  	_ =	shalt  }
0x7a: {  	_ =	shalt  }
0x7b: {  	_ =	shalt  }
0x7c: {  	_ =	shalt  }
0x7d: {  	_ =	shalt  }
0x7e: {  	_ =	shalt  }
0x7f: {  	_ =	shalt  }
0x80: {  	_ =	shalt  }
0x81: {  	_ =	shalt  }
0x82: {  	_ =	shalt  }
0x83: {  	_ =	shalt  }
0x84: {  	_ =	shalt  }
0x85: {  	_ =	shalt  }
0x86: {  	_ =	shalt  }
0x87: {  	_ =	shalt  }
.Lfunc_end0:
.L_simem_size_0:
called_computation.2_lowered:
.L_overlay_start_0:
0x88: {  	s2 =	sld [smem:$0x3FD9]  }
0x89: {  	s3 =	sld [smem:$0x3FFE];
	_ =	sdelay $0x1  }
0x8a: {  	s1 =	srdreg.scid  }
0x8b: {  	s0 =	sand.u32 $0x1, s1  }
0x8c: {  	s16 =	sshll.u32 s0, $0xA;
	s2 =	sadd.s32 s3, s2  }
0x8d: {  	s2 =	sadd.s32 s2, s16  }
0x8e: {  	[smem:$0x3FB8] =	sst s2  }
0x8f: {  	_ = 	snop  }
0x90: {  	(tm) =	ssettm $0x1  }
0x91: {  	s17 =	sld [smem:$0x3FFB];
	_ =	sdelay $0x3  }
0x92: {  	_ =	strace s17  }
0x93: {  	s2 =	sld [smem:$0x3FFC];
	_ =	sdelay $0x3  }
0x94: {  	_ =	strace s2  }
0x95: {  	s2 =	sld [smem:$0x3FFD];
	_ =	sdelay $0x3  }
0x96: {  	_ =	strace s2  }
0x97: {  	_ =	strace $0x8FFFFFFF  }
0x98: {  	s18 =	sld [smem:$0x3FDB];
	_ =	sdelay $0x1  }
0x99: {  	s19 =	simm.s32 $_scs_section_size  }
0x9a: {  	s4 =	simm.s32 $_size__tile_overlayer_lowered;
	s5 =	simm.s32 $_tile_overlayer_lowered  }
0x9b: {  	s22 =	simm.s32 $0x1BFF;
	s21 =	sshll.u32 s5, $0x1;
	s2 =	sadd.s32 s19, s18  }
0x9c: {  	s6 =	simm.s32 $0x0;
	s20 =	sshll.u32 s4, $0x1;
	s4 =	sadd.s32 s21, s2  }
0x9d: {  	[timem:s6], [sflag:s22] =	dma.local [hbm:s4], s20  }
0x9e: {  	_ =	swait.ge [sflag:s22], s20  }
0x9f: {  	s3 =	ssub.s32 $0x0, s20;
	[sflag:s22] =	ssyncset.done $0x0  }
0xa0: {  	[sflag:s22] =	ssyncadd.s32 s3;
	_ =	sdelay $0x1  }
0xa1: {  	s23 =	simm.s32 $0x1B8B  }
0xa2: {  	_ =	swait.ge [sflag:s23], $0x1  }
0xa3: {  	[sflag:s23] =	ssyncset.done $0x0  }
0xa4: {  	s25 =	simm.s32 $0x1B8E;
	s24 =	sld [smem:$0x3FFE];
	[sflag:s23] =	ssyncadd.s32 $0xFFFFFFFF  }
0xa5: {  	s26 =	simm.s32 $execute0_lowered;
	[smem:$0x3FD2] =	sst s25  }
0xa6: {  	s4 =	sshll.u32 s26, $0x1;
	_ =	strace $0x8000004C;
	[dreg:$0x1] =	wrdreg $0xFFFFFFFF  }
0xa7: {  	s28 =	simm.s32 $_size_execute0_lowered;
	s2 =	sadd.s32 s2, s4;
	[dreg:$0x0] =	wrdreg $0x0  }
0xa8: {  	s4 =	sshll.u32 s28, $0x1;
	[dreg:$0x2] =	wrdreg s2  }
0xa9: {  	[dreg:$0x3] =	wrdreg s4  }
0xaa: {  	[dreg:$0x4] =	wrdreg $0xC0  }
0xab: {  	_ =	task [dreg:s6], $0x5FFFF  }
0xac: {  	[dreg:$0x1] =	wrdreg $0xFFFFFFFF  }
0xad: {  	[dreg:$0x0] =	wrdreg $0x60  }
0xae: {  	[dreg:$0x2] =	wrdreg s24  }
0xaf: {  	[dreg:$0x3] =	wrdreg $0x9  }
0xb0: {  	_ =	task.clear_ibuf [dreg:s6], $0x4FFFF;
	_ =	strace $0x9000004C  }
0xb1: {  	s29 =	simm.s32 $0x9;
	_ =	strace $0x8000004E  }
0xb2: {  	_ =	swait.ge [sflag:s29], $0x1  }
0xb3: {  	[sflag:s29] =	ssyncadd.s32 $0xFFFFFFFF  }
0xb4: {  	_ =	strace $0x9000004E  }
0xb5: {  	_ =	sfence  }
0xb6: {  	s30 =	sld [smem:$0x0];
	_ =	sdelay $0x2  }
0xb7: {  	s31 =	sshll.u32 s1, $0xD;
	s1 =	sshrl.u32 s1, $0x2  }
0xb8: {  	s3 =	sand.u32 $0x4000, s31;
	s1 =	sadd.s32 s1, s30  }
0xb9: {  	s0 =	sor.u32 s3, s0;
	s1 =	sshll.u32 s1, $0x11  }
0xba: {  	s0 =	sor.u32 s1, s0  }
0xbb: {  	s0 =	sadd.s32 $0x8F2B, s0  }
0xbc: {  	[sflag:s0] =	ssyncadd.remote.s32 $0x1  }
0xbd: {  	_ =	sfence.sel $0xFFFF  }
0xbe: {  	[dreg:$0x0] =	wrdreg $0xFFFFFFFF;
	(pc) =	sbr.abs _section_cstart, $3  }
0xbf: {  	[dreg:$0x1] =	wrdreg $0xFFFFFFFF  }
0xc0: {  	_ =	task.clear_ibuf [dreg:s6], $0x2FFFF;
	_ =	strace $0x9FFFFFFF  }
0xc1: {  	(tm) =	ssettm $0x7FFFFFFF  }
tec
execute0_lowered:
.L_overlay_start_1:
0x0: {  	(tag) =	ssettag $0x1  }
0x1: {  	s0 =	srdreg.scid  }
0x2: {  	s9 =	stileid.u32;
	s1 =	rddreg [dreg:$0x0];
	s2 =	simm.s32 $0x0  }
0x3: {  	s11 =	simm.s32 $0x9;
	s12 =	simm.s32 $0x50;
	s13 =	simm.s32 $0x1000  }
0x4: {  	s15 =	simm.s32 $0x3800;
	s16 =	simm.s32 $0x1;
	s18 =	simm.s32 $0x6000  }
0x5: {  	s19 =	simm.s32 $0x2;
	s21 =	simm.s32 $0x8800;
	s22 =	simm.s32 $0x3  }
0x6: {  	s23 =	simm.s32 $0x5;
	s25 =	simm.s32 $0x4;
	s26 =	simm.s32 $0x6  }
0x7: {  	s28 =	simm.s32 $0x280;
	s29 =	simm.s32 $0x7;
	s30 =	simm.s32 $0x8  }
0x8: {  	s31 =	simm.s32 $0x0;
	s0 =	sand.u32 $0x1, s0;
	s3 =	sshll.u32 s9, $0x6  }
0x9: {  	[smem:$0x7FF] =	sst s2;
	s9 =	smul.u32 $0x14000, s9;
	s4 =	sshll.u32 s0, $0x5  }
0xa: {  	s6 =	ssub.s32 $0x2, s0;
	s0 =	smul.u32 $0xA000, s0;
	s4 =	sor.u32 s4, s3  }
0xb: {  	_ =	strace $0x8000004D;
	s7 =	sshrl.u32 s6, $0x1;
	s8 =	smul.u32 $0x500, s4  }
.Ltmp0:
0xc: {  	s3 =	sshll.u32 s4, $0x4;
	s6 =	ssub.s32 s6, s7;
	(pc) =	sbr.rel .LBB2_1-.Ltmp0, $4  }
0xd: {  	s5 =	sadd.s32 s3, s1;
	s3 =	sadd.s32 $0x3200, s1;
	s1 =	sadd.s32 $0x17200, s1  }
0xe: {  	s4 =	sadd.s32 $0x13200, s5;
	s5 =	sadd.s32 s1, s8;
	s1 =	sadd.s32 s9, s1  }
0xf: {  	s6 =	smax.u32 s6, $0x1;
	s7 =	sadd.s32 $0x500, s5;
	s0 =	sadd.s32 s0, s1  }
0x10: {  	s8 =	sadd.s32 $0xA00, s5;
	s9 =	sadd.s32 $0xF00, s5;
	s1 =	sadd.s32 $0x1400, s0  }
.LBB2_4:
0x11: {  	s31 =	sadd.s32 $0x1, s31  }
0x12: {  	_ =	swait.ge [sflag:s29], $0x2800;
	p0 =	sne.s32 s31, s6  }
.Ltmp1:
0x13: {  	[sflag:s29] =	ssyncset.done $0x0;
	(pc) =	sbr.rel @!p0 .LBB2_5-.Ltmp1, $4  }
0x14: {  	[sflag:s29] =	ssyncadd.s32 $0xFFFFD800  }
0x15: {  	_ =	swait.ge [sflag:s30], $0x2800  }
0x16: {  	[sflag:s30] =	ssyncset.done $0x0  }
0x17: {  	[sflag:s30] =	ssyncadd.s32 $0xFFFFD800  }
.LBB2_1:
0x18: {  	[tilespmem:s2], [sflag:$0x9] =	stream.linear.gather [hbm4b:s4+s2], $0x1000, $0x38;
	[tilespmem:$0xB000] =	vst v63  }
0x19: {  	_ =	swait.ge [sflag:s11], $0x1000  }
0x1a: {  	[sflag:s11] =	ssyncset.done $0x0  }
0x1b: {  	[sflag:s11] =	ssyncadd.s32 $0xFFFFF000  }
0x1c: {  	[tilespmem:s13], [sflag:$0x1] =	stream.indirect.gather [hbm4b:s3+s12], $0x80, s2, s12, $0xb8;
	[tilespmem:$0xB000] =	vst v63  }
0x1d: {  	s0 =	simm.s32 $0x80  }
0x1e: {  	[tilespmem:s15], [sflag:$0x2] =	stream.indirect.gather [hbm4b:s3+s12], $0x80, s0, s12, $0xb8;
	[tilespmem:$0xB000] =	vst v63  }
0x1f: {  	_ =	swait.ge [sflag:s16], $0x2800  }
0x20: {  	[sflag:s16] =	ssyncset.done $0x0  }
0x21: {  	[sflag:s16] =	ssyncadd.s32 $0xFFFFD800  }
0x22: {  	[hbm4b:s5+s2] =	stream.linear.scatter [tilespmem:s13], [sflag:$0x5], $0x2800, $0x38;
	[tilespmem:$0xB000] =	vst v63  }
0x23: {  	s17 =	simm.s32 $0x100  }
0x24: {  	[tilespmem:s18], [sflag:$0x3] =	stream.indirect.gather [hbm4b:s3+s12], $0x80, s17, s12, $0xb8;
	[tilespmem:$0xB000] =	vst v63  }
0x25: {  	_ =	swait.ge [sflag:s19], $0x2800  }
0x26: {  	[sflag:s19] =	ssyncset.done $0x0  }
0x27: {  	[sflag:s19] =	ssyncadd.s32 $0xFFFFD800  }
0x28: {  	[hbm4b:s7+s2] =	stream.linear.scatter [tilespmem:s15], [sflag:$0x6], $0x2800, $0x38;
	[tilespmem:$0xB000] =	vst v63  }
0x29: {  	s20 =	simm.s32 $0x180  }
0x2a: {  	[tilespmem:s21], [sflag:$0x4] =	stream.indirect.gather [hbm4b:s3+s12], $0x80, s20, s12, $0xb8;
	[tilespmem:$0xB000] =	vst v63  }
0x2b: {  	_ =	swait.ge [sflag:s22], $0x2800  }
0x2c: {  	[sflag:s22] =	ssyncset.done $0x0  }
0x2d: {  	[sflag:s22] =	ssyncadd.s32 $0xFFFFD800  }
0x2e: {  	[hbm4b:s8+s2] =	stream.linear.scatter [tilespmem:s18], [sflag:$0x7], $0x2800, $0x38;
	[tilespmem:$0xB000] =	vst v63  }
0x2f: {  	_ =	swait.ge [sflag:s23], $0x2800  }
0x30: {  	[sflag:s23] =	ssyncset.done $0x0  }
0x31: {  	s24 =	simm.s32 $0x200;
	[sflag:s23] =	ssyncadd.s32 $0xFFFFD800  }
0x32: {  	[tilespmem:s13], [sflag:$0x1] =	stream.indirect.gather [hbm4b:s3+s12], $0x80, s24, s12, $0xb8;
	[tilespmem:$0xB000] =	vst v63  }
0x33: {  	_ =	swait.ge [sflag:s25], $0x2800  }
0x34: {  	[sflag:s25] =	ssyncset.done $0x0  }
0x35: {  	[sflag:s25] =	ssyncadd.s32 $0xFFFFD800  }
0x36: {  	[hbm4b:s9+s2] =	stream.linear.scatter [tilespmem:s21], [sflag:$0x8], $0x2800, $0x38;
	[tilespmem:$0xB000] =	vst v63  }
0x37: {  	_ =	swait.ge [sflag:s26], $0x2800  }
0x38: {  	[sflag:s26] =	ssyncset.done $0x0  }
0x39: {  	s10 =	smov.u32 s1;
	s0 =	simm.s32 $0x0;
	[sflag:s26] =	ssyncadd.s32 $0xFFFFD800  }
0x3a: {  	[tilespmem:s15], [sflag:$0x2] =	stream.indirect.gather [hbm4b:s3+s12], $0x80, s28, s12, $0xb8;
	[tilespmem:$0xB000] =	vst v63  }
.LBB2_2:
0x3b: {  	_ =	swait.ge [sflag:s16], $0x2800  }
0x3c: {  	[sflag:s16] =	ssyncset.done $0x0  }
0x3d: {  	[sflag:s16] =	ssyncadd.s32 $0xFFFFD800  }
0x3e: {  	[hbm4b:s10+s2] =	stream.linear.scatter [tilespmem:s13], [sflag:$0x5], $0x2800, $0x38;
	[tilespmem:$0xB000] =	vst v63  }
0x3f: {  	_ =	swait.ge [sflag:s29], $0x2800  }
0x40: {  	s14 =	sshra.s32 s0, $0x2;
	[sflag:s29] =	ssyncset.done $0x0  }
0x41: {  	s17 =	sadd.s32 $0x300, s14;
	[sflag:s29] =	ssyncadd.s32 $0xFFFFD800  }
0x42: {  	[tilespmem:s18], [sflag:$0x3] =	stream.indirect.gather [hbm4b:s3+s12], $0x80, s17, s12, $0xb8;
	[tilespmem:$0xB000] =	vst v63  }
0x43: {  	_ =	swait.ge [sflag:s19], $0x2800  }
0x44: {  	[sflag:s19] =	ssyncset.done $0x0  }
0x45: {  	s20 =	sadd.s32 $0x500, s10;
	[sflag:s19] =	ssyncadd.s32 $0xFFFFD800  }
0x46: {  	[hbm4b:s20+s2] =	stream.linear.scatter [tilespmem:s15], [sflag:$0x6], $0x2800, $0x38;
	[tilespmem:$0xB000] =	vst v63  }
0x47: {  	_ =	swait.ge [sflag:s30], $0x2800  }
0x48: {  	[sflag:s30] =	ssyncset.done $0x0  }
0x49: {  	s24 =	sadd.s32 $0x380, s14;
	[sflag:s30] =	ssyncadd.s32 $0xFFFFD800  }
0x4a: {  	[tilespmem:s21], [sflag:$0x4] =	stream.indirect.gather [hbm4b:s3+s12], $0x80, s24, s12, $0xb8;
	[tilespmem:$0xB000] =	vst v63  }
0x4b: {  	_ =	swait.ge [sflag:s22], $0x2800  }
0x4c: {  	[sflag:s22] =	ssyncset.done $0x0  }
0x4d: {  	p0 =	seq.s32 s0, $0x3000;
	s20 =	sadd.s32 $0xA00, s10;
	[sflag:s22] =	ssyncadd.s32 $0xFFFFD800  }
0x4e: {  	[hbm4b:s20+s2] =	stream.linear.scatter [tilespmem:s18], [sflag:$0x7], $0x2800, $0x38;
	[tilespmem:$0xB000] =	vst v63  }
0x4f: {  	s17 =	sshra.s32 @!p0 s0, $0x2;
	_ =	swait.ge [sflag:s23], $0x2800  }
0x50: {  	s17 =	sadd.s32 @!p0 $0x400, s17;
	[sflag:s23] =	ssyncset.done $0x0  }
0x51: {  	s24 =	simm.s32 @!p0 $0x1000;
	s20 =	simm.s32 @!p0 $0x50;
	[sflag:s23] =	ssyncadd.s32 $0xFFFFD800  }
0x52: {  	[tilespmem:s24], [sflag:$0x1] =	stream.indirect.gather @!p0 [hbm4b:s3+s20], $0x80, s17, s20, $0xb8;
	[tilespmem:$0xB000] =	vst v63  }
0x53: {  	_ =	swait.ge [sflag:s25], $0x2800  }
0x54: {  	[sflag:s25] =	ssyncset.done $0x0  }
.Ltmp2:
0x55: {  	s24 =	sadd.s32 $0xF00, s10;
	[sflag:s25] =	ssyncadd.s32 $0xFFFFD800;
	(pc) =	sbr.rel @p0 .LBB2_4-.Ltmp2, $4  }
0x56: {  	[hbm4b:s24+s2] =	stream.linear.scatter [tilespmem:s21], [sflag:$0x8], $0x2800, $0x38;
	[tilespmem:$0xB000] =	vst v63  }
0x57: {  	_ =	swait.ge [sflag:s26], $0x2800  }
0x58: {  	[sflag:s26] =	ssyncset.done $0x0  }
0x59: {  	[sflag:s26] =	ssyncadd.s32 $0xFFFFD800  }
.Ltmp3:
0x5a: {  	(pc) =	sbr.rel .LBB2_2-.Ltmp3, $3  }
0x5b: {  	_ =	sdelay $0x1  }
0x5c: {  	s14 =	sadd.s32 $0x480, s14;
	s0 =	sadd.s32 $0x800, s0;
	s10 =	sadd.s32 $0x1400, s10  }
0x5d: {  	[tilespmem:s15], [sflag:$0x2] =	stream.indirect.gather [hbm4b:s3+s12], $0x80, s14, s12, $0xb8;
	[tilespmem:$0xB000] =	vst v63  }
.LBB2_5:
0x5e: {  	_ =	sfence.sel $0x180000  }
0x5f: {  	[bflag:$0x0] =	sbarrier.arrive $0xFFFF  }
0x60: {  	_ =	strace $0x9000004D  }
0x61: {  	s0 =	stileid.u32;
	[bflag:$0x2] =	sbarrier.arrive $0xFFFF  }
0x62: {  	p0 =	sne.s32 s0, $0x0;
	s0 =	rddreg [dreg:$0x1]  }
0x63: {  	s0 =	sadd.s32 @!p0 $0x100000, s0  }
0x64: {  	[sflag:s0] =	ssyncadd.tile.s32 @!p0 $0x1;
	_ =	shalt  }
.Lfunc_end2:
_tile_overlayer_lowered:
.L_overlay_start_2:
0x65: {  	(tag) =	ssettag $0x2  }
0x66: {  	s0 =	rddreg [dreg:$0x0];
	s2 =	stileid.u32  }
0x67: {  	s1 =	rddreg [dreg:$0x1];
	p0 =	sne.s32 s2, $0x0  }
0x68: {  	s3 =	rddreg [dreg:$0x2];
	[bflag:$0x3] =	sbarrier.arrive $0xFFFF;
	s2 =	simm.s32 @!p0 $0x1C09  }
0x69: {  	[timem:s3], [sflag:s2] =	dma.local @!p0 [hbm:s0], s1  }
0x6a: {  	s0 =	simm.s32 @!p0 $0x9  }
0x6b: {  	_ =	swait.ge @!p0 [sflag:s0], s1  }
0x6c: {  	s1 =	ssub.s32 @!p0 $0x0, s1;
	[sflag:s0] =	ssyncset.done @!p0 $0x0  }
0x6d: {  	[sflag:s0] =	ssyncadd.s32 @!p0 s1  }
0x6e: {  	[bflag:$0x3] =	sbarrier.arrive $0xFFFF  }
0x6f: {  	_ =	shalt  }

// kernel: kernel.27.cloned.1.call-start
scs
__scs_entry_jumppad:
0x0: {  	(pc) =	sbr.rel $0x88, $3  }
0x1: {  	(tag) =	ssettag $0x0;
	lr =	simm.s32 $0x1  }
0x2: {  	[smem:$0x3F91] =	sst lr;
	_ =	strace $0xD0000000  }
0x3: {  	_ = 	snop  }
0x4: {  	_ = 	snop  }
0x5: {  	_ = 	snop  }
0x6: {  	_ = 	snop  }
0x7: {  	_ = 	snop  }
__scs_overlays_trampoline_lowered:
0x8: {  	[smem:$0x3FA0] =	sst s0  }
0x9: {  	[smem:$0x3FA1] =	sst s1  }
0xa: {  	[smem:$0x3FA2] =	sst s2  }
0xb: {  	[smem:$0x3FA3] =	sst s3  }
0xc: {  	[smem:$0x3FA4] =	sst s4  }
0xd: {  	[smem:$0x3FA5] =	sst s5  }
0xe: {  	[smem:$0x3FA6] =	sst s6  }
0xf: {  	[smem:$0x3FA7] =	sst s7  }
0x10: {  	[smem:$0x3FA8] =	sst s8  }
0x11: {  	[smem:$0x3FA9] =	sst s9;
	s0 =	simm.s32 @!p0 $0x0  }
0x12: {  	s1 =	sld [smem:$0x3F8F];
	s0 =	simm.s32 @p0 $0x1  }
0x13: {  	[smem:$0x3FAA] =	sst s0;
	s0 =	simm.s32 @!p1 $0x0  }
0x14: {  	s2 =	sld [smem:$0x3F8E];
	s0 =	simm.s32 @p1 $0x1  }
0x15: {  	[smem:$0x3FAB] =	sst s0;
	s0 =	simm.s32 @!p2 $0x0  }
0x16: {  	s3 =	sld [smem:$0x3FDB];
	s0 =	simm.s32 @p2 $0x1  }
0x17: {  	s4 =	simm.s32 $0x1BF5;
	[smem:$0x3FAD] =	sst s0  }
0x18: {  	s0 =	sld [smem:$0x3F90];
	_ =	swait.ge [sflag:s4], $0x0  }
0x19: {  	s7 =	sld [smem:$0x3F91]  }
0x1a: {  	s8 =	sadd.s32 $0xFFFFE003, lr  }
0x1b: {  	s9 =	sadd.s32 $0xFFFFFEF7, lr;
	s5 =	simm.s32 $0xFFFFFFFF;
	p2 =	slt.u32 s8, $0xFFFFF086  }
0x1c: {  	p1 =	slt.u32 s9, $0xF7A;
	s5 =	simm.s32 @!p2 $0x0  }
0x1d: {  	s5 =	simm.s32 @p1 $0x1;
	p0 =	seq.s32 s7, s2  }
0x1e: {  	s7 =	smul.u32 @!p0 $0xF7A, s2;
	p2 =	seq.s32 @!p0 s5, $0x0  }
0x1f: {  	s9 =	smul.u32 $0xF7A, s1;
	s8 =	simm.s32 @!p0 $0x1BF5;
	p2 =	por !p2, p0  }
0x20: {  	[sflag:s8] =	ssyncset.s32 @!p0 $0xFFFFF086;
	s6 =	sadd.s32 @!p0 s3, s7;
	s7 =	simm.s32 @!p0 $0x108  }
0x21: {  	s3 =	sadd.s32 s3, s9;
	s6 =	sadd.s32 @!p0 $0x88, s6;
	s7 =	simm.s32 @p2 $0x1082  }
0x22: {  	[simem:s7], [sflag:s8] =	dma.local @!p0 [hbm:s6], $0xF7A  }
0x23: {  	s9 =	sor.u32 $0xD0000000, s2;
	s6 =	simm.s32 $0x108;
	_ =	swait.ge @!p0 [sflag:s8], $0x0  }
0x24: {  	s3 =	sadd.s32 $0x88, s3;
	s6 =	simm.s32 @!p1 $0x1082;
	[sflag:s4] =	ssyncset.s32 $0xFFFFF086  }
0x25: {  	[simem:s6], [sflag:s4] =	dma.local [hbm:s3], $0xF7A  }
0x26: {  	[smem:$0x3F91] =	sst s1;
	(tag) =	ssettag s2;
	_ =	strace s9  }
0x27: {  	s1 =	sld [smem:$0x3FA1]  }
0x28: {  	s2 =	sld [smem:$0x3FA2]  }
0x29: {  	s4 =	sld [smem:$0x3FA4]  }
0x2a: {  	p0 =	seq.s32 s5, $0x0;
	s5 =	sld [smem:$0x3FA5]  }
0x2b: {  	s6 =	sld [smem:$0x3FA6]  }
0x2c: {  	s7 =	sld [smem:$0x3FA7]  }
0x2d: {  	s3 =	simm.s32 $0x108;
	s8 =	sld [smem:$0x3FA8]  }
0x2e: {  	s3 =	simm.s32 @!p0 $0x1082;
	s9 =	sld [smem:$0x3FA9]  }
0x2f: {  	lr =	sadd.s32 s0, s3;
	s0 =	sld [smem:$0x3FA0]  }
0x30: {  	s3 =	sld [smem:$0x3FA3]  }
0x31: {  	[smem:$0x3FAC] =	sst s10  }
0x32: {  	s10 =	sld [smem:$0x3FAA];
	_ =	sdelay $0x3  }
0x33: {  	p0 =	seq.s32 s10, $0x1;
	s10 =	sld [smem:$0x3FAC];
	_ =	sdelay $0x3  }
0x34: {  	[smem:$0x3FAC] =	sst s10  }
0x35: {  	s10 =	sld [smem:$0x3FAB];
	_ =	sdelay $0x3  }
0x36: {  	p1 =	seq.s32 s10, $0x1;
	s10 =	sld [smem:$0x3FAC];
	_ =	sdelay $0x3  }
0x37: {  	[smem:$0x3FAC] =	sst s10  }
0x38: {  	s10 =	sld [smem:$0x3FAD]  }
0x39: {  	_ = 	snop;
	(pc) =	sbr.ind lr, $3  }
0x3a: {  	_ = 	snop  }
0x3b: {  	_ = 	snop  }
0x3c: {  	p2 =	seq.s32 s10, $0x1;
	s10 =	sld [smem:$0x3FAC]  }
0x3d: {  	_ =	shalt  }
0x3e: {  	_ =	shalt  }
0x3f: {  	_ =	shalt  }
0x40: {  	_ =	shalt  }
0x41: {  	_ =	shalt  }
0x42: {  	_ =	shalt  }
0x43: {  	_ =	shalt  }
0x44: {  	_ =	shalt  }
0x45: {  	_ =	shalt  }
0x46: {  	_ =	shalt  }
0x47: {  	_ =	shalt  }
0x48: {  	_ =	shalt  }
0x49: {  	_ =	shalt  }
0x4a: {  	_ =	shalt  }
0x4b: {  	_ =	shalt  }
0x4c: {  	_ =	shalt  }
0x4d: {  	_ =	shalt  }
0x4e: {  	_ =	shalt  }
0x4f: {  	_ =	shalt  }
0x50: {  	_ =	shalt  }
0x51: {  	_ =	shalt  }
0x52: {  	_ =	shalt  }
0x53: {  	_ =	shalt  }
0x54: {  	_ =	shalt  }
0x55: {  	_ =	shalt  }
0x56: {  	_ =	shalt  }
0x57: {  	_ =	shalt  }
0x58: {  	_ =	shalt  }
0x59: {  	_ =	shalt  }
0x5a: {  	_ =	shalt  }
0x5b: {  	_ =	shalt  }
0x5c: {  	_ =	shalt  }
0x5d: {  	_ =	shalt  }
0x5e: {  	_ =	shalt  }
0x5f: {  	_ =	shalt  }
0x60: {  	_ =	shalt  }
0x61: {  	_ =	shalt  }
0x62: {  	_ =	shalt  }
0x63: {  	_ =	shalt  }
0x64: {  	_ =	shalt  }
0x65: {  	_ =	shalt  }
0x66: {  	_ =	shalt  }
0x67: {  	_ =	shalt  }
0x68: {  	_ =	shalt  }
0x69: {  	_ =	shalt  }
0x6a: {  	_ =	shalt  }
0x6b: {  	_ =	shalt  }
0x6c: {  	_ =	shalt  }
0x6d: {  	_ =	shalt  }
0x6e: {  	_ =	shalt  }
0x6f: {  	_ =	shalt  }
0x70: {  	_ =	shalt  }
0x71: {  	_ =	shalt  }
0x72: {  	_ =	shalt  }
0x73: {  	_ =	shalt  }
0x74: {  	_ =	shalt  }
0x75: {  	_ =	shalt  }
0x76: {  	_ =	shalt  }
0x77: {  	_ =	shalt  }
0x78: {  	_ =	shalt  }
0x79: {  	_ =	shalt  }
0x7a: {  	_ =	shalt  }
0x7b: {  	_ =	shalt  }
0x7c: {  	_ =	shalt  }
0x7d: {  	_ =	shalt  }
0x7e: {  	_ =	shalt  }
0x7f: {  	_ =	shalt  }
0x80: {  	_ =	shalt  }
0x81: {  	_ =	shalt  }
0x82: {  	_ =	shalt  }
0x83: {  	_ =	shalt  }
0x84: {  	_ =	shalt  }
0x85: {  	_ =	shalt  }
0x86: {  	_ =	shalt  }
0x87: {  	_ =	shalt  }
.Lfunc_end0:
.L_simem_size_0:
called_computation.3_lowered:
.L_overlay_start_0:
0x88: {  	s2 =	sld [smem:$0x3FD9]  }
0x89: {  	s3 =	sld [smem:$0x3FFE];
	_ =	sdelay $0x1  }
0x8a: {  	s1 =	srdreg.scid  }
0x8b: {  	s0 =	sand.u32 $0x1, s1  }
0x8c: {  	s16 =	sshll.u32 s0, $0xA;
	s2 =	sadd.s32 s3, s2  }
0x8d: {  	s2 =	sadd.s32 s2, s16  }
0x8e: {  	[smem:$0x3FB8] =	sst s2  }
0x8f: {  	_ = 	snop  }
0x90: {  	(tm) =	ssettm $0x1  }
0x91: {  	s17 =	sld [smem:$0x3FFB];
	_ =	sdelay $0x3  }
0x92: {  	_ =	strace s17  }
0x93: {  	s2 =	sld [smem:$0x3FFC];
	_ =	sdelay $0x3  }
0x94: {  	_ =	strace s2  }
0x95: {  	s2 =	sld [smem:$0x3FFD];
	_ =	sdelay $0x3  }
0x96: {  	_ =	strace s2  }
0x97: {  	_ =	strace $0x8FFFFFFF  }
0x98: {  	s18 =	sld [smem:$0x3FDB];
	_ =	sdelay $0x1  }
0x99: {  	s19 =	simm.s32 $_scs_section_size  }
0x9a: {  	s4 =	simm.s32 $_size__tile_overlayer_lowered;
	s5 =	simm.s32 $_tile_overlayer_lowered  }
0x9b: {  	s22 =	simm.s32 $0x1BFF;
	s21 =	sshll.u32 s5, $0x1;
	s2 =	sadd.s32 s19, s18  }
0x9c: {  	s6 =	simm.s32 $0x0;
	s20 =	sshll.u32 s4, $0x1;
	s4 =	sadd.s32 s21, s2  }
0x9d: {  	[timem:s6], [sflag:s22] =	dma.local [hbm:s4], s20  }
0x9e: {  	_ =	swait.ge [sflag:s22], s20  }
0x9f: {  	s3 =	ssub.s32 $0x0, s20;
	[sflag:s22] =	ssyncset.done $0x0  }
0xa0: {  	[sflag:s22] =	ssyncadd.s32 s3;
	_ =	sdelay $0x1  }
0xa1: {  	s23 =	simm.s32 $0x1B8B  }
0xa2: {  	_ =	swait.ge [sflag:s23], $0x1  }
0xa3: {  	[sflag:s23] =	ssyncset.done $0x0  }
0xa4: {  	s25 =	simm.s32 $0x1B8E;
	s24 =	sld [smem:$0x3FFE];
	[sflag:s23] =	ssyncadd.s32 $0xFFFFFFFF  }
0xa5: {  	s26 =	simm.s32 $execute0_lowered;
	[smem:$0x3FD2] =	sst s25  }
0xa6: {  	s4 =	sshll.u32 s26, $0x1;
	_ =	strace $0x8000004F;
	[dreg:$0x1] =	wrdreg $0xFFFFFFFF  }
0xa7: {  	s28 =	simm.s32 $_size_execute0_lowered;
	s2 =	sadd.s32 s2, s4;
	[dreg:$0x0] =	wrdreg $0x0  }
0xa8: {  	s4 =	sshll.u32 s28, $0x1;
	[dreg:$0x2] =	wrdreg s2  }
0xa9: {  	[dreg:$0x3] =	wrdreg s4  }
0xaa: {  	[dreg:$0x4] =	wrdreg $0xC0  }
0xab: {  	_ =	task [dreg:s6], $0x5FFFF  }
0xac: {  	[dreg:$0x1] =	wrdreg $0xFFFFFFFF  }
0xad: {  	[dreg:$0x0] =	wrdreg $0x60  }
0xae: {  	[dreg:$0x2] =	wrdreg s24  }
0xaf: {  	[dreg:$0x3] =	wrdreg $0x9  }
0xb0: {  	_ =	task.clear_ibuf [dreg:s6], $0x4FFFF;
	_ =	strace $0x9000004F  }
0xb1: {  	s29 =	simm.s32 $0x9;
	_ =	strace $0x80000051  }
0xb2: {  	_ =	swait.ge [sflag:s29], $0x1  }
0xb3: {  	[sflag:s29] =	ssyncadd.s32 $0xFFFFFFFF  }
0xb4: {  	_ =	strace $0x90000051  }
0xb5: {  	_ =	sfence  }
0xb6: {  	s30 =	sld [smem:$0x0];
	_ =	sdelay $0x2  }
0xb7: {  	s31 =	sshll.u32 s1, $0xD;
	s1 =	sshrl.u32 s1, $0x2  }
0xb8: {  	s3 =	sand.u32 $0x4000, s31;
	s1 =	sadd.s32 s1, s30  }
0xb9: {  	s0 =	sor.u32 s3, s0;
	s1 =	sshll.u32 s1, $0x11  }
0xba: {  	s0 =	sor.u32 s1, s0  }
0xbb: {  	s0 =	sadd.s32 $0x8F2B, s0  }
0xbc: {  	[sflag:s0] =	ssyncadd.remote.s32 $0x1  }
0xbd: {  	_ =	sfence.sel $0xFFFF  }
0xbe: {  	[dreg:$0x0] =	wrdreg $0xFFFFFFFF;
	(pc) =	sbr.abs _section_cstart, $3  }
0xbf: {  	[dreg:$0x1] =	wrdreg $0xFFFFFFFF  }
0xc0: {  	_ =	task.clear_ibuf [dreg:s6], $0x2FFFF;
	_ =	strace $0x9FFFFFFF  }
0xc1: {  	(tm) =	ssettm $0x7FFFFFFF  }
tec
execute0_lowered:
.L_overlay_start_1:
0x0: {  	(tag) =	ssettag $0x1  }
0x1: {  	s0 =	srdreg.scid  }
0x2: {  	s9 =	stileid.u32;
	s1 =	rddreg [dreg:$0x0];
	s2 =	simm.s32 $0x0  }
0x3: {  	s11 =	simm.s32 $0x9;
	s12 =	simm.s32 $0x50;
	s13 =	simm.s32 $0x1000  }
0x4: {  	s15 =	simm.s32 $0x3800;
	s16 =	simm.s32 $0x1;
	s18 =	simm.s32 $0x6000  }
0x5: {  	s19 =	simm.s32 $0x2;
	s21 =	simm.s32 $0x8800;
	s22 =	simm.s32 $0x3  }
0x6: {  	s23 =	simm.s32 $0x5;
	s25 =	simm.s32 $0x4;
	s26 =	simm.s32 $0x6  }
0x7: {  	s28 =	simm.s32 $0x280;
	s29 =	simm.s32 $0x7;
	s30 =	simm.s32 $0x8  }
0x8: {  	s31 =	simm.s32 $0x0;
	s0 =	sand.u32 $0x1, s0;
	s3 =	sshll.u32 s9, $0x6  }
0x9: {  	[smem:$0x7FF] =	sst s2;
	s9 =	smul.u32 $0x14000, s9;
	s4 =	sshll.u32 s0, $0x5  }
0xa: {  	s6 =	ssub.s32 $0x2, s0;
	s0 =	smul.u32 $0xA000, s0;
	s4 =	sor.u32 s4, s3  }
0xb: {  	_ =	strace $0x80000050;
	s7 =	sshrl.u32 s6, $0x1;
	s8 =	smul.u32 $0x500, s4  }
.Ltmp0:
0xc: {  	s3 =	sshll.u32 s4, $0x4;
	s6 =	ssub.s32 s6, s7;
	(pc) =	sbr.rel .LBB2_1-.Ltmp0, $4  }
0xd: {  	s5 =	sadd.s32 s3, s1;
	s3 =	sadd.s32 $0x3200, s1;
	s1 =	sadd.s32 $0x17200, s1  }
0xe: {  	s4 =	sadd.s32 $0x13200, s5;
	s5 =	sadd.s32 s1, s8;
	s1 =	sadd.s32 s9, s1  }
0xf: {  	s6 =	smax.u32 s6, $0x1;
	s7 =	sadd.s32 $0x500, s5;
	s0 =	sadd.s32 s0, s1  }
0x10: {  	s8 =	sadd.s32 $0xA00, s5;
	s9 =	sadd.s32 $0xF00, s5;
	s1 =	sadd.s32 $0x1400, s0  }
.LBB2_4:
0x11: {  	s31 =	sadd.s32 $0x1, s31  }
0x12: {  	_ =	swait.ge [sflag:s29], $0x2800;
	p0 =	sne.s32 s31, s6  }
.Ltmp1:
0x13: {  	[sflag:s29] =	ssyncset.done $0x0;
	(pc) =	sbr.rel @!p0 .LBB2_5-.Ltmp1, $4  }
0x14: {  	[sflag:s29] =	ssyncadd.s32 $0xFFFFD800  }
0x15: {  	_ =	swait.ge [sflag:s30], $0x2800  }
0x16: {  	[sflag:s30] =	ssyncset.done $0x0  }
0x17: {  	[sflag:s30] =	ssyncadd.s32 $0xFFFFD800  }
.LBB2_1:
0x18: {  	[tilespmem:s2], [sflag:$0x9] =	stream.linear.gather [hbm4b:s4+s2], $0x1000, $0x38;
	[tilespmem:$0xB000] =	vst v63  }
0x19: {  	_ =	swait.ge [sflag:s11], $0x1000  }
0x1a: {  	[sflag:s11] =	ssyncset.done $0x0  }
0x1b: {  	[sflag:s11] =	ssyncadd.s32 $0xFFFFF000  }
0x1c: {  	[tilespmem:s13], [sflag:$0x1] =	stream.indirect.gather [hbm4b:s3+s12], $0x80, s2, s12, $0xb8;
	[tilespmem:$0xB000] =	vst v63  }
0x1d: {  	s0 =	simm.s32 $0x80  }
0x1e: {  	[tilespmem:s15], [sflag:$0x2] =	stream.indirect.gather [hbm4b:s3+s12], $0x80, s0, s12, $0xb8;
	[tilespmem:$0xB000] =	vst v63  }
0x1f: {  	_ =	swait.ge [sflag:s16], $0x2800  }
0x20: {  	[sflag:s16] =	ssyncset.done $0x0  }
0x21: {  	[sflag:s16] =	ssyncadd.s32 $0xFFFFD800  }
0x22: {  	[hbm4b:s5+s2] =	stream.linear.scatter [tilespmem:s13], [sflag:$0x5], $0x2800, $0x38;
	[tilespmem:$0xB000] =	vst v63  }
0x23: {  	s17 =	simm.s32 $0x100  }
0x24: {  	[tilespmem:s18], [sflag:$0x3] =	stream.indirect.gather [hbm4b:s3+s12], $0x80, s17, s12, $0xb8;
	[tilespmem:$0xB000] =	vst v63  }
0x25: {  	_ =	swait.ge [sflag:s19], $0x2800  }
0x26: {  	[sflag:s19] =	ssyncset.done $0x0  }
0x27: {  	[sflag:s19] =	ssyncadd.s32 $0xFFFFD800  }
0x28: {  	[hbm4b:s7+s2] =	stream.linear.scatter [tilespmem:s15], [sflag:$0x6], $0x2800, $0x38;
	[tilespmem:$0xB000] =	vst v63  }
0x29: {  	s20 =	simm.s32 $0x180  }
0x2a: {  	[tilespmem:s21], [sflag:$0x4] =	stream.indirect.gather [hbm4b:s3+s12], $0x80, s20, s12, $0xb8;
	[tilespmem:$0xB000] =	vst v63  }
0x2b: {  	_ =	swait.ge [sflag:s22], $0x2800  }
0x2c: {  	[sflag:s22] =	ssyncset.done $0x0  }
0x2d: {  	[sflag:s22] =	ssyncadd.s32 $0xFFFFD800  }
0x2e: {  	[hbm4b:s8+s2] =	stream.linear.scatter [tilespmem:s18], [sflag:$0x7], $0x2800, $0x38;
	[tilespmem:$0xB000] =	vst v63  }
0x2f: {  	_ =	swait.ge [sflag:s23], $0x2800  }
0x30: {  	[sflag:s23] =	ssyncset.done $0x0  }
0x31: {  	s24 =	simm.s32 $0x200;
	[sflag:s23] =	ssyncadd.s32 $0xFFFFD800  }
0x32: {  	[tilespmem:s13], [sflag:$0x1] =	stream.indirect.gather [hbm4b:s3+s12], $0x80, s24, s12, $0xb8;
	[tilespmem:$0xB000] =	vst v63  }
0x33: {  	_ =	swait.ge [sflag:s25], $0x2800  }
0x34: {  	[sflag:s25] =	ssyncset.done $0x0  }
0x35: {  	[sflag:s25] =	ssyncadd.s32 $0xFFFFD800  }
0x36: {  	[hbm4b:s9+s2] =	stream.linear.scatter [tilespmem:s21], [sflag:$0x8], $0x2800, $0x38;
	[tilespmem:$0xB000] =	vst v63  }
0x37: {  	_ =	swait.ge [sflag:s26], $0x2800  }
0x38: {  	[sflag:s26] =	ssyncset.done $0x0  }
0x39: {  	s10 =	smov.u32 s1;
	s0 =	simm.s32 $0x0;
	[sflag:s26] =	ssyncadd.s32 $0xFFFFD800  }
0x3a: {  	[tilespmem:s15], [sflag:$0x2] =	stream.indirect.gather [hbm4b:s3+s12], $0x80, s28, s12, $0xb8;
	[tilespmem:$0xB000] =	vst v63  }
.LBB2_2:
0x3b: {  	_ =	swait.ge [sflag:s16], $0x2800  }
0x3c: {  	[sflag:s16] =	ssyncset.done $0x0  }
0x3d: {  	[sflag:s16] =	ssyncadd.s32 $0xFFFFD800  }
0x3e: {  	[hbm4b:s10+s2] =	stream.linear.scatter [tilespmem:s13], [sflag:$0x5], $0x2800, $0x38;
	[tilespmem:$0xB000] =	vst v63  }
0x3f: {  	_ =	swait.ge [sflag:s29], $0x2800  }
0x40: {  	s14 =	sshra.s32 s0, $0x2;
	[sflag:s29] =	ssyncset.done $0x0  }
0x41: {  	s17 =	sadd.s32 $0x300, s14;
	[sflag:s29] =	ssyncadd.s32 $0xFFFFD800  }
0x42: {  	[tilespmem:s18], [sflag:$0x3] =	stream.indirect.gather [hbm4b:s3+s12], $0x80, s17, s12, $0xb8;
	[tilespmem:$0xB000] =	vst v63  }
0x43: {  	_ =	swait.ge [sflag:s19], $0x2800  }
0x44: {  	[sflag:s19] =	ssyncset.done $0x0  }
0x45: {  	s20 =	sadd.s32 $0x500, s10;
	[sflag:s19] =	ssyncadd.s32 $0xFFFFD800  }
0x46: {  	[hbm4b:s20+s2] =	stream.linear.scatter [tilespmem:s15], [sflag:$0x6], $0x2800, $0x38;
	[tilespmem:$0xB000] =	vst v63  }
0x47: {  	_ =	swait.ge [sflag:s30], $0x2800  }
0x48: {  	[sflag:s30] =	ssyncset.done $0x0  }
0x49: {  	s24 =	sadd.s32 $0x380, s14;
	[sflag:s30] =	ssyncadd.s32 $0xFFFFD800  }
0x4a: {  	[tilespmem:s21], [sflag:$0x4] =	stream.indirect.gather [hbm4b:s3+s12], $0x80, s24, s12, $0xb8;
	[tilespmem:$0xB000] =	vst v63  }
0x4b: {  	_ =	swait.ge [sflag:s22], $0x2800  }
0x4c: {  	[sflag:s22] =	ssyncset.done $0x0  }
0x4d: {  	p0 =	seq.s32 s0, $0x3000;
	s20 =	sadd.s32 $0xA00, s10;
	[sflag:s22] =	ssyncadd.s32 $0xFFFFD800  }
0x4e: {  	[hbm4b:s20+s2] =	stream.linear.scatter [tilespmem:s18], [sflag:$0x7], $0x2800, $0x38;
	[tilespmem:$0xB000] =	vst v63  }
0x4f: {  	s17 =	sshra.s32 @!p0 s0, $0x2;
	_ =	swait.ge [sflag:s23], $0x2800  }
0x50: {  	s17 =	sadd.s32 @!p0 $0x400, s17;
	[sflag:s23] =	ssyncset.done $0x0  }
0x51: {  	s24 =	simm.s32 @!p0 $0x1000;
	s20 =	simm.s32 @!p0 $0x50;
	[sflag:s23] =	ssyncadd.s32 $0xFFFFD800  }
0x52: {  	[tilespmem:s24], [sflag:$0x1] =	stream.indirect.gather @!p0 [hbm4b:s3+s20], $0x80, s17, s20, $0xb8;
	[tilespmem:$0xB000] =	vst v63  }
0x53: {  	_ =	swait.ge [sflag:s25], $0x2800  }
0x54: {  	[sflag:s25] =	ssyncset.done $0x0  }
.Ltmp2:
0x55: {  	s24 =	sadd.s32 $0xF00, s10;
	[sflag:s25] =	ssyncadd.s32 $0xFFFFD800;
	(pc) =	sbr.rel @p0 .LBB2_4-.Ltmp2, $4  }
0x56: {  	[hbm4b:s24+s2] =	stream.linear.scatter [tilespmem:s21], [sflag:$0x8], $0x2800, $0x38;
	[tilespmem:$0xB000] =	vst v63  }
0x57: {  	_ =	swait.ge [sflag:s26], $0x2800  }
0x58: {  	[sflag:s26] =	ssyncset.done $0x0  }
0x59: {  	[sflag:s26] =	ssyncadd.s32 $0xFFFFD800  }
.Ltmp3:
0x5a: {  	(pc) =	sbr.rel .LBB2_2-.Ltmp3, $3  }
0x5b: {  	_ =	sdelay $0x1  }
0x5c: {  	s14 =	sadd.s32 $0x480, s14;
	s0 =	sadd.s32 $0x800, s0;
	s10 =	sadd.s32 $0x1400, s10  }
0x5d: {  	[tilespmem:s15], [sflag:$0x2] =	stream.indirect.gather [hbm4b:s3+s12], $0x80, s14, s12, $0xb8;
	[tilespmem:$0xB000] =	vst v63  }
.LBB2_5:
0x5e: {  	_ =	sfence.sel $0x180000  }
0x5f: {  	[bflag:$0x0] =	sbarrier.arrive $0xFFFF  }
0x60: {  	_ =	strace $0x90000050  }
0x61: {  	s0 =	stileid.u32;
	[bflag:$0x2] =	sbarrier.arrive $0xFFFF  }
0x62: {  	p0 =	sne.s32 s0, $0x0;
	s0 =	rddreg [dreg:$0x1]  }
0x63: {  	s0 =	sadd.s32 @!p0 $0x100000, s0  }
0x64: {  	[sflag:s0] =	ssyncadd.tile.s32 @!p0 $0x1;
	_ =	shalt  }
.Lfunc_end2:
_tile_overlayer_lowered:
.L_overlay_start_2:
0x65: {  	(tag) =	ssettag $0x2  }
0x66: {  	s0 =	rddreg [dreg:$0x0];
	s2 =	stileid.u32  }
0x67: {  	s1 =	rddreg [dreg:$0x1];
	p0 =	sne.s32 s2, $0x0  }
0x68: {  	s3 =	rddreg [dreg:$0x2];
	[bflag:$0x3] =	sbarrier.arrive $0xFFFF;
	s2 =	simm.s32 @!p0 $0x1C09  }
0x69: {  	[timem:s3], [sflag:s2] =	dma.local @!p0 [hbm:s0], s1  }
0x6a: {  	s0 =	simm.s32 @!p0 $0x9  }
0x6b: {  	_ =	swait.ge @!p0 [sflag:s0], s1  }
0x6c: {  	s1 =	ssub.s32 @!p0 $0x0, s1;
	[sflag:s0] =	ssyncset.done @!p0 $0x0  }
0x6d: {  	[sflag:s0] =	ssyncadd.s32 @!p0 s1  }
0x6e: {  	[bflag:$0x3] =	sbarrier.arrive $0xFFFF  }
0x6f: {  	_ =	shalt  }

</sc_bundles>
